<compile_context>
chip_gen: v7x
topology: tpu7x:2x2x1
jax: 0.10.2.dev20260603
libtpu: 0.0.44.dev20260713+nightly
codegen_flags: <defaults>
</compile_context>

<pallas_src>
import functools

import jax
import jax.numpy as jnp
from jax import lax
from jax.experimental import pallas as pl
from jax.experimental.pallas import tpu as pltpu
from jax.experimental.pallas import tpu_sc as plsc

N = 10000
E = 320000
D = 128
H = 256
L = 3

NC = 2
NS = 16
NWORK = NC * NS
CHUNK = 128
NCHUNKS = E // CHUNK
ITERS = (NCHUNKS + NWORK - 1) // NWORK
OUTER = (ITERS + 1) // 2
RPS = 624


def _sc_body(do_gather, e_hbm, src_hbm, dst_hbm, h_hbm, out_hbm,
             src0, src1, src2b, dst0, dst1, dst2b, ev0, ev1, ev2, agg_sh,
             *sems):
    c = lax.axis_index("c")
    s = lax.axis_index("s")
    wid = s * NC + c
    sets = tuple((srcb, dstb, evb) + tuple(sems[5 * i:5 * i + 5])
                 for i, (srcb, dstb, evb) in enumerate(
                     ((src0, dst0, ev0), (src1, dst1, ev1), (src2b, dst2b, ev2))))

    def _zrow(r, carry):
        for j in range(8):
            ev0[r, pl.ds(j * 16, 16)] = jnp.zeros((16,), jnp.float32)
        return carry
    lax.fori_loop(0, CHUNK, _zrow, 0)
    for off, n in ((0, 128), (128, 128), (256, 128), (384, 128), (512, 112)):
        pltpu.sync_copy(ev0.at[pl.ds(0, n)],
                        agg_sh.at[pl.ds(s * RPS + off, n)])

    @pl.when(s == NS - 1)
    def _ztail():
        pltpu.sync_copy(ev0.at[pl.ds(0, 16)], agg_sh.at[pl.ds(NS * RPS, 16)])
    plsc.subcore_barrier()

    def _lin(cid, bufs, issue):
        srcb, dstb, evb, slb, sdb, seb = bufs[:6]
        for hbm, vb, sem in ((src_hbm, srcb, slb), (dst_hbm, dstb, sdb)):
            cp = pltpu.make_async_copy(hbm.at[pl.ds(cid, 1)], vb, sem)
            cp.start() if issue else cp.wait()
        cp = pltpu.make_async_copy(e_hbm.at[pl.ds(cid * CHUNK, CHUNK)], evb, seb)
        cp.start() if issue else cp.wait()

    def _gat(bufs, issue):
        if issue:
            pltpu.async_copy(h_hbm.at[bufs[0].at[0]], bufs[2], bufs[6], add=True)
        else:
            pltpu.make_async_copy(h_hbm.at[bufs[0].at[0]], bufs[2], bufs[6]).wait()

    def _sca(bufs, issue):
        if issue:
            pltpu.async_copy(bufs[2], agg_sh.at[bufs[1].at[0]], bufs[7], add=True)
        else:
            pltpu.make_async_copy(bufs[2], agg_sh.at[bufs[1].at[0]],
                                  bufs[7]).wait()

    _lin(wid, sets[0], True)
    _lin(wid + NWORK, sets[1], True)
    _lin(wid + 2 * NWORK, sets[2], True)
    if do_gather:
        _lin(wid, sets[0], False)
        _gat(sets[0], True)

    def _outer(o, carry):
        for b in range(3):
            t = 3 * o + b
            cid = wid + t * NWORK
            st = sets[b]
            st1 = sets[(b + 1) % 3]
            st2 = sets[(b + 2) % 3]
            evb = st[2]

            @pl.when(cid < NCHUNKS)
            def _():
                if do_gather:
                    @pl.when(cid + NWORK < NCHUNKS)
                    def _():
                        _lin(cid + NWORK, st1, False)
                        _gat(st1, True)
                    _gat(st, False)
                else:
                    _lin(cid, st, False)

                def _row(r, carry2):
                    for j in range(8):
                        sl = pl.ds(j * 16, 16)
                        evb[r, sl] = jnp.maximum(evb[r, sl], 0.0)
                    return carry2
                lax.fori_loop(0, CHUNK, _row, 0)

                _sca(st, True)

                @pl.when(t >= 1)
                def _():
                    _sca(st2, False)

                    @pl.when(cid + 2 * NWORK < NCHUNKS)
                    def _():
                        _lin(cid + 2 * NWORK, st2, True)
        return carry
    lax.fori_loop(0, (ITERS + 2) // 3, _outer, 0)

    last_full = NCHUNKS - (ITERS - 1) * NWORK

    @pl.when(wid < last_full)
    def _():
        _sca(sets[(ITERS - 1) % 3], False)

    @pl.when(wid >= last_full)
    def _():
        _sca(sets[(ITERS - 2) % 3], False)
    plsc.subcore_barrier()

    for off, n in ((0, 128), (128, 128), (256, 128), (384, 128), (512, 112)):
        pltpu.sync_copy(agg_sh.at[pl.ds(s * RPS + off, n)],
                        out_hbm.at[c, pl.ds(s * RPS + off, n)])

    @pl.when(s == NS - 1)
    def _wtail():
        pltpu.sync_copy(agg_sh.at[pl.ds(NS * RPS, 16)],
                        out_hbm.at[c, pl.ds(NS * RPS, 16)])


def _make_sc(do_gather):
    mesh = plsc.VectorSubcoreMesh(core_axis_name="c", subcore_axis_name="s")
    return pl.kernel(
        functools.partial(_sc_body, do_gather),
        out_type=jax.ShapeDtypeStruct((NC, N, D), jnp.float32),
        mesh=mesh,
        scratch_types=[
            pltpu.VMEM((1, 128), jnp.int32),
            pltpu.VMEM((1, 128), jnp.int32),
            pltpu.VMEM((1, 128), jnp.int32),
            pltpu.VMEM((1, 128), jnp.int32),
            pltpu.VMEM((1, 128), jnp.int32),
            pltpu.VMEM((1, 128), jnp.int32),
            pltpu.VMEM((CHUNK, D), jnp.float32),
            pltpu.VMEM((CHUNK, D), jnp.float32),
            pltpu.VMEM((CHUNK, D), jnp.float32),
            pltpu.VMEM_SHARED((N, D), jnp.float32),
        ] + [pltpu.SemaphoreType.DMA] * 15,
    )


def _enc_body(ea_ref, we_ref, be_ref, *out_refs):
    ea = ea_ref[...]
    for l, out_ref in enumerate(out_refs):
        out_ref[...] = (lax.dot_general(
            ea, we_ref[l], (((0,), (0,)), ((), ())),
            preferred_element_type=jnp.float32) + be_ref[l])


def _mlp_body(last, h_ref, agg_ref, ep_ref, w1_ref, b1_ref, w2_ref, b2_ref, out_ref):
    t = ep_ref[...] * h_ref[...] + agg_ref[0] + agg_ref[1]
    t = jnp.maximum(jnp.dot(t, w1_ref[...], preferred_element_type=jnp.float32)
                    + b1_ref[...], 0.0)
    o = jnp.dot(t, w2_ref[...], preferred_element_type=jnp.float32) + b2_ref[...]
    if not last:
        o = jnp.maximum(o, 0.0)
    out_ref[...] = o


_BE = 2560
_RB = 400


def kernel(x, edge_index, edge_attr, batch, node_table, We, be, eps,
           W1, b1, g1, bt1, m1, v1, W2, b2, go, bo, mo, vo):
    f32 = jnp.float32
    src2 = edge_index[0].reshape(E // 128, 128)
    dst2 = edge_index[1].reshape(E // 128, 128)
    h0row = node_table[0]

    s1 = g1 / jnp.sqrt(v1 + 1e-5)
    W1f = W1 * s1[:, None, :]
    b1f = b1 * s1 + (bt1 - m1 * s1)
    s2 = go / jnp.sqrt(vo + 1e-5)
    W2f = W2 * s2[:, None, :]
    b2f = b2 * s2 + (bo - mo * s2)

    bee = be.at[0].add(h0row).reshape(L, 1, D)
    eaT = edge_attr.T

    def _enc(ls):
        nl = len(ls)
        return pl.pallas_call(
            _enc_body,
            grid=(E // _BE,),
            in_specs=[
                pl.BlockSpec((7, _BE), lambda i: (0, i)),
                pl.BlockSpec((nl, 7, D), lambda i: (0, 0, 0)),
                pl.BlockSpec((nl, 1, D), lambda i: (0, 0, 0)),
            ],
            out_specs=[pl.BlockSpec((_BE, D), lambda i: (i, 0)) for _ in ls],
            out_shape=[jax.ShapeDtypeStruct((E, D), f32) for _ in ls],
        )(eaT, We[ls[0]:ls[-1] + 1], bee[ls[0]:ls[-1] + 1])

    sc_first = _make_sc(False)
    sc_rest = _make_sc(True)

    def _mlp(l, h, agg2):
        epv = jnp.full((1, D), 1.0 + eps[l], f32)
        return pl.pallas_call(
            functools.partial(_mlp_body, l == L - 1),
            grid=(N // _RB,),
            in_specs=[
                pl.BlockSpec((_RB, D), lambda i: (i, 0)),
                pl.BlockSpec((NC, _RB, D), lambda i: (0, i, 0)),
                pl.BlockSpec((1, D), lambda i: (0, 0)),
                pl.BlockSpec((D, H), lambda i: (0, 0)),
                pl.BlockSpec((1, H), lambda i: (0, 0)),
                pl.BlockSpec((H, D), lambda i: (0, 0)),
                pl.BlockSpec((1, D), lambda i: (0, 0)),
            ],
            out_specs=pl.BlockSpec((_RB, D), lambda i: (i, 0)),
            out_shape=jax.ShapeDtypeStruct((N, D), f32),
        )(h, agg2, epv, W1f[l], b1f[l].reshape(1, H), W2f[l], b2f[l].reshape(1, D))

    h = jnp.broadcast_to(node_table[0:1], (N, D))
    e0 = _enc([0])[0]
    agg = sc_first(e0, src2, dst2, h)
    e1 = _enc([1])[0]
    h = _mlp(0, h, agg)
    agg = sc_rest(e1, src2, dst2, h)
    e2 = _enc([2])[0]
    h = _mlp(1, h, agg)
    agg = sc_rest(e2, src2, dst2, h)
    return _mlp(2, h, agg)

# --- scband reference (transcript-rebuilt; emitter-appended) ---
"""Pipeline reference for scband-gnn-node-10161892622990 (READ-ONLY COPY).

The authoritative reference and input builder live on the scoring server;
editing this copy changes nothing except your own understanding.
"""

import jax, jax.numpy as jnp
import numpy as np

N = 10000
E = 320000
D = 128
H = 2 * D
L = 3


def _bn(h, g, b, m, v):
    # eval-mode BatchNorm1d with running stats
    return (h - m) / jnp.sqrt(v + 1e-5) * g + b


def setup_inputs(seed: int = 0) -> dict:
    key = jax.random.key(seed)
    ks = jax.random.split(key, 16)
    inp = {}
    # forward args (node features are indices into the size-1 node_encoder embedding)
    inp['x'] = jax.random.randint(ks[0], (N,), 0, 1, dtype=jnp.int32)
    inp['edge_index'] = jax.random.randint(ks[1], (2, E), 0, N, dtype=jnp.int32)
    inp['edge_attr'] = jax.random.normal(ks[2], (E, 7), dtype=jnp.float32)
    inp['batch'] = jnp.zeros((N,), dtype=jnp.int32)
    # parameters (stacked over L layers)
    inp['node_table'] = 0.02 * jax.random.normal(ks[3], (1, D), dtype=jnp.float32)
    inp['We'] = 0.05 * jax.random.normal(ks[4], (L, 7, D), dtype=jnp.float32)
    inp['be'] = jnp.zeros((L, D), jnp.float32)
    inp['eps'] = jnp.zeros((L,), jnp.float32)
    inp['W1'] = 0.05 * jax.random.normal(ks[5], (L, D, H), dtype=jnp.float32)
    inp['b1'] = jnp.zeros((L, H), jnp.float32)
    inp['g1'] = jnp.ones((L, H), jnp.float32)
    inp['bt1'] = jnp.zeros((L, H), jnp.float32)
    inp['m1'] = jnp.zeros((L, H), jnp.float32)
    inp['v1'] = jnp.ones((L, H), jnp.float32)
    inp['W2'] = 0.05 * jax.random.normal(ks[6], (L, H, D), dtype=jnp.float32)
    inp['b2'] = jnp.zeros((L, D), jnp.float32)
    inp['go'] = jnp.ones((L, D), jnp.float32)
    inp['bo'] = jnp.zeros((L, D), jnp.float32)
    inp['mo'] = jnp.zeros((L, D), jnp.float32)
    inp['vo'] = jnp.ones((L, D), jnp.float32)
    return inp


def reference(x, edge_index, edge_attr, batch, node_table, We, be, eps,
              W1, b1, g1, bt1, m1, v1, W2, b2, go, bo, mo, vo):
    # GNN_node with gnn_type='gin', JK='last', residual=False, eval mode
    # (dropout is a no-op; BatchNorm uses running stats)
    src = edge_index[0]
    dst = edge_index[1]
    h = jnp.take(node_table, x, axis=0)  # node_encoder embedding lookup
    for l in range(L):
        # GINConv
        e = edge_attr @ We[l] + be[l]  # edge_encoder
        msg = jax.nn.relu(h[src] + e)  # message: relu(x_j + edge_attr)
        agg = jax.ops.segment_sum(msg, dst, num_segments=N)  # aggr='add'
        t = (1.0 + eps[l]) * h + agg
        # mlp: Linear(D,2D) -> BN -> ReLU -> Linear(2D,D)
        t = t @ W1[l] + b1[l]
        t = _bn(t, g1[l], bt1[l], m1[l], v1[l])
        t = jax.nn.relu(t)
        t = t @ W2[l] + b2[l]
        # outer batch_norms[layer]
        t = _bn(t, go[l], bo[l], mo[l], vo[l])
        if l == L - 1:
            h = t  # dropout(h) in eval mode
        else:
            h = jax.nn.relu(t)  # dropout(relu(h)) in eval mode
    return h  # JK == 'last'

if __name__ == "__main__":
    import jax
    _d = setup_inputs()
    print(jax.jit(kernel)(*tuple(_d.values())))

</pallas_src>

<mosaic_0001>
#map = affine_map<(d0, d1) -> (0, 0)>
#map1 = affine_map<(d0, d1) -> (0, 0, 0)>
module attributes {stable_mosaic.version = 14 : i64} {
  func.func @_sc_body(%arg0: i32, %arg1: i32, %arg2: memref<320000x128xf32, #tpu.memory_space<hbm>>, %arg3: memref<2500x128xi32, #tpu.memory_space<hbm>>, %arg4: memref<2500x128xi32, #tpu.memory_space<hbm>>, %arg5: memref<10000x128xf32, #tpu.memory_space<hbm>>, %arg6: memref<2x10000x128xf32, #tpu.memory_space<hbm>>, %arg7: memref<1x128xi32, #tpu.memory_space<vmem>>, %arg8: memref<1x128xi32, #tpu.memory_space<vmem>>, %arg9: memref<1x128xi32, #tpu.memory_space<vmem>>, %arg10: memref<1x128xi32, #tpu.memory_space<vmem>>, %arg11: memref<1x128xi32, #tpu.memory_space<vmem>>, %arg12: memref<1x128xi32, #tpu.memory_space<vmem>>, %arg13: memref<128x128xf32, #tpu.memory_space<vmem>>, %arg14: memref<128x128xf32, #tpu.memory_space<vmem>>, %arg15: memref<128x128xf32, #tpu.memory_space<vmem>>, %arg16: memref<10000x128xf32, #tpu.memory_space<vmem_shared>>, %arg17: memref<!tpu.dma_semaphore, #tpu.memory_space<semaphore_mem>>, %arg18: memref<!tpu.dma_semaphore, #tpu.memory_space<semaphore_mem>>, %arg19: memref<!tpu.dma_semaphore, #tpu.memory_space<semaphore_mem>>, %arg20: memref<!tpu.dma_semaphore, #tpu.memory_space<semaphore_mem>>, %arg21: memref<!tpu.dma_semaphore, #tpu.memory_space<semaphore_mem>>, %arg22: memref<!tpu.dma_semaphore, #tpu.memory_space<semaphore_mem>>, %arg23: memref<!tpu.dma_semaphore, #tpu.memory_space<semaphore_mem>>, %arg24: memref<!tpu.dma_semaphore, #tpu.memory_space<semaphore_mem>>, %arg25: memref<!tpu.dma_semaphore, #tpu.memory_space<semaphore_mem>>, %arg26: memref<!tpu.dma_semaphore, #tpu.memory_space<semaphore_mem>>, %arg27: memref<!tpu.dma_semaphore, #tpu.memory_space<semaphore_mem>>, %arg28: memref<!tpu.dma_semaphore, #tpu.memory_space<semaphore_mem>>, %arg29: memref<!tpu.dma_semaphore, #tpu.memory_space<semaphore_mem>>, %arg30: memref<!tpu.dma_semaphore, #tpu.memory_space<semaphore_mem>>, %arg31: memref<!tpu.dma_semaphore, #tpu.memory_space<semaphore_mem>>) attributes {dimension_semantics = [#tpu.dimension_semantics<core_parallel>, #tpu.dimension_semantics<subcore_parallel>], iteration_bounds = array<i64: 2, 16>, scalar_prefetch = 0 : i64, scratch_operands = 25 : i64, tpu.core_type = #tpu.core_type<sc_vector_subcore>, window_params = [{transform_indices = #map}, {transform_indices = #map}, {transform_indices = #map}, {transform_indices = #map}, {transform_indices = #map1}]} {
    %mul3A = arith.constant 2 : i32
    %mul3A_0 = arith.muli %arg1, %mul3A : i32
    %add3A = arith.addi %mul3A_0, %arg0 : i32
    %scan3A = arith.constant 0 : i32
    %scan3A_1 = arith.constant 0 : i32
    %scan3A_2 = arith.constant 128 : i32
    %scan3A_3 = arith.addi %scan3A_1, %scan3A_2 : i32
    %scan3A_4 = arith.constant 1 : i32
    scf.for %scan3A_153 = %scan3A_1 to %scan3A_3 step %scan3A_4  : i32 {
      %broadcast_in_dim3A = arith.constant 0.000000e+00 : f32
      %broadcast_in_dim3A_154 = vector.broadcast %broadcast_in_dim3A : f32 to vector<16xf32>
      %swap3A = arith.index_cast %scan3A_153 : i32 to index
      %swap3A_155 = arith.constant 0 : index
      %swap3A_156 = tpu.vector_load %arg13[%swap3A, %swap3A_155] {strides = array<i32>} : memref<128x128xf32, #tpu.memory_space<vmem>>, vector<1x16xf32>,
      %swap3A_157 = vector.shape_cast %swap3A_156 : vector<1x16xf32> to vector<16xf32>
      %swap3A_158 = vector.shape_cast %broadcast_in_dim3A_154 : vector<16xf32> to vector<1x16xf32>
      tpu.vector_store %arg13[%swap3A, %swap3A_155], %swap3A_158 {strides = array<i32>} : memref<128x128xf32, #tpu.memory_space<vmem>>, vector<1x16xf32>,
      %broadcast_in_dim3A_159 = arith.constant 0.000000e+00 : f32
      %broadcast_in_dim3A_160 = vector.broadcast %broadcast_in_dim3A_159 : f32 to vector<16xf32>
      %swap3A_161 = arith.index_cast %scan3A_153 : i32 to index
      %swap3A_162 = arith.constant 16 : index
      %swap3A_163 = tpu.vector_load %arg13[%swap3A_161, %swap3A_162] {strides = array<i32>} : memref<128x128xf32, #tpu.memory_space<vmem>>, vector<1x16xf32>,
      %swap3A_164 = vector.shape_cast %swap3A_163 : vector<1x16xf32> to vector<16xf32>
      %swap3A_165 = vector.shape_cast %broadcast_in_dim3A_160 : vector<16xf32> to vector<1x16xf32>
      tpu.vector_store %arg13[%swap3A_161, %swap3A_162], %swap3A_165 {strides = array<i32>} : memref<128x128xf32, #tpu.memory_space<vmem>>, vector<1x16xf32>,
      %broadcast_in_dim3A_166 = arith.constant 0.000000e+00 : f32
      %broadcast_in_dim3A_167 = vector.broadcast %broadcast_in_dim3A_166 : f32 to vector<16xf32>
      %swap3A_168 = arith.index_cast %scan3A_153 : i32 to index
      %swap3A_169 = arith.constant 32 : index
      %swap3A_170 = tpu.vector_load %arg13[%swap3A_168, %swap3A_169] {strides = array<i32>} : memref<128x128xf32, #tpu.memory_space<vmem>>, vector<1x16xf32>,
      %swap3A_171 = vector.shape_cast %swap3A_170 : vector<1x16xf32> to vector<16xf32>
      %swap3A_172 = vector.shape_cast %broadcast_in_dim3A_167 : vector<16xf32> to vector<1x16xf32>
      tpu.vector_store %arg13[%swap3A_168, %swap3A_169], %swap3A_172 {strides = array<i32>} : memref<128x128xf32, #tpu.memory_space<vmem>>, vector<1x16xf32>,
      %broadcast_in_dim3A_173 = arith.constant 0.000000e+00 : f32
      %broadcast_in_dim3A_174 = vector.broadcast %broadcast_in_dim3A_173 : f32 to vector<16xf32>
      %swap3A_175 = arith.index_cast %scan3A_153 : i32 to index
      %swap3A_176 = arith.constant 48 : index
      %swap3A_177 = tpu.vector_load %arg13[%swap3A_175, %swap3A_176] {strides = array<i32>} : memref<128x128xf32, #tpu.memory_space<vmem>>, vector<1x16xf32>,
      %swap3A_178 = vector.shape_cast %swap3A_177 : vector<1x16xf32> to vector<16xf32>
      %swap3A_179 = vector.shape_cast %broadcast_in_dim3A_174 : vector<16xf32> to vector<1x16xf32>
      tpu.vector_store %arg13[%swap3A_175, %swap3A_176], %swap3A_179 {strides = array<i32>} : memref<128x128xf32, #tpu.memory_space<vmem>>, vector<1x16xf32>,
      %broadcast_in_dim3A_180 = arith.constant 0.000000e+00 : f32
      %broadcast_in_dim3A_181 = vector.broadcast %broadcast_in_dim3A_180 : f32 to vector<16xf32>
      %swap3A_182 = arith.index_cast %scan3A_153 : i32 to index
      %swap3A_183 = arith.constant 64 : index
      %swap3A_184 = tpu.vector_load %arg13[%swap3A_182, %swap3A_183] {strides = array<i32>} : memref<128x128xf32, #tpu.memory_space<vmem>>, vector<1x16xf32>,
      %swap3A_185 = vector.shape_cast %swap3A_184 : vector<1x16xf32> to vector<16xf32>
      %swap3A_186 = vector.shape_cast %broadcast_in_dim3A_181 : vector<16xf32> to vector<1x16xf32>
      tpu.vector_store %arg13[%swap3A_182, %swap3A_183], %swap3A_186 {strides = array<i32>} : memref<128x128xf32, #tpu.memory_space<vmem>>, vector<1x16xf32>,
      %broadcast_in_dim3A_187 = arith.constant 0.000000e+00 : f32
      %broadcast_in_dim3A_188 = vector.broadcast %broadcast_in_dim3A_187 : f32 to vector<16xf32>
      %swap3A_189 = arith.index_cast %scan3A_153 : i32 to index
      %swap3A_190 = arith.constant 80 : index
      %swap3A_191 = tpu.vector_load %arg13[%swap3A_189, %swap3A_190] {strides = array<i32>} : memref<128x128xf32, #tpu.memory_space<vmem>>, vector<1x16xf32>,
      %swap3A_192 = vector.shape_cast %swap3A_191 : vector<1x16xf32> to vector<16xf32>
      %swap3A_193 = vector.shape_cast %broadcast_in_dim3A_188 : vector<16xf32> to vector<1x16xf32>
      tpu.vector_store %arg13[%swap3A_189, %swap3A_190], %swap3A_193 {strides = array<i32>} : memref<128x128xf32, #tpu.memory_space<vmem>>, vector<1x16xf32>,
      %broadcast_in_dim3A_194 = arith.constant 0.000000e+00 : f32
      %broadcast_in_dim3A_195 = vector.broadcast %broadcast_in_dim3A_194 : f32 to vector<16xf32>
      %swap3A_196 = arith.index_cast %scan3A_153 : i32 to index
      %swap3A_197 = arith.constant 96 : index
      %swap3A_198 = tpu.vector_load %arg13[%swap3A_196, %swap3A_197] {strides = array<i32>} : memref<128x128xf32, #tpu.memory_space<vmem>>, vector<1x16xf32>,
      %swap3A_199 = vector.shape_cast %swap3A_198 : vector<1x16xf32> to vector<16xf32>
      %swap3A_200 = vector.shape_cast %broadcast_in_dim3A_195 : vector<16xf32> to vector<1x16xf32>
      tpu.vector_store %arg13[%swap3A_196, %swap3A_197], %swap3A_200 {strides = array<i32>} : memref<128x128xf32, #tpu.memory_space<vmem>>, vector<1x16xf32>,
      %broadcast_in_dim3A_201 = arith.constant 0.000000e+00 : f32
      %broadcast_in_dim3A_202 = vector.broadcast %broadcast_in_dim3A_201 : f32 to vector<16xf32>
      %swap3A_203 = arith.index_cast %scan3A_153 : i32 to index
      %swap3A_204 = arith.constant 112 : index
      %swap3A_205 = tpu.vector_load %arg13[%swap3A_203, %swap3A_204] {strides = array<i32>} : memref<128x128xf32, #tpu.memory_space<vmem>>, vector<1x16xf32>,
      %swap3A_206 = vector.shape_cast %swap3A_205 : vector<1x16xf32> to vector<16xf32>
      %swap3A_207 = vector.shape_cast %broadcast_in_dim3A_202 : vector<16xf32> to vector<1x16xf32>
      tpu.vector_store %arg13[%swap3A_203, %swap3A_204], %swap3A_207 {strides = array<i32>} : memref<128x128xf32, #tpu.memory_space<vmem>>, vector<1x16xf32>,
    }
    %scan3A_5 = arith.constant 128 : i32
    %mul3A_6 = arith.constant 624 : i32
    %mul3A_7 = arith.muli %arg1, %mul3A_6 : i32
    %add3A_8 = arith.constant 0 : i32
    %add3A_9 = arith.addi %mul3A_7, %add3A_8 : i32
    "tpu.region"() ({
      %run_scoped3A = tpu.sem_alloc : memref<!tpu.dma_semaphore, #tpu.memory_space<semaphore_mem>>
      %dma_start3A_153 = arith.constant 0 : i32
      %dma_start3A_154 = arith.constant 0 : i32
      %dma_start3A_155 = tpu.memref_slice %arg13[%dma_start3A_153, %dma_start3A_154] : memref<128x128xf32, #tpu.memory_space<vmem>> -> memref<128x128xf32, #tpu.memory_space<vmem>>
      %dma_start3A_156 = arith.constant 0 : i32
      %dma_start3A_157 = tpu.memref_slice %arg16[%add3A_9, %dma_start3A_156] : memref<10000x128xf32, #tpu.memory_space<vmem_shared>> -> memref<128x128xf32, #tpu.memory_space<vmem_shared>>
      %dma_start3A_158 = arith.constant 0 : i32
      %dma_start3A_159 = tpu.memref_slice %arg16[%add3A_9, %dma_start3A_158] : memref<10000x128xf32, #tpu.memory_space<vmem_shared>> -> memref<128x128xf32, #tpu.memory_space<vmem_shared>>
      %dma_start3A_160 = arith.constant 0 : i32
      %dma_start3A_161 = arith.constant 0 : i32
      %dma_start3A_162 = tpu.memref_slice %arg13[%dma_start3A_160, %dma_start3A_161] : memref<128x128xf32, #tpu.memory_space<vmem>> -> memref<128x128xf32, #tpu.memory_space<vmem>>
      tpu.enqueue_dma source(%dma_start3A_162 : memref<128x128xf32, #tpu.memory_space<vmem>>) target(%dma_start3A_159 : memref<128x128xf32, #tpu.memory_space<vmem_shared>>) target_semaphore(%run_scoped3A : memref<!tpu.dma_semaphore, #tpu.memory_space<semaphore_mem>>)
      %dma_wait3A_163 = arith.constant 0 : i32
      %dma_wait3A_164 = arith.constant 0 : i32
      %dma_wait3A_165 = tpu.memref_slice %arg13[%dma_wait3A_163, %dma_wait3A_164] : memref<128x128xf32, #tpu.memory_space<vmem>> -> memref<128x128xf32, #tpu.memory_space<vmem>>
      %dma_wait3A_166 = arith.constant 0 : i32
      %dma_wait3A_167 = tpu.memref_slice %arg16[%add3A_9, %dma_wait3A_166] : memref<10000x128xf32, #tpu.memory_space<vmem_shared>> -> memref<128x128xf32, #tpu.memory_space<vmem_shared>>
      %dma_wait3A_168 = arith.constant 0 : i32
      %dma_wait3A_169 = tpu.memref_slice %arg16[%add3A_9, %dma_wait3A_168] : memref<10000x128xf32, #tpu.memory_space<vmem_shared>> -> memref<128x128xf32, #tpu.memory_space<vmem_shared>>
      %dma_wait3A_170 = arith.constant 0 : i32
      %dma_wait3A_171 = arith.constant 0 : i32
      %dma_wait3A_172 = tpu.memref_slice %arg13[%dma_wait3A_170, %dma_wait3A_171] : memref<128x128xf32, #tpu.memory_space<vmem>> -> memref<128x128xf32, #tpu.memory_space<vmem>>
      tpu.wait_dma2 semaphore(%run_scoped3A : memref<!tpu.dma_semaphore, #tpu.memory_space<semaphore_mem>>) src(%dma_wait3A_172 : memref<128x128xf32, #tpu.memory_space<vmem>>) dst(%dma_wait3A_169 : memref<128x128xf32, #tpu.memory_space<vmem_shared>>)
      tpu.yield
    }) : () -> ()
    %mul3A_10 = arith.constant 624 : i32
    %mul3A_11 = arith.muli %arg1, %mul3A_10 : i32
    %add3A_12 = arith.constant 128 : i32
    %add3A_13 = arith.addi %mul3A_11, %add3A_12 : i32
    "tpu.region"() ({
      %run_scoped3A = tpu.sem_alloc : memref<!tpu.dma_semaphore, #tpu.memory_space<semaphore_mem>>
      %dma_start3A_153 = arith.constant 0 : i32
      %dma_start3A_154 = arith.constant 0 : i32
      %dma_start3A_155 = tpu.memref_slice %arg13[%dma_start3A_153, %dma_start3A_154] : memref<128x128xf32, #tpu.memory_space<vmem>> -> memref<128x128xf32, #tpu.memory_space<vmem>>
      %dma_start3A_156 = arith.constant 0 : i32
      %dma_start3A_157 = tpu.memref_slice %arg16[%add3A_13, %dma_start3A_156] : memref<10000x128xf32, #tpu.memory_space<vmem_shared>> -> memref<128x128xf32, #tpu.memory_space<vmem_shared>>
      %dma_start3A_158 = arith.constant 0 : i32
      %dma_start3A_159 = tpu.memref_slice %arg16[%add3A_13, %dma_start3A_158] : memref<10000x128xf32, #tpu.memory_space<vmem_shared>> -> memref<128x128xf32, #tpu.memory_space<vmem_shared>>
      %dma_start3A_160 = arith.constant 0 : i32
      %dma_start3A_161 = arith.constant 0 : i32
      %dma_start3A_162 = tpu.memref_slice %arg13[%dma_start3A_160, %dma_start3A_161] : memref<128x128xf32, #tpu.memory_space<vmem>> -> memref<128x128xf32, #tpu.memory_space<vmem>>
      tpu.enqueue_dma source(%dma_start3A_162 : memref<128x128xf32, #tpu.memory_space<vmem>>) target(%dma_start3A_159 : memref<128x128xf32, #tpu.memory_space<vmem_shared>>) target_semaphore(%run_scoped3A : memref<!tpu.dma_semaphore, #tpu.memory_space<semaphore_mem>>)
      %dma_wait3A_163 = arith.constant 0 : i32
      %dma_wait3A_164 = arith.constant 0 : i32
      %dma_wait3A_165 = tpu.memref_slice %arg13[%dma_wait3A_163, %dma_wait3A_164] : memref<128x128xf32, #tpu.memory_space<vmem>> -> memref<128x128xf32, #tpu.memory_space<vmem>>
      %dma_wait3A_166 = arith.constant 0 : i32
      %dma_wait3A_167 = tpu.memref_slice %arg16[%add3A_13, %dma_wait3A_166] : memref<10000x128xf32, #tpu.memory_space<vmem_shared>> -> memref<128x128xf32, #tpu.memory_space<vmem_shared>>
      %dma_wait3A_168 = arith.constant 0 : i32
      %dma_wait3A_169 = tpu.memref_slice %arg16[%add3A_13, %dma_wait3A_168] : memref<10000x128xf32, #tpu.memory_space<vmem_shared>> -> memref<128x128xf32, #tpu.memory_space<vmem_shared>>
      %dma_wait3A_170 = arith.constant 0 : i32
      %dma_wait3A_171 = arith.constant 0 : i32
      %dma_wait3A_172 = tpu.memref_slice %arg13[%dma_wait3A_170, %dma_wait3A_171] : memref<128x128xf32, #tpu.memory_space<vmem>> -> memref<128x128xf32, #tpu.memory_space<vmem>>
      tpu.wait_dma2 semaphore(%run_scoped3A : memref<!tpu.dma_semaphore, #tpu.memory_space<semaphore_mem>>) src(%dma_wait3A_172 : memref<128x128xf32, #tpu.memory_space<vmem>>) dst(%dma_wait3A_169 : memref<128x128xf32, #tpu.memory_space<vmem_shared>>)
      tpu.yield
    }) : () -> ()
    %mul3A_14 = arith.constant 624 : i32
    %mul3A_15 = arith.muli %arg1, %mul3A_14 : i32
    %add3A_16 = arith.constant 256 : i32
    %add3A_17 = arith.addi %mul3A_15, %add3A_16 : i32
    "tpu.region"() ({
      %run_scoped3A = tpu.sem_alloc : memref<!tpu.dma_semaphore, #tpu.memory_space<semaphore_mem>>
      %dma_start3A_153 = arith.constant 0 : i32
      %dma_start3A_154 = arith.constant 0 : i32
      %dma_start3A_155 = tpu.memref_slice %arg13[%dma_start3A_153, %dma_start3A_154] : memref<128x128xf32, #tpu.memory_space<vmem>> -> memref<128x128xf32, #tpu.memory_space<vmem>>
      %dma_start3A_156 = arith.constant 0 : i32
      %dma_start3A_157 = tpu.memref_slice %arg16[%add3A_17, %dma_start3A_156] : memref<10000x128xf32, #tpu.memory_space<vmem_shared>> -> memref<128x128xf32, #tpu.memory_space<vmem_shared>>
      %dma_start3A_158 = arith.constant 0 : i32
      %dma_start3A_159 = tpu.memref_slice %arg16[%add3A_17, %dma_start3A_158] : memref<10000x128xf32, #tpu.memory_space<vmem_shared>> -> memref<128x128xf32, #tpu.memory_space<vmem_shared>>
      %dma_start3A_160 = arith.constant 0 : i32
      %dma_start3A_161 = arith.constant 0 : i32
      %dma_start3A_162 = tpu.memref_slice %arg13[%dma_start3A_160, %dma_start3A_161] : memref<128x128xf32, #tpu.memory_space<vmem>> -> memref<128x128xf32, #tpu.memory_space<vmem>>
      tpu.enqueue_dma source(%dma_start3A_162 : memref<128x128xf32, #tpu.memory_space<vmem>>) target(%dma_start3A_159 : memref<128x128xf32, #tpu.memory_space<vmem_shared>>) target_semaphore(%run_scoped3A : memref<!tpu.dma_semaphore, #tpu.memory_space<semaphore_mem>>)
      %dma_wait3A_163 = arith.constant 0 : i32
      %dma_wait3A_164 = arith.constant 0 : i32
      %dma_wait3A_165 = tpu.memref_slice %arg13[%dma_wait3A_163, %dma_wait3A_164] : memref<128x128xf32, #tpu.memory_space<vmem>> -> memref<128x128xf32, #tpu.memory_space<vmem>>
      %dma_wait3A_166 = arith.constant 0 : i32
      %dma_wait3A_167 = tpu.memref_slice %arg16[%add3A_17, %dma_wait3A_166] : memref<10000x128xf32, #tpu.memory_space<vmem_shared>> -> memref<128x128xf32, #tpu.memory_space<vmem_shared>>
      %dma_wait3A_168 = arith.constant 0 : i32
      %dma_wait3A_169 = tpu.memref_slice %arg16[%add3A_17, %dma_wait3A_168] : memref<10000x128xf32, #tpu.memory_space<vmem_shared>> -> memref<128x128xf32, #tpu.memory_space<vmem_shared>>
      %dma_wait3A_170 = arith.constant 0 : i32
      %dma_wait3A_171 = arith.constant 0 : i32
      %dma_wait3A_172 = tpu.memref_slice %arg13[%dma_wait3A_170, %dma_wait3A_171] : memref<128x128xf32, #tpu.memory_space<vmem>> -> memref<128x128xf32, #tpu.memory_space<vmem>>
      tpu.wait_dma2 semaphore(%run_scoped3A : memref<!tpu.dma_semaphore, #tpu.memory_space<semaphore_mem>>) src(%dma_wait3A_172 : memref<128x128xf32, #tpu.memory_space<vmem>>) dst(%dma_wait3A_169 : memref<128x128xf32, #tpu.memory_space<vmem_shared>>)
      tpu.yield
    }) : () -> ()
    %mul3A_18 = arith.constant 624 : i32
    %mul3A_19 = arith.muli %arg1, %mul3A_18 : i32
    %add3A_20 = arith.constant 384 : i32
    %add3A_21 = arith.addi %mul3A_19, %add3A_20 : i32
    "tpu.region"() ({
      %run_scoped3A = tpu.sem_alloc : memref<!tpu.dma_semaphore, #tpu.memory_space<semaphore_mem>>
      %dma_start3A_153 = arith.constant 0 : i32
      %dma_start3A_154 = arith.constant 0 : i32
      %dma_start3A_155 = tpu.memref_slice %arg13[%dma_start3A_153, %dma_start3A_154] : memref<128x128xf32, #tpu.memory_space<vmem>> -> memref<128x128xf32, #tpu.memory_space<vmem>>
      %dma_start3A_156 = arith.constant 0 : i32
      %dma_start3A_157 = tpu.memref_slice %arg16[%add3A_21, %dma_start3A_156] : memref<10000x128xf32, #tpu.memory_space<vmem_shared>> -> memref<128x128xf32, #tpu.memory_space<vmem_shared>>
      %dma_start3A_158 = arith.constant 0 : i32
      %dma_start3A_159 = tpu.memref_slice %arg16[%add3A_21, %dma_start3A_158] : memref<10000x128xf32, #tpu.memory_space<vmem_shared>> -> memref<128x128xf32, #tpu.memory_space<vmem_shared>>
      %dma_start3A_160 = arith.constant 0 : i32
      %dma_start3A_161 = arith.constant 0 : i32
      %dma_start3A_162 = tpu.memref_slice %arg13[%dma_start3A_160, %dma_start3A_161] : memref<128x128xf32, #tpu.memory_space<vmem>> -> memref<128x128xf32, #tpu.memory_space<vmem>>
      tpu.enqueue_dma source(%dma_start3A_162 : memref<128x128xf32, #tpu.memory_space<vmem>>) target(%dma_start3A_159 : memref<128x128xf32, #tpu.memory_space<vmem_shared>>) target_semaphore(%run_scoped3A : memref<!tpu.dma_semaphore, #tpu.memory_space<semaphore_mem>>)
      %dma_wait3A_163 = arith.constant 0 : i32
      %dma_wait3A_164 = arith.constant 0 : i32
      %dma_wait3A_165 = tpu.memref_slice %arg13[%dma_wait3A_163, %dma_wait3A_164] : memref<128x128xf32, #tpu.memory_space<vmem>> -> memref<128x128xf32, #tpu.memory_space<vmem>>
      %dma_wait3A_166 = arith.constant 0 : i32
      %dma_wait3A_167 = tpu.memref_slice %arg16[%add3A_21, %dma_wait3A_166] : memref<10000x128xf32, #tpu.memory_space<vmem_shared>> -> memref<128x128xf32, #tpu.memory_space<vmem_shared>>
      %dma_wait3A_168 = arith.constant 0 : i32
      %dma_wait3A_169 = tpu.memref_slice %arg16[%add3A_21, %dma_wait3A_168] : memref<10000x128xf32, #tpu.memory_space<vmem_shared>> -> memref<128x128xf32, #tpu.memory_space<vmem_shared>>
      %dma_wait3A_170 = arith.constant 0 : i32
      %dma_wait3A_171 = arith.constant 0 : i32
      %dma_wait3A_172 = tpu.memref_slice %arg13[%dma_wait3A_170, %dma_wait3A_171] : memref<128x128xf32, #tpu.memory_space<vmem>> -> memref<128x128xf32, #tpu.memory_space<vmem>>
      tpu.wait_dma2 semaphore(%run_scoped3A : memref<!tpu.dma_semaphore, #tpu.memory_space<semaphore_mem>>) src(%dma_wait3A_172 : memref<128x128xf32, #tpu.memory_space<vmem>>) dst(%dma_wait3A_169 : memref<128x128xf32, #tpu.memory_space<vmem_shared>>)
      tpu.yield
    }) : () -> ()
    %mul3A_22 = arith.constant 624 : i32
    %mul3A_23 = arith.muli %arg1, %mul3A_22 : i32
    %add3A_24 = arith.constant 512 : i32
    %add3A_25 = arith.addi %mul3A_23, %add3A_24 : i32
    "tpu.region"() ({
      %run_scoped3A = tpu.sem_alloc : memref<!tpu.dma_semaphore, #tpu.memory_space<semaphore_mem>>
      %dma_start3A_153 = arith.constant 0 : i32
      %dma_start3A_154 = arith.constant 0 : i32
      %dma_start3A_155 = tpu.memref_slice %arg13[%dma_start3A_153, %dma_start3A_154] : memref<128x128xf32, #tpu.memory_space<vmem>> -> memref<112x128xf32, #tpu.memory_space<vmem>>
      %dma_start3A_156 = arith.constant 0 : i32
      %dma_start3A_157 = tpu.memref_slice %arg16[%add3A_25, %dma_start3A_156] : memref<10000x128xf32, #tpu.memory_space<vmem_shared>> -> memref<112x128xf32, #tpu.memory_space<vmem_shared>>
      %dma_start3A_158 = arith.constant 0 : i32
      %dma_start3A_159 = tpu.memref_slice %arg16[%add3A_25, %dma_start3A_158] : memref<10000x128xf32, #tpu.memory_space<vmem_shared>> -> memref<112x128xf32, #tpu.memory_space<vmem_shared>>
      %dma_start3A_160 = arith.constant 0 : i32
      %dma_start3A_161 = arith.constant 0 : i32
      %dma_start3A_162 = tpu.memref_slice %arg13[%dma_start3A_160, %dma_start3A_161] : memref<128x128xf32, #tpu.memory_space<vmem>> -> memref<112x128xf32, #tpu.memory_space<vmem>>
      tpu.enqueue_dma source(%dma_start3A_162 : memref<112x128xf32, #tpu.memory_space<vmem>>) target(%dma_start3A_159 : memref<112x128xf32, #tpu.memory_space<vmem_shared>>) target_semaphore(%run_scoped3A : memref<!tpu.dma_semaphore, #tpu.memory_space<semaphore_mem>>)
      %dma_wait3A_163 = arith.constant 0 : i32
      %dma_wait3A_164 = arith.constant 0 : i32
      %dma_wait3A_165 = tpu.memref_slice %arg13[%dma_wait3A_163, %dma_wait3A_164] : memref<128x128xf32, #tpu.memory_space<vmem>> -> memref<112x128xf32, #tpu.memory_space<vmem>>
      %dma_wait3A_166 = arith.constant 0 : i32
      %dma_wait3A_167 = tpu.memref_slice %arg16[%add3A_25, %dma_wait3A_166] : memref<10000x128xf32, #tpu.memory_space<vmem_shared>> -> memref<112x128xf32, #tpu.memory_space<vmem_shared>>
      %dma_wait3A_168 = arith.constant 0 : i32
      %dma_wait3A_169 = tpu.memref_slice %arg16[%add3A_25, %dma_wait3A_168] : memref<10000x128xf32, #tpu.memory_space<vmem_shared>> -> memref<112x128xf32, #tpu.memory_space<vmem_shared>>
      %dma_wait3A_170 = arith.constant 0 : i32
      %dma_wait3A_171 = arith.constant 0 : i32
      %dma_wait3A_172 = tpu.memref_slice %arg13[%dma_wait3A_170, %dma_wait3A_171] : memref<128x128xf32, #tpu.memory_space<vmem>> -> memref<112x128xf32, #tpu.memory_space<vmem>>
      tpu.wait_dma2 semaphore(%run_scoped3A : memref<!tpu.dma_semaphore, #tpu.memory_space<semaphore_mem>>) src(%dma_wait3A_172 : memref<112x128xf32, #tpu.memory_space<vmem>>) dst(%dma_wait3A_169 : memref<112x128xf32, #tpu.memory_space<vmem_shared>>)
      tpu.yield
    }) : () -> ()
    %eq3A = arith.constant 15 : i32
    %eq3A_26 = arith.cmpi eq, %arg1, %eq3A : i32
    %convert_element_type3A = arith.extui %eq3A_26 : i1 to i32
    %cond3A = arith.constant 0 : i32
    %cond3A_27 = arith.cmpi ne, %convert_element_type3A, %cond3A : i32
    scf.if %cond3A_27 {
      "tpu.region"() ({
        %run_scoped3A = tpu.sem_alloc : memref<!tpu.dma_semaphore, #tpu.memory_space<semaphore_mem>>
        %dma_start3A_153 = arith.constant 0 : i32
        %dma_start3A_154 = arith.constant 0 : i32
        %dma_start3A_155 = tpu.memref_slice %arg13[%dma_start3A_153, %dma_start3A_154] : memref<128x128xf32, #tpu.memory_space<vmem>> -> memref<16x128xf32, #tpu.memory_space<vmem>>
        %dma_start3A_156 = arith.constant 9984 : i32
        %dma_start3A_157 = arith.constant 0 : i32
        %dma_start3A_158 = tpu.memref_slice %arg16[%dma_start3A_156, %dma_start3A_157] : memref<10000x128xf32, #tpu.memory_space<vmem_shared>> -> memref<16x128xf32, #tpu.memory_space<vmem_shared>>
        %dma_start3A_159 = arith.constant 9984 : i32
        %dma_start3A_160 = arith.constant 0 : i32
        %dma_start3A_161 = tpu.memref_slice %arg16[%dma_start3A_159, %dma_start3A_160] : memref<10000x128xf32, #tpu.memory_space<vmem_shared>> -> memref<16x128xf32, #tpu.memory_space<vmem_shared>>
        %dma_start3A_162 = arith.constant 0 : i32
        %dma_start3A_163 = arith.constant 0 : i32
        %dma_start3A_164 = tpu.memref_slice %arg13[%dma_start3A_162, %dma_start3A_163] : memref<128x128xf32, #tpu.memory_space<vmem>> -> memref<16x128xf32, #tpu.memory_space<vmem>>
        tpu.enqueue_dma source(%dma_start3A_164 : memref<16x128xf32, #tpu.memory_space<vmem>>) target(%dma_start3A_161 : memref<16x128xf32, #tpu.memory_space<vmem_shared>>) target_semaphore(%run_scoped3A : memref<!tpu.dma_semaphore, #tpu.memory_space<semaphore_mem>>)
        %dma_wait3A_165 = arith.constant 0 : i32
        %dma_wait3A_166 = arith.constant 0 : i32
        %dma_wait3A_167 = tpu.memref_slice %arg13[%dma_wait3A_165, %dma_wait3A_166] : memref<128x128xf32, #tpu.memory_space<vmem>> -> memref<16x128xf32, #tpu.memory_space<vmem>>
        %dma_wait3A_168 = arith.constant 9984 : i32
        %dma_wait3A_169 = arith.constant 0 : i32
        %dma_wait3A_170 = tpu.memref_slice %arg16[%dma_wait3A_168, %dma_wait3A_169] : memref<10000x128xf32, #tpu.memory_space<vmem_shared>> -> memref<16x128xf32, #tpu.memory_space<vmem_shared>>
        %dma_wait3A_171 = arith.constant 9984 : i32
        %dma_wait3A_172 = arith.constant 0 : i32
        %dma_wait3A_173 = tpu.memref_slice %arg16[%dma_wait3A_171, %dma_wait3A_172] : memref<10000x128xf32, #tpu.memory_space<vmem_shared>> -> memref<16x128xf32, #tpu.memory_space<vmem_shared>>
        %dma_wait3A_174 = arith.constant 0 : i32
        %dma_wait3A_175 = arith.constant 0 : i32
        %dma_wait3A_176 = tpu.memref_slice %arg13[%dma_wait3A_174, %dma_wait3A_175] : memref<128x128xf32, #tpu.memory_space<vmem>> -> memref<16x128xf32, #tpu.memory_space<vmem>>
        tpu.wait_dma2 semaphore(%run_scoped3A : memref<!tpu.dma_semaphore, #tpu.memory_space<semaphore_mem>>) src(%dma_wait3A_176 : memref<16x128xf32, #tpu.memory_space<vmem>>) dst(%dma_wait3A_173 : memref<16x128xf32, #tpu.memory_space<vmem_shared>>)
        tpu.yield
      }) : () -> ()
    } else {
    }
    %barrier3A = arith.constant 0 : index
    tpu.barrier barrier_id(%barrier3A)
    %dma_start3A = arith.constant 0 : i32
    %dma_start3A_28 = tpu.memref_slice %arg3[%add3A, %dma_start3A] : memref<2500x128xi32, #tpu.memory_space<hbm>> -> memref<1x128xi32, #tpu.memory_space<hbm>>
    %dma_start3A_29 = arith.constant 0 : i32
    %dma_start3A_30 = tpu.memref_slice %arg3[%add3A, %dma_start3A_29] : memref<2500x128xi32, #tpu.memory_space<hbm>> -> memref<1x128xi32, #tpu.memory_space<hbm>>
    tpu.enqueue_dma source(%dma_start3A_30 : memref<1x128xi32, #tpu.memory_space<hbm>>) target(%arg7 : memref<1x128xi32, #tpu.memory_space<vmem>>) target_semaphore(%arg17 : memref<!tpu.dma_semaphore, #tpu.memory_space<semaphore_mem>>)
    %dma_start3A_31 = arith.constant 0 : i32
    %dma_start3A_32 = tpu.memref_slice %arg4[%add3A, %dma_start3A_31] : memref<2500x128xi32, #tpu.memory_space<hbm>> -> memref<1x128xi32, #tpu.memory_space<hbm>>
    %dma_start3A_33 = arith.constant 0 : i32
    %dma_start3A_34 = tpu.memref_slice %arg4[%add3A, %dma_start3A_33] : memref<2500x128xi32, #tpu.memory_space<hbm>> -> memref<1x128xi32, #tpu.memory_space<hbm>>
    tpu.enqueue_dma source(%dma_start3A_34 : memref<1x128xi32, #tpu.memory_space<hbm>>) target(%arg10 : memref<1x128xi32, #tpu.memory_space<vmem>>) target_semaphore(%arg18 : memref<!tpu.dma_semaphore, #tpu.memory_space<semaphore_mem>>)
    %mul3A_35 = arith.constant 128 : i32
    %mul3A_36 = arith.muli %add3A, %mul3A_35 : i32
    %dma_start3A_37 = arith.constant 0 : i32
    %dma_start3A_38 = tpu.memref_slice %arg2[%mul3A_36, %dma_start3A_37] : memref<320000x128xf32, #tpu.memory_space<hbm>> -> memref<128x128xf32, #tpu.memory_space<hbm>>
    %dma_start3A_39 = arith.constant 0 : i32
    %dma_start3A_40 = tpu.memref_slice %arg2[%mul3A_36, %dma_start3A_39] : memref<320000x128xf32, #tpu.memory_space<hbm>> -> memref<128x128xf32, #tpu.memory_space<hbm>>
    tpu.enqueue_dma source(%dma_start3A_40 : memref<128x128xf32, #tpu.memory_space<hbm>>) target(%arg13 : memref<128x128xf32, #tpu.memory_space<vmem>>) target_semaphore(%arg19 : memref<!tpu.dma_semaphore, #tpu.memory_space<semaphore_mem>>)
    %add3A_41 = arith.constant 32 : i32
    %add3A_42 = arith.addi %add3A, %add3A_41 : i32
    %dma_start3A_43 = arith.constant 0 : i32
    %dma_start3A_44 = tpu.memref_slice %arg3[%add3A_42, %dma_start3A_43] : memref<2500x128xi32, #tpu.memory_space<hbm>> -> memref<1x128xi32, #tpu.memory_space<hbm>>
    %dma_start3A_45 = arith.constant 0 : i32
    %dma_start3A_46 = tpu.memref_slice %arg3[%add3A_42, %dma_start3A_45] : memref<2500x128xi32, #tpu.memory_space<hbm>> -> memref<1x128xi32, #tpu.memory_space<hbm>>
    tpu.enqueue_dma source(%dma_start3A_46 : memref<1x128xi32, #tpu.memory_space<hbm>>) target(%arg8 : memref<1x128xi32, #tpu.memory_space<vmem>>) target_semaphore(%arg22 : memref<!tpu.dma_semaphore, #tpu.memory_space<semaphore_mem>>)
    %dma_start3A_47 = arith.constant 0 : i32
    %dma_start3A_48 = tpu.memref_slice %arg4[%add3A_42, %dma_start3A_47] : memref<2500x128xi32, #tpu.memory_space<hbm>> -> memref<1x128xi32, #tpu.memory_space<hbm>>
    %dma_start3A_49 = arith.constant 0 : i32
    %dma_start3A_50 = tpu.memref_slice %arg4[%add3A_42, %dma_start3A_49] : memref<2500x128xi32, #tpu.memory_space<hbm>> -> memref<1x128xi32, #tpu.memory_space<hbm>>
    tpu.enqueue_dma source(%dma_start3A_50 : memref<1x128xi32, #tpu.memory_space<hbm>>) target(%arg11 : memref<1x128xi32, #tpu.memory_space<vmem>>) target_semaphore(%arg23 : memref<!tpu.dma_semaphore, #tpu.memory_space<semaphore_mem>>)
    %mul3A_51 = arith.constant 128 : i32
    %mul3A_52 = arith.muli %add3A_42, %mul3A_51 : i32
    %dma_start3A_53 = arith.constant 0 : i32
    %dma_start3A_54 = tpu.memref_slice %arg2[%mul3A_52, %dma_start3A_53] : memref<320000x128xf32, #tpu.memory_space<hbm>> -> memref<128x128xf32, #tpu.memory_space<hbm>>
    %dma_start3A_55 = arith.constant 0 : i32
    %dma_start3A_56 = tpu.memref_slice %arg2[%mul3A_52, %dma_start3A_55] : memref<320000x128xf32, #tpu.memory_space<hbm>> -> memref<128x128xf32, #tpu.memory_space<hbm>>
    tpu.enqueue_dma source(%dma_start3A_56 : memref<128x128xf32, #tpu.memory_space<hbm>>) target(%arg14 : memref<128x128xf32, #tpu.memory_space<vmem>>) target_semaphore(%arg24 : memref<!tpu.dma_semaphore, #tpu.memory_space<semaphore_mem>>)
    %add3A_57 = arith.constant 64 : i32
    %add3A_58 = arith.addi %add3A, %add3A_57 : i32
    %dma_start3A_59 = arith.constant 0 : i32
    %dma_start3A_60 = tpu.memref_slice %arg3[%add3A_58, %dma_start3A_59] : memref<2500x128xi32, #tpu.memory_space<hbm>> -> memref<1x128xi32, #tpu.memory_space<hbm>>
    %dma_start3A_61 = arith.constant 0 : i32
    %dma_start3A_62 = tpu.memref_slice %arg3[%add3A_58, %dma_start3A_61] : memref<2500x128xi32, #tpu.memory_space<hbm>> -> memref<1x128xi32, #tpu.memory_space<hbm>>
    tpu.enqueue_dma source(%dma_start3A_62 : memref<1x128xi32, #tpu.memory_space<hbm>>) target(%arg9 : memref<1x128xi32, #tpu.memory_space<vmem>>) target_semaphore(%arg27 : memref<!tpu.dma_semaphore, #tpu.memory_space<semaphore_mem>>)
    %dma_start3A_63 = arith.constant 0 : i32
    %dma_start3A_64 = tpu.memref_slice %arg4[%add3A_58, %dma_start3A_63] : memref<2500x128xi32, #tpu.memory_space<hbm>> -> memref<1x128xi32, #tpu.memory_space<hbm>>
    %dma_start3A_65 = arith.constant 0 : i32
    %dma_start3A_66 = tpu.memref_slice %arg4[%add3A_58, %dma_start3A_65] : memref<2500x128xi32, #tpu.memory_space<hbm>> -> memref<1x128xi32, #tpu.memory_space<hbm>>
    tpu.enqueue_dma source(%dma_start3A_66 : memref<1x128xi32, #tpu.memory_space<hbm>>) target(%arg12 : memref<1x128xi32, #tpu.memory_space<vmem>>) target_semaphore(%arg28 : memref<!tpu.dma_semaphore, #tpu.memory_space<semaphore_mem>>)
    %mul3A_67 = arith.constant 128 : i32
    %mul3A_68 = arith.muli %add3A_58, %mul3A_67 : i32
    %dma_start3A_69 = arith.constant 0 : i32
    %dma_start3A_70 = tpu.memref_slice %arg2[%mul3A_68, %dma_start3A_69] : memref<320000x128xf32, #tpu.memory_space<hbm>> -> memref<128x128xf32, #tpu.memory_space<hbm>>
    %dma_start3A_71 = arith.constant 0 : i32
    %dma_start3A_72 = tpu.memref_slice %arg2[%mul3A_68, %dma_start3A_71] : memref<320000x128xf32, #tpu.memory_space<hbm>> -> memref<128x128xf32, #tpu.memory_space<hbm>>
    tpu.enqueue_dma source(%dma_start3A_72 : memref<128x128xf32, #tpu.memory_space<hbm>>) target(%arg15 : memref<128x128xf32, #tpu.memory_space<vmem>>) target_semaphore(%arg29 : memref<!tpu.dma_semaphore, #tpu.memory_space<semaphore_mem>>)
    %dma_wait3A = arith.constant 0 : i32
    %dma_wait3A_73 = tpu.memref_slice %arg3[%add3A, %dma_wait3A] : memref<2500x128xi32, #tpu.memory_space<hbm>> -> memref<1x128xi32, #tpu.memory_space<hbm>>
    %dma_wait3A_74 = arith.constant 0 : i32
    %dma_wait3A_75 = tpu.memref_slice %arg3[%add3A, %dma_wait3A_74] : memref<2500x128xi32, #tpu.memory_space<hbm>> -> memref<1x128xi32, #tpu.memory_space<hbm>>
    tpu.wait_dma2 semaphore(%arg17 : memref<!tpu.dma_semaphore, #tpu.memory_space<semaphore_mem>>) src(%dma_wait3A_75 : memref<1x128xi32, #tpu.memory_space<hbm>>) dst(%arg7 : memref<1x128xi32, #tpu.memory_space<vmem>>)
    %dma_wait3A_76 = arith.constant 0 : i32
    %dma_wait3A_77 = tpu.memref_slice %arg4[%add3A, %dma_wait3A_76] : memref<2500x128xi32, #tpu.memory_space<hbm>> -> memref<1x128xi32, #tpu.memory_space<hbm>>
    %dma_wait3A_78 = arith.constant 0 : i32
    %dma_wait3A_79 = tpu.memref_slice %arg4[%add3A, %dma_wait3A_78] : memref<2500x128xi32, #tpu.memory_space<hbm>> -> memref<1x128xi32, #tpu.memory_space<hbm>>
    tpu.wait_dma2 semaphore(%arg18 : memref<!tpu.dma_semaphore, #tpu.memory_space<semaphore_mem>>) src(%dma_wait3A_79 : memref<1x128xi32, #tpu.memory_space<hbm>>) dst(%arg10 : memref<1x128xi32, #tpu.memory_space<vmem>>)
    %mul3A_80 = arith.constant 128 : i32
    %mul3A_81 = arith.muli %add3A, %mul3A_80 : i32
    %dma_wait3A_82 = arith.constant 0 : i32
    %dma_wait3A_83 = tpu.memref_slice %arg2[%mul3A_81, %dma_wait3A_82] : memref<320000x128xf32, #tpu.memory_space<hbm>> -> memref<128x128xf32, #tpu.memory_space<hbm>>
    %dma_wait3A_84 = arith.constant 0 : i32
    %dma_wait3A_85 = tpu.memref_slice %arg2[%mul3A_81, %dma_wait3A_84] : memref<320000x128xf32, #tpu.memory_space<hbm>> -> memref<128x128xf32, #tpu.memory_space<hbm>>
    tpu.wait_dma2 semaphore(%arg19 : memref<!tpu.dma_semaphore, #tpu.memory_space<semaphore_mem>>) src(%dma_wait3A_85 : memref<128x128xf32, #tpu.memory_space<hbm>>) dst(%arg13 : memref<128x128xf32, #tpu.memory_space<vmem>>)
    %dma_start3A_86 = arith.constant 0 : i32
    %dma_start3A_87 = arith.constant 0 : i32
    %dma_start3A_88 = tpu.memref_slice %arg7[%dma_start3A_86, %dma_start3A_87] : memref<1x128xi32, #tpu.memory_space<vmem>> -> memref<1x128xi32, #tpu.memory_space<vmem>>
    %dma_start3A_89 = tpu.memref_squeeze %dma_start3A_88 : memref<1x128xi32, #tpu.memory_space<vmem>> -> memref<128xi32, #tpu.memory_space<vmem>>
    %dma_start3A_90 = arith.constant 0 : i32
    %dma_start3A_91 = arith.constant 0 : i32
    %dma_start3A_92 = tpu.memref_slice %arg5[%dma_start3A_90, %dma_start3A_91] : memref<10000x128xf32, #tpu.memory_space<hbm>> -> memref<10000x128xf32, #tpu.memory_space<hbm>>
    tpu.enqueue_indirect_dma source(%dma_start3A_92 : memref<10000x128xf32, #tpu.memory_space<hbm>>) target(%arg13 : memref<128x128xf32, #tpu.memory_space<vmem>>) offsets(%dma_start3A_89 : memref<128xi32, #tpu.memory_space<vmem>>) semaphore(%arg20 : memref<!tpu.dma_semaphore, #tpu.memory_space<semaphore_mem>>) {add = true}
    %scan3A_93 = arith.constant 0 : i32
    %scan3A_94 = arith.constant 0 : i32
    %scan3A_95 = arith.constant 27 : i32
    %scan3A_96 = arith.addi %scan3A_94, %scan3A_95 : i32
    %scan3A_97 = arith.constant 1 : i32
    scf.for %scan3A_153 = %scan3A_94 to %scan3A_96 step %scan3A_97  : i32 {
      %mul3A_154 = arith.constant 3 : i32
      %mul3A_155 = arith.muli %mul3A_154, %scan3A_153 : i32
      %add3A_156 = arith.constant 0 : i32
      %add3A_157 = arith.addi %mul3A_155, %add3A_156 : i32
      %mul3A_158 = arith.constant 32 : i32
      %mul3A_159 = arith.muli %add3A_157, %mul3A_158 : i32
      %add3A_160 = arith.addi %add3A, %mul3A_159 : i32
      %lt3A_161 = arith.constant 2500 : i32
      %lt3A_162 = arith.cmpi slt, %add3A_160, %lt3A_161 : i32
      %convert_element_type3A_163 = arith.extui %lt3A_162 : i1 to i32
      %cond3A_164 = arith.constant 0 : i32
      %cond3A_165 = arith.cmpi ne, %convert_element_type3A_163, %cond3A_164 : i32
      scf.if %cond3A_165 {
        %add3A_190 = arith.constant 32 : i32
        %add3A_191 = arith.addi %add3A_160, %add3A_190 : i32
        %lt3A_192 = arith.constant 2500 : i32
        %lt3A_193 = arith.cmpi slt, %add3A_191, %lt3A_192 : i32
        %convert_element_type3A_194 = arith.extui %lt3A_193 : i1 to i32
        %cond3A_195 = arith.constant 0 : i32
        %cond3A_196 = arith.cmpi ne, %convert_element_type3A_194, %cond3A_195 : i32
        scf.if %cond3A_196 {
          %add3A_222 = arith.constant 32 : i32
          %add3A_223 = arith.addi %add3A_160, %add3A_222 : i32
          %dma_wait3A_224 = arith.constant 0 : i32
          %dma_wait3A_225 = tpu.memref_slice %arg3[%add3A_223, %dma_wait3A_224] : memref<2500x128xi32, #tpu.memory_space<hbm>> -> memref<1x128xi32, #tpu.memory_space<hbm>>
          %dma_wait3A_226 = arith.constant 0 : i32
          %dma_wait3A_227 = tpu.memref_slice %arg3[%add3A_223, %dma_wait3A_226] : memref<2500x128xi32, #tpu.memory_space<hbm>> -> memref<1x128xi32, #tpu.memory_space<hbm>>
          tpu.wait_dma2 semaphore(%arg22 : memref<!tpu.dma_semaphore, #tpu.memory_space<semaphore_mem>>) src(%dma_wait3A_227 : memref<1x128xi32, #tpu.memory_space<hbm>>) dst(%arg8 : memref<1x128xi32, #tpu.memory_space<vmem>>)
          %dma_wait3A_228 = arith.constant 0 : i32
          %dma_wait3A_229 = tpu.memref_slice %arg4[%add3A_223, %dma_wait3A_228] : memref<2500x128xi32, #tpu.memory_space<hbm>> -> memref<1x128xi32, #tpu.memory_space<hbm>>
          %dma_wait3A_230 = arith.constant 0 : i32
          %dma_wait3A_231 = tpu.memref_slice %arg4[%add3A_223, %dma_wait3A_230] : memref<2500x128xi32, #tpu.memory_space<hbm>> -> memref<1x128xi32, #tpu.memory_space<hbm>>
          tpu.wait_dma2 semaphore(%arg23 : memref<!tpu.dma_semaphore, #tpu.memory_space<semaphore_mem>>) src(%dma_wait3A_231 : memref<1x128xi32, #tpu.memory_space<hbm>>) dst(%arg11 : memref<1x128xi32, #tpu.memory_space<vmem>>)
          %mul3A_232 = arith.constant 128 : i32
          %mul3A_233 = arith.muli %add3A_223, %mul3A_232 : i32
          %dma_wait3A_234 = arith.constant 0 : i32
          %dma_wait3A_235 = tpu.memref_slice %arg2[%mul3A_233, %dma_wait3A_234] : memref<320000x128xf32, #tpu.memory_space<hbm>> -> memref<128x128xf32, #tpu.memory_space<hbm>>
          %dma_wait3A_236 = arith.constant 0 : i32
          %dma_wait3A_237 = tpu.memref_slice %arg2[%mul3A_233, %dma_wait3A_236] : memref<320000x128xf32, #tpu.memory_space<hbm>> -> memref<128x128xf32, #tpu.memory_space<hbm>>
          tpu.wait_dma2 semaphore(%arg24 : memref<!tpu.dma_semaphore, #tpu.memory_space<semaphore_mem>>) src(%dma_wait3A_237 : memref<128x128xf32, #tpu.memory_space<hbm>>) dst(%arg14 : memref<128x128xf32, #tpu.memory_space<vmem>>)
          %dma_start3A_238 = arith.constant 0 : i32
          %dma_start3A_239 = arith.constant 0 : i32
          %dma_start3A_240 = tpu.memref_slice %arg8[%dma_start3A_238, %dma_start3A_239] : memref<1x128xi32, #tpu.memory_space<vmem>> -> memref<1x128xi32, #tpu.memory_space<vmem>>
          %dma_start3A_241 = tpu.memref_squeeze %dma_start3A_240 : memref<1x128xi32, #tpu.memory_space<vmem>> -> memref<128xi32, #tpu.memory_space<vmem>>
          %dma_start3A_242 = arith.constant 0 : i32
          %dma_start3A_243 = arith.constant 0 : i32
          %dma_start3A_244 = tpu.memref_slice %arg5[%dma_start3A_242, %dma_start3A_243] : memref<10000x128xf32, #tpu.memory_space<hbm>> -> memref<10000x128xf32, #tpu.memory_space<hbm>>
          tpu.enqueue_indirect_dma source(%dma_start3A_244 : memref<10000x128xf32, #tpu.memory_space<hbm>>) target(%arg14 : memref<128x128xf32, #tpu.memory_space<vmem>>) offsets(%dma_start3A_241 : memref<128xi32, #tpu.memory_space<vmem>>) semaphore(%arg25 : memref<!tpu.dma_semaphore, #tpu.memory_space<semaphore_mem>>) {add = true}
        } else {
        }
        %dma_wait3A_197 = arith.constant 0 : i32
        %dma_wait3A_198 = arith.constant 0 : i32
        %dma_wait3A_199 = tpu.memref_slice %arg7[%dma_wait3A_197, %dma_wait3A_198] : memref<1x128xi32, #tpu.memory_space<vmem>> -> memref<1x128xi32, #tpu.memory_space<vmem>>
        %dma_wait3A_200 = tpu.memref_squeeze %dma_wait3A_199 : memref<1x128xi32, #tpu.memory_space<vmem>> -> memref<128xi32, #tpu.memory_space<vmem>>
        %dma_wait3A_201 = arith.constant 0 : i32
        %dma_wait3A_202 = arith.constant 0 : i32
        %dma_wait3A_203 = tpu.memref_slice %arg5[%dma_wait3A_201, %dma_wait3A_202] : memref<10000x128xf32, #tpu.memory_space<hbm>> -> memref<10000x128xf32, #tpu.memory_space<hbm>>
        tpu.wait_indirect_dma semaphore(%arg20 : memref<!tpu.dma_semaphore, #tpu.memory_space<semaphore_mem>>) src(%dma_wait3A_203 : memref<10000x128xf32, #tpu.memory_space<hbm>>) dst(%arg13 : memref<128x128xf32, #tpu.memory_space<vmem>>)
        %scan3A_204 = arith.constant 0 : i32
        %scan3A_205 = arith.constant 0 : i32
        %scan3A_206 = arith.constant 128 : i32
        %scan3A_207 = arith.addi %scan3A_205, %scan3A_206 : i32
        %scan3A_208 = arith.constant 1 : i32
        scf.for %scan3A_222 = %scan3A_205 to %scan3A_207 step %scan3A_208  : i32 {
          %get3A = arith.index_cast %scan3A_222 : i32 to index
          %get3A_223 = arith.constant 0 : index
          %get3A_224 = tpu.vector_load %arg13[%get3A, %get3A_223] {strides = array<i32>} : memref<128x128xf32, #tpu.memory_space<vmem>>, vector<1x16xf32>,
          %get3A_225 = vector.shape_cast %get3A_224 : vector<1x16xf32> to vector<16xf32>
          %max3A = arith.constant 0.000000e+00 : f32
          %max3A_226 = vector.broadcast %max3A : f32 to vector<16xf32>
          %max3A_227 = arith.maximumf %get3A_225, %max3A_226 : vector<16xf32>
          %swap3A = arith.index_cast %scan3A_222 : i32 to index
          %swap3A_228 = arith.constant 0 : index
          %swap3A_229 = tpu.vector_load %arg13[%swap3A, %swap3A_228] {strides = array<i32>} : memref<128x128xf32, #tpu.memory_space<vmem>>, vector<1x16xf32>,
          %swap3A_230 = vector.shape_cast %swap3A_229 : vector<1x16xf32> to vector<16xf32>
          %swap3A_231 = vector.shape_cast %max3A_227 : vector<16xf32> to vector<1x16xf32>
          tpu.vector_store %arg13[%swap3A, %swap3A_228], %swap3A_231 {strides = array<i32>} : memref<128x128xf32, #tpu.memory_space<vmem>>, vector<1x16xf32>,
          %get3A_232 = arith.index_cast %scan3A_222 : i32 to index
          %get3A_233 = arith.constant 16 : index
          %get3A_234 = tpu.vector_load %arg13[%get3A_232, %get3A_233] {strides = array<i32>} : memref<128x128xf32, #tpu.memory_space<vmem>>, vector<1x16xf32>,
          %get3A_235 = vector.shape_cast %get3A_234 : vector<1x16xf32> to vector<16xf32>
          %max3A_236 = arith.constant 0.000000e+00 : f32
          %max3A_237 = vector.broadcast %max3A_236 : f32 to vector<16xf32>
          %max3A_238 = arith.maximumf %get3A_235, %max3A_237 : vector<16xf32>
          %swap3A_239 = arith.index_cast %scan3A_222 : i32 to index
          %swap3A_240 = arith.constant 16 : index
          %swap3A_241 = tpu.vector_load %arg13[%swap3A_239, %swap3A_240] {strides = array<i32>} : memref<128x128xf32, #tpu.memory_space<vmem>>, vector<1x16xf32>,
          %swap3A_242 = vector.shape_cast %swap3A_241 : vector<1x16xf32> to vector<16xf32>
          %swap3A_243 = vector.shape_cast %max3A_238 : vector<16xf32> to vector<1x16xf32>
          tpu.vector_store %arg13[%swap3A_239, %swap3A_240], %swap3A_243 {strides = array<i32>} : memref<128x128xf32, #tpu.memory_space<vmem>>, vector<1x16xf32>,
          %get3A_244 = arith.index_cast %scan3A_222 : i32 to index
          %get3A_245 = arith.constant 32 : index
          %get3A_246 = tpu.vector_load %arg13[%get3A_244, %get3A_245] {strides = array<i32>} : memref<128x128xf32, #tpu.memory_space<vmem>>, vector<1x16xf32>,
          %get3A_247 = vector.shape_cast %get3A_246 : vector<1x16xf32> to vector<16xf32>
          %max3A_248 = arith.constant 0.000000e+00 : f32
          %max3A_249 = vector.broadcast %max3A_248 : f32 to vector<16xf32>
          %max3A_250 = arith.maximumf %get3A_247, %max3A_249 : vector<16xf32>
          %swap3A_251 = arith.index_cast %scan3A_222 : i32 to index
          %swap3A_252 = arith.constant 32 : index
          %swap3A_253 = tpu.vector_load %arg13[%swap3A_251, %swap3A_252] {strides = array<i32>} : memref<128x128xf32, #tpu.memory_space<vmem>>, vector<1x16xf32>,
          %swap3A_254 = vector.shape_cast %swap3A_253 : vector<1x16xf32> to vector<16xf32>
          %swap3A_255 = vector.shape_cast %max3A_250 : vector<16xf32> to vector<1x16xf32>
          tpu.vector_store %arg13[%swap3A_251, %swap3A_252], %swap3A_255 {strides = array<i32>} : memref<128x128xf32, #tpu.memory_space<vmem>>, vector<1x16xf32>,
          %get3A_256 = arith.index_cast %scan3A_222 : i32 to index
          %get3A_257 = arith.constant 48 : index
          %get3A_258 = tpu.vector_load %arg13[%get3A_256, %get3A_257] {strides = array<i32>} : memref<128x128xf32, #tpu.memory_space<vmem>>, vector<1x16xf32>,
          %get3A_259 = vector.shape_cast %get3A_258 : vector<1x16xf32> to vector<16xf32>
          %max3A_260 = arith.constant 0.000000e+00 : f32
          %max3A_261 = vector.broadcast %max3A_260 : f32 to vector<16xf32>
          %max3A_262 = arith.maximumf %get3A_259, %max3A_261 : vector<16xf32>
          %swap3A_263 = arith.index_cast %scan3A_222 : i32 to index
          %swap3A_264 = arith.constant 48 : index
          %swap3A_265 = tpu.vector_load %arg13[%swap3A_263, %swap3A_264] {strides = array<i32>} : memref<128x128xf32, #tpu.memory_space<vmem>>, vector<1x16xf32>,
          %swap3A_266 = vector.shape_cast %swap3A_265 : vector<1x16xf32> to vector<16xf32>
          %swap3A_267 = vector.shape_cast %max3A_262 : vector<16xf32> to vector<1x16xf32>
          tpu.vector_store %arg13[%swap3A_263, %swap3A_264], %swap3A_267 {strides = array<i32>} : memref<128x128xf32, #tpu.memory_space<vmem>>, vector<1x16xf32>,
          %get3A_268 = arith.index_cast %scan3A_222 : i32 to index
          %get3A_269 = arith.constant 64 : index
          %get3A_270 = tpu.vector_load %arg13[%get3A_268, %get3A_269] {strides = array<i32>} : memref<128x128xf32, #tpu.memory_space<vmem>>, vector<1x16xf32>,
          %get3A_271 = vector.shape_cast %get3A_270 : vector<1x16xf32> to vector<16xf32>
          %max3A_272 = arith.constant 0.000000e+00 : f32
          %max3A_273 = vector.broadcast %max3A_272 : f32 to vector<16xf32>
          %max3A_274 = arith.maximumf %get3A_271, %max3A_273 : vector<16xf32>
          %swap3A_275 = arith.index_cast %scan3A_222 : i32 to index
          %swap3A_276 = arith.constant 64 : index
          %swap3A_277 = tpu.vector_load %arg13[%swap3A_275, %swap3A_276] {strides = array<i32>} : memref<128x128xf32, #tpu.memory_space<vmem>>, vector<1x16xf32>,
          %swap3A_278 = vector.shape_cast %swap3A_277 : vector<1x16xf32> to vector<16xf32>
          %swap3A_279 = vector.shape_cast %max3A_274 : vector<16xf32> to vector<1x16xf32>
          tpu.vector_store %arg13[%swap3A_275, %swap3A_276], %swap3A_279 {strides = array<i32>} : memref<128x128xf32, #tpu.memory_space<vmem>>, vector<1x16xf32>,
          %get3A_280 = arith.index_cast %scan3A_222 : i32 to index
          %get3A_281 = arith.constant 80 : index
          %get3A_282 = tpu.vector_load %arg13[%get3A_280, %get3A_281] {strides = array<i32>} : memref<128x128xf32, #tpu.memory_space<vmem>>, vector<1x16xf32>,
          %get3A_283 = vector.shape_cast %get3A_282 : vector<1x16xf32> to vector<16xf32>
          %max3A_284 = arith.constant 0.000000e+00 : f32
          %max3A_285 = vector.broadcast %max3A_284 : f32 to vector<16xf32>
          %max3A_286 = arith.maximumf %get3A_283, %max3A_285 : vector<16xf32>
          %swap3A_287 = arith.index_cast %scan3A_222 : i32 to index
          %swap3A_288 = arith.constant 80 : index
          %swap3A_289 = tpu.vector_load %arg13[%swap3A_287, %swap3A_288] {strides = array<i32>} : memref<128x128xf32, #tpu.memory_space<vmem>>, vector<1x16xf32>,
          %swap3A_290 = vector.shape_cast %swap3A_289 : vector<1x16xf32> to vector<16xf32>
          %swap3A_291 = vector.shape_cast %max3A_286 : vector<16xf32> to vector<1x16xf32>
          tpu.vector_store %arg13[%swap3A_287, %swap3A_288], %swap3A_291 {strides = array<i32>} : memref<128x128xf32, #tpu.memory_space<vmem>>, vector<1x16xf32>,
          %get3A_292 = arith.index_cast %scan3A_222 : i32 to index
          %get3A_293 = arith.constant 96 : index
          %get3A_294 = tpu.vector_load %arg13[%get3A_292, %get3A_293] {strides = array<i32>} : memref<128x128xf32, #tpu.memory_space<vmem>>, vector<1x16xf32>,
          %get3A_295 = vector.shape_cast %get3A_294 : vector<1x16xf32> to vector<16xf32>
          %max3A_296 = arith.constant 0.000000e+00 : f32
          %max3A_297 = vector.broadcast %max3A_296 : f32 to vector<16xf32>
          %max3A_298 = arith.maximumf %get3A_295, %max3A_297 : vector<16xf32>
          %swap3A_299 = arith.index_cast %scan3A_222 : i32 to index
          %swap3A_300 = arith.constant 96 : index
          %swap3A_301 = tpu.vector_load %arg13[%swap3A_299, %swap3A_300] {strides = array<i32>} : memref<128x128xf32, #tpu.memory_space<vmem>>, vector<1x16xf32>,
          %swap3A_302 = vector.shape_cast %swap3A_301 : vector<1x16xf32> to vector<16xf32>
          %swap3A_303 = vector.shape_cast %max3A_298 : vector<16xf32> to vector<1x16xf32>
          tpu.vector_store %arg13[%swap3A_299, %swap3A_300], %swap3A_303 {strides = array<i32>} : memref<128x128xf32, #tpu.memory_space<vmem>>, vector<1x16xf32>,
          %get3A_304 = arith.index_cast %scan3A_222 : i32 to index
          %get3A_305 = arith.constant 112 : index
          %get3A_306 = tpu.vector_load %arg13[%get3A_304, %get3A_305] {strides = array<i32>} : memref<128x128xf32, #tpu.memory_space<vmem>>, vector<1x16xf32>,
          %get3A_307 = vector.shape_cast %get3A_306 : vector<1x16xf32> to vector<16xf32>
          %max3A_308 = arith.constant 0.000000e+00 : f32
          %max3A_309 = vector.broadcast %max3A_308 : f32 to vector<16xf32>
          %max3A_310 = arith.maximumf %get3A_307, %max3A_309 : vector<16xf32>
          %swap3A_311 = arith.index_cast %scan3A_222 : i32 to index
          %swap3A_312 = arith.constant 112 : index
          %swap3A_313 = tpu.vector_load %arg13[%swap3A_311, %swap3A_312] {strides = array<i32>} : memref<128x128xf32, #tpu.memory_space<vmem>>, vector<1x16xf32>,
          %swap3A_314 = vector.shape_cast %swap3A_313 : vector<1x16xf32> to vector<16xf32>
          %swap3A_315 = vector.shape_cast %max3A_310 : vector<16xf32> to vector<1x16xf32>
          tpu.vector_store %arg13[%swap3A_311, %swap3A_312], %swap3A_315 {strides = array<i32>} : memref<128x128xf32, #tpu.memory_space<vmem>>, vector<1x16xf32>,
        }
        %scan3A_209 = arith.constant 128 : i32
        %dma_start3A_210 = arith.constant 0 : i32
        %dma_start3A_211 = arith.constant 0 : i32
        %dma_start3A_212 = tpu.memref_slice %arg10[%dma_start3A_210, %dma_start3A_211] : memref<1x128xi32, #tpu.memory_space<vmem>> -> memref<1x128xi32, #tpu.memory_space<vmem>>
        %dma_start3A_213 = tpu.memref_squeeze %dma_start3A_212 : memref<1x128xi32, #tpu.memory_space<vmem>> -> memref<128xi32, #tpu.memory_space<vmem>>
        %dma_start3A_214 = arith.constant 0 : i32
        %dma_start3A_215 = arith.constant 0 : i32
        %dma_start3A_216 = tpu.memref_slice %arg16[%dma_start3A_214, %dma_start3A_215] : memref<10000x128xf32, #tpu.memory_space<vmem_shared>> -> memref<10000x128xf32, #tpu.memory_space<vmem_shared>>
        tpu.enqueue_indirect_dma source(%arg13 : memref<128x128xf32, #tpu.memory_space<vmem>>) target(%dma_start3A_216 : memref<10000x128xf32, #tpu.memory_space<vmem_shared>>) offsets(%dma_start3A_213 : memref<128xi32, #tpu.memory_space<vmem>>) semaphore(%arg21 : memref<!tpu.dma_semaphore, #tpu.memory_space<semaphore_mem>>) {add = true}
        %ge3A_217 = arith.constant 1 : i32
        %ge3A_218 = arith.cmpi sge, %add3A_157, %ge3A_217 : i32
        %convert_element_type3A_219 = arith.extui %ge3A_218 : i1 to i32
        %cond3A_220 = arith.constant 0 : i32
        %cond3A_221 = arith.cmpi ne, %convert_element_type3A_219, %cond3A_220 : i32
        scf.if %cond3A_221 {
          %dma_wait3A_222 = arith.constant 0 : i32
          %dma_wait3A_223 = arith.constant 0 : i32
          %dma_wait3A_224 = tpu.memref_slice %arg12[%dma_wait3A_222, %dma_wait3A_223] : memref<1x128xi32, #tpu.memory_space<vmem>> -> memref<1x128xi32, #tpu.memory_space<vmem>>
          %dma_wait3A_225 = tpu.memref_squeeze %dma_wait3A_224 : memref<1x128xi32, #tpu.memory_space<vmem>> -> memref<128xi32, #tpu.memory_space<vmem>>
          %dma_wait3A_226 = arith.constant 0 : i32
          %dma_wait3A_227 = arith.constant 0 : i32
          %dma_wait3A_228 = tpu.memref_slice %arg16[%dma_wait3A_226, %dma_wait3A_227] : memref<10000x128xf32, #tpu.memory_space<vmem_shared>> -> memref<10000x128xf32, #tpu.memory_space<vmem_shared>>
          tpu.wait_indirect_dma semaphore(%arg31 : memref<!tpu.dma_semaphore, #tpu.memory_space<semaphore_mem>>) src(%arg15 : memref<128x128xf32, #tpu.memory_space<vmem>>) dst(%dma_wait3A_228 : memref<10000x128xf32, #tpu.memory_space<vmem_shared>>)
          %add3A_229 = arith.constant 64 : i32
          %add3A_230 = arith.addi %add3A_160, %add3A_229 : i32
          %lt3A_231 = arith.constant 2500 : i32
          %lt3A_232 = arith.cmpi slt, %add3A_230, %lt3A_231 : i32
          %convert_element_type3A_233 = arith.extui %lt3A_232 : i1 to i32
          %cond3A_234 = arith.constant 0 : i32
          %cond3A_235 = arith.cmpi ne, %convert_element_type3A_233, %cond3A_234 : i32
          scf.if %cond3A_235 {
            %add3A_236 = arith.constant 64 : i32
            %add3A_237 = arith.addi %add3A_160, %add3A_236 : i32
            %dma_start3A_238 = arith.constant 0 : i32
            %dma_start3A_239 = tpu.memref_slice %arg3[%add3A_237, %dma_start3A_238] : memref<2500x128xi32, #tpu.memory_space<hbm>> -> memref<1x128xi32, #tpu.memory_space<hbm>>
            %dma_start3A_240 = arith.constant 0 : i32
            %dma_start3A_241 = tpu.memref_slice %arg3[%add3A_237, %dma_start3A_240] : memref<2500x128xi32, #tpu.memory_space<hbm>> -> memref<1x128xi32, #tpu.memory_space<hbm>>
            tpu.enqueue_dma source(%dma_start3A_241 : memref<1x128xi32, #tpu.memory_space<hbm>>) target(%arg9 : memref<1x128xi32, #tpu.memory_space<vmem>>) target_semaphore(%arg27 : memref<!tpu.dma_semaphore, #tpu.memory_space<semaphore_mem>>)
            %dma_start3A_242 = arith.constant 0 : i32
            %dma_start3A_243 = tpu.memref_slice %arg4[%add3A_237, %dma_start3A_242] : memref<2500x128xi32, #tpu.memory_space<hbm>> -> memref<1x128xi32, #tpu.memory_space<hbm>>
            %dma_start3A_244 = arith.constant 0 : i32
            %dma_start3A_245 = tpu.memref_slice %arg4[%add3A_237, %dma_start3A_244] : memref<2500x128xi32, #tpu.memory_space<hbm>> -> memref<1x128xi32, #tpu.memory_space<hbm>>
            tpu.enqueue_dma source(%dma_start3A_245 : memref<1x128xi32, #tpu.memory_space<hbm>>) target(%arg12 : memref<1x128xi32, #tpu.memory_space<vmem>>) target_semaphore(%arg28 : memref<!tpu.dma_semaphore, #tpu.memory_space<semaphore_mem>>)
            %mul3A_246 = arith.constant 128 : i32
            %mul3A_247 = arith.muli %add3A_237, %mul3A_246 : i32
            %dma_start3A_248 = arith.constant 0 : i32
            %dma_start3A_249 = tpu.memref_slice %arg2[%mul3A_247, %dma_start3A_248] : memref<320000x128xf32, #tpu.memory_space<hbm>> -> memref<128x128xf32, #tpu.memory_space<hbm>>
            %dma_start3A_250 = arith.constant 0 : i32
            %dma_start3A_251 = tpu.memref_slice %arg2[%mul3A_247, %dma_start3A_250] : memref<320000x128xf32, #tpu.memory_space<hbm>> -> memref<128x128xf32, #tpu.memory_space<hbm>>
            tpu.enqueue_dma source(%dma_start3A_251 : memref<128x128xf32, #tpu.memory_space<hbm>>) target(%arg15 : memref<128x128xf32, #tpu.memory_space<vmem>>) target_semaphore(%arg29 : memref<!tpu.dma_semaphore, #tpu.memory_space<semaphore_mem>>)
          } else {
          }
        } else {
        }
      } else {
      }
      %mul3A_166 = arith.constant 3 : i32
      %mul3A_167 = arith.muli %mul3A_166, %scan3A_153 : i32
      %add3A_168 = arith.constant 1 : i32
      %add3A_169 = arith.addi %mul3A_167, %add3A_168 : i32
      %mul3A_170 = arith.constant 32 : i32
      %mul3A_171 = arith.muli %add3A_169, %mul3A_170 : i32
      %add3A_172 = arith.addi %add3A, %mul3A_171 : i32
      %lt3A_173 = arith.constant 2500 : i32
      %lt3A_174 = arith.cmpi slt, %add3A_172, %lt3A_173 : i32
      %convert_element_type3A_175 = arith.extui %lt3A_174 : i1 to i32
      %cond3A_176 = arith.constant 0 : i32
      %cond3A_177 = arith.cmpi ne, %convert_element_type3A_175, %cond3A_176 : i32
      scf.if %cond3A_177 {
        %add3A_190 = arith.constant 32 : i32
        %add3A_191 = arith.addi %add3A_172, %add3A_190 : i32
        %lt3A_192 = arith.constant 2500 : i32
        %lt3A_193 = arith.cmpi slt, %add3A_191, %lt3A_192 : i32
        %convert_element_type3A_194 = arith.extui %lt3A_193 : i1 to i32
        %cond3A_195 = arith.constant 0 : i32
        %cond3A_196 = arith.cmpi ne, %convert_element_type3A_194, %cond3A_195 : i32
        scf.if %cond3A_196 {
          %add3A_222 = arith.constant 32 : i32
          %add3A_223 = arith.addi %add3A_172, %add3A_222 : i32
          %dma_wait3A_224 = arith.constant 0 : i32
          %dma_wait3A_225 = tpu.memref_slice %arg3[%add3A_223, %dma_wait3A_224] : memref<2500x128xi32, #tpu.memory_space<hbm>> -> memref<1x128xi32, #tpu.memory_space<hbm>>
          %dma_wait3A_226 = arith.constant 0 : i32
          %dma_wait3A_227 = tpu.memref_slice %arg3[%add3A_223, %dma_wait3A_226] : memref<2500x128xi32, #tpu.memory_space<hbm>> -> memref<1x128xi32, #tpu.memory_space<hbm>>
          tpu.wait_dma2 semaphore(%arg27 : memref<!tpu.dma_semaphore, #tpu.memory_space<semaphore_mem>>) src(%dma_wait3A_227 : memref<1x128xi32, #tpu.memory_space<hbm>>) dst(%arg9 : memref<1x128xi32, #tpu.memory_space<vmem>>)
          %dma_wait3A_228 = arith.constant 0 : i32
          %dma_wait3A_229 = tpu.memref_slice %arg4[%add3A_223, %dma_wait3A_228] : memref<2500x128xi32, #tpu.memory_space<hbm>> -> memref<1x128xi32, #tpu.memory_space<hbm>>
          %dma_wait3A_230 = arith.constant 0 : i32
          %dma_wait3A_231 = tpu.memref_slice %arg4[%add3A_223, %dma_wait3A_230] : memref<2500x128xi32, #tpu.memory_space<hbm>> -> memref<1x128xi32, #tpu.memory_space<hbm>>
          tpu.wait_dma2 semaphore(%arg28 : memref<!tpu.dma_semaphore, #tpu.memory_space<semaphore_mem>>) src(%dma_wait3A_231 : memref<1x128xi32, #tpu.memory_space<hbm>>) dst(%arg12 : memref<1x128xi32, #tpu.memory_space<vmem>>)
          %mul3A_232 = arith.constant 128 : i32
          %mul3A_233 = arith.muli %add3A_223, %mul3A_232 : i32
          %dma_wait3A_234 = arith.constant 0 : i32
          %dma_wait3A_235 = tpu.memref_slice %arg2[%mul3A_233, %dma_wait3A_234] : memref<320000x128xf32, #tpu.memory_space<hbm>> -> memref<128x128xf32, #tpu.memory_space<hbm>>
          %dma_wait3A_236 = arith.constant 0 : i32
          %dma_wait3A_237 = tpu.memref_slice %arg2[%mul3A_233, %dma_wait3A_236] : memref<320000x128xf32, #tpu.memory_space<hbm>> -> memref<128x128xf32, #tpu.memory_space<hbm>>
          tpu.wait_dma2 semaphore(%arg29 : memref<!tpu.dma_semaphore, #tpu.memory_space<semaphore_mem>>) src(%dma_wait3A_237 : memref<128x128xf32, #tpu.memory_space<hbm>>) dst(%arg15 : memref<128x128xf32, #tpu.memory_space<vmem>>)
          %dma_start3A_238 = arith.constant 0 : i32
          %dma_start3A_239 = arith.constant 0 : i32
          %dma_start3A_240 = tpu.memref_slice %arg9[%dma_start3A_238, %dma_start3A_239] : memref<1x128xi32, #tpu.memory_space<vmem>> -> memref<1x128xi32, #tpu.memory_space<vmem>>
          %dma_start3A_241 = tpu.memref_squeeze %dma_start3A_240 : memref<1x128xi32, #tpu.memory_space<vmem>> -> memref<128xi32, #tpu.memory_space<vmem>>
          %dma_start3A_242 = arith.constant 0 : i32
          %dma_start3A_243 = arith.constant 0 : i32
          %dma_start3A_244 = tpu.memref_slice %arg5[%dma_start3A_242, %dma_start3A_243] : memref<10000x128xf32, #tpu.memory_space<hbm>> -> memref<10000x128xf32, #tpu.memory_space<hbm>>
          tpu.enqueue_indirect_dma source(%dma_start3A_244 : memref<10000x128xf32, #tpu.memory_space<hbm>>) target(%arg15 : memref<128x128xf32, #tpu.memory_space<vmem>>) offsets(%dma_start3A_241 : memref<128xi32, #tpu.memory_space<vmem>>) semaphore(%arg30 : memref<!tpu.dma_semaphore, #tpu.memory_space<semaphore_mem>>) {add = true}
        } else {
        }
        %dma_wait3A_197 = arith.constant 0 : i32
        %dma_wait3A_198 = arith.constant 0 : i32
        %dma_wait3A_199 = tpu.memref_slice %arg8[%dma_wait3A_197, %dma_wait3A_198] : memref<1x128xi32, #tpu.memory_space<vmem>> -> memref<1x128xi32, #tpu.memory_space<vmem>>
        %dma_wait3A_200 = tpu.memref_squeeze %dma_wait3A_199 : memref<1x128xi32, #tpu.memory_space<vmem>> -> memref<128xi32, #tpu.memory_space<vmem>>
        %dma_wait3A_201 = arith.constant 0 : i32
        %dma_wait3A_202 = arith.constant 0 : i32
        %dma_wait3A_203 = tpu.memref_slice %arg5[%dma_wait3A_201, %dma_wait3A_202] : memref<10000x128xf32, #tpu.memory_space<hbm>> -> memref<10000x128xf32, #tpu.memory_space<hbm>>
        tpu.wait_indirect_dma semaphore(%arg25 : memref<!tpu.dma_semaphore, #tpu.memory_space<semaphore_mem>>) src(%dma_wait3A_203 : memref<10000x128xf32, #tpu.memory_space<hbm>>) dst(%arg14 : memref<128x128xf32, #tpu.memory_space<vmem>>)
        %scan3A_204 = arith.constant 0 : i32
        %scan3A_205 = arith.constant 0 : i32
        %scan3A_206 = arith.constant 128 : i32
        %scan3A_207 = arith.addi %scan3A_205, %scan3A_206 : i32
        %scan3A_208 = arith.constant 1 : i32
        scf.for %scan3A_222 = %scan3A_205 to %scan3A_207 step %scan3A_208  : i32 {
          %get3A = arith.index_cast %scan3A_222 : i32 to index
          %get3A_223 = arith.constant 0 : index
          %get3A_224 = tpu.vector_load %arg14[%get3A, %get3A_223] {strides = array<i32>} : memref<128x128xf32, #tpu.memory_space<vmem>>, vector<1x16xf32>,
          %get3A_225 = vector.shape_cast %get3A_224 : vector<1x16xf32> to vector<16xf32>
          %max3A = arith.constant 0.000000e+00 : f32
          %max3A_226 = vector.broadcast %max3A : f32 to vector<16xf32>
          %max3A_227 = arith.maximumf %get3A_225, %max3A_226 : vector<16xf32>
          %swap3A = arith.index_cast %scan3A_222 : i32 to index
          %swap3A_228 = arith.constant 0 : index
          %swap3A_229 = tpu.vector_load %arg14[%swap3A, %swap3A_228] {strides = array<i32>} : memref<128x128xf32, #tpu.memory_space<vmem>>, vector<1x16xf32>,
          %swap3A_230 = vector.shape_cast %swap3A_229 : vector<1x16xf32> to vector<16xf32>
          %swap3A_231 = vector.shape_cast %max3A_227 : vector<16xf32> to vector<1x16xf32>
          tpu.vector_store %arg14[%swap3A, %swap3A_228], %swap3A_231 {strides = array<i32>} : memref<128x128xf32, #tpu.memory_space<vmem>>, vector<1x16xf32>,
          %get3A_232 = arith.index_cast %scan3A_222 : i32 to index
          %get3A_233 = arith.constant 16 : index
          %get3A_234 = tpu.vector_load %arg14[%get3A_232, %get3A_233] {strides = array<i32>} : memref<128x128xf32, #tpu.memory_space<vmem>>, vector<1x16xf32>,
          %get3A_235 = vector.shape_cast %get3A_234 : vector<1x16xf32> to vector<16xf32>
          %max3A_236 = arith.constant 0.000000e+00 : f32
          %max3A_237 = vector.broadcast %max3A_236 : f32 to vector<16xf32>
          %max3A_238 = arith.maximumf %get3A_235, %max3A_237 : vector<16xf32>
          %swap3A_239 = arith.index_cast %scan3A_222 : i32 to index
          %swap3A_240 = arith.constant 16 : index
          %swap3A_241 = tpu.vector_load %arg14[%swap3A_239, %swap3A_240] {strides = array<i32>} : memref<128x128xf32, #tpu.memory_space<vmem>>, vector<1x16xf32>,
          %swap3A_242 = vector.shape_cast %swap3A_241 : vector<1x16xf32> to vector<16xf32>
          %swap3A_243 = vector.shape_cast %max3A_238 : vector<16xf32> to vector<1x16xf32>
          tpu.vector_store %arg14[%swap3A_239, %swap3A_240], %swap3A_243 {strides = array<i32>} : memref<128x128xf32, #tpu.memory_space<vmem>>, vector<1x16xf32>,
          %get3A_244 = arith.index_cast %scan3A_222 : i32 to index
          %get3A_245 = arith.constant 32 : index
          %get3A_246 = tpu.vector_load %arg14[%get3A_244, %get3A_245] {strides = array<i32>} : memref<128x128xf32, #tpu.memory_space<vmem>>, vector<1x16xf32>,
          %get3A_247 = vector.shape_cast %get3A_246 : vector<1x16xf32> to vector<16xf32>
          %max3A_248 = arith.constant 0.000000e+00 : f32
          %max3A_249 = vector.broadcast %max3A_248 : f32 to vector<16xf32>
          %max3A_250 = arith.maximumf %get3A_247, %max3A_249 : vector<16xf32>
          %swap3A_251 = arith.index_cast %scan3A_222 : i32 to index
          %swap3A_252 = arith.constant 32 : index
          %swap3A_253 = tpu.vector_load %arg14[%swap3A_251, %swap3A_252] {strides = array<i32>} : memref<128x128xf32, #tpu.memory_space<vmem>>, vector<1x16xf32>,
          %swap3A_254 = vector.shape_cast %swap3A_253 : vector<1x16xf32> to vector<16xf32>
          %swap3A_255 = vector.shape_cast %max3A_250 : vector<16xf32> to vector<1x16xf32>
          tpu.vector_store %arg14[%swap3A_251, %swap3A_252], %swap3A_255 {strides = array<i32>} : memref<128x128xf32, #tpu.memory_space<vmem>>, vector<1x16xf32>,
          %get3A_256 = arith.index_cast %scan3A_222 : i32 to index
          %get3A_257 = arith.constant 48 : index
          %get3A_258 = tpu.vector_load %arg14[%get3A_256, %get3A_257] {strides = array<i32>} : memref<128x128xf32, #tpu.memory_space<vmem>>, vector<1x16xf32>,
          %get3A_259 = vector.shape_cast %get3A_258 : vector<1x16xf32> to vector<16xf32>
          %max3A_260 = arith.constant 0.000000e+00 : f32
          %max3A_261 = vector.broadcast %max3A_260 : f32 to vector<16xf32>
          %max3A_262 = arith.maximumf %get3A_259, %max3A_261 : vector<16xf32>
          %swap3A_263 = arith.index_cast %scan3A_222 : i32 to index
          %swap3A_264 = arith.constant 48 : index
          %swap3A_265 = tpu.vector_load %arg14[%swap3A_263, %swap3A_264] {strides = array<i32>} : memref<128x128xf32, #tpu.memory_space<vmem>>, vector<1x16xf32>,
          %swap3A_266 = vector.shape_cast %swap3A_265 : vector<1x16xf32> to vector<16xf32>
          %swap3A_267 = vector.shape_cast %max3A_262 : vector<16xf32> to vector<1x16xf32>
          tpu.vector_store %arg14[%swap3A_263, %swap3A_264], %swap3A_267 {strides = array<i32>} : memref<128x128xf32, #tpu.memory_space<vmem>>, vector<1x16xf32>,
          %get3A_268 = arith.index_cast %scan3A_222 : i32 to index
          %get3A_269 = arith.constant 64 : index
          %get3A_270 = tpu.vector_load %arg14[%get3A_268, %get3A_269] {strides = array<i32>} : memref<128x128xf32, #tpu.memory_space<vmem>>, vector<1x16xf32>,
          %get3A_271 = vector.shape_cast %get3A_270 : vector<1x16xf32> to vector<16xf32>
          %max3A_272 = arith.constant 0.000000e+00 : f32
          %max3A_273 = vector.broadcast %max3A_272 : f32 to vector<16xf32>
          %max3A_274 = arith.maximumf %get3A_271, %max3A_273 : vector<16xf32>
          %swap3A_275 = arith.index_cast %scan3A_222 : i32 to index
          %swap3A_276 = arith.constant 64 : index
          %swap3A_277 = tpu.vector_load %arg14[%swap3A_275, %swap3A_276] {strides = array<i32>} : memref<128x128xf32, #tpu.memory_space<vmem>>, vector<1x16xf32>,
          %swap3A_278 = vector.shape_cast %swap3A_277 : vector<1x16xf32> to vector<16xf32>
          %swap3A_279 = vector.shape_cast %max3A_274 : vector<16xf32> to vector<1x16xf32>
          tpu.vector_store %arg14[%swap3A_275, %swap3A_276], %swap3A_279 {strides = array<i32>} : memref<128x128xf32, #tpu.memory_space<vmem>>, vector<1x16xf32>,
          %get3A_280 = arith.index_cast %scan3A_222 : i32 to index
          %get3A_281 = arith.constant 80 : index
          %get3A_282 = tpu.vector_load %arg14[%get3A_280, %get3A_281] {strides = array<i32>} : memref<128x128xf32, #tpu.memory_space<vmem>>, vector<1x16xf32>,
          %get3A_283 = vector.shape_cast %get3A_282 : vector<1x16xf32> to vector<16xf32>
          %max3A_284 = arith.constant 0.000000e+00 : f32
          %max3A_285 = vector.broadcast %max3A_284 : f32 to vector<16xf32>
          %max3A_286 = arith.maximumf %get3A_283, %max3A_285 : vector<16xf32>
          %swap3A_287 = arith.index_cast %scan3A_222 : i32 to index
          %swap3A_288 = arith.constant 80 : index
          %swap3A_289 = tpu.vector_load %arg14[%swap3A_287, %swap3A_288] {strides = array<i32>} : memref<128x128xf32, #tpu.memory_space<vmem>>, vector<1x16xf32>,
          %swap3A_290 = vector.shape_cast %swap3A_289 : vector<1x16xf32> to vector<16xf32>
          %swap3A_291 = vector.shape_cast %max3A_286 : vector<16xf32> to vector<1x16xf32>
          tpu.vector_store %arg14[%swap3A_287, %swap3A_288], %swap3A_291 {strides = array<i32>} : memref<128x128xf32, #tpu.memory_space<vmem>>, vector<1x16xf32>,
          %get3A_292 = arith.index_cast %scan3A_222 : i32 to index
          %get3A_293 = arith.constant 96 : index
          %get3A_294 = tpu.vector_load %arg14[%get3A_292, %get3A_293] {strides = array<i32>} : memref<128x128xf32, #tpu.memory_space<vmem>>, vector<1x16xf32>,
          %get3A_295 = vector.shape_cast %get3A_294 : vector<1x16xf32> to vector<16xf32>
          %max3A_296 = arith.constant 0.000000e+00 : f32
          %max3A_297 = vector.broadcast %max3A_296 : f32 to vector<16xf32>
          %max3A_298 = arith.maximumf %get3A_295, %max3A_297 : vector<16xf32>
          %swap3A_299 = arith.index_cast %scan3A_222 : i32 to index
          %swap3A_300 = arith.constant 96 : index
          %swap3A_301 = tpu.vector_load %arg14[%swap3A_299, %swap3A_300] {strides = array<i32>} : memref<128x128xf32, #tpu.memory_space<vmem>>, vector<1x16xf32>,
          %swap3A_302 = vector.shape_cast %swap3A_301 : vector<1x16xf32> to vector<16xf32>
          %swap3A_303 = vector.shape_cast %max3A_298 : vector<16xf32> to vector<1x16xf32>
          tpu.vector_store %arg14[%swap3A_299, %swap3A_300], %swap3A_303 {strides = array<i32>} : memref<128x128xf32, #tpu.memory_space<vmem>>, vector<1x16xf32>,
          %get3A_304 = arith.index_cast %scan3A_222 : i32 to index
          %get3A_305 = arith.constant 112 : index
          %get3A_306 = tpu.vector_load %arg14[%get3A_304, %get3A_305] {strides = array<i32>} : memref<128x128xf32, #tpu.memory_space<vmem>>, vector<1x16xf32>,
          %get3A_307 = vector.shape_cast %get3A_306 : vector<1x16xf32> to vector<16xf32>
          %max3A_308 = arith.constant 0.000000e+00 : f32
          %max3A_309 = vector.broadcast %max3A_308 : f32 to vector<16xf32>
          %max3A_310 = arith.maximumf %get3A_307, %max3A_309 : vector<16xf32>
          %swap3A_311 = arith.index_cast %scan3A_222 : i32 to index
          %swap3A_312 = arith.constant 112 : index
          %swap3A_313 = tpu.vector_load %arg14[%swap3A_311, %swap3A_312] {strides = array<i32>} : memref<128x128xf32, #tpu.memory_space<vmem>>, vector<1x16xf32>,
          %swap3A_314 = vector.shape_cast %swap3A_313 : vector<1x16xf32> to vector<16xf32>
          %swap3A_315 = vector.shape_cast %max3A_310 : vector<16xf32> to vector<1x16xf32>
          tpu.vector_store %arg14[%swap3A_311, %swap3A_312], %swap3A_315 {strides = array<i32>} : memref<128x128xf32, #tpu.memory_space<vmem>>, vector<1x16xf32>,
        }
        %scan3A_209 = arith.constant 128 : i32
        %dma_start3A_210 = arith.constant 0 : i32
        %dma_start3A_211 = arith.constant 0 : i32
        %dma_start3A_212 = tpu.memref_slice %arg11[%dma_start3A_210, %dma_start3A_211] : memref<1x128xi32, #tpu.memory_space<vmem>> -> memref<1x128xi32, #tpu.memory_space<vmem>>
        %dma_start3A_213 = tpu.memref_squeeze %dma_start3A_212 : memref<1x128xi32, #tpu.memory_space<vmem>> -> memref<128xi32, #tpu.memory_space<vmem>>
        %dma_start3A_214 = arith.constant 0 : i32
        %dma_start3A_215 = arith.constant 0 : i32
        %dma_start3A_216 = tpu.memref_slice %arg16[%dma_start3A_214, %dma_start3A_215] : memref<10000x128xf32, #tpu.memory_space<vmem_shared>> -> memref<10000x128xf32, #tpu.memory_space<vmem_shared>>
        tpu.enqueue_indirect_dma source(%arg14 : memref<128x128xf32, #tpu.memory_space<vmem>>) target(%dma_start3A_216 : memref<10000x128xf32, #tpu.memory_space<vmem_shared>>) offsets(%dma_start3A_213 : memref<128xi32, #tpu.memory_space<vmem>>) semaphore(%arg26 : memref<!tpu.dma_semaphore, #tpu.memory_space<semaphore_mem>>) {add = true}
        %ge3A_217 = arith.constant 1 : i32
        %ge3A_218 = arith.cmpi sge, %add3A_169, %ge3A_217 : i32
        %convert_element_type3A_219 = arith.extui %ge3A_218 : i1 to i32
        %cond3A_220 = arith.constant 0 : i32
        %cond3A_221 = arith.cmpi ne, %convert_element_type3A_219, %cond3A_220 : i32
        scf.if %cond3A_221 {
          %dma_wait3A_222 = arith.constant 0 : i32
          %dma_wait3A_223 = arith.constant 0 : i32
          %dma_wait3A_224 = tpu.memref_slice %arg10[%dma_wait3A_222, %dma_wait3A_223] : memref<1x128xi32, #tpu.memory_space<vmem>> -> memref<1x128xi32, #tpu.memory_space<vmem>>
          %dma_wait3A_225 = tpu.memref_squeeze %dma_wait3A_224 : memref<1x128xi32, #tpu.memory_space<vmem>> -> memref<128xi32, #tpu.memory_space<vmem>>
          %dma_wait3A_226 = arith.constant 0 : i32
          %dma_wait3A_227 = arith.constant 0 : i32
          %dma_wait3A_228 = tpu.memref_slice %arg16[%dma_wait3A_226, %dma_wait3A_227] : memref<10000x128xf32, #tpu.memory_space<vmem_shared>> -> memref<10000x128xf32, #tpu.memory_space<vmem_shared>>
          tpu.wait_indirect_dma semaphore(%arg21 : memref<!tpu.dma_semaphore, #tpu.memory_space<semaphore_mem>>) src(%arg13 : memref<128x128xf32, #tpu.memory_space<vmem>>) dst(%dma_wait3A_228 : memref<10000x128xf32, #tpu.memory_space<vmem_shared>>)
          %add3A_229 = arith.constant 64 : i32
          %add3A_230 = arith.addi %add3A_172, %add3A_229 : i32
          %lt3A_231 = arith.constant 2500 : i32
          %lt3A_232 = arith.cmpi slt, %add3A_230, %lt3A_231 : i32
          %convert_element_type3A_233 = arith.extui %lt3A_232 : i1 to i32
          %cond3A_234 = arith.constant 0 : i32
          %cond3A_235 = arith.cmpi ne, %convert_element_type3A_233, %cond3A_234 : i32
          scf.if %cond3A_235 {
            %add3A_236 = arith.constant 64 : i32
            %add3A_237 = arith.addi %add3A_172, %add3A_236 : i32
            %dma_start3A_238 = arith.constant 0 : i32
            %dma_start3A_239 = tpu.memref_slice %arg3[%add3A_237, %dma_start3A_238] : memref<2500x128xi32, #tpu.memory_space<hbm>> -> memref<1x128xi32, #tpu.memory_space<hbm>>
            %dma_start3A_240 = arith.constant 0 : i32
            %dma_start3A_241 = tpu.memref_slice %arg3[%add3A_237, %dma_start3A_240] : memref<2500x128xi32, #tpu.memory_space<hbm>> -> memref<1x128xi32, #tpu.memory_space<hbm>>
            tpu.enqueue_dma source(%dma_start3A_241 : memref<1x128xi32, #tpu.memory_space<hbm>>) target(%arg7 : memref<1x128xi32, #tpu.memory_space<vmem>>) target_semaphore(%arg17 : memref<!tpu.dma_semaphore, #tpu.memory_space<semaphore_mem>>)
            %dma_start3A_242 = arith.constant 0 : i32
            %dma_start3A_243 = tpu.memref_slice %arg4[%add3A_237, %dma_start3A_242] : memref<2500x128xi32, #tpu.memory_space<hbm>> -> memref<1x128xi32, #tpu.memory_space<hbm>>
            %dma_start3A_244 = arith.constant 0 : i32
            %dma_start3A_245 = tpu.memref_slice %arg4[%add3A_237, %dma_start3A_244] : memref<2500x128xi32, #tpu.memory_space<hbm>> -> memref<1x128xi32, #tpu.memory_space<hbm>>
            tpu.enqueue_dma source(%dma_start3A_245 : memref<1x128xi32, #tpu.memory_space<hbm>>) target(%arg10 : memref<1x128xi32, #tpu.memory_space<vmem>>) target_semaphore(%arg18 : memref<!tpu.dma_semaphore, #tpu.memory_space<semaphore_mem>>)
            %mul3A_246 = arith.constant 128 : i32
            %mul3A_247 = arith.muli %add3A_237, %mul3A_246 : i32
            %dma_start3A_248 = arith.constant 0 : i32
            %dma_start3A_249 = tpu.memref_slice %arg2[%mul3A_247, %dma_start3A_248] : memref<320000x128xf32, #tpu.memory_space<hbm>> -> memref<128x128xf32, #tpu.memory_space<hbm>>
            %dma_start3A_250 = arith.constant 0 : i32
            %dma_start3A_251 = tpu.memref_slice %arg2[%mul3A_247, %dma_start3A_250] : memref<320000x128xf32, #tpu.memory_space<hbm>> -> memref<128x128xf32, #tpu.memory_space<hbm>>
            tpu.enqueue_dma source(%dma_start3A_251 : memref<128x128xf32, #tpu.memory_space<hbm>>) target(%arg13 : memref<128x128xf32, #tpu.memory_space<vmem>>) target_semaphore(%arg19 : memref<!tpu.dma_semaphore, #tpu.memory_space<semaphore_mem>>)
          } else {
          }
        } else {
        }
      } else {
      }
      %mul3A_178 = arith.constant 3 : i32
      %mul3A_179 = arith.muli %mul3A_178, %scan3A_153 : i32
      %add3A_180 = arith.constant 2 : i32
      %add3A_181 = arith.addi %mul3A_179, %add3A_180 : i32
      %mul3A_182 = arith.constant 32 : i32
      %mul3A_183 = arith.muli %add3A_181, %mul3A_182 : i32
      %add3A_184 = arith.addi %add3A, %mul3A_183 : i32
      %lt3A_185 = arith.constant 2500 : i32
      %lt3A_186 = arith.cmpi slt, %add3A_184, %lt3A_185 : i32
      %convert_element_type3A_187 = arith.extui %lt3A_186 : i1 to i32
      %cond3A_188 = arith.constant 0 : i32
      %cond3A_189 = arith.cmpi ne, %convert_element_type3A_187, %cond3A_188 : i32
      scf.if %cond3A_189 {
        %add3A_190 = arith.constant 32 : i32
        %add3A_191 = arith.addi %add3A_184, %add3A_190 : i32
        %lt3A_192 = arith.constant 2500 : i32
        %lt3A_193 = arith.cmpi slt, %add3A_191, %lt3A_192 : i32
        %convert_element_type3A_194 = arith.extui %lt3A_193 : i1 to i32
        %cond3A_195 = arith.constant 0 : i32
        %cond3A_196 = arith.cmpi ne, %convert_element_type3A_194, %cond3A_195 : i32
        scf.if %cond3A_196 {
          %add3A_222 = arith.constant 32 : i32
          %add3A_223 = arith.addi %add3A_184, %add3A_222 : i32
          %dma_wait3A_224 = arith.constant 0 : i32
          %dma_wait3A_225 = tpu.memref_slice %arg3[%add3A_223, %dma_wait3A_224] : memref<2500x128xi32, #tpu.memory_space<hbm>> -> memref<1x128xi32, #tpu.memory_space<hbm>>
          %dma_wait3A_226 = arith.constant 0 : i32
          %dma_wait3A_227 = tpu.memref_slice %arg3[%add3A_223, %dma_wait3A_226] : memref<2500x128xi32, #tpu.memory_space<hbm>> -> memref<1x128xi32, #tpu.memory_space<hbm>>
          tpu.wait_dma2 semaphore(%arg17 : memref<!tpu.dma_semaphore, #tpu.memory_space<semaphore_mem>>) src(%dma_wait3A_227 : memref<1x128xi32, #tpu.memory_space<hbm>>) dst(%arg7 : memref<1x128xi32, #tpu.memory_space<vmem>>)
          %dma_wait3A_228 = arith.constant 0 : i32
          %dma_wait3A_229 = tpu.memref_slice %arg4[%add3A_223, %dma_wait3A_228] : memref<2500x128xi32, #tpu.memory_space<hbm>> -> memref<1x128xi32, #tpu.memory_space<hbm>>
          %dma_wait3A_230 = arith.constant 0 : i32
          %dma_wait3A_231 = tpu.memref_slice %arg4[%add3A_223, %dma_wait3A_230] : memref<2500x128xi32, #tpu.memory_space<hbm>> -> memref<1x128xi32, #tpu.memory_space<hbm>>
          tpu.wait_dma2 semaphore(%arg18 : memref<!tpu.dma_semaphore, #tpu.memory_space<semaphore_mem>>) src(%dma_wait3A_231 : memref<1x128xi32, #tpu.memory_space<hbm>>) dst(%arg10 : memref<1x128xi32, #tpu.memory_space<vmem>>)
          %mul3A_232 = arith.constant 128 : i32
          %mul3A_233 = arith.muli %add3A_223, %mul3A_232 : i32
          %dma_wait3A_234 = arith.constant 0 : i32
          %dma_wait3A_235 = tpu.memref_slice %arg2[%mul3A_233, %dma_wait3A_234] : memref<320000x128xf32, #tpu.memory_space<hbm>> -> memref<128x128xf32, #tpu.memory_space<hbm>>
          %dma_wait3A_236 = arith.constant 0 : i32
          %dma_wait3A_237 = tpu.memref_slice %arg2[%mul3A_233, %dma_wait3A_236] : memref<320000x128xf32, #tpu.memory_space<hbm>> -> memref<128x128xf32, #tpu.memory_space<hbm>>
          tpu.wait_dma2 semaphore(%arg19 : memref<!tpu.dma_semaphore, #tpu.memory_space<semaphore_mem>>) src(%dma_wait3A_237 : memref<128x128xf32, #tpu.memory_space<hbm>>) dst(%arg13 : memref<128x128xf32, #tpu.memory_space<vmem>>)
          %dma_start3A_238 = arith.constant 0 : i32
          %dma_start3A_239 = arith.constant 0 : i32
          %dma_start3A_240 = tpu.memref_slice %arg7[%dma_start3A_238, %dma_start3A_239] : memref<1x128xi32, #tpu.memory_space<vmem>> -> memref<1x128xi32, #tpu.memory_space<vmem>>
          %dma_start3A_241 = tpu.memref_squeeze %dma_start3A_240 : memref<1x128xi32, #tpu.memory_space<vmem>> -> memref<128xi32, #tpu.memory_space<vmem>>
          %dma_start3A_242 = arith.constant 0 : i32
          %dma_start3A_243 = arith.constant 0 : i32
          %dma_start3A_244 = tpu.memref_slice %arg5[%dma_start3A_242, %dma_start3A_243] : memref<10000x128xf32, #tpu.memory_space<hbm>> -> memref<10000x128xf32, #tpu.memory_space<hbm>>
          tpu.enqueue_indirect_dma source(%dma_start3A_244 : memref<10000x128xf32, #tpu.memory_space<hbm>>) target(%arg13 : memref<128x128xf32, #tpu.memory_space<vmem>>) offsets(%dma_start3A_241 : memref<128xi32, #tpu.memory_space<vmem>>) semaphore(%arg20 : memref<!tpu.dma_semaphore, #tpu.memory_space<semaphore_mem>>) {add = true}
        } else {
        }
        %dma_wait3A_197 = arith.constant 0 : i32
        %dma_wait3A_198 = arith.constant 0 : i32
        %dma_wait3A_199 = tpu.memref_slice %arg9[%dma_wait3A_197, %dma_wait3A_198] : memref<1x128xi32, #tpu.memory_space<vmem>> -> memref<1x128xi32, #tpu.memory_space<vmem>>
        %dma_wait3A_200 = tpu.memref_squeeze %dma_wait3A_199 : memref<1x128xi32, #tpu.memory_space<vmem>> -> memref<128xi32, #tpu.memory_space<vmem>>
        %dma_wait3A_201 = arith.constant 0 : i32
        %dma_wait3A_202 = arith.constant 0 : i32
        %dma_wait3A_203 = tpu.memref_slice %arg5[%dma_wait3A_201, %dma_wait3A_202] : memref<10000x128xf32, #tpu.memory_space<hbm>> -> memref<10000x128xf32, #tpu.memory_space<hbm>>
        tpu.wait_indirect_dma semaphore(%arg30 : memref<!tpu.dma_semaphore, #tpu.memory_space<semaphore_mem>>) src(%dma_wait3A_203 : memref<10000x128xf32, #tpu.memory_space<hbm>>) dst(%arg15 : memref<128x128xf32, #tpu.memory_space<vmem>>)
        %scan3A_204 = arith.constant 0 : i32
        %scan3A_205 = arith.constant 0 : i32
        %scan3A_206 = arith.constant 128 : i32
        %scan3A_207 = arith.addi %scan3A_205, %scan3A_206 : i32
        %scan3A_208 = arith.constant 1 : i32
        scf.for %scan3A_222 = %scan3A_205 to %scan3A_207 step %scan3A_208  : i32 {
          %get3A = arith.index_cast %scan3A_222 : i32 to index
          %get3A_223 = arith.constant 0 : index
          %get3A_224 = tpu.vector_load %arg15[%get3A, %get3A_223] {strides = array<i32>} : memref<128x128xf32, #tpu.memory_space<vmem>>, vector<1x16xf32>,
          %get3A_225 = vector.shape_cast %get3A_224 : vector<1x16xf32> to vector<16xf32>
          %max3A = arith.constant 0.000000e+00 : f32
          %max3A_226 = vector.broadcast %max3A : f32 to vector<16xf32>
          %max3A_227 = arith.maximumf %get3A_225, %max3A_226 : vector<16xf32>
          %swap3A = arith.index_cast %scan3A_222 : i32 to index
          %swap3A_228 = arith.constant 0 : index
          %swap3A_229 = tpu.vector_load %arg15[%swap3A, %swap3A_228] {strides = array<i32>} : memref<128x128xf32, #tpu.memory_space<vmem>>, vector<1x16xf32>,
          %swap3A_230 = vector.shape_cast %swap3A_229 : vector<1x16xf32> to vector<16xf32>
          %swap3A_231 = vector.shape_cast %max3A_227 : vector<16xf32> to vector<1x16xf32>
          tpu.vector_store %arg15[%swap3A, %swap3A_228], %swap3A_231 {strides = array<i32>} : memref<128x128xf32, #tpu.memory_space<vmem>>, vector<1x16xf32>,
          %get3A_232 = arith.index_cast %scan3A_222 : i32 to index
          %get3A_233 = arith.constant 16 : index
          %get3A_234 = tpu.vector_load %arg15[%get3A_232, %get3A_233] {strides = array<i32>} : memref<128x128xf32, #tpu.memory_space<vmem>>, vector<1x16xf32>,
          %get3A_235 = vector.shape_cast %get3A_234 : vector<1x16xf32> to vector<16xf32>
          %max3A_236 = arith.constant 0.000000e+00 : f32
          %max3A_237 = vector.broadcast %max3A_236 : f32 to vector<16xf32>
          %max3A_238 = arith.maximumf %get3A_235, %max3A_237 : vector<16xf32>
          %swap3A_239 = arith.index_cast %scan3A_222 : i32 to index
          %swap3A_240 = arith.constant 16 : index
          %swap3A_241 = tpu.vector_load %arg15[%swap3A_239, %swap3A_240] {strides = array<i32>} : memref<128x128xf32, #tpu.memory_space<vmem>>, vector<1x16xf32>,
          %swap3A_242 = vector.shape_cast %swap3A_241 : vector<1x16xf32> to vector<16xf32>
          %swap3A_243 = vector.shape_cast %max3A_238 : vector<16xf32> to vector<1x16xf32>
          tpu.vector_store %arg15[%swap3A_239, %swap3A_240], %swap3A_243 {strides = array<i32>} : memref<128x128xf32, #tpu.memory_space<vmem>>, vector<1x16xf32>,
          %get3A_244 = arith.index_cast %scan3A_222 : i32 to index
          %get3A_245 = arith.constant 32 : index
          %get3A_246 = tpu.vector_load %arg15[%get3A_244, %get3A_245] {strides = array<i32>} : memref<128x128xf32, #tpu.memory_space<vmem>>, vector<1x16xf32>,
          %get3A_247 = vector.shape_cast %get3A_246 : vector<1x16xf32> to vector<16xf32>
          %max3A_248 = arith.constant 0.000000e+00 : f32
          %max3A_249 = vector.broadcast %max3A_248 : f32 to vector<16xf32>
          %max3A_250 = arith.maximumf %get3A_247, %max3A_249 : vector<16xf32>
          %swap3A_251 = arith.index_cast %scan3A_222 : i32 to index
          %swap3A_252 = arith.constant 32 : index
          %swap3A_253 = tpu.vector_load %arg15[%swap3A_251, %swap3A_252] {strides = array<i32>} : memref<128x128xf32, #tpu.memory_space<vmem>>, vector<1x16xf32>,
          %swap3A_254 = vector.shape_cast %swap3A_253 : vector<1x16xf32> to vector<16xf32>
          %swap3A_255 = vector.shape_cast %max3A_250 : vector<16xf32> to vector<1x16xf32>
          tpu.vector_store %arg15[%swap3A_251, %swap3A_252], %swap3A_255 {strides = array<i32>} : memref<128x128xf32, #tpu.memory_space<vmem>>, vector<1x16xf32>,
          %get3A_256 = arith.index_cast %scan3A_222 : i32 to index
          %get3A_257 = arith.constant 48 : index
          %get3A_258 = tpu.vector_load %arg15[%get3A_256, %get3A_257] {strides = array<i32>} : memref<128x128xf32, #tpu.memory_space<vmem>>, vector<1x16xf32>,
          %get3A_259 = vector.shape_cast %get3A_258 : vector<1x16xf32> to vector<16xf32>
          %max3A_260 = arith.constant 0.000000e+00 : f32
          %max3A_261 = vector.broadcast %max3A_260 : f32 to vector<16xf32>
          %max3A_262 = arith.maximumf %get3A_259, %max3A_261 : vector<16xf32>
          %swap3A_263 = arith.index_cast %scan3A_222 : i32 to index
          %swap3A_264 = arith.constant 48 : index
          %swap3A_265 = tpu.vector_load %arg15[%swap3A_263, %swap3A_264] {strides = array<i32>} : memref<128x128xf32, #tpu.memory_space<vmem>>, vector<1x16xf32>,
          %swap3A_266 = vector.shape_cast %swap3A_265 : vector<1x16xf32> to vector<16xf32>
          %swap3A_267 = vector.shape_cast %max3A_262 : vector<16xf32> to vector<1x16xf32>
          tpu.vector_store %arg15[%swap3A_263, %swap3A_264], %swap3A_267 {strides = array<i32>} : memref<128x128xf32, #tpu.memory_space<vmem>>, vector<1x16xf32>,
          %get3A_268 = arith.index_cast %scan3A_222 : i32 to index
          %get3A_269 = arith.constant 64 : index
          %get3A_270 = tpu.vector_load %arg15[%get3A_268, %get3A_269] {strides = array<i32>} : memref<128x128xf32, #tpu.memory_space<vmem>>, vector<1x16xf32>,
          %get3A_271 = vector.shape_cast %get3A_270 : vector<1x16xf32> to vector<16xf32>
          %max3A_272 = arith.constant 0.000000e+00 : f32
          %max3A_273 = vector.broadcast %max3A_272 : f32 to vector<16xf32>
          %max3A_274 = arith.maximumf %get3A_271, %max3A_273 : vector<16xf32>
          %swap3A_275 = arith.index_cast %scan3A_222 : i32 to index
          %swap3A_276 = arith.constant 64 : index
          %swap3A_277 = tpu.vector_load %arg15[%swap3A_275, %swap3A_276] {strides = array<i32>} : memref<128x128xf32, #tpu.memory_space<vmem>>, vector<1x16xf32>,
          %swap3A_278 = vector.shape_cast %swap3A_277 : vector<1x16xf32> to vector<16xf32>
          %swap3A_279 = vector.shape_cast %max3A_274 : vector<16xf32> to vector<1x16xf32>
          tpu.vector_store %arg15[%swap3A_275, %swap3A_276], %swap3A_279 {strides = array<i32>} : memref<128x128xf32, #tpu.memory_space<vmem>>, vector<1x16xf32>,
          %get3A_280 = arith.index_cast %scan3A_222 : i32 to index
          %get3A_281 = arith.constant 80 : index
          %get3A_282 = tpu.vector_load %arg15[%get3A_280, %get3A_281] {strides = array<i32>} : memref<128x128xf32, #tpu.memory_space<vmem>>, vector<1x16xf32>,
          %get3A_283 = vector.shape_cast %get3A_282 : vector<1x16xf32> to vector<16xf32>
          %max3A_284 = arith.constant 0.000000e+00 : f32
          %max3A_285 = vector.broadcast %max3A_284 : f32 to vector<16xf32>
          %max3A_286 = arith.maximumf %get3A_283, %max3A_285 : vector<16xf32>
          %swap3A_287 = arith.index_cast %scan3A_222 : i32 to index
          %swap3A_288 = arith.constant 80 : index
          %swap3A_289 = tpu.vector_load %arg15[%swap3A_287, %swap3A_288] {strides = array<i32>} : memref<128x128xf32, #tpu.memory_space<vmem>>, vector<1x16xf32>,
          %swap3A_290 = vector.shape_cast %swap3A_289 : vector<1x16xf32> to vector<16xf32>
          %swap3A_291 = vector.shape_cast %max3A_286 : vector<16xf32> to vector<1x16xf32>
          tpu.vector_store %arg15[%swap3A_287, %swap3A_288], %swap3A_291 {strides = array<i32>} : memref<128x128xf32, #tpu.memory_space<vmem>>, vector<1x16xf32>,
          %get3A_292 = arith.index_cast %scan3A_222 : i32 to index
          %get3A_293 = arith.constant 96 : index
          %get3A_294 = tpu.vector_load %arg15[%get3A_292, %get3A_293] {strides = array<i32>} : memref<128x128xf32, #tpu.memory_space<vmem>>, vector<1x16xf32>,
          %get3A_295 = vector.shape_cast %get3A_294 : vector<1x16xf32> to vector<16xf32>
          %max3A_296 = arith.constant 0.000000e+00 : f32
          %max3A_297 = vector.broadcast %max3A_296 : f32 to vector<16xf32>
          %max3A_298 = arith.maximumf %get3A_295, %max3A_297 : vector<16xf32>
          %swap3A_299 = arith.index_cast %scan3A_222 : i32 to index
          %swap3A_300 = arith.constant 96 : index
          %swap3A_301 = tpu.vector_load %arg15[%swap3A_299, %swap3A_300] {strides = array<i32>} : memref<128x128xf32, #tpu.memory_space<vmem>>, vector<1x16xf32>,
          %swap3A_302 = vector.shape_cast %swap3A_301 : vector<1x16xf32> to vector<16xf32>
          %swap3A_303 = vector.shape_cast %max3A_298 : vector<16xf32> to vector<1x16xf32>
          tpu.vector_store %arg15[%swap3A_299, %swap3A_300], %swap3A_303 {strides = array<i32>} : memref<128x128xf32, #tpu.memory_space<vmem>>, vector<1x16xf32>,
          %get3A_304 = arith.index_cast %scan3A_222 : i32 to index
          %get3A_305 = arith.constant 112 : index
          %get3A_306 = tpu.vector_load %arg15[%get3A_304, %get3A_305] {strides = array<i32>} : memref<128x128xf32, #tpu.memory_space<vmem>>, vector<1x16xf32>,
          %get3A_307 = vector.shape_cast %get3A_306 : vector<1x16xf32> to vector<16xf32>
          %max3A_308 = arith.constant 0.000000e+00 : f32
          %max3A_309 = vector.broadcast %max3A_308 : f32 to vector<16xf32>
          %max3A_310 = arith.maximumf %get3A_307, %max3A_309 : vector<16xf32>
          %swap3A_311 = arith.index_cast %scan3A_222 : i32 to index
          %swap3A_312 = arith.constant 112 : index
          %swap3A_313 = tpu.vector_load %arg15[%swap3A_311, %swap3A_312] {strides = array<i32>} : memref<128x128xf32, #tpu.memory_space<vmem>>, vector<1x16xf32>,
          %swap3A_314 = vector.shape_cast %swap3A_313 : vector<1x16xf32> to vector<16xf32>
          %swap3A_315 = vector.shape_cast %max3A_310 : vector<16xf32> to vector<1x16xf32>
          tpu.vector_store %arg15[%swap3A_311, %swap3A_312], %swap3A_315 {strides = array<i32>} : memref<128x128xf32, #tpu.memory_space<vmem>>, vector<1x16xf32>,
        }
        %scan3A_209 = arith.constant 128 : i32
        %dma_start3A_210 = arith.constant 0 : i32
        %dma_start3A_211 = arith.constant 0 : i32
        %dma_start3A_212 = tpu.memref_slice %arg12[%dma_start3A_210, %dma_start3A_211] : memref<1x128xi32, #tpu.memory_space<vmem>> -> memref<1x128xi32, #tpu.memory_space<vmem>>
        %dma_start3A_213 = tpu.memref_squeeze %dma_start3A_212 : memref<1x128xi32, #tpu.memory_space<vmem>> -> memref<128xi32, #tpu.memory_space<vmem>>
        %dma_start3A_214 = arith.constant 0 : i32
        %dma_start3A_215 = arith.constant 0 : i32
        %dma_start3A_216 = tpu.memref_slice %arg16[%dma_start3A_214, %dma_start3A_215] : memref<10000x128xf32, #tpu.memory_space<vmem_shared>> -> memref<10000x128xf32, #tpu.memory_space<vmem_shared>>
        tpu.enqueue_indirect_dma source(%arg15 : memref<128x128xf32, #tpu.memory_space<vmem>>) target(%dma_start3A_216 : memref<10000x128xf32, #tpu.memory_space<vmem_shared>>) offsets(%dma_start3A_213 : memref<128xi32, #tpu.memory_space<vmem>>) semaphore(%arg31 : memref<!tpu.dma_semaphore, #tpu.memory_space<semaphore_mem>>) {add = true}
        %ge3A_217 = arith.constant 1 : i32
        %ge3A_218 = arith.cmpi sge, %add3A_181, %ge3A_217 : i32
        %convert_element_type3A_219 = arith.extui %ge3A_218 : i1 to i32
        %cond3A_220 = arith.constant 0 : i32
        %cond3A_221 = arith.cmpi ne, %convert_element_type3A_219, %cond3A_220 : i32
        scf.if %cond3A_221 {
          %dma_wait3A_222 = arith.constant 0 : i32
          %dma_wait3A_223 = arith.constant 0 : i32
          %dma_wait3A_224 = tpu.memref_slice %arg11[%dma_wait3A_222, %dma_wait3A_223] : memref<1x128xi32, #tpu.memory_space<vmem>> -> memref<1x128xi32, #tpu.memory_space<vmem>>
          %dma_wait3A_225 = tpu.memref_squeeze %dma_wait3A_224 : memref<1x128xi32, #tpu.memory_space<vmem>> -> memref<128xi32, #tpu.memory_space<vmem>>
          %dma_wait3A_226 = arith.constant 0 : i32
          %dma_wait3A_227 = arith.constant 0 : i32
          %dma_wait3A_228 = tpu.memref_slice %arg16[%dma_wait3A_226, %dma_wait3A_227] : memref<10000x128xf32, #tpu.memory_space<vmem_shared>> -> memref<10000x128xf32, #tpu.memory_space<vmem_shared>>
          tpu.wait_indirect_dma semaphore(%arg26 : memref<!tpu.dma_semaphore, #tpu.memory_space<semaphore_mem>>) src(%arg14 : memref<128x128xf32, #tpu.memory_space<vmem>>) dst(%dma_wait3A_228 : memref<10000x128xf32, #tpu.memory_space<vmem_shared>>)
          %add3A_229 = arith.constant 64 : i32
          %add3A_230 = arith.addi %add3A_184, %add3A_229 : i32
          %lt3A_231 = arith.constant 2500 : i32
          %lt3A_232 = arith.cmpi slt, %add3A_230, %lt3A_231 : i32
          %convert_element_type3A_233 = arith.extui %lt3A_232 : i1 to i32
          %cond3A_234 = arith.constant 0 : i32
          %cond3A_235 = arith.cmpi ne, %convert_element_type3A_233, %cond3A_234 : i32
          scf.if %cond3A_235 {
            %add3A_236 = arith.constant 64 : i32
            %add3A_237 = arith.addi %add3A_184, %add3A_236 : i32
            %dma_start3A_238 = arith.constant 0 : i32
            %dma_start3A_239 = tpu.memref_slice %arg3[%add3A_237, %dma_start3A_238] : memref<2500x128xi32, #tpu.memory_space<hbm>> -> memref<1x128xi32, #tpu.memory_space<hbm>>
            %dma_start3A_240 = arith.constant 0 : i32
            %dma_start3A_241 = tpu.memref_slice %arg3[%add3A_237, %dma_start3A_240] : memref<2500x128xi32, #tpu.memory_space<hbm>> -> memref<1x128xi32, #tpu.memory_space<hbm>>
            tpu.enqueue_dma source(%dma_start3A_241 : memref<1x128xi32, #tpu.memory_space<hbm>>) target(%arg8 : memref<1x128xi32, #tpu.memory_space<vmem>>) target_semaphore(%arg22 : memref<!tpu.dma_semaphore, #tpu.memory_space<semaphore_mem>>)
            %dma_start3A_242 = arith.constant 0 : i32
            %dma_start3A_243 = tpu.memref_slice %arg4[%add3A_237, %dma_start3A_242] : memref<2500x128xi32, #tpu.memory_space<hbm>> -> memref<1x128xi32, #tpu.memory_space<hbm>>
            %dma_start3A_244 = arith.constant 0 : i32
            %dma_start3A_245 = tpu.memref_slice %arg4[%add3A_237, %dma_start3A_244] : memref<2500x128xi32, #tpu.memory_space<hbm>> -> memref<1x128xi32, #tpu.memory_space<hbm>>
            tpu.enqueue_dma source(%dma_start3A_245 : memref<1x128xi32, #tpu.memory_space<hbm>>) target(%arg11 : memref<1x128xi32, #tpu.memory_space<vmem>>) target_semaphore(%arg23 : memref<!tpu.dma_semaphore, #tpu.memory_space<semaphore_mem>>)
            %mul3A_246 = arith.constant 128 : i32
            %mul3A_247 = arith.muli %add3A_237, %mul3A_246 : i32
            %dma_start3A_248 = arith.constant 0 : i32
            %dma_start3A_249 = tpu.memref_slice %arg2[%mul3A_247, %dma_start3A_248] : memref<320000x128xf32, #tpu.memory_space<hbm>> -> memref<128x128xf32, #tpu.memory_space<hbm>>
            %dma_start3A_250 = arith.constant 0 : i32
            %dma_start3A_251 = tpu.memref_slice %arg2[%mul3A_247, %dma_start3A_250] : memref<320000x128xf32, #tpu.memory_space<hbm>> -> memref<128x128xf32, #tpu.memory_space<hbm>>
            tpu.enqueue_dma source(%dma_start3A_251 : memref<128x128xf32, #tpu.memory_space<hbm>>) target(%arg14 : memref<128x128xf32, #tpu.memory_space<vmem>>) target_semaphore(%arg24 : memref<!tpu.dma_semaphore, #tpu.memory_space<semaphore_mem>>)
          } else {
          }
        } else {
        }
      } else {
      }
    }
    %scan3A_98 = arith.constant 27 : i32
    %lt3A = arith.constant 4 : i32
    %lt3A_99 = arith.cmpi slt, %add3A, %lt3A : i32
    %convert_element_type3A_100 = arith.extui %lt3A_99 : i1 to i32
    %cond3A_101 = arith.constant 0 : i32
    %cond3A_102 = arith.cmpi ne, %convert_element_type3A_100, %cond3A_101 : i32
    scf.if %cond3A_102 {
      %dma_wait3A_153 = arith.constant 0 : i32
      %dma_wait3A_154 = arith.constant 0 : i32
      %dma_wait3A_155 = tpu.memref_slice %arg10[%dma_wait3A_153, %dma_wait3A_154] : memref<1x128xi32, #tpu.memory_space<vmem>> -> memref<1x128xi32, #tpu.memory_space<vmem>>
      %dma_wait3A_156 = tpu.memref_squeeze %dma_wait3A_155 : memref<1x128xi32, #tpu.memory_space<vmem>> -> memref<128xi32, #tpu.memory_space<vmem>>
      %dma_wait3A_157 = arith.constant 0 : i32
      %dma_wait3A_158 = arith.constant 0 : i32
      %dma_wait3A_159 = tpu.memref_slice %arg16[%dma_wait3A_157, %dma_wait3A_158] : memref<10000x128xf32, #tpu.memory_space<vmem_shared>> -> memref<10000x128xf32, #tpu.memory_space<vmem_shared>>
      tpu.wait_indirect_dma semaphore(%arg21 : memref<!tpu.dma_semaphore, #tpu.memory_space<semaphore_mem>>) src(%arg13 : memref<128x128xf32, #tpu.memory_space<vmem>>) dst(%dma_wait3A_159 : memref<10000x128xf32, #tpu.memory_space<vmem_shared>>)
    } else {
    }
    %ge3A = arith.constant 4 : i32
    %ge3A_103 = arith.cmpi sge, %add3A, %ge3A : i32
    %convert_element_type3A_104 = arith.extui %ge3A_103 : i1 to i32
    %cond3A_105 = arith.constant 0 : i32
    %cond3A_106 = arith.cmpi ne, %convert_element_type3A_104, %cond3A_105 : i32
    scf.if %cond3A_106 {
      %dma_wait3A_153 = arith.constant 0 : i32
      %dma_wait3A_154 = arith.constant 0 : i32
      %dma_wait3A_155 = tpu.memref_slice %arg12[%dma_wait3A_153, %dma_wait3A_154] : memref<1x128xi32, #tpu.memory_space<vmem>> -> memref<1x128xi32, #tpu.memory_space<vmem>>
      %dma_wait3A_156 = tpu.memref_squeeze %dma_wait3A_155 : memref<1x128xi32, #tpu.memory_space<vmem>> -> memref<128xi32, #tpu.memory_space<vmem>>
      %dma_wait3A_157 = arith.constant 0 : i32
      %dma_wait3A_158 = arith.constant 0 : i32
      %dma_wait3A_159 = tpu.memref_slice %arg16[%dma_wait3A_157, %dma_wait3A_158] : memref<10000x128xf32, #tpu.memory_space<vmem_shared>> -> memref<10000x128xf32, #tpu.memory_space<vmem_shared>>
      tpu.wait_indirect_dma semaphore(%arg31 : memref<!tpu.dma_semaphore, #tpu.memory_space<semaphore_mem>>) src(%arg15 : memref<128x128xf32, #tpu.memory_space<vmem>>) dst(%dma_wait3A_159 : memref<10000x128xf32, #tpu.memory_space<vmem_shared>>)
    } else {
    }
    %barrier3A_107 = arith.constant 0 : index
    tpu.barrier barrier_id(%barrier3A_107)
    %mul3A_108 = arith.constant 624 : i32
    %mul3A_109 = arith.muli %arg1, %mul3A_108 : i32
    %add3A_110 = arith.constant 0 : i32
    %add3A_111 = arith.addi %mul3A_109, %add3A_110 : i32
    %mul3A_112 = arith.constant 624 : i32
    %mul3A_113 = arith.muli %arg1, %mul3A_112 : i32
    %add3A_114 = arith.constant 0 : i32
    %add3A_115 = arith.addi %mul3A_113, %add3A_114 : i32
    "tpu.region"() ({
      %run_scoped3A = tpu.sem_alloc : memref<!tpu.dma_semaphore, #tpu.memory_space<semaphore_mem>>
      %dma_start3A_153 = arith.constant 0 : i32
      %dma_start3A_154 = tpu.memref_slice %arg6[%arg0, %add3A_115, %dma_start3A_153] : memref<2x10000x128xf32, #tpu.memory_space<hbm>> -> memref<1x128x128xf32, #tpu.memory_space<hbm>>
      %dma_start3A_155 = tpu.memref_squeeze %dma_start3A_154 : memref<1x128x128xf32, #tpu.memory_space<hbm>> -> memref<128x128xf32, #tpu.memory_space<hbm>>
      %dma_start3A_156 = arith.constant 0 : i32
      %dma_start3A_157 = tpu.memref_slice %arg16[%add3A_111, %dma_start3A_156] : memref<10000x128xf32, #tpu.memory_space<vmem_shared>> -> memref<128x128xf32, #tpu.memory_space<vmem_shared>>
      tpu.enqueue_dma source(%dma_start3A_157 : memref<128x128xf32, #tpu.memory_space<vmem_shared>>) target(%dma_start3A_155 : memref<128x128xf32, #tpu.memory_space<hbm>>) target_semaphore(%run_scoped3A : memref<!tpu.dma_semaphore, #tpu.memory_space<semaphore_mem>>)
      %dma_wait3A_158 = arith.constant 0 : i32
      %dma_wait3A_159 = tpu.memref_slice %arg6[%arg0, %add3A_115, %dma_wait3A_158] : memref<2x10000x128xf32, #tpu.memory_space<hbm>> -> memref<1x128x128xf32, #tpu.memory_space<hbm>>
      %dma_wait3A_160 = tpu.memref_squeeze %dma_wait3A_159 : memref<1x128x128xf32, #tpu.memory_space<hbm>> -> memref<128x128xf32, #tpu.memory_space<hbm>>
      %dma_wait3A_161 = arith.constant 0 : i32
      %dma_wait3A_162 = tpu.memref_slice %arg16[%add3A_111, %dma_wait3A_161] : memref<10000x128xf32, #tpu.memory_space<vmem_shared>> -> memref<128x128xf32, #tpu.memory_space<vmem_shared>>
      tpu.wait_dma2 semaphore(%run_scoped3A : memref<!tpu.dma_semaphore, #tpu.memory_space<semaphore_mem>>) src(%dma_wait3A_162 : memref<128x128xf32, #tpu.memory_space<vmem_shared>>) dst(%dma_wait3A_160 : memref<128x128xf32, #tpu.memory_space<hbm>>)
      tpu.yield
    }) : () -> ()
    %mul3A_116 = arith.constant 624 : i32
    %mul3A_117 = arith.muli %arg1, %mul3A_116 : i32
    %add3A_118 = arith.constant 128 : i32
    %add3A_119 = arith.addi %mul3A_117, %add3A_118 : i32
    %mul3A_120 = arith.constant 624 : i32
    %mul3A_121 = arith.muli %arg1, %mul3A_120 : i32
    %add3A_122 = arith.constant 128 : i32
    %add3A_123 = arith.addi %mul3A_121, %add3A_122 : i32
    "tpu.region"() ({
      %run_scoped3A = tpu.sem_alloc : memref<!tpu.dma_semaphore, #tpu.memory_space<semaphore_mem>>
      %dma_start3A_153 = arith.constant 0 : i32
      %dma_start3A_154 = tpu.memref_slice %arg6[%arg0, %add3A_123, %dma_start3A_153] : memref<2x10000x128xf32, #tpu.memory_space<hbm>> -> memref<1x128x128xf32, #tpu.memory_space<hbm>>
      %dma_start3A_155 = tpu.memref_squeeze %dma_start3A_154 : memref<1x128x128xf32, #tpu.memory_space<hbm>> -> memref<128x128xf32, #tpu.memory_space<hbm>>
      %dma_start3A_156 = arith.constant 0 : i32
      %dma_start3A_157 = tpu.memref_slice %arg16[%add3A_119, %dma_start3A_156] : memref<10000x128xf32, #tpu.memory_space<vmem_shared>> -> memref<128x128xf32, #tpu.memory_space<vmem_shared>>
      tpu.enqueue_dma source(%dma_start3A_157 : memref<128x128xf32, #tpu.memory_space<vmem_shared>>) target(%dma_start3A_155 : memref<128x128xf32, #tpu.memory_space<hbm>>) target_semaphore(%run_scoped3A : memref<!tpu.dma_semaphore, #tpu.memory_space<semaphore_mem>>)
      %dma_wait3A_158 = arith.constant 0 : i32
      %dma_wait3A_159 = tpu.memref_slice %arg6[%arg0, %add3A_123, %dma_wait3A_158] : memref<2x10000x128xf32, #tpu.memory_space<hbm>> -> memref<1x128x128xf32, #tpu.memory_space<hbm>>
      %dma_wait3A_160 = tpu.memref_squeeze %dma_wait3A_159 : memref<1x128x128xf32, #tpu.memory_space<hbm>> -> memref<128x128xf32, #tpu.memory_space<hbm>>
      %dma_wait3A_161 = arith.constant 0 : i32
      %dma_wait3A_162 = tpu.memref_slice %arg16[%add3A_119, %dma_wait3A_161] : memref<10000x128xf32, #tpu.memory_space<vmem_shared>> -> memref<128x128xf32, #tpu.memory_space<vmem_shared>>
      tpu.wait_dma2 semaphore(%run_scoped3A : memref<!tpu.dma_semaphore, #tpu.memory_space<semaphore_mem>>) src(%dma_wait3A_162 : memref<128x128xf32, #tpu.memory_space<vmem_shared>>) dst(%dma_wait3A_160 : memref<128x128xf32, #tpu.memory_space<hbm>>)
      tpu.yield
    }) : () -> ()
    %mul3A_124 = arith.constant 624 : i32
    %mul3A_125 = arith.muli %arg1, %mul3A_124 : i32
    %add3A_126 = arith.constant 256 : i32
    %add3A_127 = arith.addi %mul3A_125, %add3A_126 : i32
    %mul3A_128 = arith.constant 624 : i32
    %mul3A_129 = arith.muli %arg1, %mul3A_128 : i32
    %add3A_130 = arith.constant 256 : i32
    %add3A_131 = arith.addi %mul3A_129, %add3A_130 : i32
    "tpu.region"() ({
      %run_scoped3A = tpu.sem_alloc : memref<!tpu.dma_semaphore, #tpu.memory_space<semaphore_mem>>
      %dma_start3A_153 = arith.constant 0 : i32
      %dma_start3A_154 = tpu.memref_slice %arg6[%arg0, %add3A_131, %dma_start3A_153] : memref<2x10000x128xf32, #tpu.memory_space<hbm>> -> memref<1x128x128xf32, #tpu.memory_space<hbm>>
      %dma_start3A_155 = tpu.memref_squeeze %dma_start3A_154 : memref<1x128x128xf32, #tpu.memory_space<hbm>> -> memref<128x128xf32, #tpu.memory_space<hbm>>
      %dma_start3A_156 = arith.constant 0 : i32
      %dma_start3A_157 = tpu.memref_slice %arg16[%add3A_127, %dma_start3A_156] : memref<10000x128xf32, #tpu.memory_space<vmem_shared>> -> memref<128x128xf32, #tpu.memory_space<vmem_shared>>
      tpu.enqueue_dma source(%dma_start3A_157 : memref<128x128xf32, #tpu.memory_space<vmem_shared>>) target(%dma_start3A_155 : memref<128x128xf32, #tpu.memory_space<hbm>>) target_semaphore(%run_scoped3A : memref<!tpu.dma_semaphore, #tpu.memory_space<semaphore_mem>>)
      %dma_wait3A_158 = arith.constant 0 : i32
      %dma_wait3A_159 = tpu.memref_slice %arg6[%arg0, %add3A_131, %dma_wait3A_158] : memref<2x10000x128xf32, #tpu.memory_space<hbm>> -> memref<1x128x128xf32, #tpu.memory_space<hbm>>
      %dma_wait3A_160 = tpu.memref_squeeze %dma_wait3A_159 : memref<1x128x128xf32, #tpu.memory_space<hbm>> -> memref<128x128xf32, #tpu.memory_space<hbm>>
      %dma_wait3A_161 = arith.constant 0 : i32
      %dma_wait3A_162 = tpu.memref_slice %arg16[%add3A_127, %dma_wait3A_161] : memref<10000x128xf32, #tpu.memory_space<vmem_shared>> -> memref<128x128xf32, #tpu.memory_space<vmem_shared>>
      tpu.wait_dma2 semaphore(%run_scoped3A : memref<!tpu.dma_semaphore, #tpu.memory_space<semaphore_mem>>) src(%dma_wait3A_162 : memref<128x128xf32, #tpu.memory_space<vmem_shared>>) dst(%dma_wait3A_160 : memref<128x128xf32, #tpu.memory_space<hbm>>)
      tpu.yield
    }) : () -> ()
    %mul3A_132 = arith.constant 624 : i32
    %mul3A_133 = arith.muli %arg1, %mul3A_132 : i32
    %add3A_134 = arith.constant 384 : i32
    %add3A_135 = arith.addi %mul3A_133, %add3A_134 : i32
    %mul3A_136 = arith.constant 624 : i32
    %mul3A_137 = arith.muli %arg1, %mul3A_136 : i32
    %add3A_138 = arith.constant 384 : i32
    %add3A_139 = arith.addi %mul3A_137, %add3A_138 : i32
    "tpu.region"() ({
      %run_scoped3A = tpu.sem_alloc : memref<!tpu.dma_semaphore, #tpu.memory_space<semaphore_mem>>
      %dma_start3A_153 = arith.constant 0 : i32
      %dma_start3A_154 = tpu.memref_slice %arg6[%arg0, %add3A_139, %dma_start3A_153] : memref<2x10000x128xf32, #tpu.memory_space<hbm>> -> memref<1x128x128xf32, #tpu.memory_space<hbm>>
      %dma_start3A_155 = tpu.memref_squeeze %dma_start3A_154 : memref<1x128x128xf32, #tpu.memory_space<hbm>> -> memref<128x128xf32, #tpu.memory_space<hbm>>
      %dma_start3A_156 = arith.constant 0 : i32
      %dma_start3A_157 = tpu.memref_slice %arg16[%add3A_135, %dma_start3A_156] : memref<10000x128xf32, #tpu.memory_space<vmem_shared>> -> memref<128x128xf32, #tpu.memory_space<vmem_shared>>
      tpu.enqueue_dma source(%dma_start3A_157 : memref<128x128xf32, #tpu.memory_space<vmem_shared>>) target(%dma_start3A_155 : memref<128x128xf32, #tpu.memory_space<hbm>>) target_semaphore(%run_scoped3A : memref<!tpu.dma_semaphore, #tpu.memory_space<semaphore_mem>>)
      %dma_wait3A_158 = arith.constant 0 : i32
      %dma_wait3A_159 = tpu.memref_slice %arg6[%arg0, %add3A_139, %dma_wait3A_158] : memref<2x10000x128xf32, #tpu.memory_space<hbm>> -> memref<1x128x128xf32, #tpu.memory_space<hbm>>
      %dma_wait3A_160 = tpu.memref_squeeze %dma_wait3A_159 : memref<1x128x128xf32, #tpu.memory_space<hbm>> -> memref<128x128xf32, #tpu.memory_space<hbm>>
      %dma_wait3A_161 = arith.constant 0 : i32
      %dma_wait3A_162 = tpu.memref_slice %arg16[%add3A_135, %dma_wait3A_161] : memref<10000x128xf32, #tpu.memory_space<vmem_shared>> -> memref<128x128xf32, #tpu.memory_space<vmem_shared>>
      tpu.wait_dma2 semaphore(%run_scoped3A : memref<!tpu.dma_semaphore, #tpu.memory_space<semaphore_mem>>) src(%dma_wait3A_162 : memref<128x128xf32, #tpu.memory_space<vmem_shared>>) dst(%dma_wait3A_160 : memref<128x128xf32, #tpu.memory_space<hbm>>)
      tpu.yield
    }) : () -> ()
    %mul3A_140 = arith.constant 624 : i32
    %mul3A_141 = arith.muli %arg1, %mul3A_140 : i32
    %add3A_142 = arith.constant 512 : i32
    %add3A_143 = arith.addi %mul3A_141, %add3A_142 : i32
    %mul3A_144 = arith.constant 624 : i32
    %mul3A_145 = arith.muli %arg1, %mul3A_144 : i32
    %add3A_146 = arith.constant 512 : i32
    %add3A_147 = arith.addi %mul3A_145, %add3A_146 : i32
    "tpu.region"() ({
      %run_scoped3A = tpu.sem_alloc : memref<!tpu.dma_semaphore, #tpu.memory_space<semaphore_mem>>
      %dma_start3A_153 = arith.constant 0 : i32
      %dma_start3A_154 = tpu.memref_slice %arg6[%arg0, %add3A_147, %dma_start3A_153] : memref<2x10000x128xf32, #tpu.memory_space<hbm>> -> memref<1x112x128xf32, #tpu.memory_space<hbm>>
      %dma_start3A_155 = tpu.memref_squeeze %dma_start3A_154 : memref<1x112x128xf32, #tpu.memory_space<hbm>> -> memref<112x128xf32, #tpu.memory_space<hbm>>
      %dma_start3A_156 = arith.constant 0 : i32
      %dma_start3A_157 = tpu.memref_slice %arg16[%add3A_143, %dma_start3A_156] : memref<10000x128xf32, #tpu.memory_space<vmem_shared>> -> memref<112x128xf32, #tpu.memory_space<vmem_shared>>
      tpu.enqueue_dma source(%dma_start3A_157 : memref<112x128xf32, #tpu.memory_space<vmem_shared>>) target(%dma_start3A_155 : memref<112x128xf32, #tpu.memory_space<hbm>>) target_semaphore(%run_scoped3A : memref<!tpu.dma_semaphore, #tpu.memory_space<semaphore_mem>>)
      %dma_wait3A_158 = arith.constant 0 : i32
      %dma_wait3A_159 = tpu.memref_slice %arg6[%arg0, %add3A_147, %dma_wait3A_158] : memref<2x10000x128xf32, #tpu.memory_space<hbm>> -> memref<1x112x128xf32, #tpu.memory_space<hbm>>
      %dma_wait3A_160 = tpu.memref_squeeze %dma_wait3A_159 : memref<1x112x128xf32, #tpu.memory_space<hbm>> -> memref<112x128xf32, #tpu.memory_space<hbm>>
      %dma_wait3A_161 = arith.constant 0 : i32
      %dma_wait3A_162 = tpu.memref_slice %arg16[%add3A_143, %dma_wait3A_161] : memref<10000x128xf32, #tpu.memory_space<vmem_shared>> -> memref<112x128xf32, #tpu.memory_space<vmem_shared>>
      tpu.wait_dma2 semaphore(%run_scoped3A : memref<!tpu.dma_semaphore, #tpu.memory_space<semaphore_mem>>) src(%dma_wait3A_162 : memref<112x128xf32, #tpu.memory_space<vmem_shared>>) dst(%dma_wait3A_160 : memref<112x128xf32, #tpu.memory_space<hbm>>)
      tpu.yield
    }) : () -> ()
    %eq3A_148 = arith.constant 15 : i32
    %eq3A_149 = arith.cmpi eq, %arg1, %eq3A_148 : i32
    %convert_element_type3A_150 = arith.extui %eq3A_149 : i1 to i32
    %cond3A_151 = arith.constant 0 : i32
    %cond3A_152 = arith.cmpi ne, %convert_element_type3A_150, %cond3A_151 : i32
    scf.if %cond3A_152 {
      "tpu.region"() ({
        %run_scoped3A = tpu.sem_alloc : memref<!tpu.dma_semaphore, #tpu.memory_space<semaphore_mem>>
        %dma_start3A_153 = arith.constant 9984 : i32
        %dma_start3A_154 = arith.constant 0 : i32
        %dma_start3A_155 = tpu.memref_slice %arg6[%arg0, %dma_start3A_153, %dma_start3A_154] : memref<2x10000x128xf32, #tpu.memory_space<hbm>> -> memref<1x16x128xf32, #tpu.memory_space<hbm>>
        %dma_start3A_156 = tpu.memref_squeeze %dma_start3A_155 : memref<1x16x128xf32, #tpu.memory_space<hbm>> -> memref<16x128xf32, #tpu.memory_space<hbm>>
        %dma_start3A_157 = arith.constant 9984 : i32
        %dma_start3A_158 = arith.constant 0 : i32
        %dma_start3A_159 = tpu.memref_slice %arg16[%dma_start3A_157, %dma_start3A_158] : memref<10000x128xf32, #tpu.memory_space<vmem_shared>> -> memref<16x128xf32, #tpu.memory_space<vmem_shared>>
        tpu.enqueue_dma source(%dma_start3A_159 : memref<16x128xf32, #tpu.memory_space<vmem_shared>>) target(%dma_start3A_156 : memref<16x128xf32, #tpu.memory_space<hbm>>) target_semaphore(%run_scoped3A : memref<!tpu.dma_semaphore, #tpu.memory_space<semaphore_mem>>)
        %dma_wait3A_160 = arith.constant 9984 : i32
        %dma_wait3A_161 = arith.constant 0 : i32
        %dma_wait3A_162 = tpu.memref_slice %arg6[%arg0, %dma_wait3A_160, %dma_wait3A_161] : memref<2x10000x128xf32, #tpu.memory_space<hbm>> -> memref<1x16x128xf32, #tpu.memory_space<hbm>>
        %dma_wait3A_163 = tpu.memref_squeeze %dma_wait3A_162 : memref<1x16x128xf32, #tpu.memory_space<hbm>> -> memref<16x128xf32, #tpu.memory_space<hbm>>
        %dma_wait3A_164 = arith.constant 9984 : i32
        %dma_wait3A_165 = arith.constant 0 : i32
        %dma_wait3A_166 = tpu.memref_slice %arg16[%dma_wait3A_164, %dma_wait3A_165] : memref<10000x128xf32, #tpu.memory_space<vmem_shared>> -> memref<16x128xf32, #tpu.memory_space<vmem_shared>>
        tpu.wait_dma2 semaphore(%run_scoped3A : memref<!tpu.dma_semaphore, #tpu.memory_space<semaphore_mem>>) src(%dma_wait3A_166 : memref<16x128xf32, #tpu.memory_space<vmem_shared>>) dst(%dma_wait3A_163 : memref<16x128xf32, #tpu.memory_space<hbm>>)
        tpu.yield
      }) : () -> ()
    } else {
    }
    return
  }
}

#map = affine_map<(d0, d1) -> (0, 0)>
#map1 = affine_map<(d0, d1) -> (0, 0, 0)>
module attributes {stable_mosaic.version = 14 : i64} {
  func.func @_sc_body(%arg0: i32, %arg1: i32, %arg2: memref<320000x128xf32, #tpu.memory_space<hbm>>, %arg3: memref<2500x128xi32, #tpu.memory_space<hbm>>, %arg4: memref<2500x128xi32, #tpu.memory_space<hbm>>, %arg5: memref<10000x128xf32, #tpu.memory_space<hbm>>, %arg6: memref<2x10000x128xf32, #tpu.memory_space<hbm>>, %arg7: memref<1x128xi32, #tpu.memory_space<vmem>>, %arg8: memref<1x128xi32, #tpu.memory_space<vmem>>, %arg9: memref<1x128xi32, #tpu.memory_space<vmem>>, %arg10: memref<1x128xi32, #tpu.memory_space<vmem>>, %arg11: memref<1x128xi32, #tpu.memory_space<vmem>>, %arg12: memref<1x128xi32, #tpu.memory_space<vmem>>, %arg13: memref<128x128xf32, #tpu.memory_space<vmem>>, %arg14: memref<128x128xf32, #tpu.memory_space<vmem>>, %arg15: memref<128x128xf32, #tpu.memory_space<vmem>>, %arg16: memref<10000x128xf32, #tpu.memory_space<vmem_shared>>, %arg17: memref<!tpu.dma_semaphore, #tpu.memory_space<semaphore_mem>>, %arg18: memref<!tpu.dma_semaphore, #tpu.memory_space<semaphore_mem>>, %arg19: memref<!tpu.dma_semaphore, #tpu.memory_space<semaphore_mem>>, %arg20: memref<!tpu.dma_semaphore, #tpu.memory_space<semaphore_mem>>, %arg21: memref<!tpu.dma_semaphore, #tpu.memory_space<semaphore_mem>>, %arg22: memref<!tpu.dma_semaphore, #tpu.memory_space<semaphore_mem>>, %arg23: memref<!tpu.dma_semaphore, #tpu.memory_space<semaphore_mem>>, %arg24: memref<!tpu.dma_semaphore, #tpu.memory_space<semaphore_mem>>, %arg25: memref<!tpu.dma_semaphore, #tpu.memory_space<semaphore_mem>>, %arg26: memref<!tpu.dma_semaphore, #tpu.memory_space<semaphore_mem>>, %arg27: memref<!tpu.dma_semaphore, #tpu.memory_space<semaphore_mem>>, %arg28: memref<!tpu.dma_semaphore, #tpu.memory_space<semaphore_mem>>, %arg29: memref<!tpu.dma_semaphore, #tpu.memory_space<semaphore_mem>>, %arg30: memref<!tpu.dma_semaphore, #tpu.memory_space<semaphore_mem>>, %arg31: memref<!tpu.dma_semaphore, #tpu.memory_space<semaphore_mem>>) attributes {dimension_semantics = [#tpu.dimension_semantics<core_parallel>, #tpu.dimension_semantics<subcore_parallel>], iteration_bounds = array<i64: 2, 16>, scalar_prefetch = 0 : i64, scratch_operands = 25 : i64, tpu.core_type = #tpu.core_type<sc_vector_subcore>, window_params = [{transform_indices = #map}, {transform_indices = #map}, {transform_indices = #map}, {transform_indices = #map}, {transform_indices = #map1}]} {
    %mul3A = arith.constant 2 : i32
    %mul3A_0 = arith.muli %arg1, %mul3A : i32
    %add3A = arith.addi %mul3A_0, %arg0 : i32
    %scan3A = arith.constant 0 : i32
    %scan3A_1 = arith.constant 0 : i32
    %scan3A_2 = arith.constant 128 : i32
    %scan3A_3 = arith.addi %scan3A_1, %scan3A_2 : i32
    %scan3A_4 = arith.constant 1 : i32
    scf.for %scan3A_133 = %scan3A_1 to %scan3A_3 step %scan3A_4  : i32 {
      %broadcast_in_dim3A = arith.constant 0.000000e+00 : f32
      %broadcast_in_dim3A_134 = vector.broadcast %broadcast_in_dim3A : f32 to vector<16xf32>
      %swap3A = arith.index_cast %scan3A_133 : i32 to index
      %swap3A_135 = arith.constant 0 : index
      %swap3A_136 = tpu.vector_load %arg13[%swap3A, %swap3A_135] {strides = array<i32>} : memref<128x128xf32, #tpu.memory_space<vmem>>, vector<1x16xf32>,
      %swap3A_137 = vector.shape_cast %swap3A_136 : vector<1x16xf32> to vector<16xf32>
      %swap3A_138 = vector.shape_cast %broadcast_in_dim3A_134 : vector<16xf32> to vector<1x16xf32>
      tpu.vector_store %arg13[%swap3A, %swap3A_135], %swap3A_138 {strides = array<i32>} : memref<128x128xf32, #tpu.memory_space<vmem>>, vector<1x16xf32>,
      %broadcast_in_dim3A_139 = arith.constant 0.000000e+00 : f32
      %broadcast_in_dim3A_140 = vector.broadcast %broadcast_in_dim3A_139 : f32 to vector<16xf32>
      %swap3A_141 = arith.index_cast %scan3A_133 : i32 to index
      %swap3A_142 = arith.constant 16 : index
      %swap3A_143 = tpu.vector_load %arg13[%swap3A_141, %swap3A_142] {strides = array<i32>} : memref<128x128xf32, #tpu.memory_space<vmem>>, vector<1x16xf32>,
      %swap3A_144 = vector.shape_cast %swap3A_143 : vector<1x16xf32> to vector<16xf32>
      %swap3A_145 = vector.shape_cast %broadcast_in_dim3A_140 : vector<16xf32> to vector<1x16xf32>
      tpu.vector_store %arg13[%swap3A_141, %swap3A_142], %swap3A_145 {strides = array<i32>} : memref<128x128xf32, #tpu.memory_space<vmem>>, vector<1x16xf32>,
      %broadcast_in_dim3A_146 = arith.constant 0.000000e+00 : f32
      %broadcast_in_dim3A_147 = vector.broadcast %broadcast_in_dim3A_146 : f32 to vector<16xf32>
      %swap3A_148 = arith.index_cast %scan3A_133 : i32 to index
      %swap3A_149 = arith.constant 32 : index
      %swap3A_150 = tpu.vector_load %arg13[%swap3A_148, %swap3A_149] {strides = array<i32>} : memref<128x128xf32, #tpu.memory_space<vmem>>, vector<1x16xf32>,
      %swap3A_151 = vector.shape_cast %swap3A_150 : vector<1x16xf32> to vector<16xf32>
      %swap3A_152 = vector.shape_cast %broadcast_in_dim3A_147 : vector<16xf32> to vector<1x16xf32>
      tpu.vector_store %arg13[%swap3A_148, %swap3A_149], %swap3A_152 {strides = array<i32>} : memref<128x128xf32, #tpu.memory_space<vmem>>, vector<1x16xf32>,
      %broadcast_in_dim3A_153 = arith.constant 0.000000e+00 : f32
      %broadcast_in_dim3A_154 = vector.broadcast %broadcast_in_dim3A_153 : f32 to vector<16xf32>
      %swap3A_155 = arith.index_cast %scan3A_133 : i32 to index
      %swap3A_156 = arith.constant 48 : index
      %swap3A_157 = tpu.vector_load %arg13[%swap3A_155, %swap3A_156] {strides = array<i32>} : memref<128x128xf32, #tpu.memory_space<vmem>>, vector<1x16xf32>,
      %swap3A_158 = vector.shape_cast %swap3A_157 : vector<1x16xf32> to vector<16xf32>
      %swap3A_159 = vector.shape_cast %broadcast_in_dim3A_154 : vector<16xf32> to vector<1x16xf32>
      tpu.vector_store %arg13[%swap3A_155, %swap3A_156], %swap3A_159 {strides = array<i32>} : memref<128x128xf32, #tpu.memory_space<vmem>>, vector<1x16xf32>,
      %broadcast_in_dim3A_160 = arith.constant 0.000000e+00 : f32
      %broadcast_in_dim3A_161 = vector.broadcast %broadcast_in_dim3A_160 : f32 to vector<16xf32>
      %swap3A_162 = arith.index_cast %scan3A_133 : i32 to index
      %swap3A_163 = arith.constant 64 : index
      %swap3A_164 = tpu.vector_load %arg13[%swap3A_162, %swap3A_163] {strides = array<i32>} : memref<128x128xf32, #tpu.memory_space<vmem>>, vector<1x16xf32>,
      %swap3A_165 = vector.shape_cast %swap3A_164 : vector<1x16xf32> to vector<16xf32>
      %swap3A_166 = vector.shape_cast %broadcast_in_dim3A_161 : vector<16xf32> to vector<1x16xf32>
      tpu.vector_store %arg13[%swap3A_162, %swap3A_163], %swap3A_166 {strides = array<i32>} : memref<128x128xf32, #tpu.memory_space<vmem>>, vector<1x16xf32>,
      %broadcast_in_dim3A_167 = arith.constant 0.000000e+00 : f32
      %broadcast_in_dim3A_168 = vector.broadcast %broadcast_in_dim3A_167 : f32 to vector<16xf32>
      %swap3A_169 = arith.index_cast %scan3A_133 : i32 to index
      %swap3A_170 = arith.constant 80 : index
      %swap3A_171 = tpu.vector_load %arg13[%swap3A_169, %swap3A_170] {strides = array<i32>} : memref<128x128xf32, #tpu.memory_space<vmem>>, vector<1x16xf32>,
      %swap3A_172 = vector.shape_cast %swap3A_171 : vector<1x16xf32> to vector<16xf32>
      %swap3A_173 = vector.shape_cast %broadcast_in_dim3A_168 : vector<16xf32> to vector<1x16xf32>
      tpu.vector_store %arg13[%swap3A_169, %swap3A_170], %swap3A_173 {strides = array<i32>} : memref<128x128xf32, #tpu.memory_space<vmem>>, vector<1x16xf32>,
      %broadcast_in_dim3A_174 = arith.constant 0.000000e+00 : f32
      %broadcast_in_dim3A_175 = vector.broadcast %broadcast_in_dim3A_174 : f32 to vector<16xf32>
      %swap3A_176 = arith.index_cast %scan3A_133 : i32 to index
      %swap3A_177 = arith.constant 96 : index
      %swap3A_178 = tpu.vector_load %arg13[%swap3A_176, %swap3A_177] {strides = array<i32>} : memref<128x128xf32, #tpu.memory_space<vmem>>, vector<1x16xf32>,
      %swap3A_179 = vector.shape_cast %swap3A_178 : vector<1x16xf32> to vector<16xf32>
      %swap3A_180 = vector.shape_cast %broadcast_in_dim3A_175 : vector<16xf32> to vector<1x16xf32>
      tpu.vector_store %arg13[%swap3A_176, %swap3A_177], %swap3A_180 {strides = array<i32>} : memref<128x128xf32, #tpu.memory_space<vmem>>, vector<1x16xf32>,
      %broadcast_in_dim3A_181 = arith.constant 0.000000e+00 : f32
      %broadcast_in_dim3A_182 = vector.broadcast %broadcast_in_dim3A_181 : f32 to vector<16xf32>
      %swap3A_183 = arith.index_cast %scan3A_133 : i32 to index
      %swap3A_184 = arith.constant 112 : index
      %swap3A_185 = tpu.vector_load %arg13[%swap3A_183, %swap3A_184] {strides = array<i32>} : memref<128x128xf32, #tpu.memory_space<vmem>>, vector<1x16xf32>,
      %swap3A_186 = vector.shape_cast %swap3A_185 : vector<1x16xf32> to vector<16xf32>
      %swap3A_187 = vector.shape_cast %broadcast_in_dim3A_182 : vector<16xf32> to vector<1x16xf32>
      tpu.vector_store %arg13[%swap3A_183, %swap3A_184], %swap3A_187 {strides = array<i32>} : memref<128x128xf32, #tpu.memory_space<vmem>>, vector<1x16xf32>,
    }
    %scan3A_5 = arith.constant 128 : i32
    %mul3A_6 = arith.constant 624 : i32
    %mul3A_7 = arith.muli %arg1, %mul3A_6 : i32
    %add3A_8 = arith.constant 0 : i32
    %add3A_9 = arith.addi %mul3A_7, %add3A_8 : i32
    "tpu.region"() ({
      %run_scoped3A = tpu.sem_alloc : memref<!tpu.dma_semaphore, #tpu.memory_space<semaphore_mem>>
      %dma_start3A_133 = arith.constant 0 : i32
      %dma_start3A_134 = arith.constant 0 : i32
      %dma_start3A_135 = tpu.memref_slice %arg13[%dma_start3A_133, %dma_start3A_134] : memref<128x128xf32, #tpu.memory_space<vmem>> -> memref<128x128xf32, #tpu.memory_space<vmem>>
      %dma_start3A_136 = arith.constant 0 : i32
      %dma_start3A_137 = tpu.memref_slice %arg16[%add3A_9, %dma_start3A_136] : memref<10000x128xf32, #tpu.memory_space<vmem_shared>> -> memref<128x128xf32, #tpu.memory_space<vmem_shared>>
      %dma_start3A_138 = arith.constant 0 : i32
      %dma_start3A_139 = tpu.memref_slice %arg16[%add3A_9, %dma_start3A_138] : memref<10000x128xf32, #tpu.memory_space<vmem_shared>> -> memref<128x128xf32, #tpu.memory_space<vmem_shared>>
      %dma_start3A_140 = arith.constant 0 : i32
      %dma_start3A_141 = arith.constant 0 : i32
      %dma_start3A_142 = tpu.memref_slice %arg13[%dma_start3A_140, %dma_start3A_141] : memref<128x128xf32, #tpu.memory_space<vmem>> -> memref<128x128xf32, #tpu.memory_space<vmem>>
      tpu.enqueue_dma source(%dma_start3A_142 : memref<128x128xf32, #tpu.memory_space<vmem>>) target(%dma_start3A_139 : memref<128x128xf32, #tpu.memory_space<vmem_shared>>) target_semaphore(%run_scoped3A : memref<!tpu.dma_semaphore, #tpu.memory_space<semaphore_mem>>)
      %dma_wait3A = arith.constant 0 : i32
      %dma_wait3A_143 = arith.constant 0 : i32
      %dma_wait3A_144 = tpu.memref_slice %arg13[%dma_wait3A, %dma_wait3A_143] : memref<128x128xf32, #tpu.memory_space<vmem>> -> memref<128x128xf32, #tpu.memory_space<vmem>>
      %dma_wait3A_145 = arith.constant 0 : i32
      %dma_wait3A_146 = tpu.memref_slice %arg16[%add3A_9, %dma_wait3A_145] : memref<10000x128xf32, #tpu.memory_space<vmem_shared>> -> memref<128x128xf32, #tpu.memory_space<vmem_shared>>
      %dma_wait3A_147 = arith.constant 0 : i32
      %dma_wait3A_148 = tpu.memref_slice %arg16[%add3A_9, %dma_wait3A_147] : memref<10000x128xf32, #tpu.memory_space<vmem_shared>> -> memref<128x128xf32, #tpu.memory_space<vmem_shared>>
      %dma_wait3A_149 = arith.constant 0 : i32
      %dma_wait3A_150 = arith.constant 0 : i32
      %dma_wait3A_151 = tpu.memref_slice %arg13[%dma_wait3A_149, %dma_wait3A_150] : memref<128x128xf32, #tpu.memory_space<vmem>> -> memref<128x128xf32, #tpu.memory_space<vmem>>
      tpu.wait_dma2 semaphore(%run_scoped3A : memref<!tpu.dma_semaphore, #tpu.memory_space<semaphore_mem>>) src(%dma_wait3A_151 : memref<128x128xf32, #tpu.memory_space<vmem>>) dst(%dma_wait3A_148 : memref<128x128xf32, #tpu.memory_space<vmem_shared>>)
      tpu.yield
    }) : () -> ()
    %mul3A_10 = arith.constant 624 : i32
    %mul3A_11 = arith.muli %arg1, %mul3A_10 : i32
    %add3A_12 = arith.constant 128 : i32
    %add3A_13 = arith.addi %mul3A_11, %add3A_12 : i32
    "tpu.region"() ({
      %run_scoped3A = tpu.sem_alloc : memref<!tpu.dma_semaphore, #tpu.memory_space<semaphore_mem>>
      %dma_start3A_133 = arith.constant 0 : i32
      %dma_start3A_134 = arith.constant 0 : i32
      %dma_start3A_135 = tpu.memref_slice %arg13[%dma_start3A_133, %dma_start3A_134] : memref<128x128xf32, #tpu.memory_space<vmem>> -> memref<128x128xf32, #tpu.memory_space<vmem>>
      %dma_start3A_136 = arith.constant 0 : i32
      %dma_start3A_137 = tpu.memref_slice %arg16[%add3A_13, %dma_start3A_136] : memref<10000x128xf32, #tpu.memory_space<vmem_shared>> -> memref<128x128xf32, #tpu.memory_space<vmem_shared>>
      %dma_start3A_138 = arith.constant 0 : i32
      %dma_start3A_139 = tpu.memref_slice %arg16[%add3A_13, %dma_start3A_138] : memref<10000x128xf32, #tpu.memory_space<vmem_shared>> -> memref<128x128xf32, #tpu.memory_space<vmem_shared>>
      %dma_start3A_140 = arith.constant 0 : i32
      %dma_start3A_141 = arith.constant 0 : i32
      %dma_start3A_142 = tpu.memref_slice %arg13[%dma_start3A_140, %dma_start3A_141] : memref<128x128xf32, #tpu.memory_space<vmem>> -> memref<128x128xf32, #tpu.memory_space<vmem>>
      tpu.enqueue_dma source(%dma_start3A_142 : memref<128x128xf32, #tpu.memory_space<vmem>>) target(%dma_start3A_139 : memref<128x128xf32, #tpu.memory_space<vmem_shared>>) target_semaphore(%run_scoped3A : memref<!tpu.dma_semaphore, #tpu.memory_space<semaphore_mem>>)
      %dma_wait3A = arith.constant 0 : i32
      %dma_wait3A_143 = arith.constant 0 : i32
      %dma_wait3A_144 = tpu.memref_slice %arg13[%dma_wait3A, %dma_wait3A_143] : memref<128x128xf32, #tpu.memory_space<vmem>> -> memref<128x128xf32, #tpu.memory_space<vmem>>
      %dma_wait3A_145 = arith.constant 0 : i32
      %dma_wait3A_146 = tpu.memref_slice %arg16[%add3A_13, %dma_wait3A_145] : memref<10000x128xf32, #tpu.memory_space<vmem_shared>> -> memref<128x128xf32, #tpu.memory_space<vmem_shared>>
      %dma_wait3A_147 = arith.constant 0 : i32
      %dma_wait3A_148 = tpu.memref_slice %arg16[%add3A_13, %dma_wait3A_147] : memref<10000x128xf32, #tpu.memory_space<vmem_shared>> -> memref<128x128xf32, #tpu.memory_space<vmem_shared>>
      %dma_wait3A_149 = arith.constant 0 : i32
      %dma_wait3A_150 = arith.constant 0 : i32
      %dma_wait3A_151 = tpu.memref_slice %arg13[%dma_wait3A_149, %dma_wait3A_150] : memref<128x128xf32, #tpu.memory_space<vmem>> -> memref<128x128xf32, #tpu.memory_space<vmem>>
      tpu.wait_dma2 semaphore(%run_scoped3A : memref<!tpu.dma_semaphore, #tpu.memory_space<semaphore_mem>>) src(%dma_wait3A_151 : memref<128x128xf32, #tpu.memory_space<vmem>>) dst(%dma_wait3A_148 : memref<128x128xf32, #tpu.memory_space<vmem_shared>>)
      tpu.yield
    }) : () -> ()
    %mul3A_14 = arith.constant 624 : i32
    %mul3A_15 = arith.muli %arg1, %mul3A_14 : i32
    %add3A_16 = arith.constant 256 : i32
    %add3A_17 = arith.addi %mul3A_15, %add3A_16 : i32
    "tpu.region"() ({
      %run_scoped3A = tpu.sem_alloc : memref<!tpu.dma_semaphore, #tpu.memory_space<semaphore_mem>>
      %dma_start3A_133 = arith.constant 0 : i32
      %dma_start3A_134 = arith.constant 0 : i32
      %dma_start3A_135 = tpu.memref_slice %arg13[%dma_start3A_133, %dma_start3A_134] : memref<128x128xf32, #tpu.memory_space<vmem>> -> memref<128x128xf32, #tpu.memory_space<vmem>>
      %dma_start3A_136 = arith.constant 0 : i32
      %dma_start3A_137 = tpu.memref_slice %arg16[%add3A_17, %dma_start3A_136] : memref<10000x128xf32, #tpu.memory_space<vmem_shared>> -> memref<128x128xf32, #tpu.memory_space<vmem_shared>>
      %dma_start3A_138 = arith.constant 0 : i32
      %dma_start3A_139 = tpu.memref_slice %arg16[%add3A_17, %dma_start3A_138] : memref<10000x128xf32, #tpu.memory_space<vmem_shared>> -> memref<128x128xf32, #tpu.memory_space<vmem_shared>>
      %dma_start3A_140 = arith.constant 0 : i32
      %dma_start3A_141 = arith.constant 0 : i32
      %dma_start3A_142 = tpu.memref_slice %arg13[%dma_start3A_140, %dma_start3A_141] : memref<128x128xf32, #tpu.memory_space<vmem>> -> memref<128x128xf32, #tpu.memory_space<vmem>>
      tpu.enqueue_dma source(%dma_start3A_142 : memref<128x128xf32, #tpu.memory_space<vmem>>) target(%dma_start3A_139 : memref<128x128xf32, #tpu.memory_space<vmem_shared>>) target_semaphore(%run_scoped3A : memref<!tpu.dma_semaphore, #tpu.memory_space<semaphore_mem>>)
      %dma_wait3A = arith.constant 0 : i32
      %dma_wait3A_143 = arith.constant 0 : i32
      %dma_wait3A_144 = tpu.memref_slice %arg13[%dma_wait3A, %dma_wait3A_143] : memref<128x128xf32, #tpu.memory_space<vmem>> -> memref<128x128xf32, #tpu.memory_space<vmem>>
      %dma_wait3A_145 = arith.constant 0 : i32
      %dma_wait3A_146 = tpu.memref_slice %arg16[%add3A_17, %dma_wait3A_145] : memref<10000x128xf32, #tpu.memory_space<vmem_shared>> -> memref<128x128xf32, #tpu.memory_space<vmem_shared>>
      %dma_wait3A_147 = arith.constant 0 : i32
      %dma_wait3A_148 = tpu.memref_slice %arg16[%add3A_17, %dma_wait3A_147] : memref<10000x128xf32, #tpu.memory_space<vmem_shared>> -> memref<128x128xf32, #tpu.memory_space<vmem_shared>>
      %dma_wait3A_149 = arith.constant 0 : i32
      %dma_wait3A_150 = arith.constant 0 : i32
      %dma_wait3A_151 = tpu.memref_slice %arg13[%dma_wait3A_149, %dma_wait3A_150] : memref<128x128xf32, #tpu.memory_space<vmem>> -> memref<128x128xf32, #tpu.memory_space<vmem>>
      tpu.wait_dma2 semaphore(%run_scoped3A : memref<!tpu.dma_semaphore, #tpu.memory_space<semaphore_mem>>) src(%dma_wait3A_151 : memref<128x128xf32, #tpu.memory_space<vmem>>) dst(%dma_wait3A_148 : memref<128x128xf32, #tpu.memory_space<vmem_shared>>)
      tpu.yield
    }) : () -> ()
    %mul3A_18 = arith.constant 624 : i32
    %mul3A_19 = arith.muli %arg1, %mul3A_18 : i32
    %add3A_20 = arith.constant 384 : i32
    %add3A_21 = arith.addi %mul3A_19, %add3A_20 : i32
    "tpu.region"() ({
      %run_scoped3A = tpu.sem_alloc : memref<!tpu.dma_semaphore, #tpu.memory_space<semaphore_mem>>
      %dma_start3A_133 = arith.constant 0 : i32
      %dma_start3A_134 = arith.constant 0 : i32
      %dma_start3A_135 = tpu.memref_slice %arg13[%dma_start3A_133, %dma_start3A_134] : memref<128x128xf32, #tpu.memory_space<vmem>> -> memref<128x128xf32, #tpu.memory_space<vmem>>
      %dma_start3A_136 = arith.constant 0 : i32
      %dma_start3A_137 = tpu.memref_slice %arg16[%add3A_21, %dma_start3A_136] : memref<10000x128xf32, #tpu.memory_space<vmem_shared>> -> memref<128x128xf32, #tpu.memory_space<vmem_shared>>
      %dma_start3A_138 = arith.constant 0 : i32
      %dma_start3A_139 = tpu.memref_slice %arg16[%add3A_21, %dma_start3A_138] : memref<10000x128xf32, #tpu.memory_space<vmem_shared>> -> memref<128x128xf32, #tpu.memory_space<vmem_shared>>
      %dma_start3A_140 = arith.constant 0 : i32
      %dma_start3A_141 = arith.constant 0 : i32
      %dma_start3A_142 = tpu.memref_slice %arg13[%dma_start3A_140, %dma_start3A_141] : memref<128x128xf32, #tpu.memory_space<vmem>> -> memref<128x128xf32, #tpu.memory_space<vmem>>
      tpu.enqueue_dma source(%dma_start3A_142 : memref<128x128xf32, #tpu.memory_space<vmem>>) target(%dma_start3A_139 : memref<128x128xf32, #tpu.memory_space<vmem_shared>>) target_semaphore(%run_scoped3A : memref<!tpu.dma_semaphore, #tpu.memory_space<semaphore_mem>>)
      %dma_wait3A = arith.constant 0 : i32
      %dma_wait3A_143 = arith.constant 0 : i32
      %dma_wait3A_144 = tpu.memref_slice %arg13[%dma_wait3A, %dma_wait3A_143] : memref<128x128xf32, #tpu.memory_space<vmem>> -> memref<128x128xf32, #tpu.memory_space<vmem>>
      %dma_wait3A_145 = arith.constant 0 : i32
      %dma_wait3A_146 = tpu.memref_slice %arg16[%add3A_21, %dma_wait3A_145] : memref<10000x128xf32, #tpu.memory_space<vmem_shared>> -> memref<128x128xf32, #tpu.memory_space<vmem_shared>>
      %dma_wait3A_147 = arith.constant 0 : i32
      %dma_wait3A_148 = tpu.memref_slice %arg16[%add3A_21, %dma_wait3A_147] : memref<10000x128xf32, #tpu.memory_space<vmem_shared>> -> memref<128x128xf32, #tpu.memory_space<vmem_shared>>
      %dma_wait3A_149 = arith.constant 0 : i32
      %dma_wait3A_150 = arith.constant 0 : i32
      %dma_wait3A_151 = tpu.memref_slice %arg13[%dma_wait3A_149, %dma_wait3A_150] : memref<128x128xf32, #tpu.memory_space<vmem>> -> memref<128x128xf32, #tpu.memory_space<vmem>>
      tpu.wait_dma2 semaphore(%run_scoped3A : memref<!tpu.dma_semaphore, #tpu.memory_space<semaphore_mem>>) src(%dma_wait3A_151 : memref<128x128xf32, #tpu.memory_space<vmem>>) dst(%dma_wait3A_148 : memref<128x128xf32, #tpu.memory_space<vmem_shared>>)
      tpu.yield
    }) : () -> ()
    %mul3A_22 = arith.constant 624 : i32
    %mul3A_23 = arith.muli %arg1, %mul3A_22 : i32
    %add3A_24 = arith.constant 512 : i32
    %add3A_25 = arith.addi %mul3A_23, %add3A_24 : i32
    "tpu.region"() ({
      %run_scoped3A = tpu.sem_alloc : memref<!tpu.dma_semaphore, #tpu.memory_space<semaphore_mem>>
      %dma_start3A_133 = arith.constant 0 : i32
      %dma_start3A_134 = arith.constant 0 : i32
      %dma_start3A_135 = tpu.memref_slice %arg13[%dma_start3A_133, %dma_start3A_134] : memref<128x128xf32, #tpu.memory_space<vmem>> -> memref<112x128xf32, #tpu.memory_space<vmem>>
      %dma_start3A_136 = arith.constant 0 : i32
      %dma_start3A_137 = tpu.memref_slice %arg16[%add3A_25, %dma_start3A_136] : memref<10000x128xf32, #tpu.memory_space<vmem_shared>> -> memref<112x128xf32, #tpu.memory_space<vmem_shared>>
      %dma_start3A_138 = arith.constant 0 : i32
      %dma_start3A_139 = tpu.memref_slice %arg16[%add3A_25, %dma_start3A_138] : memref<10000x128xf32, #tpu.memory_space<vmem_shared>> -> memref<112x128xf32, #tpu.memory_space<vmem_shared>>
      %dma_start3A_140 = arith.constant 0 : i32
      %dma_start3A_141 = arith.constant 0 : i32
      %dma_start3A_142 = tpu.memref_slice %arg13[%dma_start3A_140, %dma_start3A_141] : memref<128x128xf32, #tpu.memory_space<vmem>> -> memref<112x128xf32, #tpu.memory_space<vmem>>
      tpu.enqueue_dma source(%dma_start3A_142 : memref<112x128xf32, #tpu.memory_space<vmem>>) target(%dma_start3A_139 : memref<112x128xf32, #tpu.memory_space<vmem_shared>>) target_semaphore(%run_scoped3A : memref<!tpu.dma_semaphore, #tpu.memory_space<semaphore_mem>>)
      %dma_wait3A = arith.constant 0 : i32
      %dma_wait3A_143 = arith.constant 0 : i32
      %dma_wait3A_144 = tpu.memref_slice %arg13[%dma_wait3A, %dma_wait3A_143] : memref<128x128xf32, #tpu.memory_space<vmem>> -> memref<112x128xf32, #tpu.memory_space<vmem>>
      %dma_wait3A_145 = arith.constant 0 : i32
      %dma_wait3A_146 = tpu.memref_slice %arg16[%add3A_25, %dma_wait3A_145] : memref<10000x128xf32, #tpu.memory_space<vmem_shared>> -> memref<112x128xf32, #tpu.memory_space<vmem_shared>>
      %dma_wait3A_147 = arith.constant 0 : i32
      %dma_wait3A_148 = tpu.memref_slice %arg16[%add3A_25, %dma_wait3A_147] : memref<10000x128xf32, #tpu.memory_space<vmem_shared>> -> memref<112x128xf32, #tpu.memory_space<vmem_shared>>
      %dma_wait3A_149 = arith.constant 0 : i32
      %dma_wait3A_150 = arith.constant 0 : i32
      %dma_wait3A_151 = tpu.memref_slice %arg13[%dma_wait3A_149, %dma_wait3A_150] : memref<128x128xf32, #tpu.memory_space<vmem>> -> memref<112x128xf32, #tpu.memory_space<vmem>>
      tpu.wait_dma2 semaphore(%run_scoped3A : memref<!tpu.dma_semaphore, #tpu.memory_space<semaphore_mem>>) src(%dma_wait3A_151 : memref<112x128xf32, #tpu.memory_space<vmem>>) dst(%dma_wait3A_148 : memref<112x128xf32, #tpu.memory_space<vmem_shared>>)
      tpu.yield
    }) : () -> ()
    %eq3A = arith.constant 15 : i32
    %eq3A_26 = arith.cmpi eq, %arg1, %eq3A : i32
    %convert_element_type3A = arith.extui %eq3A_26 : i1 to i32
    %cond3A = arith.constant 0 : i32
    %cond3A_27 = arith.cmpi ne, %convert_element_type3A, %cond3A : i32
    scf.if %cond3A_27 {
      "tpu.region"() ({
        %run_scoped3A = tpu.sem_alloc : memref<!tpu.dma_semaphore, #tpu.memory_space<semaphore_mem>>
        %dma_start3A_133 = arith.constant 0 : i32
        %dma_start3A_134 = arith.constant 0 : i32
        %dma_start3A_135 = tpu.memref_slice %arg13[%dma_start3A_133, %dma_start3A_134] : memref<128x128xf32, #tpu.memory_space<vmem>> -> memref<16x128xf32, #tpu.memory_space<vmem>>
        %dma_start3A_136 = arith.constant 9984 : i32
        %dma_start3A_137 = arith.constant 0 : i32
        %dma_start3A_138 = tpu.memref_slice %arg16[%dma_start3A_136, %dma_start3A_137] : memref<10000x128xf32, #tpu.memory_space<vmem_shared>> -> memref<16x128xf32, #tpu.memory_space<vmem_shared>>
        %dma_start3A_139 = arith.constant 9984 : i32
        %dma_start3A_140 = arith.constant 0 : i32
        %dma_start3A_141 = tpu.memref_slice %arg16[%dma_start3A_139, %dma_start3A_140] : memref<10000x128xf32, #tpu.memory_space<vmem_shared>> -> memref<16x128xf32, #tpu.memory_space<vmem_shared>>
        %dma_start3A_142 = arith.constant 0 : i32
        %dma_start3A_143 = arith.constant 0 : i32
        %dma_start3A_144 = tpu.memref_slice %arg13[%dma_start3A_142, %dma_start3A_143] : memref<128x128xf32, #tpu.memory_space<vmem>> -> memref<16x128xf32, #tpu.memory_space<vmem>>
        tpu.enqueue_dma source(%dma_start3A_144 : memref<16x128xf32, #tpu.memory_space<vmem>>) target(%dma_start3A_141 : memref<16x128xf32, #tpu.memory_space<vmem_shared>>) target_semaphore(%run_scoped3A : memref<!tpu.dma_semaphore, #tpu.memory_space<semaphore_mem>>)
        %dma_wait3A = arith.constant 0 : i32
        %dma_wait3A_145 = arith.constant 0 : i32
        %dma_wait3A_146 = tpu.memref_slice %arg13[%dma_wait3A, %dma_wait3A_145] : memref<128x128xf32, #tpu.memory_space<vmem>> -> memref<16x128xf32, #tpu.memory_space<vmem>>
        %dma_wait3A_147 = arith.constant 9984 : i32
        %dma_wait3A_148 = arith.constant 0 : i32
        %dma_wait3A_149 = tpu.memref_slice %arg16[%dma_wait3A_147, %dma_wait3A_148] : memref<10000x128xf32, #tpu.memory_space<vmem_shared>> -> memref<16x128xf32, #tpu.memory_space<vmem_shared>>
        %dma_wait3A_150 = arith.constant 9984 : i32
        %dma_wait3A_151 = arith.constant 0 : i32
        %dma_wait3A_152 = tpu.memref_slice %arg16[%dma_wait3A_150, %dma_wait3A_151] : memref<10000x128xf32, #tpu.memory_space<vmem_shared>> -> memref<16x128xf32, #tpu.memory_space<vmem_shared>>
        %dma_wait3A_153 = arith.constant 0 : i32
        %dma_wait3A_154 = arith.constant 0 : i32
        %dma_wait3A_155 = tpu.memref_slice %arg13[%dma_wait3A_153, %dma_wait3A_154] : memref<128x128xf32, #tpu.memory_space<vmem>> -> memref<16x128xf32, #tpu.memory_space<vmem>>
        tpu.wait_dma2 semaphore(%run_scoped3A : memref<!tpu.dma_semaphore, #tpu.memory_space<semaphore_mem>>) src(%dma_wait3A_155 : memref<16x128xf32, #tpu.memory_space<vmem>>) dst(%dma_wait3A_152 : memref<16x128xf32, #tpu.memory_space<vmem_shared>>)
        tpu.yield
      }) : () -> ()
    } else {
    }
    %barrier3A = arith.constant 0 : index
    tpu.barrier barrier_id(%barrier3A)
    %dma_start3A = arith.constant 0 : i32
    %dma_start3A_28 = tpu.memref_slice %arg3[%add3A, %dma_start3A] : memref<2500x128xi32, #tpu.memory_space<hbm>> -> memref<1x128xi32, #tpu.memory_space<hbm>>
    %dma_start3A_29 = arith.constant 0 : i32
    %dma_start3A_30 = tpu.memref_slice %arg3[%add3A, %dma_start3A_29] : memref<2500x128xi32, #tpu.memory_space<hbm>> -> memref<1x128xi32, #tpu.memory_space<hbm>>
    tpu.enqueue_dma source(%dma_start3A_30 : memref<1x128xi32, #tpu.memory_space<hbm>>) target(%arg7 : memref<1x128xi32, #tpu.memory_space<vmem>>) target_semaphore(%arg17 : memref<!tpu.dma_semaphore, #tpu.memory_space<semaphore_mem>>)
    %dma_start3A_31 = arith.constant 0 : i32
    %dma_start3A_32 = tpu.memref_slice %arg4[%add3A, %dma_start3A_31] : memref<2500x128xi32, #tpu.memory_space<hbm>> -> memref<1x128xi32, #tpu.memory_space<hbm>>
    %dma_start3A_33 = arith.constant 0 : i32
    %dma_start3A_34 = tpu.memref_slice %arg4[%add3A, %dma_start3A_33] : memref<2500x128xi32, #tpu.memory_space<hbm>> -> memref<1x128xi32, #tpu.memory_space<hbm>>
    tpu.enqueue_dma source(%dma_start3A_34 : memref<1x128xi32, #tpu.memory_space<hbm>>) target(%arg10 : memref<1x128xi32, #tpu.memory_space<vmem>>) target_semaphore(%arg18 : memref<!tpu.dma_semaphore, #tpu.memory_space<semaphore_mem>>)
    %mul3A_35 = arith.constant 128 : i32
    %mul3A_36 = arith.muli %add3A, %mul3A_35 : i32
    %dma_start3A_37 = arith.constant 0 : i32
    %dma_start3A_38 = tpu.memref_slice %arg2[%mul3A_36, %dma_start3A_37] : memref<320000x128xf32, #tpu.memory_space<hbm>> -> memref<128x128xf32, #tpu.memory_space<hbm>>
    %dma_start3A_39 = arith.constant 0 : i32
    %dma_start3A_40 = tpu.memref_slice %arg2[%mul3A_36, %dma_start3A_39] : memref<320000x128xf32, #tpu.memory_space<hbm>> -> memref<128x128xf32, #tpu.memory_space<hbm>>
    tpu.enqueue_dma source(%dma_start3A_40 : memref<128x128xf32, #tpu.memory_space<hbm>>) target(%arg13 : memref<128x128xf32, #tpu.memory_space<vmem>>) target_semaphore(%arg19 : memref<!tpu.dma_semaphore, #tpu.memory_space<semaphore_mem>>)
    %add3A_41 = arith.constant 32 : i32
    %add3A_42 = arith.addi %add3A, %add3A_41 : i32
    %dma_start3A_43 = arith.constant 0 : i32
    %dma_start3A_44 = tpu.memref_slice %arg3[%add3A_42, %dma_start3A_43] : memref<2500x128xi32, #tpu.memory_space<hbm>> -> memref<1x128xi32, #tpu.memory_space<hbm>>
    %dma_start3A_45 = arith.constant 0 : i32
    %dma_start3A_46 = tpu.memref_slice %arg3[%add3A_42, %dma_start3A_45] : memref<2500x128xi32, #tpu.memory_space<hbm>> -> memref<1x128xi32, #tpu.memory_space<hbm>>
    tpu.enqueue_dma source(%dma_start3A_46 : memref<1x128xi32, #tpu.memory_space<hbm>>) target(%arg8 : memref<1x128xi32, #tpu.memory_space<vmem>>) target_semaphore(%arg22 : memref<!tpu.dma_semaphore, #tpu.memory_space<semaphore_mem>>)
    %dma_start3A_47 = arith.constant 0 : i32
    %dma_start3A_48 = tpu.memref_slice %arg4[%add3A_42, %dma_start3A_47] : memref<2500x128xi32, #tpu.memory_space<hbm>> -> memref<1x128xi32, #tpu.memory_space<hbm>>
    %dma_start3A_49 = arith.constant 0 : i32
    %dma_start3A_50 = tpu.memref_slice %arg4[%add3A_42, %dma_start3A_49] : memref<2500x128xi32, #tpu.memory_space<hbm>> -> memref<1x128xi32, #tpu.memory_space<hbm>>
    tpu.enqueue_dma source(%dma_start3A_50 : memref<1x128xi32, #tpu.memory_space<hbm>>) target(%arg11 : memref<1x128xi32, #tpu.memory_space<vmem>>) target_semaphore(%arg23 : memref<!tpu.dma_semaphore, #tpu.memory_space<semaphore_mem>>)
    %mul3A_51 = arith.constant 128 : i32
    %mul3A_52 = arith.muli %add3A_42, %mul3A_51 : i32
    %dma_start3A_53 = arith.constant 0 : i32
    %dma_start3A_54 = tpu.memref_slice %arg2[%mul3A_52, %dma_start3A_53] : memref<320000x128xf32, #tpu.memory_space<hbm>> -> memref<128x128xf32, #tpu.memory_space<hbm>>
    %dma_start3A_55 = arith.constant 0 : i32
    %dma_start3A_56 = tpu.memref_slice %arg2[%mul3A_52, %dma_start3A_55] : memref<320000x128xf32, #tpu.memory_space<hbm>> -> memref<128x128xf32, #tpu.memory_space<hbm>>
    tpu.enqueue_dma source(%dma_start3A_56 : memref<128x128xf32, #tpu.memory_space<hbm>>) target(%arg14 : memref<128x128xf32, #tpu.memory_space<vmem>>) target_semaphore(%arg24 : memref<!tpu.dma_semaphore, #tpu.memory_space<semaphore_mem>>)
    %add3A_57 = arith.constant 64 : i32
    %add3A_58 = arith.addi %add3A, %add3A_57 : i32
    %dma_start3A_59 = arith.constant 0 : i32
    %dma_start3A_60 = tpu.memref_slice %arg3[%add3A_58, %dma_start3A_59] : memref<2500x128xi32, #tpu.memory_space<hbm>> -> memref<1x128xi32, #tpu.memory_space<hbm>>
    %dma_start3A_61 = arith.constant 0 : i32
    %dma_start3A_62 = tpu.memref_slice %arg3[%add3A_58, %dma_start3A_61] : memref<2500x128xi32, #tpu.memory_space<hbm>> -> memref<1x128xi32, #tpu.memory_space<hbm>>
    tpu.enqueue_dma source(%dma_start3A_62 : memref<1x128xi32, #tpu.memory_space<hbm>>) target(%arg9 : memref<1x128xi32, #tpu.memory_space<vmem>>) target_semaphore(%arg27 : memref<!tpu.dma_semaphore, #tpu.memory_space<semaphore_mem>>)
    %dma_start3A_63 = arith.constant 0 : i32
    %dma_start3A_64 = tpu.memref_slice %arg4[%add3A_58, %dma_start3A_63] : memref<2500x128xi32, #tpu.memory_space<hbm>> -> memref<1x128xi32, #tpu.memory_space<hbm>>
    %dma_start3A_65 = arith.constant 0 : i32
    %dma_start3A_66 = tpu.memref_slice %arg4[%add3A_58, %dma_start3A_65] : memref<2500x128xi32, #tpu.memory_space<hbm>> -> memref<1x128xi32, #tpu.memory_space<hbm>>
    tpu.enqueue_dma source(%dma_start3A_66 : memref<1x128xi32, #tpu.memory_space<hbm>>) target(%arg12 : memref<1x128xi32, #tpu.memory_space<vmem>>) target_semaphore(%arg28 : memref<!tpu.dma_semaphore, #tpu.memory_space<semaphore_mem>>)
    %mul3A_67 = arith.constant 128 : i32
    %mul3A_68 = arith.muli %add3A_58, %mul3A_67 : i32
    %dma_start3A_69 = arith.constant 0 : i32
    %dma_start3A_70 = tpu.memref_slice %arg2[%mul3A_68, %dma_start3A_69] : memref<320000x128xf32, #tpu.memory_space<hbm>> -> memref<128x128xf32, #tpu.memory_space<hbm>>
    %dma_start3A_71 = arith.constant 0 : i32
    %dma_start3A_72 = tpu.memref_slice %arg2[%mul3A_68, %dma_start3A_71] : memref<320000x128xf32, #tpu.memory_space<hbm>> -> memref<128x128xf32, #tpu.memory_space<hbm>>
    tpu.enqueue_dma source(%dma_start3A_72 : memref<128x128xf32, #tpu.memory_space<hbm>>) target(%arg15 : memref<128x128xf32, #tpu.memory_space<vmem>>) target_semaphore(%arg29 : memref<!tpu.dma_semaphore, #tpu.memory_space<semaphore_mem>>)
    %scan3A_73 = arith.constant 0 : i32
    %scan3A_74 = arith.constant 0 : i32
    %scan3A_75 = arith.constant 27 : i32
    %scan3A_76 = arith.addi %scan3A_74, %scan3A_75 : i32
    %scan3A_77 = arith.constant 1 : i32
    scf.for %scan3A_133 = %scan3A_74 to %scan3A_76 step %scan3A_77  : i32 {
      %mul3A_134 = arith.constant 3 : i32
      %mul3A_135 = arith.muli %mul3A_134, %scan3A_133 : i32
      %add3A_136 = arith.constant 0 : i32
      %add3A_137 = arith.addi %mul3A_135, %add3A_136 : i32
      %mul3A_138 = arith.constant 32 : i32
      %mul3A_139 = arith.muli %add3A_137, %mul3A_138 : i32
      %add3A_140 = arith.addi %add3A, %mul3A_139 : i32
      %lt3A_141 = arith.constant 2500 : i32
      %lt3A_142 = arith.cmpi slt, %add3A_140, %lt3A_141 : i32
      %convert_element_type3A_143 = arith.extui %lt3A_142 : i1 to i32
      %cond3A_144 = arith.constant 0 : i32
      %cond3A_145 = arith.cmpi ne, %convert_element_type3A_143, %cond3A_144 : i32
      scf.if %cond3A_145 {
        %dma_wait3A = arith.constant 0 : i32
        %dma_wait3A_170 = tpu.memref_slice %arg3[%add3A_140, %dma_wait3A] : memref<2500x128xi32, #tpu.memory_space<hbm>> -> memref<1x128xi32, #tpu.memory_space<hbm>>
        %dma_wait3A_171 = arith.constant 0 : i32
        %dma_wait3A_172 = tpu.memref_slice %arg3[%add3A_140, %dma_wait3A_171] : memref<2500x128xi32, #tpu.memory_space<hbm>> -> memref<1x128xi32, #tpu.memory_space<hbm>>
        tpu.wait_dma2 semaphore(%arg17 : memref<!tpu.dma_semaphore, #tpu.memory_space<semaphore_mem>>) src(%dma_wait3A_172 : memref<1x128xi32, #tpu.memory_space<hbm>>) dst(%arg7 : memref<1x128xi32, #tpu.memory_space<vmem>>)
        %dma_wait3A_173 = arith.constant 0 : i32
        %dma_wait3A_174 = tpu.memref_slice %arg4[%add3A_140, %dma_wait3A_173] : memref<2500x128xi32, #tpu.memory_space<hbm>> -> memref<1x128xi32, #tpu.memory_space<hbm>>
        %dma_wait3A_175 = arith.constant 0 : i32
        %dma_wait3A_176 = tpu.memref_slice %arg4[%add3A_140, %dma_wait3A_175] : memref<2500x128xi32, #tpu.memory_space<hbm>> -> memref<1x128xi32, #tpu.memory_space<hbm>>
        tpu.wait_dma2 semaphore(%arg18 : memref<!tpu.dma_semaphore, #tpu.memory_space<semaphore_mem>>) src(%dma_wait3A_176 : memref<1x128xi32, #tpu.memory_space<hbm>>) dst(%arg10 : memref<1x128xi32, #tpu.memory_space<vmem>>)
        %mul3A_177 = arith.constant 128 : i32
        %mul3A_178 = arith.muli %add3A_140, %mul3A_177 : i32
        %dma_wait3A_179 = arith.constant 0 : i32
        %dma_wait3A_180 = tpu.memref_slice %arg2[%mul3A_178, %dma_wait3A_179] : memref<320000x128xf32, #tpu.memory_space<hbm>> -> memref<128x128xf32, #tpu.memory_space<hbm>>
        %dma_wait3A_181 = arith.constant 0 : i32
        %dma_wait3A_182 = tpu.memref_slice %arg2[%mul3A_178, %dma_wait3A_181] : memref<320000x128xf32, #tpu.memory_space<hbm>> -> memref<128x128xf32, #tpu.memory_space<hbm>>
        tpu.wait_dma2 semaphore(%arg19 : memref<!tpu.dma_semaphore, #tpu.memory_space<semaphore_mem>>) src(%dma_wait3A_182 : memref<128x128xf32, #tpu.memory_space<hbm>>) dst(%arg13 : memref<128x128xf32, #tpu.memory_space<vmem>>)
        %scan3A_183 = arith.constant 0 : i32
        %scan3A_184 = arith.constant 0 : i32
        %scan3A_185 = arith.constant 128 : i32
        %scan3A_186 = arith.addi %scan3A_184, %scan3A_185 : i32
        %scan3A_187 = arith.constant 1 : i32
        scf.for %scan3A_201 = %scan3A_184 to %scan3A_186 step %scan3A_187  : i32 {
          %get3A = arith.index_cast %scan3A_201 : i32 to index
          %get3A_202 = arith.constant 0 : index
          %get3A_203 = tpu.vector_load %arg13[%get3A, %get3A_202] {strides = array<i32>} : memref<128x128xf32, #tpu.memory_space<vmem>>, vector<1x16xf32>,
          %get3A_204 = vector.shape_cast %get3A_203 : vector<1x16xf32> to vector<16xf32>
          %max3A = arith.constant 0.000000e+00 : f32
          %max3A_205 = vector.broadcast %max3A : f32 to vector<16xf32>
          %max3A_206 = arith.maximumf %get3A_204, %max3A_205 : vector<16xf32>
          %swap3A = arith.index_cast %scan3A_201 : i32 to index
          %swap3A_207 = arith.constant 0 : index
          %swap3A_208 = tpu.vector_load %arg13[%swap3A, %swap3A_207] {strides = array<i32>} : memref<128x128xf32, #tpu.memory_space<vmem>>, vector<1x16xf32>,
          %swap3A_209 = vector.shape_cast %swap3A_208 : vector<1x16xf32> to vector<16xf32>
          %swap3A_210 = vector.shape_cast %max3A_206 : vector<16xf32> to vector<1x16xf32>
          tpu.vector_store %arg13[%swap3A, %swap3A_207], %swap3A_210 {strides = array<i32>} : memref<128x128xf32, #tpu.memory_space<vmem>>, vector<1x16xf32>,
          %get3A_211 = arith.index_cast %scan3A_201 : i32 to index
          %get3A_212 = arith.constant 16 : index
          %get3A_213 = tpu.vector_load %arg13[%get3A_211, %get3A_212] {strides = array<i32>} : memref<128x128xf32, #tpu.memory_space<vmem>>, vector<1x16xf32>,
          %get3A_214 = vector.shape_cast %get3A_213 : vector<1x16xf32> to vector<16xf32>
          %max3A_215 = arith.constant 0.000000e+00 : f32
          %max3A_216 = vector.broadcast %max3A_215 : f32 to vector<16xf32>
          %max3A_217 = arith.maximumf %get3A_214, %max3A_216 : vector<16xf32>
          %swap3A_218 = arith.index_cast %scan3A_201 : i32 to index
          %swap3A_219 = arith.constant 16 : index
          %swap3A_220 = tpu.vector_load %arg13[%swap3A_218, %swap3A_219] {strides = array<i32>} : memref<128x128xf32, #tpu.memory_space<vmem>>, vector<1x16xf32>,
          %swap3A_221 = vector.shape_cast %swap3A_220 : vector<1x16xf32> to vector<16xf32>
          %swap3A_222 = vector.shape_cast %max3A_217 : vector<16xf32> to vector<1x16xf32>
          tpu.vector_store %arg13[%swap3A_218, %swap3A_219], %swap3A_222 {strides = array<i32>} : memref<128x128xf32, #tpu.memory_space<vmem>>, vector<1x16xf32>,
          %get3A_223 = arith.index_cast %scan3A_201 : i32 to index
          %get3A_224 = arith.constant 32 : index
          %get3A_225 = tpu.vector_load %arg13[%get3A_223, %get3A_224] {strides = array<i32>} : memref<128x128xf32, #tpu.memory_space<vmem>>, vector<1x16xf32>,
          %get3A_226 = vector.shape_cast %get3A_225 : vector<1x16xf32> to vector<16xf32>
          %max3A_227 = arith.constant 0.000000e+00 : f32
          %max3A_228 = vector.broadcast %max3A_227 : f32 to vector<16xf32>
          %max3A_229 = arith.maximumf %get3A_226, %max3A_228 : vector<16xf32>
          %swap3A_230 = arith.index_cast %scan3A_201 : i32 to index
          %swap3A_231 = arith.constant 32 : index
          %swap3A_232 = tpu.vector_load %arg13[%swap3A_230, %swap3A_231] {strides = array<i32>} : memref<128x128xf32, #tpu.memory_space<vmem>>, vector<1x16xf32>,
          %swap3A_233 = vector.shape_cast %swap3A_232 : vector<1x16xf32> to vector<16xf32>
          %swap3A_234 = vector.shape_cast %max3A_229 : vector<16xf32> to vector<1x16xf32>
          tpu.vector_store %arg13[%swap3A_230, %swap3A_231], %swap3A_234 {strides = array<i32>} : memref<128x128xf32, #tpu.memory_space<vmem>>, vector<1x16xf32>,
          %get3A_235 = arith.index_cast %scan3A_201 : i32 to index
          %get3A_236 = arith.constant 48 : index
          %get3A_237 = tpu.vector_load %arg13[%get3A_235, %get3A_236] {strides = array<i32>} : memref<128x128xf32, #tpu.memory_space<vmem>>, vector<1x16xf32>,
          %get3A_238 = vector.shape_cast %get3A_237 : vector<1x16xf32> to vector<16xf32>
          %max3A_239 = arith.constant 0.000000e+00 : f32
          %max3A_240 = vector.broadcast %max3A_239 : f32 to vector<16xf32>
          %max3A_241 = arith.maximumf %get3A_238, %max3A_240 : vector<16xf32>
          %swap3A_242 = arith.index_cast %scan3A_201 : i32 to index
          %swap3A_243 = arith.constant 48 : index
          %swap3A_244 = tpu.vector_load %arg13[%swap3A_242, %swap3A_243] {strides = array<i32>} : memref<128x128xf32, #tpu.memory_space<vmem>>, vector<1x16xf32>,
          %swap3A_245 = vector.shape_cast %swap3A_244 : vector<1x16xf32> to vector<16xf32>
          %swap3A_246 = vector.shape_cast %max3A_241 : vector<16xf32> to vector<1x16xf32>
          tpu.vector_store %arg13[%swap3A_242, %swap3A_243], %swap3A_246 {strides = array<i32>} : memref<128x128xf32, #tpu.memory_space<vmem>>, vector<1x16xf32>,
          %get3A_247 = arith.index_cast %scan3A_201 : i32 to index
          %get3A_248 = arith.constant 64 : index
          %get3A_249 = tpu.vector_load %arg13[%get3A_247, %get3A_248] {strides = array<i32>} : memref<128x128xf32, #tpu.memory_space<vmem>>, vector<1x16xf32>,
          %get3A_250 = vector.shape_cast %get3A_249 : vector<1x16xf32> to vector<16xf32>
          %max3A_251 = arith.constant 0.000000e+00 : f32
          %max3A_252 = vector.broadcast %max3A_251 : f32 to vector<16xf32>
          %max3A_253 = arith.maximumf %get3A_250, %max3A_252 : vector<16xf32>
          %swap3A_254 = arith.index_cast %scan3A_201 : i32 to index
          %swap3A_255 = arith.constant 64 : index
          %swap3A_256 = tpu.vector_load %arg13[%swap3A_254, %swap3A_255] {strides = array<i32>} : memref<128x128xf32, #tpu.memory_space<vmem>>, vector<1x16xf32>,
          %swap3A_257 = vector.shape_cast %swap3A_256 : vector<1x16xf32> to vector<16xf32>
          %swap3A_258 = vector.shape_cast %max3A_253 : vector<16xf32> to vector<1x16xf32>
          tpu.vector_store %arg13[%swap3A_254, %swap3A_255], %swap3A_258 {strides = array<i32>} : memref<128x128xf32, #tpu.memory_space<vmem>>, vector<1x16xf32>,
          %get3A_259 = arith.index_cast %scan3A_201 : i32 to index
          %get3A_260 = arith.constant 80 : index
          %get3A_261 = tpu.vector_load %arg13[%get3A_259, %get3A_260] {strides = array<i32>} : memref<128x128xf32, #tpu.memory_space<vmem>>, vector<1x16xf32>,
          %get3A_262 = vector.shape_cast %get3A_261 : vector<1x16xf32> to vector<16xf32>
          %max3A_263 = arith.constant 0.000000e+00 : f32
          %max3A_264 = vector.broadcast %max3A_263 : f32 to vector<16xf32>
          %max3A_265 = arith.maximumf %get3A_262, %max3A_264 : vector<16xf32>
          %swap3A_266 = arith.index_cast %scan3A_201 : i32 to index
          %swap3A_267 = arith.constant 80 : index
          %swap3A_268 = tpu.vector_load %arg13[%swap3A_266, %swap3A_267] {strides = array<i32>} : memref<128x128xf32, #tpu.memory_space<vmem>>, vector<1x16xf32>,
          %swap3A_269 = vector.shape_cast %swap3A_268 : vector<1x16xf32> to vector<16xf32>
          %swap3A_270 = vector.shape_cast %max3A_265 : vector<16xf32> to vector<1x16xf32>
          tpu.vector_store %arg13[%swap3A_266, %swap3A_267], %swap3A_270 {strides = array<i32>} : memref<128x128xf32, #tpu.memory_space<vmem>>, vector<1x16xf32>,
          %get3A_271 = arith.index_cast %scan3A_201 : i32 to index
          %get3A_272 = arith.constant 96 : index
          %get3A_273 = tpu.vector_load %arg13[%get3A_271, %get3A_272] {strides = array<i32>} : memref<128x128xf32, #tpu.memory_space<vmem>>, vector<1x16xf32>,
          %get3A_274 = vector.shape_cast %get3A_273 : vector<1x16xf32> to vector<16xf32>
          %max3A_275 = arith.constant 0.000000e+00 : f32
          %max3A_276 = vector.broadcast %max3A_275 : f32 to vector<16xf32>
          %max3A_277 = arith.maximumf %get3A_274, %max3A_276 : vector<16xf32>
          %swap3A_278 = arith.index_cast %scan3A_201 : i32 to index
          %swap3A_279 = arith.constant 96 : index
          %swap3A_280 = tpu.vector_load %arg13[%swap3A_278, %swap3A_279] {strides = array<i32>} : memref<128x128xf32, #tpu.memory_space<vmem>>, vector<1x16xf32>,
          %swap3A_281 = vector.shape_cast %swap3A_280 : vector<1x16xf32> to vector<16xf32>
          %swap3A_282 = vector.shape_cast %max3A_277 : vector<16xf32> to vector<1x16xf32>
          tpu.vector_store %arg13[%swap3A_278, %swap3A_279], %swap3A_282 {strides = array<i32>} : memref<128x128xf32, #tpu.memory_space<vmem>>, vector<1x16xf32>,
          %get3A_283 = arith.index_cast %scan3A_201 : i32 to index
          %get3A_284 = arith.constant 112 : index
          %get3A_285 = tpu.vector_load %arg13[%get3A_283, %get3A_284] {strides = array<i32>} : memref<128x128xf32, #tpu.memory_space<vmem>>, vector<1x16xf32>,
          %get3A_286 = vector.shape_cast %get3A_285 : vector<1x16xf32> to vector<16xf32>
          %max3A_287 = arith.constant 0.000000e+00 : f32
          %max3A_288 = vector.broadcast %max3A_287 : f32 to vector<16xf32>
          %max3A_289 = arith.maximumf %get3A_286, %max3A_288 : vector<16xf32>
          %swap3A_290 = arith.index_cast %scan3A_201 : i32 to index
          %swap3A_291 = arith.constant 112 : index
          %swap3A_292 = tpu.vector_load %arg13[%swap3A_290, %swap3A_291] {strides = array<i32>} : memref<128x128xf32, #tpu.memory_space<vmem>>, vector<1x16xf32>,
          %swap3A_293 = vector.shape_cast %swap3A_292 : vector<1x16xf32> to vector<16xf32>
          %swap3A_294 = vector.shape_cast %max3A_289 : vector<16xf32> to vector<1x16xf32>
          tpu.vector_store %arg13[%swap3A_290, %swap3A_291], %swap3A_294 {strides = array<i32>} : memref<128x128xf32, #tpu.memory_space<vmem>>, vector<1x16xf32>,
        }
        %scan3A_188 = arith.constant 128 : i32
        %dma_start3A_189 = arith.constant 0 : i32
        %dma_start3A_190 = arith.constant 0 : i32
        %dma_start3A_191 = tpu.memref_slice %arg10[%dma_start3A_189, %dma_start3A_190] : memref<1x128xi32, #tpu.memory_space<vmem>> -> memref<1x128xi32, #tpu.memory_space<vmem>>
        %dma_start3A_192 = tpu.memref_squeeze %dma_start3A_191 : memref<1x128xi32, #tpu.memory_space<vmem>> -> memref<128xi32, #tpu.memory_space<vmem>>
        %dma_start3A_193 = arith.constant 0 : i32
        %dma_start3A_194 = arith.constant 0 : i32
        %dma_start3A_195 = tpu.memref_slice %arg16[%dma_start3A_193, %dma_start3A_194] : memref<10000x128xf32, #tpu.memory_space<vmem_shared>> -> memref<10000x128xf32, #tpu.memory_space<vmem_shared>>
        tpu.enqueue_indirect_dma source(%arg13 : memref<128x128xf32, #tpu.memory_space<vmem>>) target(%dma_start3A_195 : memref<10000x128xf32, #tpu.memory_space<vmem_shared>>) offsets(%dma_start3A_192 : memref<128xi32, #tpu.memory_space<vmem>>) semaphore(%arg21 : memref<!tpu.dma_semaphore, #tpu.memory_space<semaphore_mem>>) {add = true}
        %ge3A_196 = arith.constant 1 : i32
        %ge3A_197 = arith.cmpi sge, %add3A_137, %ge3A_196 : i32
        %convert_element_type3A_198 = arith.extui %ge3A_197 : i1 to i32
        %cond3A_199 = arith.constant 0 : i32
        %cond3A_200 = arith.cmpi ne, %convert_element_type3A_198, %cond3A_199 : i32
        scf.if %cond3A_200 {
          %dma_wait3A_201 = arith.constant 0 : i32
          %dma_wait3A_202 = arith.constant 0 : i32
          %dma_wait3A_203 = tpu.memref_slice %arg12[%dma_wait3A_201, %dma_wait3A_202] : memref<1x128xi32, #tpu.memory_space<vmem>> -> memref<1x128xi32, #tpu.memory_space<vmem>>
          %dma_wait3A_204 = tpu.memref_squeeze %dma_wait3A_203 : memref<1x128xi32, #tpu.memory_space<vmem>> -> memref<128xi32, #tpu.memory_space<vmem>>
          %dma_wait3A_205 = arith.constant 0 : i32
          %dma_wait3A_206 = arith.constant 0 : i32
          %dma_wait3A_207 = tpu.memref_slice %arg16[%dma_wait3A_205, %dma_wait3A_206] : memref<10000x128xf32, #tpu.memory_space<vmem_shared>> -> memref<10000x128xf32, #tpu.memory_space<vmem_shared>>
          tpu.wait_indirect_dma semaphore(%arg31 : memref<!tpu.dma_semaphore, #tpu.memory_space<semaphore_mem>>) src(%arg15 : memref<128x128xf32, #tpu.memory_space<vmem>>) dst(%dma_wait3A_207 : memref<10000x128xf32, #tpu.memory_space<vmem_shared>>)
          %add3A_208 = arith.constant 64 : i32
          %add3A_209 = arith.addi %add3A_140, %add3A_208 : i32
          %lt3A_210 = arith.constant 2500 : i32
          %lt3A_211 = arith.cmpi slt, %add3A_209, %lt3A_210 : i32
          %convert_element_type3A_212 = arith.extui %lt3A_211 : i1 to i32
          %cond3A_213 = arith.constant 0 : i32
          %cond3A_214 = arith.cmpi ne, %convert_element_type3A_212, %cond3A_213 : i32
          scf.if %cond3A_214 {
            %add3A_215 = arith.constant 64 : i32
            %add3A_216 = arith.addi %add3A_140, %add3A_215 : i32
            %dma_start3A_217 = arith.constant 0 : i32
            %dma_start3A_218 = tpu.memref_slice %arg3[%add3A_216, %dma_start3A_217] : memref<2500x128xi32, #tpu.memory_space<hbm>> -> memref<1x128xi32, #tpu.memory_space<hbm>>
            %dma_start3A_219 = arith.constant 0 : i32
            %dma_start3A_220 = tpu.memref_slice %arg3[%add3A_216, %dma_start3A_219] : memref<2500x128xi32, #tpu.memory_space<hbm>> -> memref<1x128xi32, #tpu.memory_space<hbm>>
            tpu.enqueue_dma source(%dma_start3A_220 : memref<1x128xi32, #tpu.memory_space<hbm>>) target(%arg9 : memref<1x128xi32, #tpu.memory_space<vmem>>) target_semaphore(%arg27 : memref<!tpu.dma_semaphore, #tpu.memory_space<semaphore_mem>>)
            %dma_start3A_221 = arith.constant 0 : i32
            %dma_start3A_222 = tpu.memref_slice %arg4[%add3A_216, %dma_start3A_221] : memref<2500x128xi32, #tpu.memory_space<hbm>> -> memref<1x128xi32, #tpu.memory_space<hbm>>
            %dma_start3A_223 = arith.constant 0 : i32
            %dma_start3A_224 = tpu.memref_slice %arg4[%add3A_216, %dma_start3A_223] : memref<2500x128xi32, #tpu.memory_space<hbm>> -> memref<1x128xi32, #tpu.memory_space<hbm>>
            tpu.enqueue_dma source(%dma_start3A_224 : memref<1x128xi32, #tpu.memory_space<hbm>>) target(%arg12 : memref<1x128xi32, #tpu.memory_space<vmem>>) target_semaphore(%arg28 : memref<!tpu.dma_semaphore, #tpu.memory_space<semaphore_mem>>)
            %mul3A_225 = arith.constant 128 : i32
            %mul3A_226 = arith.muli %add3A_216, %mul3A_225 : i32
            %dma_start3A_227 = arith.constant 0 : i32
            %dma_start3A_228 = tpu.memref_slice %arg2[%mul3A_226, %dma_start3A_227] : memref<320000x128xf32, #tpu.memory_space<hbm>> -> memref<128x128xf32, #tpu.memory_space<hbm>>
            %dma_start3A_229 = arith.constant 0 : i32
            %dma_start3A_230 = tpu.memref_slice %arg2[%mul3A_226, %dma_start3A_229] : memref<320000x128xf32, #tpu.memory_space<hbm>> -> memref<128x128xf32, #tpu.memory_space<hbm>>
            tpu.enqueue_dma source(%dma_start3A_230 : memref<128x128xf32, #tpu.memory_space<hbm>>) target(%arg15 : memref<128x128xf32, #tpu.memory_space<vmem>>) target_semaphore(%arg29 : memref<!tpu.dma_semaphore, #tpu.memory_space<semaphore_mem>>)
          } else {
          }
        } else {
        }
      } else {
      }
      %mul3A_146 = arith.constant 3 : i32
      %mul3A_147 = arith.muli %mul3A_146, %scan3A_133 : i32
      %add3A_148 = arith.constant 1 : i32
      %add3A_149 = arith.addi %mul3A_147, %add3A_148 : i32
      %mul3A_150 = arith.constant 32 : i32
      %mul3A_151 = arith.muli %add3A_149, %mul3A_150 : i32
      %add3A_152 = arith.addi %add3A, %mul3A_151 : i32
      %lt3A_153 = arith.constant 2500 : i32
      %lt3A_154 = arith.cmpi slt, %add3A_152, %lt3A_153 : i32
      %convert_element_type3A_155 = arith.extui %lt3A_154 : i1 to i32
      %cond3A_156 = arith.constant 0 : i32
      %cond3A_157 = arith.cmpi ne, %convert_element_type3A_155, %cond3A_156 : i32
      scf.if %cond3A_157 {
        %dma_wait3A = arith.constant 0 : i32
        %dma_wait3A_170 = tpu.memref_slice %arg3[%add3A_152, %dma_wait3A] : memref<2500x128xi32, #tpu.memory_space<hbm>> -> memref<1x128xi32, #tpu.memory_space<hbm>>
        %dma_wait3A_171 = arith.constant 0 : i32
        %dma_wait3A_172 = tpu.memref_slice %arg3[%add3A_152, %dma_wait3A_171] : memref<2500x128xi32, #tpu.memory_space<hbm>> -> memref<1x128xi32, #tpu.memory_space<hbm>>
        tpu.wait_dma2 semaphore(%arg22 : memref<!tpu.dma_semaphore, #tpu.memory_space<semaphore_mem>>) src(%dma_wait3A_172 : memref<1x128xi32, #tpu.memory_space<hbm>>) dst(%arg8 : memref<1x128xi32, #tpu.memory_space<vmem>>)
        %dma_wait3A_173 = arith.constant 0 : i32
        %dma_wait3A_174 = tpu.memref_slice %arg4[%add3A_152, %dma_wait3A_173] : memref<2500x128xi32, #tpu.memory_space<hbm>> -> memref<1x128xi32, #tpu.memory_space<hbm>>
        %dma_wait3A_175 = arith.constant 0 : i32
        %dma_wait3A_176 = tpu.memref_slice %arg4[%add3A_152, %dma_wait3A_175] : memref<2500x128xi32, #tpu.memory_space<hbm>> -> memref<1x128xi32, #tpu.memory_space<hbm>>
        tpu.wait_dma2 semaphore(%arg23 : memref<!tpu.dma_semaphore, #tpu.memory_space<semaphore_mem>>) src(%dma_wait3A_176 : memref<1x128xi32, #tpu.memory_space<hbm>>) dst(%arg11 : memref<1x128xi32, #tpu.memory_space<vmem>>)
        %mul3A_177 = arith.constant 128 : i32
        %mul3A_178 = arith.muli %add3A_152, %mul3A_177 : i32
        %dma_wait3A_179 = arith.constant 0 : i32
        %dma_wait3A_180 = tpu.memref_slice %arg2[%mul3A_178, %dma_wait3A_179] : memref<320000x128xf32, #tpu.memory_space<hbm>> -> memref<128x128xf32, #tpu.memory_space<hbm>>
        %dma_wait3A_181 = arith.constant 0 : i32
        %dma_wait3A_182 = tpu.memref_slice %arg2[%mul3A_178, %dma_wait3A_181] : memref<320000x128xf32, #tpu.memory_space<hbm>> -> memref<128x128xf32, #tpu.memory_space<hbm>>
        tpu.wait_dma2 semaphore(%arg24 : memref<!tpu.dma_semaphore, #tpu.memory_space<semaphore_mem>>) src(%dma_wait3A_182 : memref<128x128xf32, #tpu.memory_space<hbm>>) dst(%arg14 : memref<128x128xf32, #tpu.memory_space<vmem>>)
        %scan3A_183 = arith.constant 0 : i32
        %scan3A_184 = arith.constant 0 : i32
        %scan3A_185 = arith.constant 128 : i32
        %scan3A_186 = arith.addi %scan3A_184, %scan3A_185 : i32
        %scan3A_187 = arith.constant 1 : i32
        scf.for %scan3A_201 = %scan3A_184 to %scan3A_186 step %scan3A_187  : i32 {
          %get3A = arith.index_cast %scan3A_201 : i32 to index
          %get3A_202 = arith.constant 0 : index
          %get3A_203 = tpu.vector_load %arg14[%get3A, %get3A_202] {strides = array<i32>} : memref<128x128xf32, #tpu.memory_space<vmem>>, vector<1x16xf32>,
          %get3A_204 = vector.shape_cast %get3A_203 : vector<1x16xf32> to vector<16xf32>
          %max3A = arith.constant 0.000000e+00 : f32
          %max3A_205 = vector.broadcast %max3A : f32 to vector<16xf32>
          %max3A_206 = arith.maximumf %get3A_204, %max3A_205 : vector<16xf32>
          %swap3A = arith.index_cast %scan3A_201 : i32 to index
          %swap3A_207 = arith.constant 0 : index
          %swap3A_208 = tpu.vector_load %arg14[%swap3A, %swap3A_207] {strides = array<i32>} : memref<128x128xf32, #tpu.memory_space<vmem>>, vector<1x16xf32>,
          %swap3A_209 = vector.shape_cast %swap3A_208 : vector<1x16xf32> to vector<16xf32>
          %swap3A_210 = vector.shape_cast %max3A_206 : vector<16xf32> to vector<1x16xf32>
          tpu.vector_store %arg14[%swap3A, %swap3A_207], %swap3A_210 {strides = array<i32>} : memref<128x128xf32, #tpu.memory_space<vmem>>, vector<1x16xf32>,
          %get3A_211 = arith.index_cast %scan3A_201 : i32 to index
          %get3A_212 = arith.constant 16 : index
          %get3A_213 = tpu.vector_load %arg14[%get3A_211, %get3A_212] {strides = array<i32>} : memref<128x128xf32, #tpu.memory_space<vmem>>, vector<1x16xf32>,
          %get3A_214 = vector.shape_cast %get3A_213 : vector<1x16xf32> to vector<16xf32>
          %max3A_215 = arith.constant 0.000000e+00 : f32
          %max3A_216 = vector.broadcast %max3A_215 : f32 to vector<16xf32>
          %max3A_217 = arith.maximumf %get3A_214, %max3A_216 : vector<16xf32>
          %swap3A_218 = arith.index_cast %scan3A_201 : i32 to index
          %swap3A_219 = arith.constant 16 : index
          %swap3A_220 = tpu.vector_load %arg14[%swap3A_218, %swap3A_219] {strides = array<i32>} : memref<128x128xf32, #tpu.memory_space<vmem>>, vector<1x16xf32>,
          %swap3A_221 = vector.shape_cast %swap3A_220 : vector<1x16xf32> to vector<16xf32>
          %swap3A_222 = vector.shape_cast %max3A_217 : vector<16xf32> to vector<1x16xf32>
          tpu.vector_store %arg14[%swap3A_218, %swap3A_219], %swap3A_222 {strides = array<i32>} : memref<128x128xf32, #tpu.memory_space<vmem>>, vector<1x16xf32>,
          %get3A_223 = arith.index_cast %scan3A_201 : i32 to index
          %get3A_224 = arith.constant 32 : index
          %get3A_225 = tpu.vector_load %arg14[%get3A_223, %get3A_224] {strides = array<i32>} : memref<128x128xf32, #tpu.memory_space<vmem>>, vector<1x16xf32>,
          %get3A_226 = vector.shape_cast %get3A_225 : vector<1x16xf32> to vector<16xf32>
          %max3A_227 = arith.constant 0.000000e+00 : f32
          %max3A_228 = vector.broadcast %max3A_227 : f32 to vector<16xf32>
          %max3A_229 = arith.maximumf %get3A_226, %max3A_228 : vector<16xf32>
          %swap3A_230 = arith.index_cast %scan3A_201 : i32 to index
          %swap3A_231 = arith.constant 32 : index
          %swap3A_232 = tpu.vector_load %arg14[%swap3A_230, %swap3A_231] {strides = array<i32>} : memref<128x128xf32, #tpu.memory_space<vmem>>, vector<1x16xf32>,
          %swap3A_233 = vector.shape_cast %swap3A_232 : vector<1x16xf32> to vector<16xf32>
          %swap3A_234 = vector.shape_cast %max3A_229 : vector<16xf32> to vector<1x16xf32>
          tpu.vector_store %arg14[%swap3A_230, %swap3A_231], %swap3A_234 {strides = array<i32>} : memref<128x128xf32, #tpu.memory_space<vmem>>, vector<1x16xf32>,
          %get3A_235 = arith.index_cast %scan3A_201 : i32 to index
          %get3A_236 = arith.constant 48 : index
          %get3A_237 = tpu.vector_load %arg14[%get3A_235, %get3A_236] {strides = array<i32>} : memref<128x128xf32, #tpu.memory_space<vmem>>, vector<1x16xf32>,
          %get3A_238 = vector.shape_cast %get3A_237 : vector<1x16xf32> to vector<16xf32>
          %max3A_239 = arith.constant 0.000000e+00 : f32
          %max3A_240 = vector.broadcast %max3A_239 : f32 to vector<16xf32>
          %max3A_241 = arith.maximumf %get3A_238, %max3A_240 : vector<16xf32>
          %swap3A_242 = arith.index_cast %scan3A_201 : i32 to index
          %swap3A_243 = arith.constant 48 : index
          %swap3A_244 = tpu.vector_load %arg14[%swap3A_242, %swap3A_243] {strides = array<i32>} : memref<128x128xf32, #tpu.memory_space<vmem>>, vector<1x16xf32>,
          %swap3A_245 = vector.shape_cast %swap3A_244 : vector<1x16xf32> to vector<16xf32>
          %swap3A_246 = vector.shape_cast %max3A_241 : vector<16xf32> to vector<1x16xf32>
          tpu.vector_store %arg14[%swap3A_242, %swap3A_243], %swap3A_246 {strides = array<i32>} : memref<128x128xf32, #tpu.memory_space<vmem>>, vector<1x16xf32>,
          %get3A_247 = arith.index_cast %scan3A_201 : i32 to index
          %get3A_248 = arith.constant 64 : index
          %get3A_249 = tpu.vector_load %arg14[%get3A_247, %get3A_248] {strides = array<i32>} : memref<128x128xf32, #tpu.memory_space<vmem>>, vector<1x16xf32>,
          %get3A_250 = vector.shape_cast %get3A_249 : vector<1x16xf32> to vector<16xf32>
          %max3A_251 = arith.constant 0.000000e+00 : f32
          %max3A_252 = vector.broadcast %max3A_251 : f32 to vector<16xf32>
          %max3A_253 = arith.maximumf %get3A_250, %max3A_252 : vector<16xf32>
          %swap3A_254 = arith.index_cast %scan3A_201 : i32 to index
          %swap3A_255 = arith.constant 64 : index
          %swap3A_256 = tpu.vector_load %arg14[%swap3A_254, %swap3A_255] {strides = array<i32>} : memref<128x128xf32, #tpu.memory_space<vmem>>, vector<1x16xf32>,
          %swap3A_257 = vector.shape_cast %swap3A_256 : vector<1x16xf32> to vector<16xf32>
          %swap3A_258 = vector.shape_cast %max3A_253 : vector<16xf32> to vector<1x16xf32>
          tpu.vector_store %arg14[%swap3A_254, %swap3A_255], %swap3A_258 {strides = array<i32>} : memref<128x128xf32, #tpu.memory_space<vmem>>, vector<1x16xf32>,
          %get3A_259 = arith.index_cast %scan3A_201 : i32 to index
          %get3A_260 = arith.constant 80 : index
          %get3A_261 = tpu.vector_load %arg14[%get3A_259, %get3A_260] {strides = array<i32>} : memref<128x128xf32, #tpu.memory_space<vmem>>, vector<1x16xf32>,
          %get3A_262 = vector.shape_cast %get3A_261 : vector<1x16xf32> to vector<16xf32>
          %max3A_263 = arith.constant 0.000000e+00 : f32
          %max3A_264 = vector.broadcast %max3A_263 : f32 to vector<16xf32>
          %max3A_265 = arith.maximumf %get3A_262, %max3A_264 : vector<16xf32>
          %swap3A_266 = arith.index_cast %scan3A_201 : i32 to index
          %swap3A_267 = arith.constant 80 : index
          %swap3A_268 = tpu.vector_load %arg14[%swap3A_266, %swap3A_267] {strides = array<i32>} : memref<128x128xf32, #tpu.memory_space<vmem>>, vector<1x16xf32>,
          %swap3A_269 = vector.shape_cast %swap3A_268 : vector<1x16xf32> to vector<16xf32>
          %swap3A_270 = vector.shape_cast %max3A_265 : vector<16xf32> to vector<1x16xf32>
          tpu.vector_store %arg14[%swap3A_266, %swap3A_267], %swap3A_270 {strides = array<i32>} : memref<128x128xf32, #tpu.memory_space<vmem>>, vector<1x16xf32>,
          %get3A_271 = arith.index_cast %scan3A_201 : i32 to index
          %get3A_272 = arith.constant 96 : index
          %get3A_273 = tpu.vector_load %arg14[%get3A_271, %get3A_272] {strides = array<i32>} : memref<128x128xf32, #tpu.memory_space<vmem>>, vector<1x16xf32>,
          %get3A_274 = vector.shape_cast %get3A_273 : vector<1x16xf32> to vector<16xf32>
          %max3A_275 = arith.constant 0.000000e+00 : f32
          %max3A_276 = vector.broadcast %max3A_275 : f32 to vector<16xf32>
          %max3A_277 = arith.maximumf %get3A_274, %max3A_276 : vector<16xf32>
          %swap3A_278 = arith.index_cast %scan3A_201 : i32 to index
          %swap3A_279 = arith.constant 96 : index
          %swap3A_280 = tpu.vector_load %arg14[%swap3A_278, %swap3A_279] {strides = array<i32>} : memref<128x128xf32, #tpu.memory_space<vmem>>, vector<1x16xf32>,
          %swap3A_281 = vector.shape_cast %swap3A_280 : vector<1x16xf32> to vector<16xf32>
          %swap3A_282 = vector.shape_cast %max3A_277 : vector<16xf32> to vector<1x16xf32>
          tpu.vector_store %arg14[%swap3A_278, %swap3A_279], %swap3A_282 {strides = array<i32>} : memref<128x128xf32, #tpu.memory_space<vmem>>, vector<1x16xf32>,
          %get3A_283 = arith.index_cast %scan3A_201 : i32 to index
          %get3A_284 = arith.constant 112 : index
          %get3A_285 = tpu.vector_load %arg14[%get3A_283, %get3A_284] {strides = array<i32>} : memref<128x128xf32, #tpu.memory_space<vmem>>, vector<1x16xf32>,
          %get3A_286 = vector.shape_cast %get3A_285 : vector<1x16xf32> to vector<16xf32>
          %max3A_287 = arith.constant 0.000000e+00 : f32
          %max3A_288 = vector.broadcast %max3A_287 : f32 to vector<16xf32>
          %max3A_289 = arith.maximumf %get3A_286, %max3A_288 : vector<16xf32>
          %swap3A_290 = arith.index_cast %scan3A_201 : i32 to index
          %swap3A_291 = arith.constant 112 : index
          %swap3A_292 = tpu.vector_load %arg14[%swap3A_290, %swap3A_291] {strides = array<i32>} : memref<128x128xf32, #tpu.memory_space<vmem>>, vector<1x16xf32>,
          %swap3A_293 = vector.shape_cast %swap3A_292 : vector<1x16xf32> to vector<16xf32>
          %swap3A_294 = vector.shape_cast %max3A_289 : vector<16xf32> to vector<1x16xf32>
          tpu.vector_store %arg14[%swap3A_290, %swap3A_291], %swap3A_294 {strides = array<i32>} : memref<128x128xf32, #tpu.memory_space<vmem>>, vector<1x16xf32>,
        }
        %scan3A_188 = arith.constant 128 : i32
        %dma_start3A_189 = arith.constant 0 : i32
        %dma_start3A_190 = arith.constant 0 : i32
        %dma_start3A_191 = tpu.memref_slice %arg11[%dma_start3A_189, %dma_start3A_190] : memref<1x128xi32, #tpu.memory_space<vmem>> -> memref<1x128xi32, #tpu.memory_space<vmem>>
        %dma_start3A_192 = tpu.memref_squeeze %dma_start3A_191 : memref<1x128xi32, #tpu.memory_space<vmem>> -> memref<128xi32, #tpu.memory_space<vmem>>
        %dma_start3A_193 = arith.constant 0 : i32
        %dma_start3A_194 = arith.constant 0 : i32
        %dma_start3A_195 = tpu.memref_slice %arg16[%dma_start3A_193, %dma_start3A_194] : memref<10000x128xf32, #tpu.memory_space<vmem_shared>> -> memref<10000x128xf32, #tpu.memory_space<vmem_shared>>
        tpu.enqueue_indirect_dma source(%arg14 : memref<128x128xf32, #tpu.memory_space<vmem>>) target(%dma_start3A_195 : memref<10000x128xf32, #tpu.memory_space<vmem_shared>>) offsets(%dma_start3A_192 : memref<128xi32, #tpu.memory_space<vmem>>) semaphore(%arg26 : memref<!tpu.dma_semaphore, #tpu.memory_space<semaphore_mem>>) {add = true}
        %ge3A_196 = arith.constant 1 : i32
        %ge3A_197 = arith.cmpi sge, %add3A_149, %ge3A_196 : i32
        %convert_element_type3A_198 = arith.extui %ge3A_197 : i1 to i32
        %cond3A_199 = arith.constant 0 : i32
        %cond3A_200 = arith.cmpi ne, %convert_element_type3A_198, %cond3A_199 : i32
        scf.if %cond3A_200 {
          %dma_wait3A_201 = arith.constant 0 : i32
          %dma_wait3A_202 = arith.constant 0 : i32
          %dma_wait3A_203 = tpu.memref_slice %arg10[%dma_wait3A_201, %dma_wait3A_202] : memref<1x128xi32, #tpu.memory_space<vmem>> -> memref<1x128xi32, #tpu.memory_space<vmem>>
          %dma_wait3A_204 = tpu.memref_squeeze %dma_wait3A_203 : memref<1x128xi32, #tpu.memory_space<vmem>> -> memref<128xi32, #tpu.memory_space<vmem>>
          %dma_wait3A_205 = arith.constant 0 : i32
          %dma_wait3A_206 = arith.constant 0 : i32
          %dma_wait3A_207 = tpu.memref_slice %arg16[%dma_wait3A_205, %dma_wait3A_206] : memref<10000x128xf32, #tpu.memory_space<vmem_shared>> -> memref<10000x128xf32, #tpu.memory_space<vmem_shared>>
          tpu.wait_indirect_dma semaphore(%arg21 : memref<!tpu.dma_semaphore, #tpu.memory_space<semaphore_mem>>) src(%arg13 : memref<128x128xf32, #tpu.memory_space<vmem>>) dst(%dma_wait3A_207 : memref<10000x128xf32, #tpu.memory_space<vmem_shared>>)
          %add3A_208 = arith.constant 64 : i32
          %add3A_209 = arith.addi %add3A_152, %add3A_208 : i32
          %lt3A_210 = arith.constant 2500 : i32
          %lt3A_211 = arith.cmpi slt, %add3A_209, %lt3A_210 : i32
          %convert_element_type3A_212 = arith.extui %lt3A_211 : i1 to i32
          %cond3A_213 = arith.constant 0 : i32
          %cond3A_214 = arith.cmpi ne, %convert_element_type3A_212, %cond3A_213 : i32
          scf.if %cond3A_214 {
            %add3A_215 = arith.constant 64 : i32
            %add3A_216 = arith.addi %add3A_152, %add3A_215 : i32
            %dma_start3A_217 = arith.constant 0 : i32
            %dma_start3A_218 = tpu.memref_slice %arg3[%add3A_216, %dma_start3A_217] : memref<2500x128xi32, #tpu.memory_space<hbm>> -> memref<1x128xi32, #tpu.memory_space<hbm>>
            %dma_start3A_219 = arith.constant 0 : i32
            %dma_start3A_220 = tpu.memref_slice %arg3[%add3A_216, %dma_start3A_219] : memref<2500x128xi32, #tpu.memory_space<hbm>> -> memref<1x128xi32, #tpu.memory_space<hbm>>
            tpu.enqueue_dma source(%dma_start3A_220 : memref<1x128xi32, #tpu.memory_space<hbm>>) target(%arg7 : memref<1x128xi32, #tpu.memory_space<vmem>>) target_semaphore(%arg17 : memref<!tpu.dma_semaphore, #tpu.memory_space<semaphore_mem>>)
            %dma_start3A_221 = arith.constant 0 : i32
            %dma_start3A_222 = tpu.memref_slice %arg4[%add3A_216, %dma_start3A_221] : memref<2500x128xi32, #tpu.memory_space<hbm>> -> memref<1x128xi32, #tpu.memory_space<hbm>>
            %dma_start3A_223 = arith.constant 0 : i32
            %dma_start3A_224 = tpu.memref_slice %arg4[%add3A_216, %dma_start3A_223] : memref<2500x128xi32, #tpu.memory_space<hbm>> -> memref<1x128xi32, #tpu.memory_space<hbm>>
            tpu.enqueue_dma source(%dma_start3A_224 : memref<1x128xi32, #tpu.memory_space<hbm>>) target(%arg10 : memref<1x128xi32, #tpu.memory_space<vmem>>) target_semaphore(%arg18 : memref<!tpu.dma_semaphore, #tpu.memory_space<semaphore_mem>>)
            %mul3A_225 = arith.constant 128 : i32
            %mul3A_226 = arith.muli %add3A_216, %mul3A_225 : i32
            %dma_start3A_227 = arith.constant 0 : i32
            %dma_start3A_228 = tpu.memref_slice %arg2[%mul3A_226, %dma_start3A_227] : memref<320000x128xf32, #tpu.memory_space<hbm>> -> memref<128x128xf32, #tpu.memory_space<hbm>>
            %dma_start3A_229 = arith.constant 0 : i32
            %dma_start3A_230 = tpu.memref_slice %arg2[%mul3A_226, %dma_start3A_229] : memref<320000x128xf32, #tpu.memory_space<hbm>> -> memref<128x128xf32, #tpu.memory_space<hbm>>
            tpu.enqueue_dma source(%dma_start3A_230 : memref<128x128xf32, #tpu.memory_space<hbm>>) target(%arg13 : memref<128x128xf32, #tpu.memory_space<vmem>>) target_semaphore(%arg19 : memref<!tpu.dma_semaphore, #tpu.memory_space<semaphore_mem>>)
          } else {
          }
        } else {
        }
      } else {
      }
      %mul3A_158 = arith.constant 3 : i32
      %mul3A_159 = arith.muli %mul3A_158, %scan3A_133 : i32
      %add3A_160 = arith.constant 2 : i32
      %add3A_161 = arith.addi %mul3A_159, %add3A_160 : i32
      %mul3A_162 = arith.constant 32 : i32
      %mul3A_163 = arith.muli %add3A_161, %mul3A_162 : i32
      %add3A_164 = arith.addi %add3A, %mul3A_163 : i32
      %lt3A_165 = arith.constant 2500 : i32
      %lt3A_166 = arith.cmpi slt, %add3A_164, %lt3A_165 : i32
      %convert_element_type3A_167 = arith.extui %lt3A_166 : i1 to i32
      %cond3A_168 = arith.constant 0 : i32
      %cond3A_169 = arith.cmpi ne, %convert_element_type3A_167, %cond3A_168 : i32
      scf.if %cond3A_169 {
        %dma_wait3A = arith.constant 0 : i32
        %dma_wait3A_170 = tpu.memref_slice %arg3[%add3A_164, %dma_wait3A] : memref<2500x128xi32, #tpu.memory_space<hbm>> -> memref<1x128xi32, #tpu.memory_space<hbm>>
        %dma_wait3A_171 = arith.constant 0 : i32
        %dma_wait3A_172 = tpu.memref_slice %arg3[%add3A_164, %dma_wait3A_171] : memref<2500x128xi32, #tpu.memory_space<hbm>> -> memref<1x128xi32, #tpu.memory_space<hbm>>
        tpu.wait_dma2 semaphore(%arg27 : memref<!tpu.dma_semaphore, #tpu.memory_space<semaphore_mem>>) src(%dma_wait3A_172 : memref<1x128xi32, #tpu.memory_space<hbm>>) dst(%arg9 : memref<1x128xi32, #tpu.memory_space<vmem>>)
        %dma_wait3A_173 = arith.constant 0 : i32
        %dma_wait3A_174 = tpu.memref_slice %arg4[%add3A_164, %dma_wait3A_173] : memref<2500x128xi32, #tpu.memory_space<hbm>> -> memref<1x128xi32, #tpu.memory_space<hbm>>
        %dma_wait3A_175 = arith.constant 0 : i32
        %dma_wait3A_176 = tpu.memref_slice %arg4[%add3A_164, %dma_wait3A_175] : memref<2500x128xi32, #tpu.memory_space<hbm>> -> memref<1x128xi32, #tpu.memory_space<hbm>>
        tpu.wait_dma2 semaphore(%arg28 : memref<!tpu.dma_semaphore, #tpu.memory_space<semaphore_mem>>) src(%dma_wait3A_176 : memref<1x128xi32, #tpu.memory_space<hbm>>) dst(%arg12 : memref<1x128xi32, #tpu.memory_space<vmem>>)
        %mul3A_177 = arith.constant 128 : i32
        %mul3A_178 = arith.muli %add3A_164, %mul3A_177 : i32
        %dma_wait3A_179 = arith.constant 0 : i32
        %dma_wait3A_180 = tpu.memref_slice %arg2[%mul3A_178, %dma_wait3A_179] : memref<320000x128xf32, #tpu.memory_space<hbm>> -> memref<128x128xf32, #tpu.memory_space<hbm>>
        %dma_wait3A_181 = arith.constant 0 : i32
        %dma_wait3A_182 = tpu.memref_slice %arg2[%mul3A_178, %dma_wait3A_181] : memref<320000x128xf32, #tpu.memory_space<hbm>> -> memref<128x128xf32, #tpu.memory_space<hbm>>
        tpu.wait_dma2 semaphore(%arg29 : memref<!tpu.dma_semaphore, #tpu.memory_space<semaphore_mem>>) src(%dma_wait3A_182 : memref<128x128xf32, #tpu.memory_space<hbm>>) dst(%arg15 : memref<128x128xf32, #tpu.memory_space<vmem>>)
        %scan3A_183 = arith.constant 0 : i32
        %scan3A_184 = arith.constant 0 : i32
        %scan3A_185 = arith.constant 128 : i32
        %scan3A_186 = arith.addi %scan3A_184, %scan3A_185 : i32
        %scan3A_187 = arith.constant 1 : i32
        scf.for %scan3A_201 = %scan3A_184 to %scan3A_186 step %scan3A_187  : i32 {
          %get3A = arith.index_cast %scan3A_201 : i32 to index
          %get3A_202 = arith.constant 0 : index
          %get3A_203 = tpu.vector_load %arg15[%get3A, %get3A_202] {strides = array<i32>} : memref<128x128xf32, #tpu.memory_space<vmem>>, vector<1x16xf32>,
          %get3A_204 = vector.shape_cast %get3A_203 : vector<1x16xf32> to vector<16xf32>
          %max3A = arith.constant 0.000000e+00 : f32
          %max3A_205 = vector.broadcast %max3A : f32 to vector<16xf32>
          %max3A_206 = arith.maximumf %get3A_204, %max3A_205 : vector<16xf32>
          %swap3A = arith.index_cast %scan3A_201 : i32 to index
          %swap3A_207 = arith.constant 0 : index
          %swap3A_208 = tpu.vector_load %arg15[%swap3A, %swap3A_207] {strides = array<i32>} : memref<128x128xf32, #tpu.memory_space<vmem>>, vector<1x16xf32>,
          %swap3A_209 = vector.shape_cast %swap3A_208 : vector<1x16xf32> to vector<16xf32>
          %swap3A_210 = vector.shape_cast %max3A_206 : vector<16xf32> to vector<1x16xf32>
          tpu.vector_store %arg15[%swap3A, %swap3A_207], %swap3A_210 {strides = array<i32>} : memref<128x128xf32, #tpu.memory_space<vmem>>, vector<1x16xf32>,
          %get3A_211 = arith.index_cast %scan3A_201 : i32 to index
          %get3A_212 = arith.constant 16 : index
          %get3A_213 = tpu.vector_load %arg15[%get3A_211, %get3A_212] {strides = array<i32>} : memref<128x128xf32, #tpu.memory_space<vmem>>, vector<1x16xf32>,
          %get3A_214 = vector.shape_cast %get3A_213 : vector<1x16xf32> to vector<16xf32>
          %max3A_215 = arith.constant 0.000000e+00 : f32
          %max3A_216 = vector.broadcast %max3A_215 : f32 to vector<16xf32>
          %max3A_217 = arith.maximumf %get3A_214, %max3A_216 : vector<16xf32>
          %swap3A_218 = arith.index_cast %scan3A_201 : i32 to index
          %swap3A_219 = arith.constant 16 : index
          %swap3A_220 = tpu.vector_load %arg15[%swap3A_218, %swap3A_219] {strides = array<i32>} : memref<128x128xf32, #tpu.memory_space<vmem>>, vector<1x16xf32>,
          %swap3A_221 = vector.shape_cast %swap3A_220 : vector<1x16xf32> to vector<16xf32>
          %swap3A_222 = vector.shape_cast %max3A_217 : vector<16xf32> to vector<1x16xf32>
          tpu.vector_store %arg15[%swap3A_218, %swap3A_219], %swap3A_222 {strides = array<i32>} : memref<128x128xf32, #tpu.memory_space<vmem>>, vector<1x16xf32>,
          %get3A_223 = arith.index_cast %scan3A_201 : i32 to index
          %get3A_224 = arith.constant 32 : index
          %get3A_225 = tpu.vector_load %arg15[%get3A_223, %get3A_224] {strides = array<i32>} : memref<128x128xf32, #tpu.memory_space<vmem>>, vector<1x16xf32>,
          %get3A_226 = vector.shape_cast %get3A_225 : vector<1x16xf32> to vector<16xf32>
          %max3A_227 = arith.constant 0.000000e+00 : f32
          %max3A_228 = vector.broadcast %max3A_227 : f32 to vector<16xf32>
          %max3A_229 = arith.maximumf %get3A_226, %max3A_228 : vector<16xf32>
          %swap3A_230 = arith.index_cast %scan3A_201 : i32 to index
          %swap3A_231 = arith.constant 32 : index
          %swap3A_232 = tpu.vector_load %arg15[%swap3A_230, %swap3A_231] {strides = array<i32>} : memref<128x128xf32, #tpu.memory_space<vmem>>, vector<1x16xf32>,
          %swap3A_233 = vector.shape_cast %swap3A_232 : vector<1x16xf32> to vector<16xf32>
          %swap3A_234 = vector.shape_cast %max3A_229 : vector<16xf32> to vector<1x16xf32>
          tpu.vector_store %arg15[%swap3A_230, %swap3A_231], %swap3A_234 {strides = array<i32>} : memref<128x128xf32, #tpu.memory_space<vmem>>, vector<1x16xf32>,
          %get3A_235 = arith.index_cast %scan3A_201 : i32 to index
          %get3A_236 = arith.constant 48 : index
          %get3A_237 = tpu.vector_load %arg15[%get3A_235, %get3A_236] {strides = array<i32>} : memref<128x128xf32, #tpu.memory_space<vmem>>, vector<1x16xf32>,
          %get3A_238 = vector.shape_cast %get3A_237 : vector<1x16xf32> to vector<16xf32>
          %max3A_239 = arith.constant 0.000000e+00 : f32
          %max3A_240 = vector.broadcast %max3A_239 : f32 to vector<16xf32>
          %max3A_241 = arith.maximumf %get3A_238, %max3A_240 : vector<16xf32>
          %swap3A_242 = arith.index_cast %scan3A_201 : i32 to index
          %swap3A_243 = arith.constant 48 : index
          %swap3A_244 = tpu.vector_load %arg15[%swap3A_242, %swap3A_243] {strides = array<i32>} : memref<128x128xf32, #tpu.memory_space<vmem>>, vector<1x16xf32>,
          %swap3A_245 = vector.shape_cast %swap3A_244 : vector<1x16xf32> to vector<16xf32>
          %swap3A_246 = vector.shape_cast %max3A_241 : vector<16xf32> to vector<1x16xf32>
          tpu.vector_store %arg15[%swap3A_242, %swap3A_243], %swap3A_246 {strides = array<i32>} : memref<128x128xf32, #tpu.memory_space<vmem>>, vector<1x16xf32>,
          %get3A_247 = arith.index_cast %scan3A_201 : i32 to index
          %get3A_248 = arith.constant 64 : index
          %get3A_249 = tpu.vector_load %arg15[%get3A_247, %get3A_248] {strides = array<i32>} : memref<128x128xf32, #tpu.memory_space<vmem>>, vector<1x16xf32>,
          %get3A_250 = vector.shape_cast %get3A_249 : vector<1x16xf32> to vector<16xf32>
          %max3A_251 = arith.constant 0.000000e+00 : f32
          %max3A_252 = vector.broadcast %max3A_251 : f32 to vector<16xf32>
          %max3A_253 = arith.maximumf %get3A_250, %max3A_252 : vector<16xf32>
          %swap3A_254 = arith.index_cast %scan3A_201 : i32 to index
          %swap3A_255 = arith.constant 64 : index
          %swap3A_256 = tpu.vector_load %arg15[%swap3A_254, %swap3A_255] {strides = array<i32>} : memref<128x128xf32, #tpu.memory_space<vmem>>, vector<1x16xf32>,
          %swap3A_257 = vector.shape_cast %swap3A_256 : vector<1x16xf32> to vector<16xf32>
          %swap3A_258 = vector.shape_cast %max3A_253 : vector<16xf32> to vector<1x16xf32>
          tpu.vector_store %arg15[%swap3A_254, %swap3A_255], %swap3A_258 {strides = array<i32>} : memref<128x128xf32, #tpu.memory_space<vmem>>, vector<1x16xf32>,
          %get3A_259 = arith.index_cast %scan3A_201 : i32 to index
          %get3A_260 = arith.constant 80 : index
          %get3A_261 = tpu.vector_load %arg15[%get3A_259, %get3A_260] {strides = array<i32>} : memref<128x128xf32, #tpu.memory_space<vmem>>, vector<1x16xf32>,
          %get3A_262 = vector.shape_cast %get3A_261 : vector<1x16xf32> to vector<16xf32>
          %max3A_263 = arith.constant 0.000000e+00 : f32
          %max3A_264 = vector.broadcast %max3A_263 : f32 to vector<16xf32>
          %max3A_265 = arith.maximumf %get3A_262, %max3A_264 : vector<16xf32>
          %swap3A_266 = arith.index_cast %scan3A_201 : i32 to index
          %swap3A_267 = arith.constant 80 : index
          %swap3A_268 = tpu.vector_load %arg15[%swap3A_266, %swap3A_267] {strides = array<i32>} : memref<128x128xf32, #tpu.memory_space<vmem>>, vector<1x16xf32>,
          %swap3A_269 = vector.shape_cast %swap3A_268 : vector<1x16xf32> to vector<16xf32>
          %swap3A_270 = vector.shape_cast %max3A_265 : vector<16xf32> to vector<1x16xf32>
          tpu.vector_store %arg15[%swap3A_266, %swap3A_267], %swap3A_270 {strides = array<i32>} : memref<128x128xf32, #tpu.memory_space<vmem>>, vector<1x16xf32>,
          %get3A_271 = arith.index_cast %scan3A_201 : i32 to index
          %get3A_272 = arith.constant 96 : index
          %get3A_273 = tpu.vector_load %arg15[%get3A_271, %get3A_272] {strides = array<i32>} : memref<128x128xf32, #tpu.memory_space<vmem>>, vector<1x16xf32>,
          %get3A_274 = vector.shape_cast %get3A_273 : vector<1x16xf32> to vector<16xf32>
          %max3A_275 = arith.constant 0.000000e+00 : f32
          %max3A_276 = vector.broadcast %max3A_275 : f32 to vector<16xf32>
          %max3A_277 = arith.maximumf %get3A_274, %max3A_276 : vector<16xf32>
          %swap3A_278 = arith.index_cast %scan3A_201 : i32 to index
          %swap3A_279 = arith.constant 96 : index
          %swap3A_280 = tpu.vector_load %arg15[%swap3A_278, %swap3A_279] {strides = array<i32>} : memref<128x128xf32, #tpu.memory_space<vmem>>, vector<1x16xf32>,
          %swap3A_281 = vector.shape_cast %swap3A_280 : vector<1x16xf32> to vector<16xf32>
          %swap3A_282 = vector.shape_cast %max3A_277 : vector<16xf32> to vector<1x16xf32>
          tpu.vector_store %arg15[%swap3A_278, %swap3A_279], %swap3A_282 {strides = array<i32>} : memref<128x128xf32, #tpu.memory_space<vmem>>, vector<1x16xf32>,
          %get3A_283 = arith.index_cast %scan3A_201 : i32 to index
          %get3A_284 = arith.constant 112 : index
          %get3A_285 = tpu.vector_load %arg15[%get3A_283, %get3A_284] {strides = array<i32>} : memref<128x128xf32, #tpu.memory_space<vmem>>, vector<1x16xf32>,
          %get3A_286 = vector.shape_cast %get3A_285 : vector<1x16xf32> to vector<16xf32>
          %max3A_287 = arith.constant 0.000000e+00 : f32
          %max3A_288 = vector.broadcast %max3A_287 : f32 to vector<16xf32>
          %max3A_289 = arith.maximumf %get3A_286, %max3A_288 : vector<16xf32>
          %swap3A_290 = arith.index_cast %scan3A_201 : i32 to index
          %swap3A_291 = arith.constant 112 : index
          %swap3A_292 = tpu.vector_load %arg15[%swap3A_290, %swap3A_291] {strides = array<i32>} : memref<128x128xf32, #tpu.memory_space<vmem>>, vector<1x16xf32>,
          %swap3A_293 = vector.shape_cast %swap3A_292 : vector<1x16xf32> to vector<16xf32>
          %swap3A_294 = vector.shape_cast %max3A_289 : vector<16xf32> to vector<1x16xf32>
          tpu.vector_store %arg15[%swap3A_290, %swap3A_291], %swap3A_294 {strides = array<i32>} : memref<128x128xf32, #tpu.memory_space<vmem>>, vector<1x16xf32>,
        }
        %scan3A_188 = arith.constant 128 : i32
        %dma_start3A_189 = arith.constant 0 : i32
        %dma_start3A_190 = arith.constant 0 : i32
        %dma_start3A_191 = tpu.memref_slice %arg12[%dma_start3A_189, %dma_start3A_190] : memref<1x128xi32, #tpu.memory_space<vmem>> -> memref<1x128xi32, #tpu.memory_space<vmem>>
        %dma_start3A_192 = tpu.memref_squeeze %dma_start3A_191 : memref<1x128xi32, #tpu.memory_space<vmem>> -> memref<128xi32, #tpu.memory_space<vmem>>
        %dma_start3A_193 = arith.constant 0 : i32
        %dma_start3A_194 = arith.constant 0 : i32
        %dma_start3A_195 = tpu.memref_slice %arg16[%dma_start3A_193, %dma_start3A_194] : memref<10000x128xf32, #tpu.memory_space<vmem_shared>> -> memref<10000x128xf32, #tpu.memory_space<vmem_shared>>
        tpu.enqueue_indirect_dma source(%arg15 : memref<128x128xf32, #tpu.memory_space<vmem>>) target(%dma_start3A_195 : memref<10000x128xf32, #tpu.memory_space<vmem_shared>>) offsets(%dma_start3A_192 : memref<128xi32, #tpu.memory_space<vmem>>) semaphore(%arg31 : memref<!tpu.dma_semaphore, #tpu.memory_space<semaphore_mem>>) {add = true}
        %ge3A_196 = arith.constant 1 : i32
        %ge3A_197 = arith.cmpi sge, %add3A_161, %ge3A_196 : i32
        %convert_element_type3A_198 = arith.extui %ge3A_197 : i1 to i32
        %cond3A_199 = arith.constant 0 : i32
        %cond3A_200 = arith.cmpi ne, %convert_element_type3A_198, %cond3A_199 : i32
        scf.if %cond3A_200 {
          %dma_wait3A_201 = arith.constant 0 : i32
          %dma_wait3A_202 = arith.constant 0 : i32
          %dma_wait3A_203 = tpu.memref_slice %arg11[%dma_wait3A_201, %dma_wait3A_202] : memref<1x128xi32, #tpu.memory_space<vmem>> -> memref<1x128xi32, #tpu.memory_space<vmem>>
          %dma_wait3A_204 = tpu.memref_squeeze %dma_wait3A_203 : memref<1x128xi32, #tpu.memory_space<vmem>> -> memref<128xi32, #tpu.memory_space<vmem>>
          %dma_wait3A_205 = arith.constant 0 : i32
          %dma_wait3A_206 = arith.constant 0 : i32
          %dma_wait3A_207 = tpu.memref_slice %arg16[%dma_wait3A_205, %dma_wait3A_206] : memref<10000x128xf32, #tpu.memory_space<vmem_shared>> -> memref<10000x128xf32, #tpu.memory_space<vmem_shared>>
          tpu.wait_indirect_dma semaphore(%arg26 : memref<!tpu.dma_semaphore, #tpu.memory_space<semaphore_mem>>) src(%arg14 : memref<128x128xf32, #tpu.memory_space<vmem>>) dst(%dma_wait3A_207 : memref<10000x128xf32, #tpu.memory_space<vmem_shared>>)
          %add3A_208 = arith.constant 64 : i32
          %add3A_209 = arith.addi %add3A_164, %add3A_208 : i32
          %lt3A_210 = arith.constant 2500 : i32
          %lt3A_211 = arith.cmpi slt, %add3A_209, %lt3A_210 : i32
          %convert_element_type3A_212 = arith.extui %lt3A_211 : i1 to i32
          %cond3A_213 = arith.constant 0 : i32
          %cond3A_214 = arith.cmpi ne, %convert_element_type3A_212, %cond3A_213 : i32
          scf.if %cond3A_214 {
            %add3A_215 = arith.constant 64 : i32
            %add3A_216 = arith.addi %add3A_164, %add3A_215 : i32
            %dma_start3A_217 = arith.constant 0 : i32
            %dma_start3A_218 = tpu.memref_slice %arg3[%add3A_216, %dma_start3A_217] : memref<2500x128xi32, #tpu.memory_space<hbm>> -> memref<1x128xi32, #tpu.memory_space<hbm>>
            %dma_start3A_219 = arith.constant 0 : i32
            %dma_start3A_220 = tpu.memref_slice %arg3[%add3A_216, %dma_start3A_219] : memref<2500x128xi32, #tpu.memory_space<hbm>> -> memref<1x128xi32, #tpu.memory_space<hbm>>
            tpu.enqueue_dma source(%dma_start3A_220 : memref<1x128xi32, #tpu.memory_space<hbm>>) target(%arg8 : memref<1x128xi32, #tpu.memory_space<vmem>>) target_semaphore(%arg22 : memref<!tpu.dma_semaphore, #tpu.memory_space<semaphore_mem>>)
            %dma_start3A_221 = arith.constant 0 : i32
            %dma_start3A_222 = tpu.memref_slice %arg4[%add3A_216, %dma_start3A_221] : memref<2500x128xi32, #tpu.memory_space<hbm>> -> memref<1x128xi32, #tpu.memory_space<hbm>>
            %dma_start3A_223 = arith.constant 0 : i32
            %dma_start3A_224 = tpu.memref_slice %arg4[%add3A_216, %dma_start3A_223] : memref<2500x128xi32, #tpu.memory_space<hbm>> -> memref<1x128xi32, #tpu.memory_space<hbm>>
            tpu.enqueue_dma source(%dma_start3A_224 : memref<1x128xi32, #tpu.memory_space<hbm>>) target(%arg11 : memref<1x128xi32, #tpu.memory_space<vmem>>) target_semaphore(%arg23 : memref<!tpu.dma_semaphore, #tpu.memory_space<semaphore_mem>>)
            %mul3A_225 = arith.constant 128 : i32
            %mul3A_226 = arith.muli %add3A_216, %mul3A_225 : i32
            %dma_start3A_227 = arith.constant 0 : i32
            %dma_start3A_228 = tpu.memref_slice %arg2[%mul3A_226, %dma_start3A_227] : memref<320000x128xf32, #tpu.memory_space<hbm>> -> memref<128x128xf32, #tpu.memory_space<hbm>>
            %dma_start3A_229 = arith.constant 0 : i32
            %dma_start3A_230 = tpu.memref_slice %arg2[%mul3A_226, %dma_start3A_229] : memref<320000x128xf32, #tpu.memory_space<hbm>> -> memref<128x128xf32, #tpu.memory_space<hbm>>
            tpu.enqueue_dma source(%dma_start3A_230 : memref<128x128xf32, #tpu.memory_space<hbm>>) target(%arg14 : memref<128x128xf32, #tpu.memory_space<vmem>>) target_semaphore(%arg24 : memref<!tpu.dma_semaphore, #tpu.memory_space<semaphore_mem>>)
          } else {
          }
        } else {
        }
      } else {
      }
    }
    %scan3A_78 = arith.constant 27 : i32
    %lt3A = arith.constant 4 : i32
    %lt3A_79 = arith.cmpi slt, %add3A, %lt3A : i32
    %convert_element_type3A_80 = arith.extui %lt3A_79 : i1 to i32
    %cond3A_81 = arith.constant 0 : i32
    %cond3A_82 = arith.cmpi ne, %convert_element_type3A_80, %cond3A_81 : i32
    scf.if %cond3A_82 {
      %dma_wait3A = arith.constant 0 : i32
      %dma_wait3A_133 = arith.constant 0 : i32
      %dma_wait3A_134 = tpu.memref_slice %arg10[%dma_wait3A, %dma_wait3A_133] : memref<1x128xi32, #tpu.memory_space<vmem>> -> memref<1x128xi32, #tpu.memory_space<vmem>>
      %dma_wait3A_135 = tpu.memref_squeeze %dma_wait3A_134 : memref<1x128xi32, #tpu.memory_space<vmem>> -> memref<128xi32, #tpu.memory_space<vmem>>
      %dma_wait3A_136 = arith.constant 0 : i32
      %dma_wait3A_137 = arith.constant 0 : i32
      %dma_wait3A_138 = tpu.memref_slice %arg16[%dma_wait3A_136, %dma_wait3A_137] : memref<10000x128xf32, #tpu.memory_space<vmem_shared>> -> memref<10000x128xf32, #tpu.memory_space<vmem_shared>>
      tpu.wait_indirect_dma semaphore(%arg21 : memref<!tpu.dma_semaphore, #tpu.memory_space<semaphore_mem>>) src(%arg13 : memref<128x128xf32, #tpu.memory_space<vmem>>) dst(%dma_wait3A_138 : memref<10000x128xf32, #tpu.memory_space<vmem_shared>>)
    } else {
    }
    %ge3A = arith.constant 4 : i32
    %ge3A_83 = arith.cmpi sge, %add3A, %ge3A : i32
    %convert_element_type3A_84 = arith.extui %ge3A_83 : i1 to i32
    %cond3A_85 = arith.constant 0 : i32
    %cond3A_86 = arith.cmpi ne, %convert_element_type3A_84, %cond3A_85 : i32
    scf.if %cond3A_86 {
      %dma_wait3A = arith.constant 0 : i32
      %dma_wait3A_133 = arith.constant 0 : i32
      %dma_wait3A_134 = tpu.memref_slice %arg12[%dma_wait3A, %dma_wait3A_133] : memref<1x128xi32, #tpu.memory_space<vmem>> -> memref<1x128xi32, #tpu.memory_space<vmem>>
      %dma_wait3A_135 = tpu.memref_squeeze %dma_wait3A_134 : memref<1x128xi32, #tpu.memory_space<vmem>> -> memref<128xi32, #tpu.memory_space<vmem>>
      %dma_wait3A_136 = arith.constant 0 : i32
      %dma_wait3A_137 = arith.constant 0 : i32
      %dma_wait3A_138 = tpu.memref_slice %arg16[%dma_wait3A_136, %dma_wait3A_137] : memref<10000x128xf32, #tpu.memory_space<vmem_shared>> -> memref<10000x128xf32, #tpu.memory_space<vmem_shared>>
      tpu.wait_indirect_dma semaphore(%arg31 : memref<!tpu.dma_semaphore, #tpu.memory_space<semaphore_mem>>) src(%arg15 : memref<128x128xf32, #tpu.memory_space<vmem>>) dst(%dma_wait3A_138 : memref<10000x128xf32, #tpu.memory_space<vmem_shared>>)
    } else {
    }
    %barrier3A_87 = arith.constant 0 : index
    tpu.barrier barrier_id(%barrier3A_87)
    %mul3A_88 = arith.constant 624 : i32
    %mul3A_89 = arith.muli %arg1, %mul3A_88 : i32
    %add3A_90 = arith.constant 0 : i32
    %add3A_91 = arith.addi %mul3A_89, %add3A_90 : i32
    %mul3A_92 = arith.constant 624 : i32
    %mul3A_93 = arith.muli %arg1, %mul3A_92 : i32
    %add3A_94 = arith.constant 0 : i32
    %add3A_95 = arith.addi %mul3A_93, %add3A_94 : i32
    "tpu.region"() ({
      %run_scoped3A = tpu.sem_alloc : memref<!tpu.dma_semaphore, #tpu.memory_space<semaphore_mem>>
      %dma_start3A_133 = arith.constant 0 : i32
      %dma_start3A_134 = tpu.memref_slice %arg6[%arg0, %add3A_95, %dma_start3A_133] : memref<2x10000x128xf32, #tpu.memory_space<hbm>> -> memref<1x128x128xf32, #tpu.memory_space<hbm>>
      %dma_start3A_135 = tpu.memref_squeeze %dma_start3A_134 : memref<1x128x128xf32, #tpu.memory_space<hbm>> -> memref<128x128xf32, #tpu.memory_space<hbm>>
      %dma_start3A_136 = arith.constant 0 : i32
      %dma_start3A_137 = tpu.memref_slice %arg16[%add3A_91, %dma_start3A_136] : memref<10000x128xf32, #tpu.memory_space<vmem_shared>> -> memref<128x128xf32, #tpu.memory_space<vmem_shared>>
      tpu.enqueue_dma source(%dma_start3A_137 : memref<128x128xf32, #tpu.memory_space<vmem_shared>>) target(%dma_start3A_135 : memref<128x128xf32, #tpu.memory_space<hbm>>) target_semaphore(%run_scoped3A : memref<!tpu.dma_semaphore, #tpu.memory_space<semaphore_mem>>)
      %dma_wait3A = arith.constant 0 : i32
      %dma_wait3A_138 = tpu.memref_slice %arg6[%arg0, %add3A_95, %dma_wait3A] : memref<2x10000x128xf32, #tpu.memory_space<hbm>> -> memref<1x128x128xf32, #tpu.memory_space<hbm>>
      %dma_wait3A_139 = tpu.memref_squeeze %dma_wait3A_138 : memref<1x128x128xf32, #tpu.memory_space<hbm>> -> memref<128x128xf32, #tpu.memory_space<hbm>>
      %dma_wait3A_140 = arith.constant 0 : i32
      %dma_wait3A_141 = tpu.memref_slice %arg16[%add3A_91, %dma_wait3A_140] : memref<10000x128xf32, #tpu.memory_space<vmem_shared>> -> memref<128x128xf32, #tpu.memory_space<vmem_shared>>
      tpu.wait_dma2 semaphore(%run_scoped3A : memref<!tpu.dma_semaphore, #tpu.memory_space<semaphore_mem>>) src(%dma_wait3A_141 : memref<128x128xf32, #tpu.memory_space<vmem_shared>>) dst(%dma_wait3A_139 : memref<128x128xf32, #tpu.memory_space<hbm>>)
      tpu.yield
    }) : () -> ()
    %mul3A_96 = arith.constant 624 : i32
    %mul3A_97 = arith.muli %arg1, %mul3A_96 : i32
    %add3A_98 = arith.constant 128 : i32
    %add3A_99 = arith.addi %mul3A_97, %add3A_98 : i32
    %mul3A_100 = arith.constant 624 : i32
    %mul3A_101 = arith.muli %arg1, %mul3A_100 : i32
    %add3A_102 = arith.constant 128 : i32
    %add3A_103 = arith.addi %mul3A_101, %add3A_102 : i32
    "tpu.region"() ({
      %run_scoped3A = tpu.sem_alloc : memref<!tpu.dma_semaphore, #tpu.memory_space<semaphore_mem>>
      %dma_start3A_133 = arith.constant 0 : i32
      %dma_start3A_134 = tpu.memref_slice %arg6[%arg0, %add3A_103, %dma_start3A_133] : memref<2x10000x128xf32, #tpu.memory_space<hbm>> -> memref<1x128x128xf32, #tpu.memory_space<hbm>>
      %dma_start3A_135 = tpu.memref_squeeze %dma_start3A_134 : memref<1x128x128xf32, #tpu.memory_space<hbm>> -> memref<128x128xf32, #tpu.memory_space<hbm>>
      %dma_start3A_136 = arith.constant 0 : i32
      %dma_start3A_137 = tpu.memref_slice %arg16[%add3A_99, %dma_start3A_136] : memref<10000x128xf32, #tpu.memory_space<vmem_shared>> -> memref<128x128xf32, #tpu.memory_space<vmem_shared>>
      tpu.enqueue_dma source(%dma_start3A_137 : memref<128x128xf32, #tpu.memory_space<vmem_shared>>) target(%dma_start3A_135 : memref<128x128xf32, #tpu.memory_space<hbm>>) target_semaphore(%run_scoped3A : memref<!tpu.dma_semaphore, #tpu.memory_space<semaphore_mem>>)
      %dma_wait3A = arith.constant 0 : i32
      %dma_wait3A_138 = tpu.memref_slice %arg6[%arg0, %add3A_103, %dma_wait3A] : memref<2x10000x128xf32, #tpu.memory_space<hbm>> -> memref<1x128x128xf32, #tpu.memory_space<hbm>>
      %dma_wait3A_139 = tpu.memref_squeeze %dma_wait3A_138 : memref<1x128x128xf32, #tpu.memory_space<hbm>> -> memref<128x128xf32, #tpu.memory_space<hbm>>
      %dma_wait3A_140 = arith.constant 0 : i32
      %dma_wait3A_141 = tpu.memref_slice %arg16[%add3A_99, %dma_wait3A_140] : memref<10000x128xf32, #tpu.memory_space<vmem_shared>> -> memref<128x128xf32, #tpu.memory_space<vmem_shared>>
      tpu.wait_dma2 semaphore(%run_scoped3A : memref<!tpu.dma_semaphore, #tpu.memory_space<semaphore_mem>>) src(%dma_wait3A_141 : memref<128x128xf32, #tpu.memory_space<vmem_shared>>) dst(%dma_wait3A_139 : memref<128x128xf32, #tpu.memory_space<hbm>>)
      tpu.yield
    }) : () -> ()
    %mul3A_104 = arith.constant 624 : i32
    %mul3A_105 = arith.muli %arg1, %mul3A_104 : i32
    %add3A_106 = arith.constant 256 : i32
    %add3A_107 = arith.addi %mul3A_105, %add3A_106 : i32
    %mul3A_108 = arith.constant 624 : i32
    %mul3A_109 = arith.muli %arg1, %mul3A_108 : i32
    %add3A_110 = arith.constant 256 : i32
    %add3A_111 = arith.addi %mul3A_109, %add3A_110 : i32
    "tpu.region"() ({
      %run_scoped3A = tpu.sem_alloc : memref<!tpu.dma_semaphore, #tpu.memory_space<semaphore_mem>>
      %dma_start3A_133 = arith.constant 0 : i32
      %dma_start3A_134 = tpu.memref_slice %arg6[%arg0, %add3A_111, %dma_start3A_133] : memref<2x10000x128xf32, #tpu.memory_space<hbm>> -> memref<1x128x128xf32, #tpu.memory_space<hbm>>
      %dma_start3A_135 = tpu.memref_squeeze %dma_start3A_134 : memref<1x128x128xf32, #tpu.memory_space<hbm>> -> memref<128x128xf32, #tpu.memory_space<hbm>>
      %dma_start3A_136 = arith.constant 0 : i32
      %dma_start3A_137 = tpu.memref_slice %arg16[%add3A_107, %dma_start3A_136] : memref<10000x128xf32, #tpu.memory_space<vmem_shared>> -> memref<128x128xf32, #tpu.memory_space<vmem_shared>>
      tpu.enqueue_dma source(%dma_start3A_137 : memref<128x128xf32, #tpu.memory_space<vmem_shared>>) target(%dma_start3A_135 : memref<128x128xf32, #tpu.memory_space<hbm>>) target_semaphore(%run_scoped3A : memref<!tpu.dma_semaphore, #tpu.memory_space<semaphore_mem>>)
      %dma_wait3A = arith.constant 0 : i32
      %dma_wait3A_138 = tpu.memref_slice %arg6[%arg0, %add3A_111, %dma_wait3A] : memref<2x10000x128xf32, #tpu.memory_space<hbm>> -> memref<1x128x128xf32, #tpu.memory_space<hbm>>
      %dma_wait3A_139 = tpu.memref_squeeze %dma_wait3A_138 : memref<1x128x128xf32, #tpu.memory_space<hbm>> -> memref<128x128xf32, #tpu.memory_space<hbm>>
      %dma_wait3A_140 = arith.constant 0 : i32
      %dma_wait3A_141 = tpu.memref_slice %arg16[%add3A_107, %dma_wait3A_140] : memref<10000x128xf32, #tpu.memory_space<vmem_shared>> -> memref<128x128xf32, #tpu.memory_space<vmem_shared>>
      tpu.wait_dma2 semaphore(%run_scoped3A : memref<!tpu.dma_semaphore, #tpu.memory_space<semaphore_mem>>) src(%dma_wait3A_141 : memref<128x128xf32, #tpu.memory_space<vmem_shared>>) dst(%dma_wait3A_139 : memref<128x128xf32, #tpu.memory_space<hbm>>)
      tpu.yield
    }) : () -> ()
    %mul3A_112 = arith.constant 624 : i32
    %mul3A_113 = arith.muli %arg1, %mul3A_112 : i32
    %add3A_114 = arith.constant 384 : i32
    %add3A_115 = arith.addi %mul3A_113, %add3A_114 : i32
    %mul3A_116 = arith.constant 624 : i32
    %mul3A_117 = arith.muli %arg1, %mul3A_116 : i32
    %add3A_118 = arith.constant 384 : i32
    %add3A_119 = arith.addi %mul3A_117, %add3A_118 : i32
    "tpu.region"() ({
      %run_scoped3A = tpu.sem_alloc : memref<!tpu.dma_semaphore, #tpu.memory_space<semaphore_mem>>
      %dma_start3A_133 = arith.constant 0 : i32
      %dma_start3A_134 = tpu.memref_slice %arg6[%arg0, %add3A_119, %dma_start3A_133] : memref<2x10000x128xf32, #tpu.memory_space<hbm>> -> memref<1x128x128xf32, #tpu.memory_space<hbm>>
      %dma_start3A_135 = tpu.memref_squeeze %dma_start3A_134 : memref<1x128x128xf32, #tpu.memory_space<hbm>> -> memref<128x128xf32, #tpu.memory_space<hbm>>
      %dma_start3A_136 = arith.constant 0 : i32
      %dma_start3A_137 = tpu.memref_slice %arg16[%add3A_115, %dma_start3A_136] : memref<10000x128xf32, #tpu.memory_space<vmem_shared>> -> memref<128x128xf32, #tpu.memory_space<vmem_shared>>
      tpu.enqueue_dma source(%dma_start3A_137 : memref<128x128xf32, #tpu.memory_space<vmem_shared>>) target(%dma_start3A_135 : memref<128x128xf32, #tpu.memory_space<hbm>>) target_semaphore(%run_scoped3A : memref<!tpu.dma_semaphore, #tpu.memory_space<semaphore_mem>>)
      %dma_wait3A = arith.constant 0 : i32
      %dma_wait3A_138 = tpu.memref_slice %arg6[%arg0, %add3A_119, %dma_wait3A] : memref<2x10000x128xf32, #tpu.memory_space<hbm>> -> memref<1x128x128xf32, #tpu.memory_space<hbm>>
      %dma_wait3A_139 = tpu.memref_squeeze %dma_wait3A_138 : memref<1x128x128xf32, #tpu.memory_space<hbm>> -> memref<128x128xf32, #tpu.memory_space<hbm>>
      %dma_wait3A_140 = arith.constant 0 : i32
      %dma_wait3A_141 = tpu.memref_slice %arg16[%add3A_115, %dma_wait3A_140] : memref<10000x128xf32, #tpu.memory_space<vmem_shared>> -> memref<128x128xf32, #tpu.memory_space<vmem_shared>>
      tpu.wait_dma2 semaphore(%run_scoped3A : memref<!tpu.dma_semaphore, #tpu.memory_space<semaphore_mem>>) src(%dma_wait3A_141 : memref<128x128xf32, #tpu.memory_space<vmem_shared>>) dst(%dma_wait3A_139 : memref<128x128xf32, #tpu.memory_space<hbm>>)
      tpu.yield
    }) : () -> ()
    %mul3A_120 = arith.constant 624 : i32
    %mul3A_121 = arith.muli %arg1, %mul3A_120 : i32
    %add3A_122 = arith.constant 512 : i32
    %add3A_123 = arith.addi %mul3A_121, %add3A_122 : i32
    %mul3A_124 = arith.constant 624 : i32
    %mul3A_125 = arith.muli %arg1, %mul3A_124 : i32
    %add3A_126 = arith.constant 512 : i32
    %add3A_127 = arith.addi %mul3A_125, %add3A_126 : i32
    "tpu.region"() ({
      %run_scoped3A = tpu.sem_alloc : memref<!tpu.dma_semaphore, #tpu.memory_space<semaphore_mem>>
      %dma_start3A_133 = arith.constant 0 : i32
      %dma_start3A_134 = tpu.memref_slice %arg6[%arg0, %add3A_127, %dma_start3A_133] : memref<2x10000x128xf32, #tpu.memory_space<hbm>> -> memref<1x112x128xf32, #tpu.memory_space<hbm>>
      %dma_start3A_135 = tpu.memref_squeeze %dma_start3A_134 : memref<1x112x128xf32, #tpu.memory_space<hbm>> -> memref<112x128xf32, #tpu.memory_space<hbm>>
      %dma_start3A_136 = arith.constant 0 : i32
      %dma_start3A_137 = tpu.memref_slice %arg16[%add3A_123, %dma_start3A_136] : memref<10000x128xf32, #tpu.memory_space<vmem_shared>> -> memref<112x128xf32, #tpu.memory_space<vmem_shared>>
      tpu.enqueue_dma source(%dma_start3A_137 : memref<112x128xf32, #tpu.memory_space<vmem_shared>>) target(%dma_start3A_135 : memref<112x128xf32, #tpu.memory_space<hbm>>) target_semaphore(%run_scoped3A : memref<!tpu.dma_semaphore, #tpu.memory_space<semaphore_mem>>)
      %dma_wait3A = arith.constant 0 : i32
      %dma_wait3A_138 = tpu.memref_slice %arg6[%arg0, %add3A_127, %dma_wait3A] : memref<2x10000x128xf32, #tpu.memory_space<hbm>> -> memref<1x112x128xf32, #tpu.memory_space<hbm>>
      %dma_wait3A_139 = tpu.memref_squeeze %dma_wait3A_138 : memref<1x112x128xf32, #tpu.memory_space<hbm>> -> memref<112x128xf32, #tpu.memory_space<hbm>>
      %dma_wait3A_140 = arith.constant 0 : i32
      %dma_wait3A_141 = tpu.memref_slice %arg16[%add3A_123, %dma_wait3A_140] : memref<10000x128xf32, #tpu.memory_space<vmem_shared>> -> memref<112x128xf32, #tpu.memory_space<vmem_shared>>
      tpu.wait_dma2 semaphore(%run_scoped3A : memref<!tpu.dma_semaphore, #tpu.memory_space<semaphore_mem>>) src(%dma_wait3A_141 : memref<112x128xf32, #tpu.memory_space<vmem_shared>>) dst(%dma_wait3A_139 : memref<112x128xf32, #tpu.memory_space<hbm>>)
      tpu.yield
    }) : () -> ()
    %eq3A_128 = arith.constant 15 : i32
    %eq3A_129 = arith.cmpi eq, %arg1, %eq3A_128 : i32
    %convert_element_type3A_130 = arith.extui %eq3A_129 : i1 to i32
    %cond3A_131 = arith.constant 0 : i32
    %cond3A_132 = arith.cmpi ne, %convert_element_type3A_130, %cond3A_131 : i32
    scf.if %cond3A_132 {
      "tpu.region"() ({
        %run_scoped3A = tpu.sem_alloc : memref<!tpu.dma_semaphore, #tpu.memory_space<semaphore_mem>>
        %dma_start3A_133 = arith.constant 9984 : i32
        %dma_start3A_134 = arith.constant 0 : i32
        %dma_start3A_135 = tpu.memref_slice %arg6[%arg0, %dma_start3A_133, %dma_start3A_134] : memref<2x10000x128xf32, #tpu.memory_space<hbm>> -> memref<1x16x128xf32, #tpu.memory_space<hbm>>
        %dma_start3A_136 = tpu.memref_squeeze %dma_start3A_135 : memref<1x16x128xf32, #tpu.memory_space<hbm>> -> memref<16x128xf32, #tpu.memory_space<hbm>>
        %dma_start3A_137 = arith.constant 9984 : i32
        %dma_start3A_138 = arith.constant 0 : i32
        %dma_start3A_139 = tpu.memref_slice %arg16[%dma_start3A_137, %dma_start3A_138] : memref<10000x128xf32, #tpu.memory_space<vmem_shared>> -> memref<16x128xf32, #tpu.memory_space<vmem_shared>>
        tpu.enqueue_dma source(%dma_start3A_139 : memref<16x128xf32, #tpu.memory_space<vmem_shared>>) target(%dma_start3A_136 : memref<16x128xf32, #tpu.memory_space<hbm>>) target_semaphore(%run_scoped3A : memref<!tpu.dma_semaphore, #tpu.memory_space<semaphore_mem>>)
        %dma_wait3A = arith.constant 9984 : i32
        %dma_wait3A_140 = arith.constant 0 : i32
        %dma_wait3A_141 = tpu.memref_slice %arg6[%arg0, %dma_wait3A, %dma_wait3A_140] : memref<2x10000x128xf32, #tpu.memory_space<hbm>> -> memref<1x16x128xf32, #tpu.memory_space<hbm>>
        %dma_wait3A_142 = tpu.memref_squeeze %dma_wait3A_141 : memref<1x16x128xf32, #tpu.memory_space<hbm>> -> memref<16x128xf32, #tpu.memory_space<hbm>>
        %dma_wait3A_143 = arith.constant 9984 : i32
        %dma_wait3A_144 = arith.constant 0 : i32
        %dma_wait3A_145 = tpu.memref_slice %arg16[%dma_wait3A_143, %dma_wait3A_144] : memref<10000x128xf32, #tpu.memory_space<vmem_shared>> -> memref<16x128xf32, #tpu.memory_space<vmem_shared>>
        tpu.wait_dma2 semaphore(%run_scoped3A : memref<!tpu.dma_semaphore, #tpu.memory_space<semaphore_mem>>) src(%dma_wait3A_145 : memref<16x128xf32, #tpu.memory_space<vmem_shared>>) dst(%dma_wait3A_142 : memref<16x128xf32, #tpu.memory_space<hbm>>)
        tpu.yield
      }) : () -> ()
    } else {
    }
    return
  }
}

#map = affine_map<(d0, d1) -> (0, 0)>
#map1 = affine_map<(d0, d1) -> (0, 0, 0)>
module attributes {stable_mosaic.version = 14 : i64} {
  func.func @_sc_body(%arg0: i32, %arg1: i32, %arg2: memref<320000x128xf32, #tpu.memory_space<hbm>>, %arg3: memref<2500x128xi32, #tpu.memory_space<hbm>>, %arg4: memref<2500x128xi32, #tpu.memory_space<hbm>>, %arg5: memref<10000x128xf32, #tpu.memory_space<hbm>>, %arg6: memref<2x10000x128xf32, #tpu.memory_space<hbm>>, %arg7: memref<1x128xi32, #tpu.memory_space<vmem>>, %arg8: memref<1x128xi32, #tpu.memory_space<vmem>>, %arg9: memref<1x128xi32, #tpu.memory_space<vmem>>, %arg10: memref<1x128xi32, #tpu.memory_space<vmem>>, %arg11: memref<1x128xi32, #tpu.memory_space<vmem>>, %arg12: memref<1x128xi32, #tpu.memory_space<vmem>>, %arg13: memref<128x128xf32, #tpu.memory_space<vmem>>, %arg14: memref<128x128xf32, #tpu.memory_space<vmem>>, %arg15: memref<128x128xf32, #tpu.memory_space<vmem>>, %arg16: memref<10000x128xf32, #tpu.memory_space<vmem_shared>>, %arg17: memref<!tpu.dma_semaphore, #tpu.memory_space<semaphore_mem>>, %arg18: memref<!tpu.dma_semaphore, #tpu.memory_space<semaphore_mem>>, %arg19: memref<!tpu.dma_semaphore, #tpu.memory_space<semaphore_mem>>, %arg20: memref<!tpu.dma_semaphore, #tpu.memory_space<semaphore_mem>>, %arg21: memref<!tpu.dma_semaphore, #tpu.memory_space<semaphore_mem>>, %arg22: memref<!tpu.dma_semaphore, #tpu.memory_space<semaphore_mem>>, %arg23: memref<!tpu.dma_semaphore, #tpu.memory_space<semaphore_mem>>, %arg24: memref<!tpu.dma_semaphore, #tpu.memory_space<semaphore_mem>>, %arg25: memref<!tpu.dma_semaphore, #tpu.memory_space<semaphore_mem>>, %arg26: memref<!tpu.dma_semaphore, #tpu.memory_space<semaphore_mem>>, %arg27: memref<!tpu.dma_semaphore, #tpu.memory_space<semaphore_mem>>, %arg28: memref<!tpu.dma_semaphore, #tpu.memory_space<semaphore_mem>>, %arg29: memref<!tpu.dma_semaphore, #tpu.memory_space<semaphore_mem>>, %arg30: memref<!tpu.dma_semaphore, #tpu.memory_space<semaphore_mem>>, %arg31: memref<!tpu.dma_semaphore, #tpu.memory_space<semaphore_mem>>) attributes {dimension_semantics = [#tpu.dimension_semantics<core_parallel>, #tpu.dimension_semantics<subcore_parallel>], iteration_bounds = array<i64: 2, 16>, scalar_prefetch = 0 : i64, scratch_operands = 25 : i64, tpu.core_type = #tpu.core_type<sc_vector_subcore>, window_params = [{transform_indices = #map}, {transform_indices = #map}, {transform_indices = #map}, {transform_indices = #map}, {transform_indices = #map1}]} {
    %mul3A = arith.constant 2 : i32
    %mul3A_0 = arith.muli %arg1, %mul3A : i32
    %add3A = arith.addi %mul3A_0, %arg0 : i32
    %scan3A = arith.constant 0 : i32
    %scan3A_1 = arith.constant 0 : i32
    %scan3A_2 = arith.constant 128 : i32
    %scan3A_3 = arith.addi %scan3A_1, %scan3A_2 : i32
    %scan3A_4 = arith.constant 1 : i32
    scf.for %scan3A_153 = %scan3A_1 to %scan3A_3 step %scan3A_4  : i32 {
      %broadcast_in_dim3A = arith.constant 0.000000e+00 : f32
      %broadcast_in_dim3A_154 = vector.broadcast %broadcast_in_dim3A : f32 to vector<16xf32>
      %swap3A = arith.index_cast %scan3A_153 : i32 to index
      %swap3A_155 = arith.constant 0 : index
      %swap3A_156 = tpu.vector_load %arg13[%swap3A, %swap3A_155] {strides = array<i32>} : memref<128x128xf32, #tpu.memory_space<vmem>>, vector<1x16xf32>,
      %swap3A_157 = vector.shape_cast %swap3A_156 : vector<1x16xf32> to vector<16xf32>
      %swap3A_158 = vector.shape_cast %broadcast_in_dim3A_154 : vector<16xf32> to vector<1x16xf32>
      tpu.vector_store %arg13[%swap3A, %swap3A_155], %swap3A_158 {strides = array<i32>} : memref<128x128xf32, #tpu.memory_space<vmem>>, vector<1x16xf32>,
      %broadcast_in_dim3A_159 = arith.constant 0.000000e+00 : f32
      %broadcast_in_dim3A_160 = vector.broadcast %broadcast_in_dim3A_159 : f32 to vector<16xf32>
      %swap3A_161 = arith.index_cast %scan3A_153 : i32 to index
      %swap3A_162 = arith.constant 16 : index
      %swap3A_163 = tpu.vector_load %arg13[%swap3A_161, %swap3A_162] {strides = array<i32>} : memref<128x128xf32, #tpu.memory_space<vmem>>, vector<1x16xf32>,
      %swap3A_164 = vector.shape_cast %swap3A_163 : vector<1x16xf32> to vector<16xf32>
      %swap3A_165 = vector.shape_cast %broadcast_in_dim3A_160 : vector<16xf32> to vector<1x16xf32>
      tpu.vector_store %arg13[%swap3A_161, %swap3A_162], %swap3A_165 {strides = array<i32>} : memref<128x128xf32, #tpu.memory_space<vmem>>, vector<1x16xf32>,
      %broadcast_in_dim3A_166 = arith.constant 0.000000e+00 : f32
      %broadcast_in_dim3A_167 = vector.broadcast %broadcast_in_dim3A_166 : f32 to vector<16xf32>
      %swap3A_168 = arith.index_cast %scan3A_153 : i32 to index
      %swap3A_169 = arith.constant 32 : index
      %swap3A_170 = tpu.vector_load %arg13[%swap3A_168, %swap3A_169] {strides = array<i32>} : memref<128x128xf32, #tpu.memory_space<vmem>>, vector<1x16xf32>,
      %swap3A_171 = vector.shape_cast %swap3A_170 : vector<1x16xf32> to vector<16xf32>
      %swap3A_172 = vector.shape_cast %broadcast_in_dim3A_167 : vector<16xf32> to vector<1x16xf32>
      tpu.vector_store %arg13[%swap3A_168, %swap3A_169], %swap3A_172 {strides = array<i32>} : memref<128x128xf32, #tpu.memory_space<vmem>>, vector<1x16xf32>,
      %broadcast_in_dim3A_173 = arith.constant 0.000000e+00 : f32
      %broadcast_in_dim3A_174 = vector.broadcast %broadcast_in_dim3A_173 : f32 to vector<16xf32>
      %swap3A_175 = arith.index_cast %scan3A_153 : i32 to index
      %swap3A_176 = arith.constant 48 : index
      %swap3A_177 = tpu.vector_load %arg13[%swap3A_175, %swap3A_176] {strides = array<i32>} : memref<128x128xf32, #tpu.memory_space<vmem>>, vector<1x16xf32>,
      %swap3A_178 = vector.shape_cast %swap3A_177 : vector<1x16xf32> to vector<16xf32>
      %swap3A_179 = vector.shape_cast %broadcast_in_dim3A_174 : vector<16xf32> to vector<1x16xf32>
      tpu.vector_store %arg13[%swap3A_175, %swap3A_176], %swap3A_179 {strides = array<i32>} : memref<128x128xf32, #tpu.memory_space<vmem>>, vector<1x16xf32>,
      %broadcast_in_dim3A_180 = arith.constant 0.000000e+00 : f32
      %broadcast_in_dim3A_181 = vector.broadcast %broadcast_in_dim3A_180 : f32 to vector<16xf32>
      %swap3A_182 = arith.index_cast %scan3A_153 : i32 to index
      %swap3A_183 = arith.constant 64 : index
      %swap3A_184 = tpu.vector_load %arg13[%swap3A_182, %swap3A_183] {strides = array<i32>} : memref<128x128xf32, #tpu.memory_space<vmem>>, vector<1x16xf32>,
      %swap3A_185 = vector.shape_cast %swap3A_184 : vector<1x16xf32> to vector<16xf32>
      %swap3A_186 = vector.shape_cast %broadcast_in_dim3A_181 : vector<16xf32> to vector<1x16xf32>
      tpu.vector_store %arg13[%swap3A_182, %swap3A_183], %swap3A_186 {strides = array<i32>} : memref<128x128xf32, #tpu.memory_space<vmem>>, vector<1x16xf32>,
      %broadcast_in_dim3A_187 = arith.constant 0.000000e+00 : f32
      %broadcast_in_dim3A_188 = vector.broadcast %broadcast_in_dim3A_187 : f32 to vector<16xf32>
      %swap3A_189 = arith.index_cast %scan3A_153 : i32 to index
      %swap3A_190 = arith.constant 80 : index
      %swap3A_191 = tpu.vector_load %arg13[%swap3A_189, %swap3A_190] {strides = array<i32>} : memref<128x128xf32, #tpu.memory_space<vmem>>, vector<1x16xf32>,
      %swap3A_192 = vector.shape_cast %swap3A_191 : vector<1x16xf32> to vector<16xf32>
      %swap3A_193 = vector.shape_cast %broadcast_in_dim3A_188 : vector<16xf32> to vector<1x16xf32>
      tpu.vector_store %arg13[%swap3A_189, %swap3A_190], %swap3A_193 {strides = array<i32>} : memref<128x128xf32, #tpu.memory_space<vmem>>, vector<1x16xf32>,
      %broadcast_in_dim3A_194 = arith.constant 0.000000e+00 : f32
      %broadcast_in_dim3A_195 = vector.broadcast %broadcast_in_dim3A_194 : f32 to vector<16xf32>
      %swap3A_196 = arith.index_cast %scan3A_153 : i32 to index
      %swap3A_197 = arith.constant 96 : index
      %swap3A_198 = tpu.vector_load %arg13[%swap3A_196, %swap3A_197] {strides = array<i32>} : memref<128x128xf32, #tpu.memory_space<vmem>>, vector<1x16xf32>,
      %swap3A_199 = vector.shape_cast %swap3A_198 : vector<1x16xf32> to vector<16xf32>
      %swap3A_200 = vector.shape_cast %broadcast_in_dim3A_195 : vector<16xf32> to vector<1x16xf32>
      tpu.vector_store %arg13[%swap3A_196, %swap3A_197], %swap3A_200 {strides = array<i32>} : memref<128x128xf32, #tpu.memory_space<vmem>>, vector<1x16xf32>,
      %broadcast_in_dim3A_201 = arith.constant 0.000000e+00 : f32
      %broadcast_in_dim3A_202 = vector.broadcast %broadcast_in_dim3A_201 : f32 to vector<16xf32>
      %swap3A_203 = arith.index_cast %scan3A_153 : i32 to index
      %swap3A_204 = arith.constant 112 : index
      %swap3A_205 = tpu.vector_load %arg13[%swap3A_203, %swap3A_204] {strides = array<i32>} : memref<128x128xf32, #tpu.memory_space<vmem>>, vector<1x16xf32>,
      %swap3A_206 = vector.shape_cast %swap3A_205 : vector<1x16xf32> to vector<16xf32>
      %swap3A_207 = vector.shape_cast %broadcast_in_dim3A_202 : vector<16xf32> to vector<1x16xf32>
      tpu.vector_store %arg13[%swap3A_203, %swap3A_204], %swap3A_207 {strides = array<i32>} : memref<128x128xf32, #tpu.memory_space<vmem>>, vector<1x16xf32>,
    }
    %scan3A_5 = arith.constant 128 : i32
    %mul3A_6 = arith.constant 624 : i32
    %mul3A_7 = arith.muli %arg1, %mul3A_6 : i32
    %add3A_8 = arith.constant 0 : i32
    %add3A_9 = arith.addi %mul3A_7, %add3A_8 : i32
    "tpu.region"() ({
      %run_scoped3A = tpu.sem_alloc : memref<!tpu.dma_semaphore, #tpu.memory_space<semaphore_mem>>
      %dma_start3A_153 = arith.constant 0 : i32
      %dma_start3A_154 = arith.constant 0 : i32
      %dma_start3A_155 = tpu.memref_slice %arg13[%dma_start3A_153, %dma_start3A_154] : memref<128x128xf32, #tpu.memory_space<vmem>> -> memref<128x128xf32, #tpu.memory_space<vmem>>
      %dma_start3A_156 = arith.constant 0 : i32
      %dma_start3A_157 = tpu.memref_slice %arg16[%add3A_9, %dma_start3A_156] : memref<10000x128xf32, #tpu.memory_space<vmem_shared>> -> memref<128x128xf32, #tpu.memory_space<vmem_shared>>
      %dma_start3A_158 = arith.constant 0 : i32
      %dma_start3A_159 = tpu.memref_slice %arg16[%add3A_9, %dma_start3A_158] : memref<10000x128xf32, #tpu.memory_space<vmem_shared>> -> memref<128x128xf32, #tpu.memory_space<vmem_shared>>
      %dma_start3A_160 = arith.constant 0 : i32
      %dma_start3A_161 = arith.constant 0 : i32
      %dma_start3A_162 = tpu.memref_slice %arg13[%dma_start3A_160, %dma_start3A_161] : memref<128x128xf32, #tpu.memory_space<vmem>> -> memref<128x128xf32, #tpu.memory_space<vmem>>
      tpu.enqueue_dma source(%dma_start3A_162 : memref<128x128xf32, #tpu.memory_space<vmem>>) target(%dma_start3A_159 : memref<128x128xf32, #tpu.memory_space<vmem_shared>>) target_semaphore(%run_scoped3A : memref<!tpu.dma_semaphore, #tpu.memory_space<semaphore_mem>>)
      %dma_wait3A_163 = arith.constant 0 : i32
      %dma_wait3A_164 = arith.constant 0 : i32
      %dma_wait3A_165 = tpu.memref_slice %arg13[%dma_wait3A_163, %dma_wait3A_164] : memref<128x128xf32, #tpu.memory_space<vmem>> -> memref<128x128xf32, #tpu.memory_space<vmem>>
      %dma_wait3A_166 = arith.constant 0 : i32
      %dma_wait3A_167 = tpu.memref_slice %arg16[%add3A_9, %dma_wait3A_166] : memref<10000x128xf32, #tpu.memory_space<vmem_shared>> -> memref<128x128xf32, #tpu.memory_space<vmem_shared>>
      %dma_wait3A_168 = arith.constant 0 : i32
      %dma_wait3A_169 = tpu.memref_slice %arg16[%add3A_9, %dma_wait3A_168] : memref<10000x128xf32, #tpu.memory_space<vmem_shared>> -> memref<128x128xf32, #tpu.memory_space<vmem_shared>>
      %dma_wait3A_170 = arith.constant 0 : i32
      %dma_wait3A_171 = arith.constant 0 : i32
      %dma_wait3A_172 = tpu.memref_slice %arg13[%dma_wait3A_170, %dma_wait3A_171] : memref<128x128xf32, #tpu.memory_space<vmem>> -> memref<128x128xf32, #tpu.memory_space<vmem>>
      tpu.wait_dma2 semaphore(%run_scoped3A : memref<!tpu.dma_semaphore, #tpu.memory_space<semaphore_mem>>) src(%dma_wait3A_172 : memref<128x128xf32, #tpu.memory_space<vmem>>) dst(%dma_wait3A_169 : memref<128x128xf32, #tpu.memory_space<vmem_shared>>)
      tpu.yield
    }) : () -> ()
    %mul3A_10 = arith.constant 624 : i32
    %mul3A_11 = arith.muli %arg1, %mul3A_10 : i32
    %add3A_12 = arith.constant 128 : i32
    %add3A_13 = arith.addi %mul3A_11, %add3A_12 : i32
    "tpu.region"() ({
      %run_scoped3A = tpu.sem_alloc : memref<!tpu.dma_semaphore, #tpu.memory_space<semaphore_mem>>
      %dma_start3A_153 = arith.constant 0 : i32
      %dma_start3A_154 = arith.constant 0 : i32
      %dma_start3A_155 = tpu.memref_slice %arg13[%dma_start3A_153, %dma_start3A_154] : memref<128x128xf32, #tpu.memory_space<vmem>> -> memref<128x128xf32, #tpu.memory_space<vmem>>
      %dma_start3A_156 = arith.constant 0 : i32
      %dma_start3A_157 = tpu.memref_slice %arg16[%add3A_13, %dma_start3A_156] : memref<10000x128xf32, #tpu.memory_space<vmem_shared>> -> memref<128x128xf32, #tpu.memory_space<vmem_shared>>
      %dma_start3A_158 = arith.constant 0 : i32
      %dma_start3A_159 = tpu.memref_slice %arg16[%add3A_13, %dma_start3A_158] : memref<10000x128xf32, #tpu.memory_space<vmem_shared>> -> memref<128x128xf32, #tpu.memory_space<vmem_shared>>
      %dma_start3A_160 = arith.constant 0 : i32
      %dma_start3A_161 = arith.constant 0 : i32
      %dma_start3A_162 = tpu.memref_slice %arg13[%dma_start3A_160, %dma_start3A_161] : memref<128x128xf32, #tpu.memory_space<vmem>> -> memref<128x128xf32, #tpu.memory_space<vmem>>
      tpu.enqueue_dma source(%dma_start3A_162 : memref<128x128xf32, #tpu.memory_space<vmem>>) target(%dma_start3A_159 : memref<128x128xf32, #tpu.memory_space<vmem_shared>>) target_semaphore(%run_scoped3A : memref<!tpu.dma_semaphore, #tpu.memory_space<semaphore_mem>>)
      %dma_wait3A_163 = arith.constant 0 : i32
      %dma_wait3A_164 = arith.constant 0 : i32
      %dma_wait3A_165 = tpu.memref_slice %arg13[%dma_wait3A_163, %dma_wait3A_164] : memref<128x128xf32, #tpu.memory_space<vmem>> -> memref<128x128xf32, #tpu.memory_space<vmem>>
      %dma_wait3A_166 = arith.constant 0 : i32
      %dma_wait3A_167 = tpu.memref_slice %arg16[%add3A_13, %dma_wait3A_166] : memref<10000x128xf32, #tpu.memory_space<vmem_shared>> -> memref<128x128xf32, #tpu.memory_space<vmem_shared>>
      %dma_wait3A_168 = arith.constant 0 : i32
      %dma_wait3A_169 = tpu.memref_slice %arg16[%add3A_13, %dma_wait3A_168] : memref<10000x128xf32, #tpu.memory_space<vmem_shared>> -> memref<128x128xf32, #tpu.memory_space<vmem_shared>>
      %dma_wait3A_170 = arith.constant 0 : i32
      %dma_wait3A_171 = arith.constant 0 : i32
      %dma_wait3A_172 = tpu.memref_slice %arg13[%dma_wait3A_170, %dma_wait3A_171] : memref<128x128xf32, #tpu.memory_space<vmem>> -> memref<128x128xf32, #tpu.memory_space<vmem>>
      tpu.wait_dma2 semaphore(%run_scoped3A : memref<!tpu.dma_semaphore, #tpu.memory_space<semaphore_mem>>) src(%dma_wait3A_172 : memref<128x128xf32, #tpu.memory_space<vmem>>) dst(%dma_wait3A_169 : memref<128x128xf32, #tpu.memory_space<vmem_shared>>)
      tpu.yield
    }) : () -> ()
    %mul3A_14 = arith.constant 624 : i32
    %mul3A_15 = arith.muli %arg1, %mul3A_14 : i32
    %add3A_16 = arith.constant 256 : i32
    %add3A_17 = arith.addi %mul3A_15, %add3A_16 : i32
    "tpu.region"() ({
      %run_scoped3A = tpu.sem_alloc : memref<!tpu.dma_semaphore, #tpu.memory_space<semaphore_mem>>
      %dma_start3A_153 = arith.constant 0 : i32
      %dma_start3A_154 = arith.constant 0 : i32
      %dma_start3A_155 = tpu.memref_slice %arg13[%dma_start3A_153, %dma_start3A_154] : memref<128x128xf32, #tpu.memory_space<vmem>> -> memref<128x128xf32, #tpu.memory_space<vmem>>
      %dma_start3A_156 = arith.constant 0 : i32
      %dma_start3A_157 = tpu.memref_slice %arg16[%add3A_17, %dma_start3A_156] : memref<10000x128xf32, #tpu.memory_space<vmem_shared>> -> memref<128x128xf32, #tpu.memory_space<vmem_shared>>
      %dma_start3A_158 = arith.constant 0 : i32
      %dma_start3A_159 = tpu.memref_slice %arg16[%add3A_17, %dma_start3A_158] : memref<10000x128xf32, #tpu.memory_space<vmem_shared>> -> memref<128x128xf32, #tpu.memory_space<vmem_shared>>
      %dma_start3A_160 = arith.constant 0 : i32
      %dma_start3A_161 = arith.constant 0 : i32
      %dma_start3A_162 = tpu.memref_slice %arg13[%dma_start3A_160, %dma_start3A_161] : memref<128x128xf32, #tpu.memory_space<vmem>> -> memref<128x128xf32, #tpu.memory_space<vmem>>
      tpu.enqueue_dma source(%dma_start3A_162 : memref<128x128xf32, #tpu.memory_space<vmem>>) target(%dma_start3A_159 : memref<128x128xf32, #tpu.memory_space<vmem_shared>>) target_semaphore(%run_scoped3A : memref<!tpu.dma_semaphore, #tpu.memory_space<semaphore_mem>>)
      %dma_wait3A_163 = arith.constant 0 : i32
      %dma_wait3A_164 = arith.constant 0 : i32
      %dma_wait3A_165 = tpu.memref_slice %arg13[%dma_wait3A_163, %dma_wait3A_164] : memref<128x128xf32, #tpu.memory_space<vmem>> -> memref<128x128xf32, #tpu.memory_space<vmem>>
      %dma_wait3A_166 = arith.constant 0 : i32
      %dma_wait3A_167 = tpu.memref_slice %arg16[%add3A_17, %dma_wait3A_166] : memref<10000x128xf32, #tpu.memory_space<vmem_shared>> -> memref<128x128xf32, #tpu.memory_space<vmem_shared>>
      %dma_wait3A_168 = arith.constant 0 : i32
      %dma_wait3A_169 = tpu.memref_slice %arg16[%add3A_17, %dma_wait3A_168] : memref<10000x128xf32, #tpu.memory_space<vmem_shared>> -> memref<128x128xf32, #tpu.memory_space<vmem_shared>>
      %dma_wait3A_170 = arith.constant 0 : i32
      %dma_wait3A_171 = arith.constant 0 : i32
      %dma_wait3A_172 = tpu.memref_slice %arg13[%dma_wait3A_170, %dma_wait3A_171] : memref<128x128xf32, #tpu.memory_space<vmem>> -> memref<128x128xf32, #tpu.memory_space<vmem>>
      tpu.wait_dma2 semaphore(%run_scoped3A : memref<!tpu.dma_semaphore, #tpu.memory_space<semaphore_mem>>) src(%dma_wait3A_172 : memref<128x128xf32, #tpu.memory_space<vmem>>) dst(%dma_wait3A_169 : memref<128x128xf32, #tpu.memory_space<vmem_shared>>)
      tpu.yield
    }) : () -> ()
    %mul3A_18 = arith.constant 624 : i32
    %mul3A_19 = arith.muli %arg1, %mul3A_18 : i32
    %add3A_20 = arith.constant 384 : i32
    %add3A_21 = arith.addi %mul3A_19, %add3A_20 : i32
    "tpu.region"() ({
      %run_scoped3A = tpu.sem_alloc : memref<!tpu.dma_semaphore, #tpu.memory_space<semaphore_mem>>
      %dma_start3A_153 = arith.constant 0 : i32
      %dma_start3A_154 = arith.constant 0 : i32
      %dma_start3A_155 = tpu.memref_slice %arg13[%dma_start3A_153, %dma_start3A_154] : memref<128x128xf32, #tpu.memory_space<vmem>> -> memref<128x128xf32, #tpu.memory_space<vmem>>
      %dma_start3A_156 = arith.constant 0 : i32
      %dma_start3A_157 = tpu.memref_slice %arg16[%add3A_21, %dma_start3A_156] : memref<10000x128xf32, #tpu.memory_space<vmem_shared>> -> memref<128x128xf32, #tpu.memory_space<vmem_shared>>
      %dma_start3A_158 = arith.constant 0 : i32
      %dma_start3A_159 = tpu.memref_slice %arg16[%add3A_21, %dma_start3A_158] : memref<10000x128xf32, #tpu.memory_space<vmem_shared>> -> memref<128x128xf32, #tpu.memory_space<vmem_shared>>
      %dma_start3A_160 = arith.constant 0 : i32
      %dma_start3A_161 = arith.constant 0 : i32
      %dma_start3A_162 = tpu.memref_slice %arg13[%dma_start3A_160, %dma_start3A_161] : memref<128x128xf32, #tpu.memory_space<vmem>> -> memref<128x128xf32, #tpu.memory_space<vmem>>
      tpu.enqueue_dma source(%dma_start3A_162 : memref<128x128xf32, #tpu.memory_space<vmem>>) target(%dma_start3A_159 : memref<128x128xf32, #tpu.memory_space<vmem_shared>>) target_semaphore(%run_scoped3A : memref<!tpu.dma_semaphore, #tpu.memory_space<semaphore_mem>>)
      %dma_wait3A_163 = arith.constant 0 : i32
      %dma_wait3A_164 = arith.constant 0 : i32
      %dma_wait3A_165 = tpu.memref_slice %arg13[%dma_wait3A_163, %dma_wait3A_164] : memref<128x128xf32, #tpu.memory_space<vmem>> -> memref<128x128xf32, #tpu.memory_space<vmem>>
      %dma_wait3A_166 = arith.constant 0 : i32
      %dma_wait3A_167 = tpu.memref_slice %arg16[%add3A_21, %dma_wait3A_166] : memref<10000x128xf32, #tpu.memory_space<vmem_shared>> -> memref<128x128xf32, #tpu.memory_space<vmem_shared>>
      %dma_wait3A_168 = arith.constant 0 : i32
      %dma_wait3A_169 = tpu.memref_slice %arg16[%add3A_21, %dma_wait3A_168] : memref<10000x128xf32, #tpu.memory_space<vmem_shared>> -> memref<128x128xf32, #tpu.memory_space<vmem_shared>>
      %dma_wait3A_170 = arith.constant 0 : i32
      %dma_wait3A_171 = arith.constant 0 : i32
      %dma_wait3A_172 = tpu.memref_slice %arg13[%dma_wait3A_170, %dma_wait3A_171] : memref<128x128xf32, #tpu.memory_space<vmem>> -> memref<128x128xf32, #tpu.memory_space<vmem>>
      tpu.wait_dma2 semaphore(%run_scoped3A : memref<!tpu.dma_semaphore, #tpu.memory_space<semaphore_mem>>) src(%dma_wait3A_172 : memref<128x128xf32, #tpu.memory_space<vmem>>) dst(%dma_wait3A_169 : memref<128x128xf32, #tpu.memory_space<vmem_shared>>)
      tpu.yield
    }) : () -> ()
    %mul3A_22 = arith.constant 624 : i32
    %mul3A_23 = arith.muli %arg1, %mul3A_22 : i32
    %add3A_24 = arith.constant 512 : i32
    %add3A_25 = arith.addi %mul3A_23, %add3A_24 : i32
    "tpu.region"() ({
      %run_scoped3A = tpu.sem_alloc : memref<!tpu.dma_semaphore, #tpu.memory_space<semaphore_mem>>
      %dma_start3A_153 = arith.constant 0 : i32
      %dma_start3A_154 = arith.constant 0 : i32
      %dma_start3A_155 = tpu.memref_slice %arg13[%dma_start3A_153, %dma_start3A_154] : memref<128x128xf32, #tpu.memory_space<vmem>> -> memref<112x128xf32, #tpu.memory_space<vmem>>
      %dma_start3A_156 = arith.constant 0 : i32
      %dma_start3A_157 = tpu.memref_slice %arg16[%add3A_25, %dma_start3A_156] : memref<10000x128xf32, #tpu.memory_space<vmem_shared>> -> memref<112x128xf32, #tpu.memory_space<vmem_shared>>
      %dma_start3A_158 = arith.constant 0 : i32
      %dma_start3A_159 = tpu.memref_slice %arg16[%add3A_25, %dma_start3A_158] : memref<10000x128xf32, #tpu.memory_space<vmem_shared>> -> memref<112x128xf32, #tpu.memory_space<vmem_shared>>
      %dma_start3A_160 = arith.constant 0 : i32
      %dma_start3A_161 = arith.constant 0 : i32
      %dma_start3A_162 = tpu.memref_slice %arg13[%dma_start3A_160, %dma_start3A_161] : memref<128x128xf32, #tpu.memory_space<vmem>> -> memref<112x128xf32, #tpu.memory_space<vmem>>
      tpu.enqueue_dma source(%dma_start3A_162 : memref<112x128xf32, #tpu.memory_space<vmem>>) target(%dma_start3A_159 : memref<112x128xf32, #tpu.memory_space<vmem_shared>>) target_semaphore(%run_scoped3A : memref<!tpu.dma_semaphore, #tpu.memory_space<semaphore_mem>>)
      %dma_wait3A_163 = arith.constant 0 : i32
      %dma_wait3A_164 = arith.constant 0 : i32
      %dma_wait3A_165 = tpu.memref_slice %arg13[%dma_wait3A_163, %dma_wait3A_164] : memref<128x128xf32, #tpu.memory_space<vmem>> -> memref<112x128xf32, #tpu.memory_space<vmem>>
      %dma_wait3A_166 = arith.constant 0 : i32
      %dma_wait3A_167 = tpu.memref_slice %arg16[%add3A_25, %dma_wait3A_166] : memref<10000x128xf32, #tpu.memory_space<vmem_shared>> -> memref<112x128xf32, #tpu.memory_space<vmem_shared>>
      %dma_wait3A_168 = arith.constant 0 : i32
      %dma_wait3A_169 = tpu.memref_slice %arg16[%add3A_25, %dma_wait3A_168] : memref<10000x128xf32, #tpu.memory_space<vmem_shared>> -> memref<112x128xf32, #tpu.memory_space<vmem_shared>>
      %dma_wait3A_170 = arith.constant 0 : i32
      %dma_wait3A_171 = arith.constant 0 : i32
      %dma_wait3A_172 = tpu.memref_slice %arg13[%dma_wait3A_170, %dma_wait3A_171] : memref<128x128xf32, #tpu.memory_space<vmem>> -> memref<112x128xf32, #tpu.memory_space<vmem>>
      tpu.wait_dma2 semaphore(%run_scoped3A : memref<!tpu.dma_semaphore, #tpu.memory_space<semaphore_mem>>) src(%dma_wait3A_172 : memref<112x128xf32, #tpu.memory_space<vmem>>) dst(%dma_wait3A_169 : memref<112x128xf32, #tpu.memory_space<vmem_shared>>)
      tpu.yield
    }) : () -> ()
    %eq3A = arith.constant 15 : i32
    %eq3A_26 = arith.cmpi eq, %arg1, %eq3A : i32
    %convert_element_type3A = arith.extui %eq3A_26 : i1 to i32
    %cond3A = arith.constant 0 : i32
    %cond3A_27 = arith.cmpi ne, %convert_element_type3A, %cond3A : i32
    scf.if %cond3A_27 {
      "tpu.region"() ({
        %run_scoped3A = tpu.sem_alloc : memref<!tpu.dma_semaphore, #tpu.memory_space<semaphore_mem>>
        %dma_start3A_153 = arith.constant 0 : i32
        %dma_start3A_154 = arith.constant 0 : i32
        %dma_start3A_155 = tpu.memref_slice %arg13[%dma_start3A_153, %dma_start3A_154] : memref<128x128xf32, #tpu.memory_space<vmem>> -> memref<16x128xf32, #tpu.memory_space<vmem>>
        %dma_start3A_156 = arith.constant 9984 : i32
        %dma_start3A_157 = arith.constant 0 : i32
        %dma_start3A_158 = tpu.memref_slice %arg16[%dma_start3A_156, %dma_start3A_157] : memref<10000x128xf32, #tpu.memory_space<vmem_shared>> -> memref<16x128xf32, #tpu.memory_space<vmem_shared>>
        %dma_start3A_159 = arith.constant 9984 : i32
        %dma_start3A_160 = arith.constant 0 : i32
        %dma_start3A_161 = tpu.memref_slice %arg16[%dma_start3A_159, %dma_start3A_160] : memref<10000x128xf32, #tpu.memory_space<vmem_shared>> -> memref<16x128xf32, #tpu.memory_space<vmem_shared>>
        %dma_start3A_162 = arith.constant 0 : i32
        %dma_start3A_163 = arith.constant 0 : i32
        %dma_start3A_164 = tpu.memref_slice %arg13[%dma_start3A_162, %dma_start3A_163] : memref<128x128xf32, #tpu.memory_space<vmem>> -> memref<16x128xf32, #tpu.memory_space<vmem>>
        tpu.enqueue_dma source(%dma_start3A_164 : memref<16x128xf32, #tpu.memory_space<vmem>>) target(%dma_start3A_161 : memref<16x128xf32, #tpu.memory_space<vmem_shared>>) target_semaphore(%run_scoped3A : memref<!tpu.dma_semaphore, #tpu.memory_space<semaphore_mem>>)
        %dma_wait3A_165 = arith.constant 0 : i32
        %dma_wait3A_166 = arith.constant 0 : i32
        %dma_wait3A_167 = tpu.memref_slice %arg13[%dma_wait3A_165, %dma_wait3A_166] : memref<128x128xf32, #tpu.memory_space<vmem>> -> memref<16x128xf32, #tpu.memory_space<vmem>>
        %dma_wait3A_168 = arith.constant 9984 : i32
        %dma_wait3A_169 = arith.constant 0 : i32
        %dma_wait3A_170 = tpu.memref_slice %arg16[%dma_wait3A_168, %dma_wait3A_169] : memref<10000x128xf32, #tpu.memory_space<vmem_shared>> -> memref<16x128xf32, #tpu.memory_space<vmem_shared>>
        %dma_wait3A_171 = arith.constant 9984 : i32
        %dma_wait3A_172 = arith.constant 0 : i32
        %dma_wait3A_173 = tpu.memref_slice %arg16[%dma_wait3A_171, %dma_wait3A_172] : memref<10000x128xf32, #tpu.memory_space<vmem_shared>> -> memref<16x128xf32, #tpu.memory_space<vmem_shared>>
        %dma_wait3A_174 = arith.constant 0 : i32
        %dma_wait3A_175 = arith.constant 0 : i32
        %dma_wait3A_176 = tpu.memref_slice %arg13[%dma_wait3A_174, %dma_wait3A_175] : memref<128x128xf32, #tpu.memory_space<vmem>> -> memref<16x128xf32, #tpu.memory_space<vmem>>
        tpu.wait_dma2 semaphore(%run_scoped3A : memref<!tpu.dma_semaphore, #tpu.memory_space<semaphore_mem>>) src(%dma_wait3A_176 : memref<16x128xf32, #tpu.memory_space<vmem>>) dst(%dma_wait3A_173 : memref<16x128xf32, #tpu.memory_space<vmem_shared>>)
        tpu.yield
      }) : () -> ()
    } else {
    }
    %barrier3A = arith.constant 0 : index
    tpu.barrier barrier_id(%barrier3A)
    %dma_start3A = arith.constant 0 : i32
    %dma_start3A_28 = tpu.memref_slice %arg3[%add3A, %dma_start3A] : memref<2500x128xi32, #tpu.memory_space<hbm>> -> memref<1x128xi32, #tpu.memory_space<hbm>>
    %dma_start3A_29 = arith.constant 0 : i32
    %dma_start3A_30 = tpu.memref_slice %arg3[%add3A, %dma_start3A_29] : memref<2500x128xi32, #tpu.memory_space<hbm>> -> memref<1x128xi32, #tpu.memory_space<hbm>>
    tpu.enqueue_dma source(%dma_start3A_30 : memref<1x128xi32, #tpu.memory_space<hbm>>) target(%arg7 : memref<1x128xi32, #tpu.memory_space<vmem>>) target_semaphore(%arg17 : memref<!tpu.dma_semaphore, #tpu.memory_space<semaphore_mem>>)
    %dma_start3A_31 = arith.constant 0 : i32
    %dma_start3A_32 = tpu.memref_slice %arg4[%add3A, %dma_start3A_31] : memref<2500x128xi32, #tpu.memory_space<hbm>> -> memref<1x128xi32, #tpu.memory_space<hbm>>
    %dma_start3A_33 = arith.constant 0 : i32
    %dma_start3A_34 = tpu.memref_slice %arg4[%add3A, %dma_start3A_33] : memref<2500x128xi32, #tpu.memory_space<hbm>> -> memref<1x128xi32, #tpu.memory_space<hbm>>
    tpu.enqueue_dma source(%dma_start3A_34 : memref<1x128xi32, #tpu.memory_space<hbm>>) target(%arg10 : memref<1x128xi32, #tpu.memory_space<vmem>>) target_semaphore(%arg18 : memref<!tpu.dma_semaphore, #tpu.memory_space<semaphore_mem>>)
    %mul3A_35 = arith.constant 128 : i32
    %mul3A_36 = arith.muli %add3A, %mul3A_35 : i32
    %dma_start3A_37 = arith.constant 0 : i32
    %dma_start3A_38 = tpu.memref_slice %arg2[%mul3A_36, %dma_start3A_37] : memref<320000x128xf32, #tpu.memory_space<hbm>> -> memref<128x128xf32, #tpu.memory_space<hbm>>
    %dma_start3A_39 = arith.constant 0 : i32
    %dma_start3A_40 = tpu.memref_slice %arg2[%mul3A_36, %dma_start3A_39] : memref<320000x128xf32, #tpu.memory_space<hbm>> -> memref<128x128xf32, #tpu.memory_space<hbm>>
    tpu.enqueue_dma source(%dma_start3A_40 : memref<128x128xf32, #tpu.memory_space<hbm>>) target(%arg13 : memref<128x128xf32, #tpu.memory_space<vmem>>) target_semaphore(%arg19 : memref<!tpu.dma_semaphore, #tpu.memory_space<semaphore_mem>>)
    %add3A_41 = arith.constant 32 : i32
    %add3A_42 = arith.addi %add3A, %add3A_41 : i32
    %dma_start3A_43 = arith.constant 0 : i32
    %dma_start3A_44 = tpu.memref_slice %arg3[%add3A_42, %dma_start3A_43] : memref<2500x128xi32, #tpu.memory_space<hbm>> -> memref<1x128xi32, #tpu.memory_space<hbm>>
    %dma_start3A_45 = arith.constant 0 : i32
    %dma_start3A_46 = tpu.memref_slice %arg3[%add3A_42, %dma_start3A_45] : memref<2500x128xi32, #tpu.memory_space<hbm>> -> memref<1x128xi32, #tpu.memory_space<hbm>>
    tpu.enqueue_dma source(%dma_start3A_46 : memref<1x128xi32, #tpu.memory_space<hbm>>) target(%arg8 : memref<1x128xi32, #tpu.memory_space<vmem>>) target_semaphore(%arg22 : memref<!tpu.dma_semaphore, #tpu.memory_space<semaphore_mem>>)
    %dma_start3A_47 = arith.constant 0 : i32
    %dma_start3A_48 = tpu.memref_slice %arg4[%add3A_42, %dma_start3A_47] : memref<2500x128xi32, #tpu.memory_space<hbm>> -> memref<1x128xi32, #tpu.memory_space<hbm>>
    %dma_start3A_49 = arith.constant 0 : i32
    %dma_start3A_50 = tpu.memref_slice %arg4[%add3A_42, %dma_start3A_49] : memref<2500x128xi32, #tpu.memory_space<hbm>> -> memref<1x128xi32, #tpu.memory_space<hbm>>
    tpu.enqueue_dma source(%dma_start3A_50 : memref<1x128xi32, #tpu.memory_space<hbm>>) target(%arg11 : memref<1x128xi32, #tpu.memory_space<vmem>>) target_semaphore(%arg23 : memref<!tpu.dma_semaphore, #tpu.memory_space<semaphore_mem>>)
    %mul3A_51 = arith.constant 128 : i32
    %mul3A_52 = arith.muli %add3A_42, %mul3A_51 : i32
    %dma_start3A_53 = arith.constant 0 : i32
    %dma_start3A_54 = tpu.memref_slice %arg2[%mul3A_52, %dma_start3A_53] : memref<320000x128xf32, #tpu.memory_space<hbm>> -> memref<128x128xf32, #tpu.memory_space<hbm>>
    %dma_start3A_55 = arith.constant 0 : i32
    %dma_start3A_56 = tpu.memref_slice %arg2[%mul3A_52, %dma_start3A_55] : memref<320000x128xf32, #tpu.memory_space<hbm>> -> memref<128x128xf32, #tpu.memory_space<hbm>>
    tpu.enqueue_dma source(%dma_start3A_56 : memref<128x128xf32, #tpu.memory_space<hbm>>) target(%arg14 : memref<128x128xf32, #tpu.memory_space<vmem>>) target_semaphore(%arg24 : memref<!tpu.dma_semaphore, #tpu.memory_space<semaphore_mem>>)
    %add3A_57 = arith.constant 64 : i32
    %add3A_58 = arith.addi %add3A, %add3A_57 : i32
    %dma_start3A_59 = arith.constant 0 : i32
    %dma_start3A_60 = tpu.memref_slice %arg3[%add3A_58, %dma_start3A_59] : memref<2500x128xi32, #tpu.memory_space<hbm>> -> memref<1x128xi32, #tpu.memory_space<hbm>>
    %dma_start3A_61 = arith.constant 0 : i32
    %dma_start3A_62 = tpu.memref_slice %arg3[%add3A_58, %dma_start3A_61] : memref<2500x128xi32, #tpu.memory_space<hbm>> -> memref<1x128xi32, #tpu.memory_space<hbm>>
    tpu.enqueue_dma source(%dma_start3A_62 : memref<1x128xi32, #tpu.memory_space<hbm>>) target(%arg9 : memref<1x128xi32, #tpu.memory_space<vmem>>) target_semaphore(%arg27 : memref<!tpu.dma_semaphore, #tpu.memory_space<semaphore_mem>>)
    %dma_start3A_63 = arith.constant 0 : i32
    %dma_start3A_64 = tpu.memref_slice %arg4[%add3A_58, %dma_start3A_63] : memref<2500x128xi32, #tpu.memory_space<hbm>> -> memref<1x128xi32, #tpu.memory_space<hbm>>
    %dma_start3A_65 = arith.constant 0 : i32
    %dma_start3A_66 = tpu.memref_slice %arg4[%add3A_58, %dma_start3A_65] : memref<2500x128xi32, #tpu.memory_space<hbm>> -> memref<1x128xi32, #tpu.memory_space<hbm>>
    tpu.enqueue_dma source(%dma_start3A_66 : memref<1x128xi32, #tpu.memory_space<hbm>>) target(%arg12 : memref<1x128xi32, #tpu.memory_space<vmem>>) target_semaphore(%arg28 : memref<!tpu.dma_semaphore, #tpu.memory_space<semaphore_mem>>)
    %mul3A_67 = arith.constant 128 : i32
    %mul3A_68 = arith.muli %add3A_58, %mul3A_67 : i32
    %dma_start3A_69 = arith.constant 0 : i32
    %dma_start3A_70 = tpu.memref_slice %arg2[%mul3A_68, %dma_start3A_69] : memref<320000x128xf32, #tpu.memory_space<hbm>> -> memref<128x128xf32, #tpu.memory_space<hbm>>
    %dma_start3A_71 = arith.constant 0 : i32
    %dma_start3A_72 = tpu.memref_slice %arg2[%mul3A_68, %dma_start3A_71] : memref<320000x128xf32, #tpu.memory_space<hbm>> -> memref<128x128xf32, #tpu.memory_space<hbm>>
    tpu.enqueue_dma source(%dma_start3A_72 : memref<128x128xf32, #tpu.memory_space<hbm>>) target(%arg15 : memref<128x128xf32, #tpu.memory_space<vmem>>) target_semaphore(%arg29 : memref<!tpu.dma_semaphore, #tpu.memory_space<semaphore_mem>>)
    %dma_wait3A = arith.constant 0 : i32
    %dma_wait3A_73 = tpu.memref_slice %arg3[%add3A, %dma_wait3A] : memref<2500x128xi32, #tpu.memory_space<hbm>> -> memref<1x128xi32, #tpu.memory_space<hbm>>
    %dma_wait3A_74 = arith.constant 0 : i32
    %dma_wait3A_75 = tpu.memref_slice %arg3[%add3A, %dma_wait3A_74] : memref<2500x128xi32, #tpu.memory_space<hbm>> -> memref<1x128xi32, #tpu.memory_space<hbm>>
    tpu.wait_dma2 semaphore(%arg17 : memref<!tpu.dma_semaphore, #tpu.memory_space<semaphore_mem>>) src(%dma_wait3A_75 : memref<1x128xi32, #tpu.memory_space<hbm>>) dst(%arg7 : memref<1x128xi32, #tpu.memory_space<vmem>>)
    %dma_wait3A_76 = arith.constant 0 : i32
    %dma_wait3A_77 = tpu.memref_slice %arg4[%add3A, %dma_wait3A_76] : memref<2500x128xi32, #tpu.memory_space<hbm>> -> memref<1x128xi32, #tpu.memory_space<hbm>>
    %dma_wait3A_78 = arith.constant 0 : i32
    %dma_wait3A_79 = tpu.memref_slice %arg4[%add3A, %dma_wait3A_78] : memref<2500x128xi32, #tpu.memory_space<hbm>> -> memref<1x128xi32, #tpu.memory_space<hbm>>
    tpu.wait_dma2 semaphore(%arg18 : memref<!tpu.dma_semaphore, #tpu.memory_space<semaphore_mem>>) src(%dma_wait3A_79 : memref<1x128xi32, #tpu.memory_space<hbm>>) dst(%arg10 : memref<1x128xi32, #tpu.memory_space<vmem>>)
    %mul3A_80 = arith.constant 128 : i32
    %mul3A_81 = arith.muli %add3A, %mul3A_80 : i32
    %dma_wait3A_82 = arith.constant 0 : i32
    %dma_wait3A_83 = tpu.memref_slice %arg2[%mul3A_81, %dma_wait3A_82] : memref<320000x128xf32, #tpu.memory_space<hbm>> -> memref<128x128xf32, #tpu.memory_space<hbm>>
    %dma_wait3A_84 = arith.constant 0 : i32
    %dma_wait3A_85 = tpu.memref_slice %arg2[%mul3A_81, %dma_wait3A_84] : memref<320000x128xf32, #tpu.memory_space<hbm>> -> memref<128x128xf32, #tpu.memory_space<hbm>>
    tpu.wait_dma2 semaphore(%arg19 : memref<!tpu.dma_semaphore, #tpu.memory_space<semaphore_mem>>) src(%dma_wait3A_85 : memref<128x128xf32, #tpu.memory_space<hbm>>) dst(%arg13 : memref<128x128xf32, #tpu.memory_space<vmem>>)
    %dma_start3A_86 = arith.constant 0 : i32
    %dma_start3A_87 = arith.constant 0 : i32
    %dma_start3A_88 = tpu.memref_slice %arg7[%dma_start3A_86, %dma_start3A_87] : memref<1x128xi32, #tpu.memory_space<vmem>> -> memref<1x128xi32, #tpu.memory_space<vmem>>
    %dma_start3A_89 = tpu.memref_squeeze %dma_start3A_88 : memref<1x128xi32, #tpu.memory_space<vmem>> -> memref<128xi32, #tpu.memory_space<vmem>>
    %dma_start3A_90 = arith.constant 0 : i32
    %dma_start3A_91 = arith.constant 0 : i32
    %dma_start3A_92 = tpu.memref_slice %arg5[%dma_start3A_90, %dma_start3A_91] : memref<10000x128xf32, #tpu.memory_space<hbm>> -> memref<10000x128xf32, #tpu.memory_space<hbm>>
    tpu.enqueue_indirect_dma source(%dma_start3A_92 : memref<10000x128xf32, #tpu.memory_space<hbm>>) target(%arg13 : memref<128x128xf32, #tpu.memory_space<vmem>>) offsets(%dma_start3A_89 : memref<128xi32, #tpu.memory_space<vmem>>) semaphore(%arg20 : memref<!tpu.dma_semaphore, #tpu.memory_space<semaphore_mem>>) {add = true}
    %scan3A_93 = arith.constant 0 : i32
    %scan3A_94 = arith.constant 0 : i32
    %scan3A_95 = arith.constant 27 : i32
    %scan3A_96 = arith.addi %scan3A_94, %scan3A_95 : i32
    %scan3A_97 = arith.constant 1 : i32
    scf.for %scan3A_153 = %scan3A_94 to %scan3A_96 step %scan3A_97  : i32 {
      %mul3A_154 = arith.constant 3 : i32
      %mul3A_155 = arith.muli %mul3A_154, %scan3A_153 : i32
      %add3A_156 = arith.constant 0 : i32
      %add3A_157 = arith.addi %mul3A_155, %add3A_156 : i32
      %mul3A_158 = arith.constant 32 : i32
      %mul3A_159 = arith.muli %add3A_157, %mul3A_158 : i32
      %add3A_160 = arith.addi %add3A, %mul3A_159 : i32
      %lt3A_161 = arith.constant 2500 : i32
      %lt3A_162 = arith.cmpi slt, %add3A_160, %lt3A_161 : i32
      %convert_element_type3A_163 = arith.extui %lt3A_162 : i1 to i32
      %cond3A_164 = arith.constant 0 : i32
      %cond3A_165 = arith.cmpi ne, %convert_element_type3A_163, %cond3A_164 : i32
      scf.if %cond3A_165 {
        %add3A_190 = arith.constant 32 : i32
        %add3A_191 = arith.addi %add3A_160, %add3A_190 : i32
        %lt3A_192 = arith.constant 2500 : i32
        %lt3A_193 = arith.cmpi slt, %add3A_191, %lt3A_192 : i32
        %convert_element_type3A_194 = arith.extui %lt3A_193 : i1 to i32
        %cond3A_195 = arith.constant 0 : i32
        %cond3A_196 = arith.cmpi ne, %convert_element_type3A_194, %cond3A_195 : i32
        scf.if %cond3A_196 {
          %add3A_222 = arith.constant 32 : i32
          %add3A_223 = arith.addi %add3A_160, %add3A_222 : i32
          %dma_wait3A_224 = arith.constant 0 : i32
          %dma_wait3A_225 = tpu.memref_slice %arg3[%add3A_223, %dma_wait3A_224] : memref<2500x128xi32, #tpu.memory_space<hbm>> -> memref<1x128xi32, #tpu.memory_space<hbm>>
          %dma_wait3A_226 = arith.constant 0 : i32
          %dma_wait3A_227 = tpu.memref_slice %arg3[%add3A_223, %dma_wait3A_226] : memref<2500x128xi32, #tpu.memory_space<hbm>> -> memref<1x128xi32, #tpu.memory_space<hbm>>
          tpu.wait_dma2 semaphore(%arg22 : memref<!tpu.dma_semaphore, #tpu.memory_space<semaphore_mem>>) src(%dma_wait3A_227 : memref<1x128xi32, #tpu.memory_space<hbm>>) dst(%arg8 : memref<1x128xi32, #tpu.memory_space<vmem>>)
          %dma_wait3A_228 = arith.constant 0 : i32
          %dma_wait3A_229 = tpu.memref_slice %arg4[%add3A_223, %dma_wait3A_228] : memref<2500x128xi32, #tpu.memory_space<hbm>> -> memref<1x128xi32, #tpu.memory_space<hbm>>
          %dma_wait3A_230 = arith.constant 0 : i32
          %dma_wait3A_231 = tpu.memref_slice %arg4[%add3A_223, %dma_wait3A_230] : memref<2500x128xi32, #tpu.memory_space<hbm>> -> memref<1x128xi32, #tpu.memory_space<hbm>>
          tpu.wait_dma2 semaphore(%arg23 : memref<!tpu.dma_semaphore, #tpu.memory_space<semaphore_mem>>) src(%dma_wait3A_231 : memref<1x128xi32, #tpu.memory_space<hbm>>) dst(%arg11 : memref<1x128xi32, #tpu.memory_space<vmem>>)
          %mul3A_232 = arith.constant 128 : i32
          %mul3A_233 = arith.muli %add3A_223, %mul3A_232 : i32
          %dma_wait3A_234 = arith.constant 0 : i32
          %dma_wait3A_235 = tpu.memref_slice %arg2[%mul3A_233, %dma_wait3A_234] : memref<320000x128xf32, #tpu.memory_space<hbm>> -> memref<128x128xf32, #tpu.memory_space<hbm>>
          %dma_wait3A_236 = arith.constant 0 : i32
          %dma_wait3A_237 = tpu.memref_slice %arg2[%mul3A_233, %dma_wait3A_236] : memref<320000x128xf32, #tpu.memory_space<hbm>> -> memref<128x128xf32, #tpu.memory_space<hbm>>
          tpu.wait_dma2 semaphore(%arg24 : memref<!tpu.dma_semaphore, #tpu.memory_space<semaphore_mem>>) src(%dma_wait3A_237 : memref<128x128xf32, #tpu.memory_space<hbm>>) dst(%arg14 : memref<128x128xf32, #tpu.memory_space<vmem>>)
          %dma_start3A_238 = arith.constant 0 : i32
          %dma_start3A_239 = arith.constant 0 : i32
          %dma_start3A_240 = tpu.memref_slice %arg8[%dma_start3A_238, %dma_start3A_239] : memref<1x128xi32, #tpu.memory_space<vmem>> -> memref<1x128xi32, #tpu.memory_space<vmem>>
          %dma_start3A_241 = tpu.memref_squeeze %dma_start3A_240 : memref<1x128xi32, #tpu.memory_space<vmem>> -> memref<128xi32, #tpu.memory_space<vmem>>
          %dma_start3A_242 = arith.constant 0 : i32
          %dma_start3A_243 = arith.constant 0 : i32
          %dma_start3A_244 = tpu.memref_slice %arg5[%dma_start3A_242, %dma_start3A_243] : memref<10000x128xf32, #tpu.memory_space<hbm>> -> memref<10000x128xf32, #tpu.memory_space<hbm>>
          tpu.enqueue_indirect_dma source(%dma_start3A_244 : memref<10000x128xf32, #tpu.memory_space<hbm>>) target(%arg14 : memref<128x128xf32, #tpu.memory_space<vmem>>) offsets(%dma_start3A_241 : memref<128xi32, #tpu.memory_space<vmem>>) semaphore(%arg25 : memref<!tpu.dma_semaphore, #tpu.memory_space<semaphore_mem>>) {add = true}
        } else {
        }
        %dma_wait3A_197 = arith.constant 0 : i32
        %dma_wait3A_198 = arith.constant 0 : i32
        %dma_wait3A_199 = tpu.memref_slice %arg7[%dma_wait3A_197, %dma_wait3A_198] : memref<1x128xi32, #tpu.memory_space<vmem>> -> memref<1x128xi32, #tpu.memory_space<vmem>>
        %dma_wait3A_200 = tpu.memref_squeeze %dma_wait3A_199 : memref<1x128xi32, #tpu.memory_space<vmem>> -> memref<128xi32, #tpu.memory_space<vmem>>
        %dma_wait3A_201 = arith.constant 0 : i32
        %dma_wait3A_202 = arith.constant 0 : i32
        %dma_wait3A_203 = tpu.memref_slice %arg5[%dma_wait3A_201, %dma_wait3A_202] : memref<10000x128xf32, #tpu.memory_space<hbm>> -> memref<10000x128xf32, #tpu.memory_space<hbm>>
        tpu.wait_indirect_dma semaphore(%arg20 : memref<!tpu.dma_semaphore, #tpu.memory_space<semaphore_mem>>) src(%dma_wait3A_203 : memref<10000x128xf32, #tpu.memory_space<hbm>>) dst(%arg13 : memref<128x128xf32, #tpu.memory_space<vmem>>)
        %scan3A_204 = arith.constant 0 : i32
        %scan3A_205 = arith.constant 0 : i32
        %scan3A_206 = arith.constant 128 : i32
        %scan3A_207 = arith.addi %scan3A_205, %scan3A_206 : i32
        %scan3A_208 = arith.constant 1 : i32
        scf.for %scan3A_222 = %scan3A_205 to %scan3A_207 step %scan3A_208  : i32 {
          %get3A = arith.index_cast %scan3A_222 : i32 to index
          %get3A_223 = arith.constant 0 : index
          %get3A_224 = tpu.vector_load %arg13[%get3A, %get3A_223] {strides = array<i32>} : memref<128x128xf32, #tpu.memory_space<vmem>>, vector<1x16xf32>,
          %get3A_225 = vector.shape_cast %get3A_224 : vector<1x16xf32> to vector<16xf32>
          %max3A = arith.constant 0.000000e+00 : f32
          %max3A_226 = vector.broadcast %max3A : f32 to vector<16xf32>
          %max3A_227 = arith.maximumf %get3A_225, %max3A_226 : vector<16xf32>
          %swap3A = arith.index_cast %scan3A_222 : i32 to index
          %swap3A_228 = arith.constant 0 : index
          %swap3A_229 = tpu.vector_load %arg13[%swap3A, %swap3A_228] {strides = array<i32>} : memref<128x128xf32, #tpu.memory_space<vmem>>, vector<1x16xf32>,
          %swap3A_230 = vector.shape_cast %swap3A_229 : vector<1x16xf32> to vector<16xf32>
          %swap3A_231 = vector.shape_cast %max3A_227 : vector<16xf32> to vector<1x16xf32>
          tpu.vector_store %arg13[%swap3A, %swap3A_228], %swap3A_231 {strides = array<i32>} : memref<128x128xf32, #tpu.memory_space<vmem>>, vector<1x16xf32>,
          %get3A_232 = arith.index_cast %scan3A_222 : i32 to index
          %get3A_233 = arith.constant 16 : index
          %get3A_234 = tpu.vector_load %arg13[%get3A_232, %get3A_233] {strides = array<i32>} : memref<128x128xf32, #tpu.memory_space<vmem>>, vector<1x16xf32>,
          %get3A_235 = vector.shape_cast %get3A_234 : vector<1x16xf32> to vector<16xf32>
          %max3A_236 = arith.constant 0.000000e+00 : f32
          %max3A_237 = vector.broadcast %max3A_236 : f32 to vector<16xf32>
          %max3A_238 = arith.maximumf %get3A_235, %max3A_237 : vector<16xf32>
          %swap3A_239 = arith.index_cast %scan3A_222 : i32 to index
          %swap3A_240 = arith.constant 16 : index
          %swap3A_241 = tpu.vector_load %arg13[%swap3A_239, %swap3A_240] {strides = array<i32>} : memref<128x128xf32, #tpu.memory_space<vmem>>, vector<1x16xf32>,
          %swap3A_242 = vector.shape_cast %swap3A_241 : vector<1x16xf32> to vector<16xf32>
          %swap3A_243 = vector.shape_cast %max3A_238 : vector<16xf32> to vector<1x16xf32>
          tpu.vector_store %arg13[%swap3A_239, %swap3A_240], %swap3A_243 {strides = array<i32>} : memref<128x128xf32, #tpu.memory_space<vmem>>, vector<1x16xf32>,
          %get3A_244 = arith.index_cast %scan3A_222 : i32 to index
          %get3A_245 = arith.constant 32 : index
          %get3A_246 = tpu.vector_load %arg13[%get3A_244, %get3A_245] {strides = array<i32>} : memref<128x128xf32, #tpu.memory_space<vmem>>, vector<1x16xf32>,
          %get3A_247 = vector.shape_cast %get3A_246 : vector<1x16xf32> to vector<16xf32>
          %max3A_248 = arith.constant 0.000000e+00 : f32
          %max3A_249 = vector.broadcast %max3A_248 : f32 to vector<16xf32>
          %max3A_250 = arith.maximumf %get3A_247, %max3A_249 : vector<16xf32>
          %swap3A_251 = arith.index_cast %scan3A_222 : i32 to index
          %swap3A_252 = arith.constant 32 : index
          %swap3A_253 = tpu.vector_load %arg13[%swap3A_251, %swap3A_252] {strides = array<i32>} : memref<128x128xf32, #tpu.memory_space<vmem>>, vector<1x16xf32>,
          %swap3A_254 = vector.shape_cast %swap3A_253 : vector<1x16xf32> to vector<16xf32>
          %swap3A_255 = vector.shape_cast %max3A_250 : vector<16xf32> to vector<1x16xf32>
          tpu.vector_store %arg13[%swap3A_251, %swap3A_252], %swap3A_255 {strides = array<i32>} : memref<128x128xf32, #tpu.memory_space<vmem>>, vector<1x16xf32>,
          %get3A_256 = arith.index_cast %scan3A_222 : i32 to index
          %get3A_257 = arith.constant 48 : index
          %get3A_258 = tpu.vector_load %arg13[%get3A_256, %get3A_257] {strides = array<i32>} : memref<128x128xf32, #tpu.memory_space<vmem>>, vector<1x16xf32>,
          %get3A_259 = vector.shape_cast %get3A_258 : vector<1x16xf32> to vector<16xf32>
          %max3A_260 = arith.constant 0.000000e+00 : f32
          %max3A_261 = vector.broadcast %max3A_260 : f32 to vector<16xf32>
          %max3A_262 = arith.maximumf %get3A_259, %max3A_261 : vector<16xf32>
          %swap3A_263 = arith.index_cast %scan3A_222 : i32 to index
          %swap3A_264 = arith.constant 48 : index
          %swap3A_265 = tpu.vector_load %arg13[%swap3A_263, %swap3A_264] {strides = array<i32>} : memref<128x128xf32, #tpu.memory_space<vmem>>, vector<1x16xf32>,
          %swap3A_266 = vector.shape_cast %swap3A_265 : vector<1x16xf32> to vector<16xf32>
          %swap3A_267 = vector.shape_cast %max3A_262 : vector<16xf32> to vector<1x16xf32>
          tpu.vector_store %arg13[%swap3A_263, %swap3A_264], %swap3A_267 {strides = array<i32>} : memref<128x128xf32, #tpu.memory_space<vmem>>, vector<1x16xf32>,
          %get3A_268 = arith.index_cast %scan3A_222 : i32 to index
          %get3A_269 = arith.constant 64 : index
          %get3A_270 = tpu.vector_load %arg13[%get3A_268, %get3A_269] {strides = array<i32>} : memref<128x128xf32, #tpu.memory_space<vmem>>, vector<1x16xf32>,
          %get3A_271 = vector.shape_cast %get3A_270 : vector<1x16xf32> to vector<16xf32>
          %max3A_272 = arith.constant 0.000000e+00 : f32
          %max3A_273 = vector.broadcast %max3A_272 : f32 to vector<16xf32>
          %max3A_274 = arith.maximumf %get3A_271, %max3A_273 : vector<16xf32>
          %swap3A_275 = arith.index_cast %scan3A_222 : i32 to index
          %swap3A_276 = arith.constant 64 : index
          %swap3A_277 = tpu.vector_load %arg13[%swap3A_275, %swap3A_276] {strides = array<i32>} : memref<128x128xf32, #tpu.memory_space<vmem>>, vector<1x16xf32>,
          %swap3A_278 = vector.shape_cast %swap3A_277 : vector<1x16xf32> to vector<16xf32>
          %swap3A_279 = vector.shape_cast %max3A_274 : vector<16xf32> to vector<1x16xf32>
          tpu.vector_store %arg13[%swap3A_275, %swap3A_276], %swap3A_279 {strides = array<i32>} : memref<128x128xf32, #tpu.memory_space<vmem>>, vector<1x16xf32>,
          %get3A_280 = arith.index_cast %scan3A_222 : i32 to index
          %get3A_281 = arith.constant 80 : index
          %get3A_282 = tpu.vector_load %arg13[%get3A_280, %get3A_281] {strides = array<i32>} : memref<128x128xf32, #tpu.memory_space<vmem>>, vector<1x16xf32>,
          %get3A_283 = vector.shape_cast %get3A_282 : vector<1x16xf32> to vector<16xf32>
          %max3A_284 = arith.constant 0.000000e+00 : f32
          %max3A_285 = vector.broadcast %max3A_284 : f32 to vector<16xf32>
          %max3A_286 = arith.maximumf %get3A_283, %max3A_285 : vector<16xf32>
          %swap3A_287 = arith.index_cast %scan3A_222 : i32 to index
          %swap3A_288 = arith.constant 80 : index
          %swap3A_289 = tpu.vector_load %arg13[%swap3A_287, %swap3A_288] {strides = array<i32>} : memref<128x128xf32, #tpu.memory_space<vmem>>, vector<1x16xf32>,
          %swap3A_290 = vector.shape_cast %swap3A_289 : vector<1x16xf32> to vector<16xf32>
          %swap3A_291 = vector.shape_cast %max3A_286 : vector<16xf32> to vector<1x16xf32>
          tpu.vector_store %arg13[%swap3A_287, %swap3A_288], %swap3A_291 {strides = array<i32>} : memref<128x128xf32, #tpu.memory_space<vmem>>, vector<1x16xf32>,
          %get3A_292 = arith.index_cast %scan3A_222 : i32 to index
          %get3A_293 = arith.constant 96 : index
          %get3A_294 = tpu.vector_load %arg13[%get3A_292, %get3A_293] {strides = array<i32>} : memref<128x128xf32, #tpu.memory_space<vmem>>, vector<1x16xf32>,
          %get3A_295 = vector.shape_cast %get3A_294 : vector<1x16xf32> to vector<16xf32>
          %max3A_296 = arith.constant 0.000000e+00 : f32
          %max3A_297 = vector.broadcast %max3A_296 : f32 to vector<16xf32>
          %max3A_298 = arith.maximumf %get3A_295, %max3A_297 : vector<16xf32>
          %swap3A_299 = arith.index_cast %scan3A_222 : i32 to index
          %swap3A_300 = arith.constant 96 : index
          %swap3A_301 = tpu.vector_load %arg13[%swap3A_299, %swap3A_300] {strides = array<i32>} : memref<128x128xf32, #tpu.memory_space<vmem>>, vector<1x16xf32>,
          %swap3A_302 = vector.shape_cast %swap3A_301 : vector<1x16xf32> to vector<16xf32>
          %swap3A_303 = vector.shape_cast %max3A_298 : vector<16xf32> to vector<1x16xf32>
          tpu.vector_store %arg13[%swap3A_299, %swap3A_300], %swap3A_303 {strides = array<i32>} : memref<128x128xf32, #tpu.memory_space<vmem>>, vector<1x16xf32>,
          %get3A_304 = arith.index_cast %scan3A_222 : i32 to index
          %get3A_305 = arith.constant 112 : index
          %get3A_306 = tpu.vector_load %arg13[%get3A_304, %get3A_305] {strides = array<i32>} : memref<128x128xf32, #tpu.memory_space<vmem>>, vector<1x16xf32>,
          %get3A_307 = vector.shape_cast %get3A_306 : vector<1x16xf32> to vector<16xf32>
          %max3A_308 = arith.constant 0.000000e+00 : f32
          %max3A_309 = vector.broadcast %max3A_308 : f32 to vector<16xf32>
          %max3A_310 = arith.maximumf %get3A_307, %max3A_309 : vector<16xf32>
          %swap3A_311 = arith.index_cast %scan3A_222 : i32 to index
          %swap3A_312 = arith.constant 112 : index
          %swap3A_313 = tpu.vector_load %arg13[%swap3A_311, %swap3A_312] {strides = array<i32>} : memref<128x128xf32, #tpu.memory_space<vmem>>, vector<1x16xf32>,
          %swap3A_314 = vector.shape_cast %swap3A_313 : vector<1x16xf32> to vector<16xf32>
          %swap3A_315 = vector.shape_cast %max3A_310 : vector<16xf32> to vector<1x16xf32>
          tpu.vector_store %arg13[%swap3A_311, %swap3A_312], %swap3A_315 {strides = array<i32>} : memref<128x128xf32, #tpu.memory_space<vmem>>, vector<1x16xf32>,
        }
        %scan3A_209 = arith.constant 128 : i32
        %dma_start3A_210 = arith.constant 0 : i32
        %dma_start3A_211 = arith.constant 0 : i32
        %dma_start3A_212 = tpu.memref_slice %arg10[%dma_start3A_210, %dma_start3A_211] : memref<1x128xi32, #tpu.memory_space<vmem>> -> memref<1x128xi32, #tpu.memory_space<vmem>>
        %dma_start3A_213 = tpu.memref_squeeze %dma_start3A_212 : memref<1x128xi32, #tpu.memory_space<vmem>> -> memref<128xi32, #tpu.memory_space<vmem>>
        %dma_start3A_214 = arith.constant 0 : i32
        %dma_start3A_215 = arith.constant 0 : i32
        %dma_start3A_216 = tpu.memref_slice %arg16[%dma_start3A_214, %dma_start3A_215] : memref<10000x128xf32, #tpu.memory_space<vmem_shared>> -> memref<10000x128xf32, #tpu.memory_space<vmem_shared>>
        tpu.enqueue_indirect_dma source(%arg13 : memref<128x128xf32, #tpu.memory_space<vmem>>) target(%dma_start3A_216 : memref<10000x128xf32, #tpu.memory_space<vmem_shared>>) offsets(%dma_start3A_213 : memref<128xi32, #tpu.memory_space<vmem>>) semaphore(%arg21 : memref<!tpu.dma_semaphore, #tpu.memory_space<semaphore_mem>>) {add = true}
        %ge3A_217 = arith.constant 1 : i32
        %ge3A_218 = arith.cmpi sge, %add3A_157, %ge3A_217 : i32
        %convert_element_type3A_219 = arith.extui %ge3A_218 : i1 to i32
        %cond3A_220 = arith.constant 0 : i32
        %cond3A_221 = arith.cmpi ne, %convert_element_type3A_219, %cond3A_220 : i32
        scf.if %cond3A_221 {
          %dma_wait3A_222 = arith.constant 0 : i32
          %dma_wait3A_223 = arith.constant 0 : i32
          %dma_wait3A_224 = tpu.memref_slice %arg12[%dma_wait3A_222, %dma_wait3A_223] : memref<1x128xi32, #tpu.memory_space<vmem>> -> memref<1x128xi32, #tpu.memory_space<vmem>>
          %dma_wait3A_225 = tpu.memref_squeeze %dma_wait3A_224 : memref<1x128xi32, #tpu.memory_space<vmem>> -> memref<128xi32, #tpu.memory_space<vmem>>
          %dma_wait3A_226 = arith.constant 0 : i32
          %dma_wait3A_227 = arith.constant 0 : i32
          %dma_wait3A_228 = tpu.memref_slice %arg16[%dma_wait3A_226, %dma_wait3A_227] : memref<10000x128xf32, #tpu.memory_space<vmem_shared>> -> memref<10000x128xf32, #tpu.memory_space<vmem_shared>>
          tpu.wait_indirect_dma semaphore(%arg31 : memref<!tpu.dma_semaphore, #tpu.memory_space<semaphore_mem>>) src(%arg15 : memref<128x128xf32, #tpu.memory_space<vmem>>) dst(%dma_wait3A_228 : memref<10000x128xf32, #tpu.memory_space<vmem_shared>>)
          %add3A_229 = arith.constant 64 : i32
          %add3A_230 = arith.addi %add3A_160, %add3A_229 : i32
          %lt3A_231 = arith.constant 2500 : i32
          %lt3A_232 = arith.cmpi slt, %add3A_230, %lt3A_231 : i32
          %convert_element_type3A_233 = arith.extui %lt3A_232 : i1 to i32
          %cond3A_234 = arith.constant 0 : i32
          %cond3A_235 = arith.cmpi ne, %convert_element_type3A_233, %cond3A_234 : i32
          scf.if %cond3A_235 {
            %add3A_236 = arith.constant 64 : i32
            %add3A_237 = arith.addi %add3A_160, %add3A_236 : i32
            %dma_start3A_238 = arith.constant 0 : i32
            %dma_start3A_239 = tpu.memref_slice %arg3[%add3A_237, %dma_start3A_238] : memref<2500x128xi32, #tpu.memory_space<hbm>> -> memref<1x128xi32, #tpu.memory_space<hbm>>
            %dma_start3A_240 = arith.constant 0 : i32
            %dma_start3A_241 = tpu.memref_slice %arg3[%add3A_237, %dma_start3A_240] : memref<2500x128xi32, #tpu.memory_space<hbm>> -> memref<1x128xi32, #tpu.memory_space<hbm>>
            tpu.enqueue_dma source(%dma_start3A_241 : memref<1x128xi32, #tpu.memory_space<hbm>>) target(%arg9 : memref<1x128xi32, #tpu.memory_space<vmem>>) target_semaphore(%arg27 : memref<!tpu.dma_semaphore, #tpu.memory_space<semaphore_mem>>)
            %dma_start3A_242 = arith.constant 0 : i32
            %dma_start3A_243 = tpu.memref_slice %arg4[%add3A_237, %dma_start3A_242] : memref<2500x128xi32, #tpu.memory_space<hbm>> -> memref<1x128xi32, #tpu.memory_space<hbm>>
            %dma_start3A_244 = arith.constant 0 : i32
            %dma_start3A_245 = tpu.memref_slice %arg4[%add3A_237, %dma_start3A_244] : memref<2500x128xi32, #tpu.memory_space<hbm>> -> memref<1x128xi32, #tpu.memory_space<hbm>>
            tpu.enqueue_dma source(%dma_start3A_245 : memref<1x128xi32, #tpu.memory_space<hbm>>) target(%arg12 : memref<1x128xi32, #tpu.memory_space<vmem>>) target_semaphore(%arg28 : memref<!tpu.dma_semaphore, #tpu.memory_space<semaphore_mem>>)
            %mul3A_246 = arith.constant 128 : i32
            %mul3A_247 = arith.muli %add3A_237, %mul3A_246 : i32
            %dma_start3A_248 = arith.constant 0 : i32
            %dma_start3A_249 = tpu.memref_slice %arg2[%mul3A_247, %dma_start3A_248] : memref<320000x128xf32, #tpu.memory_space<hbm>> -> memref<128x128xf32, #tpu.memory_space<hbm>>
            %dma_start3A_250 = arith.constant 0 : i32
            %dma_start3A_251 = tpu.memref_slice %arg2[%mul3A_247, %dma_start3A_250] : memref<320000x128xf32, #tpu.memory_space<hbm>> -> memref<128x128xf32, #tpu.memory_space<hbm>>
            tpu.enqueue_dma source(%dma_start3A_251 : memref<128x128xf32, #tpu.memory_space<hbm>>) target(%arg15 : memref<128x128xf32, #tpu.memory_space<vmem>>) target_semaphore(%arg29 : memref<!tpu.dma_semaphore, #tpu.memory_space<semaphore_mem>>)
          } else {
          }
        } else {
        }
      } else {
      }
      %mul3A_166 = arith.constant 3 : i32
      %mul3A_167 = arith.muli %mul3A_166, %scan3A_153 : i32
      %add3A_168 = arith.constant 1 : i32
      %add3A_169 = arith.addi %mul3A_167, %add3A_168 : i32
      %mul3A_170 = arith.constant 32 : i32
      %mul3A_171 = arith.muli %add3A_169, %mul3A_170 : i32
      %add3A_172 = arith.addi %add3A, %mul3A_171 : i32
      %lt3A_173 = arith.constant 2500 : i32
      %lt3A_174 = arith.cmpi slt, %add3A_172, %lt3A_173 : i32
      %convert_element_type3A_175 = arith.extui %lt3A_174 : i1 to i32
      %cond3A_176 = arith.constant 0 : i32
      %cond3A_177 = arith.cmpi ne, %convert_element_type3A_175, %cond3A_176 : i32
      scf.if %cond3A_177 {
        %add3A_190 = arith.constant 32 : i32
        %add3A_191 = arith.addi %add3A_172, %add3A_190 : i32
        %lt3A_192 = arith.constant 2500 : i32
        %lt3A_193 = arith.cmpi slt, %add3A_191, %lt3A_192 : i32
        %convert_element_type3A_194 = arith.extui %lt3A_193 : i1 to i32
        %cond3A_195 = arith.constant 0 : i32
        %cond3A_196 = arith.cmpi ne, %convert_element_type3A_194, %cond3A_195 : i32
        scf.if %cond3A_196 {
          %add3A_222 = arith.constant 32 : i32
          %add3A_223 = arith.addi %add3A_172, %add3A_222 : i32
          %dma_wait3A_224 = arith.constant 0 : i32
          %dma_wait3A_225 = tpu.memref_slice %arg3[%add3A_223, %dma_wait3A_224] : memref<2500x128xi32, #tpu.memory_space<hbm>> -> memref<1x128xi32, #tpu.memory_space<hbm>>
          %dma_wait3A_226 = arith.constant 0 : i32
          %dma_wait3A_227 = tpu.memref_slice %arg3[%add3A_223, %dma_wait3A_226] : memref<2500x128xi32, #tpu.memory_space<hbm>> -> memref<1x128xi32, #tpu.memory_space<hbm>>
          tpu.wait_dma2 semaphore(%arg27 : memref<!tpu.dma_semaphore, #tpu.memory_space<semaphore_mem>>) src(%dma_wait3A_227 : memref<1x128xi32, #tpu.memory_space<hbm>>) dst(%arg9 : memref<1x128xi32, #tpu.memory_space<vmem>>)
          %dma_wait3A_228 = arith.constant 0 : i32
          %dma_wait3A_229 = tpu.memref_slice %arg4[%add3A_223, %dma_wait3A_228] : memref<2500x128xi32, #tpu.memory_space<hbm>> -> memref<1x128xi32, #tpu.memory_space<hbm>>
          %dma_wait3A_230 = arith.constant 0 : i32
          %dma_wait3A_231 = tpu.memref_slice %arg4[%add3A_223, %dma_wait3A_230] : memref<2500x128xi32, #tpu.memory_space<hbm>> -> memref<1x128xi32, #tpu.memory_space<hbm>>
          tpu.wait_dma2 semaphore(%arg28 : memref<!tpu.dma_semaphore, #tpu.memory_space<semaphore_mem>>) src(%dma_wait3A_231 : memref<1x128xi32, #tpu.memory_space<hbm>>) dst(%arg12 : memref<1x128xi32, #tpu.memory_space<vmem>>)
          %mul3A_232 = arith.constant 128 : i32
          %mul3A_233 = arith.muli %add3A_223, %mul3A_232 : i32
          %dma_wait3A_234 = arith.constant 0 : i32
          %dma_wait3A_235 = tpu.memref_slice %arg2[%mul3A_233, %dma_wait3A_234] : memref<320000x128xf32, #tpu.memory_space<hbm>> -> memref<128x128xf32, #tpu.memory_space<hbm>>
          %dma_wait3A_236 = arith.constant 0 : i32
          %dma_wait3A_237 = tpu.memref_slice %arg2[%mul3A_233, %dma_wait3A_236] : memref<320000x128xf32, #tpu.memory_space<hbm>> -> memref<128x128xf32, #tpu.memory_space<hbm>>
          tpu.wait_dma2 semaphore(%arg29 : memref<!tpu.dma_semaphore, #tpu.memory_space<semaphore_mem>>) src(%dma_wait3A_237 : memref<128x128xf32, #tpu.memory_space<hbm>>) dst(%arg15 : memref<128x128xf32, #tpu.memory_space<vmem>>)
          %dma_start3A_238 = arith.constant 0 : i32
          %dma_start3A_239 = arith.constant 0 : i32
          %dma_start3A_240 = tpu.memref_slice %arg9[%dma_start3A_238, %dma_start3A_239] : memref<1x128xi32, #tpu.memory_space<vmem>> -> memref<1x128xi32, #tpu.memory_space<vmem>>
          %dma_start3A_241 = tpu.memref_squeeze %dma_start3A_240 : memref<1x128xi32, #tpu.memory_space<vmem>> -> memref<128xi32, #tpu.memory_space<vmem>>
          %dma_start3A_242 = arith.constant 0 : i32
          %dma_start3A_243 = arith.constant 0 : i32
          %dma_start3A_244 = tpu.memref_slice %arg5[%dma_start3A_242, %dma_start3A_243] : memref<10000x128xf32, #tpu.memory_space<hbm>> -> memref<10000x128xf32, #tpu.memory_space<hbm>>
          tpu.enqueue_indirect_dma source(%dma_start3A_244 : memref<10000x128xf32, #tpu.memory_space<hbm>>) target(%arg15 : memref<128x128xf32, #tpu.memory_space<vmem>>) offsets(%dma_start3A_241 : memref<128xi32, #tpu.memory_space<vmem>>) semaphore(%arg30 : memref<!tpu.dma_semaphore, #tpu.memory_space<semaphore_mem>>) {add = true}
        } else {
        }
        %dma_wait3A_197 = arith.constant 0 : i32
        %dma_wait3A_198 = arith.constant 0 : i32
        %dma_wait3A_199 = tpu.memref_slice %arg8[%dma_wait3A_197, %dma_wait3A_198] : memref<1x128xi32, #tpu.memory_space<vmem>> -> memref<1x128xi32, #tpu.memory_space<vmem>>
        %dma_wait3A_200 = tpu.memref_squeeze %dma_wait3A_199 : memref<1x128xi32, #tpu.memory_space<vmem>> -> memref<128xi32, #tpu.memory_space<vmem>>
        %dma_wait3A_201 = arith.constant 0 : i32
        %dma_wait3A_202 = arith.constant 0 : i32
        %dma_wait3A_203 = tpu.memref_slice %arg5[%dma_wait3A_201, %dma_wait3A_202] : memref<10000x128xf32, #tpu.memory_space<hbm>> -> memref<10000x128xf32, #tpu.memory_space<hbm>>
        tpu.wait_indirect_dma semaphore(%arg25 : memref<!tpu.dma_semaphore, #tpu.memory_space<semaphore_mem>>) src(%dma_wait3A_203 : memref<10000x128xf32, #tpu.memory_space<hbm>>) dst(%arg14 : memref<128x128xf32, #tpu.memory_space<vmem>>)
        %scan3A_204 = arith.constant 0 : i32
        %scan3A_205 = arith.constant 0 : i32
        %scan3A_206 = arith.constant 128 : i32
        %scan3A_207 = arith.addi %scan3A_205, %scan3A_206 : i32
        %scan3A_208 = arith.constant 1 : i32
        scf.for %scan3A_222 = %scan3A_205 to %scan3A_207 step %scan3A_208  : i32 {
          %get3A = arith.index_cast %scan3A_222 : i32 to index
          %get3A_223 = arith.constant 0 : index
          %get3A_224 = tpu.vector_load %arg14[%get3A, %get3A_223] {strides = array<i32>} : memref<128x128xf32, #tpu.memory_space<vmem>>, vector<1x16xf32>,
          %get3A_225 = vector.shape_cast %get3A_224 : vector<1x16xf32> to vector<16xf32>
          %max3A = arith.constant 0.000000e+00 : f32
          %max3A_226 = vector.broadcast %max3A : f32 to vector<16xf32>
          %max3A_227 = arith.maximumf %get3A_225, %max3A_226 : vector<16xf32>
          %swap3A = arith.index_cast %scan3A_222 : i32 to index
          %swap3A_228 = arith.constant 0 : index
          %swap3A_229 = tpu.vector_load %arg14[%swap3A, %swap3A_228] {strides = array<i32>} : memref<128x128xf32, #tpu.memory_space<vmem>>, vector<1x16xf32>,
          %swap3A_230 = vector.shape_cast %swap3A_229 : vector<1x16xf32> to vector<16xf32>
          %swap3A_231 = vector.shape_cast %max3A_227 : vector<16xf32> to vector<1x16xf32>
          tpu.vector_store %arg14[%swap3A, %swap3A_228], %swap3A_231 {strides = array<i32>} : memref<128x128xf32, #tpu.memory_space<vmem>>, vector<1x16xf32>,
          %get3A_232 = arith.index_cast %scan3A_222 : i32 to index
          %get3A_233 = arith.constant 16 : index
          %get3A_234 = tpu.vector_load %arg14[%get3A_232, %get3A_233] {strides = array<i32>} : memref<128x128xf32, #tpu.memory_space<vmem>>, vector<1x16xf32>,
          %get3A_235 = vector.shape_cast %get3A_234 : vector<1x16xf32> to vector<16xf32>
          %max3A_236 = arith.constant 0.000000e+00 : f32
          %max3A_237 = vector.broadcast %max3A_236 : f32 to vector<16xf32>
          %max3A_238 = arith.maximumf %get3A_235, %max3A_237 : vector<16xf32>
          %swap3A_239 = arith.index_cast %scan3A_222 : i32 to index
          %swap3A_240 = arith.constant 16 : index
          %swap3A_241 = tpu.vector_load %arg14[%swap3A_239, %swap3A_240] {strides = array<i32>} : memref<128x128xf32, #tpu.memory_space<vmem>>, vector<1x16xf32>,
          %swap3A_242 = vector.shape_cast %swap3A_241 : vector<1x16xf32> to vector<16xf32>
          %swap3A_243 = vector.shape_cast %max3A_238 : vector<16xf32> to vector<1x16xf32>
          tpu.vector_store %arg14[%swap3A_239, %swap3A_240], %swap3A_243 {strides = array<i32>} : memref<128x128xf32, #tpu.memory_space<vmem>>, vector<1x16xf32>,
          %get3A_244 = arith.index_cast %scan3A_222 : i32 to index
          %get3A_245 = arith.constant 32 : index
          %get3A_246 = tpu.vector_load %arg14[%get3A_244, %get3A_245] {strides = array<i32>} : memref<128x128xf32, #tpu.memory_space<vmem>>, vector<1x16xf32>,
          %get3A_247 = vector.shape_cast %get3A_246 : vector<1x16xf32> to vector<16xf32>
          %max3A_248 = arith.constant 0.000000e+00 : f32
          %max3A_249 = vector.broadcast %max3A_248 : f32 to vector<16xf32>
          %max3A_250 = arith.maximumf %get3A_247, %max3A_249 : vector<16xf32>
          %swap3A_251 = arith.index_cast %scan3A_222 : i32 to index
          %swap3A_252 = arith.constant 32 : index
          %swap3A_253 = tpu.vector_load %arg14[%swap3A_251, %swap3A_252] {strides = array<i32>} : memref<128x128xf32, #tpu.memory_space<vmem>>, vector<1x16xf32>,
          %swap3A_254 = vector.shape_cast %swap3A_253 : vector<1x16xf32> to vector<16xf32>
          %swap3A_255 = vector.shape_cast %max3A_250 : vector<16xf32> to vector<1x16xf32>
          tpu.vector_store %arg14[%swap3A_251, %swap3A_252], %swap3A_255 {strides = array<i32>} : memref<128x128xf32, #tpu.memory_space<vmem>>, vector<1x16xf32>,
          %get3A_256 = arith.index_cast %scan3A_222 : i32 to index
          %get3A_257 = arith.constant 48 : index
          %get3A_258 = tpu.vector_load %arg14[%get3A_256, %get3A_257] {strides = array<i32>} : memref<128x128xf32, #tpu.memory_space<vmem>>, vector<1x16xf32>,
          %get3A_259 = vector.shape_cast %get3A_258 : vector<1x16xf32> to vector<16xf32>
          %max3A_260 = arith.constant 0.000000e+00 : f32
          %max3A_261 = vector.broadcast %max3A_260 : f32 to vector<16xf32>
          %max3A_262 = arith.maximumf %get3A_259, %max3A_261 : vector<16xf32>
          %swap3A_263 = arith.index_cast %scan3A_222 : i32 to index
          %swap3A_264 = arith.constant 48 : index
          %swap3A_265 = tpu.vector_load %arg14[%swap3A_263, %swap3A_264] {strides = array<i32>} : memref<128x128xf32, #tpu.memory_space<vmem>>, vector<1x16xf32>,
          %swap3A_266 = vector.shape_cast %swap3A_265 : vector<1x16xf32> to vector<16xf32>
          %swap3A_267 = vector.shape_cast %max3A_262 : vector<16xf32> to vector<1x16xf32>
          tpu.vector_store %arg14[%swap3A_263, %swap3A_264], %swap3A_267 {strides = array<i32>} : memref<128x128xf32, #tpu.memory_space<vmem>>, vector<1x16xf32>,
          %get3A_268 = arith.index_cast %scan3A_222 : i32 to index
          %get3A_269 = arith.constant 64 : index
          %get3A_270 = tpu.vector_load %arg14[%get3A_268, %get3A_269] {strides = array<i32>} : memref<128x128xf32, #tpu.memory_space<vmem>>, vector<1x16xf32>,
          %get3A_271 = vector.shape_cast %get3A_270 : vector<1x16xf32> to vector<16xf32>
          %max3A_272 = arith.constant 0.000000e+00 : f32
          %max3A_273 = vector.broadcast %max3A_272 : f32 to vector<16xf32>
          %max3A_274 = arith.maximumf %get3A_271, %max3A_273 : vector<16xf32>
          %swap3A_275 = arith.index_cast %scan3A_222 : i32 to index
          %swap3A_276 = arith.constant 64 : index
          %swap3A_277 = tpu.vector_load %arg14[%swap3A_275, %swap3A_276] {strides = array<i32>} : memref<128x128xf32, #tpu.memory_space<vmem>>, vector<1x16xf32>,
          %swap3A_278 = vector.shape_cast %swap3A_277 : vector<1x16xf32> to vector<16xf32>
          %swap3A_279 = vector.shape_cast %max3A_274 : vector<16xf32> to vector<1x16xf32>
          tpu.vector_store %arg14[%swap3A_275, %swap3A_276], %swap3A_279 {strides = array<i32>} : memref<128x128xf32, #tpu.memory_space<vmem>>, vector<1x16xf32>,
          %get3A_280 = arith.index_cast %scan3A_222 : i32 to index
          %get3A_281 = arith.constant 80 : index
          %get3A_282 = tpu.vector_load %arg14[%get3A_280, %get3A_281] {strides = array<i32>} : memref<128x128xf32, #tpu.memory_space<vmem>>, vector<1x16xf32>,
          %get3A_283 = vector.shape_cast %get3A_282 : vector<1x16xf32> to vector<16xf32>
          %max3A_284 = arith.constant 0.000000e+00 : f32
          %max3A_285 = vector.broadcast %max3A_284 : f32 to vector<16xf32>
          %max3A_286 = arith.maximumf %get3A_283, %max3A_285 : vector<16xf32>
          %swap3A_287 = arith.index_cast %scan3A_222 : i32 to index
          %swap3A_288 = arith.constant 80 : index
          %swap3A_289 = tpu.vector_load %arg14[%swap3A_287, %swap3A_288] {strides = array<i32>} : memref<128x128xf32, #tpu.memory_space<vmem>>, vector<1x16xf32>,
          %swap3A_290 = vector.shape_cast %swap3A_289 : vector<1x16xf32> to vector<16xf32>
          %swap3A_291 = vector.shape_cast %max3A_286 : vector<16xf32> to vector<1x16xf32>
          tpu.vector_store %arg14[%swap3A_287, %swap3A_288], %swap3A_291 {strides = array<i32>} : memref<128x128xf32, #tpu.memory_space<vmem>>, vector<1x16xf32>,
          %get3A_292 = arith.index_cast %scan3A_222 : i32 to index
          %get3A_293 = arith.constant 96 : index
          %get3A_294 = tpu.vector_load %arg14[%get3A_292, %get3A_293] {strides = array<i32>} : memref<128x128xf32, #tpu.memory_space<vmem>>, vector<1x16xf32>,
          %get3A_295 = vector.shape_cast %get3A_294 : vector<1x16xf32> to vector<16xf32>
          %max3A_296 = arith.constant 0.000000e+00 : f32
          %max3A_297 = vector.broadcast %max3A_296 : f32 to vector<16xf32>
          %max3A_298 = arith.maximumf %get3A_295, %max3A_297 : vector<16xf32>
          %swap3A_299 = arith.index_cast %scan3A_222 : i32 to index
          %swap3A_300 = arith.constant 96 : index
          %swap3A_301 = tpu.vector_load %arg14[%swap3A_299, %swap3A_300] {strides = array<i32>} : memref<128x128xf32, #tpu.memory_space<vmem>>, vector<1x16xf32>,
          %swap3A_302 = vector.shape_cast %swap3A_301 : vector<1x16xf32> to vector<16xf32>
          %swap3A_303 = vector.shape_cast %max3A_298 : vector<16xf32> to vector<1x16xf32>
          tpu.vector_store %arg14[%swap3A_299, %swap3A_300], %swap3A_303 {strides = array<i32>} : memref<128x128xf32, #tpu.memory_space<vmem>>, vector<1x16xf32>,
          %get3A_304 = arith.index_cast %scan3A_222 : i32 to index
          %get3A_305 = arith.constant 112 : index
          %get3A_306 = tpu.vector_load %arg14[%get3A_304, %get3A_305] {strides = array<i32>} : memref<128x128xf32, #tpu.memory_space<vmem>>, vector<1x16xf32>,
          %get3A_307 = vector.shape_cast %get3A_306 : vector<1x16xf32> to vector<16xf32>
          %max3A_308 = arith.constant 0.000000e+00 : f32
          %max3A_309 = vector.broadcast %max3A_308 : f32 to vector<16xf32>
          %max3A_310 = arith.maximumf %get3A_307, %max3A_309 : vector<16xf32>
          %swap3A_311 = arith.index_cast %scan3A_222 : i32 to index
          %swap3A_312 = arith.constant 112 : index
          %swap3A_313 = tpu.vector_load %arg14[%swap3A_311, %swap3A_312] {strides = array<i32>} : memref<128x128xf32, #tpu.memory_space<vmem>>, vector<1x16xf32>,
          %swap3A_314 = vector.shape_cast %swap3A_313 : vector<1x16xf32> to vector<16xf32>
          %swap3A_315 = vector.shape_cast %max3A_310 : vector<16xf32> to vector<1x16xf32>
          tpu.vector_store %arg14[%swap3A_311, %swap3A_312], %swap3A_315 {strides = array<i32>} : memref<128x128xf32, #tpu.memory_space<vmem>>, vector<1x16xf32>,
        }
        %scan3A_209 = arith.constant 128 : i32
        %dma_start3A_210 = arith.constant 0 : i32
        %dma_start3A_211 = arith.constant 0 : i32
        %dma_start3A_212 = tpu.memref_slice %arg11[%dma_start3A_210, %dma_start3A_211] : memref<1x128xi32, #tpu.memory_space<vmem>> -> memref<1x128xi32, #tpu.memory_space<vmem>>
        %dma_start3A_213 = tpu.memref_squeeze %dma_start3A_212 : memref<1x128xi32, #tpu.memory_space<vmem>> -> memref<128xi32, #tpu.memory_space<vmem>>
        %dma_start3A_214 = arith.constant 0 : i32
        %dma_start3A_215 = arith.constant 0 : i32
        %dma_start3A_216 = tpu.memref_slice %arg16[%dma_start3A_214, %dma_start3A_215] : memref<10000x128xf32, #tpu.memory_space<vmem_shared>> -> memref<10000x128xf32, #tpu.memory_space<vmem_shared>>
        tpu.enqueue_indirect_dma source(%arg14 : memref<128x128xf32, #tpu.memory_space<vmem>>) target(%dma_start3A_216 : memref<10000x128xf32, #tpu.memory_space<vmem_shared>>) offsets(%dma_start3A_213 : memref<128xi32, #tpu.memory_space<vmem>>) semaphore(%arg26 : memref<!tpu.dma_semaphore, #tpu.memory_space<semaphore_mem>>) {add = true}
        %ge3A_217 = arith.constant 1 : i32
        %ge3A_218 = arith.cmpi sge, %add3A_169, %ge3A_217 : i32
        %convert_element_type3A_219 = arith.extui %ge3A_218 : i1 to i32
        %cond3A_220 = arith.constant 0 : i32
        %cond3A_221 = arith.cmpi ne, %convert_element_type3A_219, %cond3A_220 : i32
        scf.if %cond3A_221 {
          %dma_wait3A_222 = arith.constant 0 : i32
          %dma_wait3A_223 = arith.constant 0 : i32
          %dma_wait3A_224 = tpu.memref_slice %arg10[%dma_wait3A_222, %dma_wait3A_223] : memref<1x128xi32, #tpu.memory_space<vmem>> -> memref<1x128xi32, #tpu.memory_space<vmem>>
          %dma_wait3A_225 = tpu.memref_squeeze %dma_wait3A_224 : memref<1x128xi32, #tpu.memory_space<vmem>> -> memref<128xi32, #tpu.memory_space<vmem>>
          %dma_wait3A_226 = arith.constant 0 : i32
          %dma_wait3A_227 = arith.constant 0 : i32
          %dma_wait3A_228 = tpu.memref_slice %arg16[%dma_wait3A_226, %dma_wait3A_227] : memref<10000x128xf32, #tpu.memory_space<vmem_shared>> -> memref<10000x128xf32, #tpu.memory_space<vmem_shared>>
          tpu.wait_indirect_dma semaphore(%arg21 : memref<!tpu.dma_semaphore, #tpu.memory_space<semaphore_mem>>) src(%arg13 : memref<128x128xf32, #tpu.memory_space<vmem>>) dst(%dma_wait3A_228 : memref<10000x128xf32, #tpu.memory_space<vmem_shared>>)
          %add3A_229 = arith.constant 64 : i32
          %add3A_230 = arith.addi %add3A_172, %add3A_229 : i32
          %lt3A_231 = arith.constant 2500 : i32
          %lt3A_232 = arith.cmpi slt, %add3A_230, %lt3A_231 : i32
          %convert_element_type3A_233 = arith.extui %lt3A_232 : i1 to i32
          %cond3A_234 = arith.constant 0 : i32
          %cond3A_235 = arith.cmpi ne, %convert_element_type3A_233, %cond3A_234 : i32
          scf.if %cond3A_235 {
            %add3A_236 = arith.constant 64 : i32
            %add3A_237 = arith.addi %add3A_172, %add3A_236 : i32
            %dma_start3A_238 = arith.constant 0 : i32
            %dma_start3A_239 = tpu.memref_slice %arg3[%add3A_237, %dma_start3A_238] : memref<2500x128xi32, #tpu.memory_space<hbm>> -> memref<1x128xi32, #tpu.memory_space<hbm>>
            %dma_start3A_240 = arith.constant 0 : i32
            %dma_start3A_241 = tpu.memref_slice %arg3[%add3A_237, %dma_start3A_240] : memref<2500x128xi32, #tpu.memory_space<hbm>> -> memref<1x128xi32, #tpu.memory_space<hbm>>
            tpu.enqueue_dma source(%dma_start3A_241 : memref<1x128xi32, #tpu.memory_space<hbm>>) target(%arg7 : memref<1x128xi32, #tpu.memory_space<vmem>>) target_semaphore(%arg17 : memref<!tpu.dma_semaphore, #tpu.memory_space<semaphore_mem>>)
            %dma_start3A_242 = arith.constant 0 : i32
            %dma_start3A_243 = tpu.memref_slice %arg4[%add3A_237, %dma_start3A_242] : memref<2500x128xi32, #tpu.memory_space<hbm>> -> memref<1x128xi32, #tpu.memory_space<hbm>>
            %dma_start3A_244 = arith.constant 0 : i32
            %dma_start3A_245 = tpu.memref_slice %arg4[%add3A_237, %dma_start3A_244] : memref<2500x128xi32, #tpu.memory_space<hbm>> -> memref<1x128xi32, #tpu.memory_space<hbm>>
            tpu.enqueue_dma source(%dma_start3A_245 : memref<1x128xi32, #tpu.memory_space<hbm>>) target(%arg10 : memref<1x128xi32, #tpu.memory_space<vmem>>) target_semaphore(%arg18 : memref<!tpu.dma_semaphore, #tpu.memory_space<semaphore_mem>>)
            %mul3A_246 = arith.constant 128 : i32
            %mul3A_247 = arith.muli %add3A_237, %mul3A_246 : i32
            %dma_start3A_248 = arith.constant 0 : i32
            %dma_start3A_249 = tpu.memref_slice %arg2[%mul3A_247, %dma_start3A_248] : memref<320000x128xf32, #tpu.memory_space<hbm>> -> memref<128x128xf32, #tpu.memory_space<hbm>>
            %dma_start3A_250 = arith.constant 0 : i32
            %dma_start3A_251 = tpu.memref_slice %arg2[%mul3A_247, %dma_start3A_250] : memref<320000x128xf32, #tpu.memory_space<hbm>> -> memref<128x128xf32, #tpu.memory_space<hbm>>
            tpu.enqueue_dma source(%dma_start3A_251 : memref<128x128xf32, #tpu.memory_space<hbm>>) target(%arg13 : memref<128x128xf32, #tpu.memory_space<vmem>>) target_semaphore(%arg19 : memref<!tpu.dma_semaphore, #tpu.memory_space<semaphore_mem>>)
          } else {
          }
        } else {
        }
      } else {
      }
      %mul3A_178 = arith.constant 3 : i32
      %mul3A_179 = arith.muli %mul3A_178, %scan3A_153 : i32
      %add3A_180 = arith.constant 2 : i32
      %add3A_181 = arith.addi %mul3A_179, %add3A_180 : i32
      %mul3A_182 = arith.constant 32 : i32
      %mul3A_183 = arith.muli %add3A_181, %mul3A_182 : i32
      %add3A_184 = arith.addi %add3A, %mul3A_183 : i32
      %lt3A_185 = arith.constant 2500 : i32
      %lt3A_186 = arith.cmpi slt, %add3A_184, %lt3A_185 : i32
      %convert_element_type3A_187 = arith.extui %lt3A_186 : i1 to i32
      %cond3A_188 = arith.constant 0 : i32
      %cond3A_189 = arith.cmpi ne, %convert_element_type3A_187, %cond3A_188 : i32
      scf.if %cond3A_189 {
        %add3A_190 = arith.constant 32 : i32
        %add3A_191 = arith.addi %add3A_184, %add3A_190 : i32
        %lt3A_192 = arith.constant 2500 : i32
        %lt3A_193 = arith.cmpi slt, %add3A_191, %lt3A_192 : i32
        %convert_element_type3A_194 = arith.extui %lt3A_193 : i1 to i32
        %cond3A_195 = arith.constant 0 : i32
        %cond3A_196 = arith.cmpi ne, %convert_element_type3A_194, %cond3A_195 : i32
        scf.if %cond3A_196 {
          %add3A_222 = arith.constant 32 : i32
          %add3A_223 = arith.addi %add3A_184, %add3A_222 : i32
          %dma_wait3A_224 = arith.constant 0 : i32
          %dma_wait3A_225 = tpu.memref_slice %arg3[%add3A_223, %dma_wait3A_224] : memref<2500x128xi32, #tpu.memory_space<hbm>> -> memref<1x128xi32, #tpu.memory_space<hbm>>
          %dma_wait3A_226 = arith.constant 0 : i32
          %dma_wait3A_227 = tpu.memref_slice %arg3[%add3A_223, %dma_wait3A_226] : memref<2500x128xi32, #tpu.memory_space<hbm>> -> memref<1x128xi32, #tpu.memory_space<hbm>>
          tpu.wait_dma2 semaphore(%arg17 : memref<!tpu.dma_semaphore, #tpu.memory_space<semaphore_mem>>) src(%dma_wait3A_227 : memref<1x128xi32, #tpu.memory_space<hbm>>) dst(%arg7 : memref<1x128xi32, #tpu.memory_space<vmem>>)
          %dma_wait3A_228 = arith.constant 0 : i32
          %dma_wait3A_229 = tpu.memref_slice %arg4[%add3A_223, %dma_wait3A_228] : memref<2500x128xi32, #tpu.memory_space<hbm>> -> memref<1x128xi32, #tpu.memory_space<hbm>>
          %dma_wait3A_230 = arith.constant 0 : i32
          %dma_wait3A_231 = tpu.memref_slice %arg4[%add3A_223, %dma_wait3A_230] : memref<2500x128xi32, #tpu.memory_space<hbm>> -> memref<1x128xi32, #tpu.memory_space<hbm>>
          tpu.wait_dma2 semaphore(%arg18 : memref<!tpu.dma_semaphore, #tpu.memory_space<semaphore_mem>>) src(%dma_wait3A_231 : memref<1x128xi32, #tpu.memory_space<hbm>>) dst(%arg10 : memref<1x128xi32, #tpu.memory_space<vmem>>)
          %mul3A_232 = arith.constant 128 : i32
          %mul3A_233 = arith.muli %add3A_223, %mul3A_232 : i32
          %dma_wait3A_234 = arith.constant 0 : i32
          %dma_wait3A_235 = tpu.memref_slice %arg2[%mul3A_233, %dma_wait3A_234] : memref<320000x128xf32, #tpu.memory_space<hbm>> -> memref<128x128xf32, #tpu.memory_space<hbm>>
          %dma_wait3A_236 = arith.constant 0 : i32
          %dma_wait3A_237 = tpu.memref_slice %arg2[%mul3A_233, %dma_wait3A_236] : memref<320000x128xf32, #tpu.memory_space<hbm>> -> memref<128x128xf32, #tpu.memory_space<hbm>>
          tpu.wait_dma2 semaphore(%arg19 : memref<!tpu.dma_semaphore, #tpu.memory_space<semaphore_mem>>) src(%dma_wait3A_237 : memref<128x128xf32, #tpu.memory_space<hbm>>) dst(%arg13 : memref<128x128xf32, #tpu.memory_space<vmem>>)
          %dma_start3A_238 = arith.constant 0 : i32
          %dma_start3A_239 = arith.constant 0 : i32
          %dma_start3A_240 = tpu.memref_slice %arg7[%dma_start3A_238, %dma_start3A_239] : memref<1x128xi32, #tpu.memory_space<vmem>> -> memref<1x128xi32, #tpu.memory_space<vmem>>
          %dma_start3A_241 = tpu.memref_squeeze %dma_start3A_240 : memref<1x128xi32, #tpu.memory_space<vmem>> -> memref<128xi32, #tpu.memory_space<vmem>>
          %dma_start3A_242 = arith.constant 0 : i32
          %dma_start3A_243 = arith.constant 0 : i32
          %dma_start3A_244 = tpu.memref_slice %arg5[%dma_start3A_242, %dma_start3A_243] : memref<10000x128xf32, #tpu.memory_space<hbm>> -> memref<10000x128xf32, #tpu.memory_space<hbm>>
          tpu.enqueue_indirect_dma source(%dma_start3A_244 : memref<10000x128xf32, #tpu.memory_space<hbm>>) target(%arg13 : memref<128x128xf32, #tpu.memory_space<vmem>>) offsets(%dma_start3A_241 : memref<128xi32, #tpu.memory_space<vmem>>) semaphore(%arg20 : memref<!tpu.dma_semaphore, #tpu.memory_space<semaphore_mem>>) {add = true}
        } else {
        }
        %dma_wait3A_197 = arith.constant 0 : i32
        %dma_wait3A_198 = arith.constant 0 : i32
        %dma_wait3A_199 = tpu.memref_slice %arg9[%dma_wait3A_197, %dma_wait3A_198] : memref<1x128xi32, #tpu.memory_space<vmem>> -> memref<1x128xi32, #tpu.memory_space<vmem>>
        %dma_wait3A_200 = tpu.memref_squeeze %dma_wait3A_199 : memref<1x128xi32, #tpu.memory_space<vmem>> -> memref<128xi32, #tpu.memory_space<vmem>>
        %dma_wait3A_201 = arith.constant 0 : i32
        %dma_wait3A_202 = arith.constant 0 : i32
        %dma_wait3A_203 = tpu.memref_slice %arg5[%dma_wait3A_201, %dma_wait3A_202] : memref<10000x128xf32, #tpu.memory_space<hbm>> -> memref<10000x128xf32, #tpu.memory_space<hbm>>
        tpu.wait_indirect_dma semaphore(%arg30 : memref<!tpu.dma_semaphore, #tpu.memory_space<semaphore_mem>>) src(%dma_wait3A_203 : memref<10000x128xf32, #tpu.memory_space<hbm>>) dst(%arg15 : memref<128x128xf32, #tpu.memory_space<vmem>>)
        %scan3A_204 = arith.constant 0 : i32
        %scan3A_205 = arith.constant 0 : i32
        %scan3A_206 = arith.constant 128 : i32
        %scan3A_207 = arith.addi %scan3A_205, %scan3A_206 : i32
        %scan3A_208 = arith.constant 1 : i32
        scf.for %scan3A_222 = %scan3A_205 to %scan3A_207 step %scan3A_208  : i32 {
          %get3A = arith.index_cast %scan3A_222 : i32 to index
          %get3A_223 = arith.constant 0 : index
          %get3A_224 = tpu.vector_load %arg15[%get3A, %get3A_223] {strides = array<i32>} : memref<128x128xf32, #tpu.memory_space<vmem>>, vector<1x16xf32>,
          %get3A_225 = vector.shape_cast %get3A_224 : vector<1x16xf32> to vector<16xf32>
          %max3A = arith.constant 0.000000e+00 : f32
          %max3A_226 = vector.broadcast %max3A : f32 to vector<16xf32>
          %max3A_227 = arith.maximumf %get3A_225, %max3A_226 : vector<16xf32>
          %swap3A = arith.index_cast %scan3A_222 : i32 to index
          %swap3A_228 = arith.constant 0 : index
          %swap3A_229 = tpu.vector_load %arg15[%swap3A, %swap3A_228] {strides = array<i32>} : memref<128x128xf32, #tpu.memory_space<vmem>>, vector<1x16xf32>,
          %swap3A_230 = vector.shape_cast %swap3A_229 : vector<1x16xf32> to vector<16xf32>
          %swap3A_231 = vector.shape_cast %max3A_227 : vector<16xf32> to vector<1x16xf32>
          tpu.vector_store %arg15[%swap3A, %swap3A_228], %swap3A_231 {strides = array<i32>} : memref<128x128xf32, #tpu.memory_space<vmem>>, vector<1x16xf32>,
          %get3A_232 = arith.index_cast %scan3A_222 : i32 to index
          %get3A_233 = arith.constant 16 : index
          %get3A_234 = tpu.vector_load %arg15[%get3A_232, %get3A_233] {strides = array<i32>} : memref<128x128xf32, #tpu.memory_space<vmem>>, vector<1x16xf32>,
          %get3A_235 = vector.shape_cast %get3A_234 : vector<1x16xf32> to vector<16xf32>
          %max3A_236 = arith.constant 0.000000e+00 : f32
          %max3A_237 = vector.broadcast %max3A_236 : f32 to vector<16xf32>
          %max3A_238 = arith.maximumf %get3A_235, %max3A_237 : vector<16xf32>
          %swap3A_239 = arith.index_cast %scan3A_222 : i32 to index
          %swap3A_240 = arith.constant 16 : index
          %swap3A_241 = tpu.vector_load %arg15[%swap3A_239, %swap3A_240] {strides = array<i32>} : memref<128x128xf32, #tpu.memory_space<vmem>>, vector<1x16xf32>,
          %swap3A_242 = vector.shape_cast %swap3A_241 : vector<1x16xf32> to vector<16xf32>
          %swap3A_243 = vector.shape_cast %max3A_238 : vector<16xf32> to vector<1x16xf32>
          tpu.vector_store %arg15[%swap3A_239, %swap3A_240], %swap3A_243 {strides = array<i32>} : memref<128x128xf32, #tpu.memory_space<vmem>>, vector<1x16xf32>,
          %get3A_244 = arith.index_cast %scan3A_222 : i32 to index
          %get3A_245 = arith.constant 32 : index
          %get3A_246 = tpu.vector_load %arg15[%get3A_244, %get3A_245] {strides = array<i32>} : memref<128x128xf32, #tpu.memory_space<vmem>>, vector<1x16xf32>,
          %get3A_247 = vector.shape_cast %get3A_246 : vector<1x16xf32> to vector<16xf32>
          %max3A_248 = arith.constant 0.000000e+00 : f32
          %max3A_249 = vector.broadcast %max3A_248 : f32 to vector<16xf32>
          %max3A_250 = arith.maximumf %get3A_247, %max3A_249 : vector<16xf32>
          %swap3A_251 = arith.index_cast %scan3A_222 : i32 to index
          %swap3A_252 = arith.constant 32 : index
          %swap3A_253 = tpu.vector_load %arg15[%swap3A_251, %swap3A_252] {strides = array<i32>} : memref<128x128xf32, #tpu.memory_space<vmem>>, vector<1x16xf32>,
          %swap3A_254 = vector.shape_cast %swap3A_253 : vector<1x16xf32> to vector<16xf32>
          %swap3A_255 = vector.shape_cast %max3A_250 : vector<16xf32> to vector<1x16xf32>
          tpu.vector_store %arg15[%swap3A_251, %swap3A_252], %swap3A_255 {strides = array<i32>} : memref<128x128xf32, #tpu.memory_space<vmem>>, vector<1x16xf32>,
          %get3A_256 = arith.index_cast %scan3A_222 : i32 to index
          %get3A_257 = arith.constant 48 : index
          %get3A_258 = tpu.vector_load %arg15[%get3A_256, %get3A_257] {strides = array<i32>} : memref<128x128xf32, #tpu.memory_space<vmem>>, vector<1x16xf32>,
          %get3A_259 = vector.shape_cast %get3A_258 : vector<1x16xf32> to vector<16xf32>
          %max3A_260 = arith.constant 0.000000e+00 : f32
          %max3A_261 = vector.broadcast %max3A_260 : f32 to vector<16xf32>
          %max3A_262 = arith.maximumf %get3A_259, %max3A_261 : vector<16xf32>
          %swap3A_263 = arith.index_cast %scan3A_222 : i32 to index
          %swap3A_264 = arith.constant 48 : index
          %swap3A_265 = tpu.vector_load %arg15[%swap3A_263, %swap3A_264] {strides = array<i32>} : memref<128x128xf32, #tpu.memory_space<vmem>>, vector<1x16xf32>,
          %swap3A_266 = vector.shape_cast %swap3A_265 : vector<1x16xf32> to vector<16xf32>
          %swap3A_267 = vector.shape_cast %max3A_262 : vector<16xf32> to vector<1x16xf32>
          tpu.vector_store %arg15[%swap3A_263, %swap3A_264], %swap3A_267 {strides = array<i32>} : memref<128x128xf32, #tpu.memory_space<vmem>>, vector<1x16xf32>,
          %get3A_268 = arith.index_cast %scan3A_222 : i32 to index
          %get3A_269 = arith.constant 64 : index
          %get3A_270 = tpu.vector_load %arg15[%get3A_268, %get3A_269] {strides = array<i32>} : memref<128x128xf32, #tpu.memory_space<vmem>>, vector<1x16xf32>,
          %get3A_271 = vector.shape_cast %get3A_270 : vector<1x16xf32> to vector<16xf32>
          %max3A_272 = arith.constant 0.000000e+00 : f32
          %max3A_273 = vector.broadcast %max3A_272 : f32 to vector<16xf32>
          %max3A_274 = arith.maximumf %get3A_271, %max3A_273 : vector<16xf32>
          %swap3A_275 = arith.index_cast %scan3A_222 : i32 to index
          %swap3A_276 = arith.constant 64 : index
          %swap3A_277 = tpu.vector_load %arg15[%swap3A_275, %swap3A_276] {strides = array<i32>} : memref<128x128xf32, #tpu.memory_space<vmem>>, vector<1x16xf32>,
          %swap3A_278 = vector.shape_cast %swap3A_277 : vector<1x16xf32> to vector<16xf32>
          %swap3A_279 = vector.shape_cast %max3A_274 : vector<16xf32> to vector<1x16xf32>
          tpu.vector_store %arg15[%swap3A_275, %swap3A_276], %swap3A_279 {strides = array<i32>} : memref<128x128xf32, #tpu.memory_space<vmem>>, vector<1x16xf32>,
          %get3A_280 = arith.index_cast %scan3A_222 : i32 to index
          %get3A_281 = arith.constant 80 : index
          %get3A_282 = tpu.vector_load %arg15[%get3A_280, %get3A_281] {strides = array<i32>} : memref<128x128xf32, #tpu.memory_space<vmem>>, vector<1x16xf32>,
          %get3A_283 = vector.shape_cast %get3A_282 : vector<1x16xf32> to vector<16xf32>
          %max3A_284 = arith.constant 0.000000e+00 : f32
          %max3A_285 = vector.broadcast %max3A_284 : f32 to vector<16xf32>
          %max3A_286 = arith.maximumf %get3A_283, %max3A_285 : vector<16xf32>
          %swap3A_287 = arith.index_cast %scan3A_222 : i32 to index
          %swap3A_288 = arith.constant 80 : index
          %swap3A_289 = tpu.vector_load %arg15[%swap3A_287, %swap3A_288] {strides = array<i32>} : memref<128x128xf32, #tpu.memory_space<vmem>>, vector<1x16xf32>,
          %swap3A_290 = vector.shape_cast %swap3A_289 : vector<1x16xf32> to vector<16xf32>
          %swap3A_291 = vector.shape_cast %max3A_286 : vector<16xf32> to vector<1x16xf32>
          tpu.vector_store %arg15[%swap3A_287, %swap3A_288], %swap3A_291 {strides = array<i32>} : memref<128x128xf32, #tpu.memory_space<vmem>>, vector<1x16xf32>,
          %get3A_292 = arith.index_cast %scan3A_222 : i32 to index
          %get3A_293 = arith.constant 96 : index
          %get3A_294 = tpu.vector_load %arg15[%get3A_292, %get3A_293] {strides = array<i32>} : memref<128x128xf32, #tpu.memory_space<vmem>>, vector<1x16xf32>,
          %get3A_295 = vector.shape_cast %get3A_294 : vector<1x16xf32> to vector<16xf32>
          %max3A_296 = arith.constant 0.000000e+00 : f32
          %max3A_297 = vector.broadcast %max3A_296 : f32 to vector<16xf32>
          %max3A_298 = arith.maximumf %get3A_295, %max3A_297 : vector<16xf32>
          %swap3A_299 = arith.index_cast %scan3A_222 : i32 to index
          %swap3A_300 = arith.constant 96 : index
          %swap3A_301 = tpu.vector_load %arg15[%swap3A_299, %swap3A_300] {strides = array<i32>} : memref<128x128xf32, #tpu.memory_space<vmem>>, vector<1x16xf32>,
          %swap3A_302 = vector.shape_cast %swap3A_301 : vector<1x16xf32> to vector<16xf32>
          %swap3A_303 = vector.shape_cast %max3A_298 : vector<16xf32> to vector<1x16xf32>
          tpu.vector_store %arg15[%swap3A_299, %swap3A_300], %swap3A_303 {strides = array<i32>} : memref<128x128xf32, #tpu.memory_space<vmem>>, vector<1x16xf32>,
          %get3A_304 = arith.index_cast %scan3A_222 : i32 to index
          %get3A_305 = arith.constant 112 : index
          %get3A_306 = tpu.vector_load %arg15[%get3A_304, %get3A_305] {strides = array<i32>} : memref<128x128xf32, #tpu.memory_space<vmem>>, vector<1x16xf32>,
          %get3A_307 = vector.shape_cast %get3A_306 : vector<1x16xf32> to vector<16xf32>
          %max3A_308 = arith.constant 0.000000e+00 : f32
          %max3A_309 = vector.broadcast %max3A_308 : f32 to vector<16xf32>
          %max3A_310 = arith.maximumf %get3A_307, %max3A_309 : vector<16xf32>
          %swap3A_311 = arith.index_cast %scan3A_222 : i32 to index
          %swap3A_312 = arith.constant 112 : index
          %swap3A_313 = tpu.vector_load %arg15[%swap3A_311, %swap3A_312] {strides = array<i32>} : memref<128x128xf32, #tpu.memory_space<vmem>>, vector<1x16xf32>,
          %swap3A_314 = vector.shape_cast %swap3A_313 : vector<1x16xf32> to vector<16xf32>
          %swap3A_315 = vector.shape_cast %max3A_310 : vector<16xf32> to vector<1x16xf32>
          tpu.vector_store %arg15[%swap3A_311, %swap3A_312], %swap3A_315 {strides = array<i32>} : memref<128x128xf32, #tpu.memory_space<vmem>>, vector<1x16xf32>,
        }
        %scan3A_209 = arith.constant 128 : i32
        %dma_start3A_210 = arith.constant 0 : i32
        %dma_start3A_211 = arith.constant 0 : i32
        %dma_start3A_212 = tpu.memref_slice %arg12[%dma_start3A_210, %dma_start3A_211] : memref<1x128xi32, #tpu.memory_space<vmem>> -> memref<1x128xi32, #tpu.memory_space<vmem>>
        %dma_start3A_213 = tpu.memref_squeeze %dma_start3A_212 : memref<1x128xi32, #tpu.memory_space<vmem>> -> memref<128xi32, #tpu.memory_space<vmem>>
        %dma_start3A_214 = arith.constant 0 : i32
        %dma_start3A_215 = arith.constant 0 : i32
        %dma_start3A_216 = tpu.memref_slice %arg16[%dma_start3A_214, %dma_start3A_215] : memref<10000x128xf32, #tpu.memory_space<vmem_shared>> -> memref<10000x128xf32, #tpu.memory_space<vmem_shared>>
        tpu.enqueue_indirect_dma source(%arg15 : memref<128x128xf32, #tpu.memory_space<vmem>>) target(%dma_start3A_216 : memref<10000x128xf32, #tpu.memory_space<vmem_shared>>) offsets(%dma_start3A_213 : memref<128xi32, #tpu.memory_space<vmem>>) semaphore(%arg31 : memref<!tpu.dma_semaphore, #tpu.memory_space<semaphore_mem>>) {add = true}
        %ge3A_217 = arith.constant 1 : i32
        %ge3A_218 = arith.cmpi sge, %add3A_181, %ge3A_217 : i32
        %convert_element_type3A_219 = arith.extui %ge3A_218 : i1 to i32
        %cond3A_220 = arith.constant 0 : i32
        %cond3A_221 = arith.cmpi ne, %convert_element_type3A_219, %cond3A_220 : i32
        scf.if %cond3A_221 {
          %dma_wait3A_222 = arith.constant 0 : i32
          %dma_wait3A_223 = arith.constant 0 : i32
          %dma_wait3A_224 = tpu.memref_slice %arg11[%dma_wait3A_222, %dma_wait3A_223] : memref<1x128xi32, #tpu.memory_space<vmem>> -> memref<1x128xi32, #tpu.memory_space<vmem>>
          %dma_wait3A_225 = tpu.memref_squeeze %dma_wait3A_224 : memref<1x128xi32, #tpu.memory_space<vmem>> -> memref<128xi32, #tpu.memory_space<vmem>>
          %dma_wait3A_226 = arith.constant 0 : i32
          %dma_wait3A_227 = arith.constant 0 : i32
          %dma_wait3A_228 = tpu.memref_slice %arg16[%dma_wait3A_226, %dma_wait3A_227] : memref<10000x128xf32, #tpu.memory_space<vmem_shared>> -> memref<10000x128xf32, #tpu.memory_space<vmem_shared>>
          tpu.wait_indirect_dma semaphore(%arg26 : memref<!tpu.dma_semaphore, #tpu.memory_space<semaphore_mem>>) src(%arg14 : memref<128x128xf32, #tpu.memory_space<vmem>>) dst(%dma_wait3A_228 : memref<10000x128xf32, #tpu.memory_space<vmem_shared>>)
          %add3A_229 = arith.constant 64 : i32
          %add3A_230 = arith.addi %add3A_184, %add3A_229 : i32
          %lt3A_231 = arith.constant 2500 : i32
          %lt3A_232 = arith.cmpi slt, %add3A_230, %lt3A_231 : i32
          %convert_element_type3A_233 = arith.extui %lt3A_232 : i1 to i32
          %cond3A_234 = arith.constant 0 : i32
          %cond3A_235 = arith.cmpi ne, %convert_element_type3A_233, %cond3A_234 : i32
          scf.if %cond3A_235 {
            %add3A_236 = arith.constant 64 : i32
            %add3A_237 = arith.addi %add3A_184, %add3A_236 : i32
            %dma_start3A_238 = arith.constant 0 : i32
            %dma_start3A_239 = tpu.memref_slice %arg3[%add3A_237, %dma_start3A_238] : memref<2500x128xi32, #tpu.memory_space<hbm>> -> memref<1x128xi32, #tpu.memory_space<hbm>>
            %dma_start3A_240 = arith.constant 0 : i32
            %dma_start3A_241 = tpu.memref_slice %arg3[%add3A_237, %dma_start3A_240] : memref<2500x128xi32, #tpu.memory_space<hbm>> -> memref<1x128xi32, #tpu.memory_space<hbm>>
            tpu.enqueue_dma source(%dma_start3A_241 : memref<1x128xi32, #tpu.memory_space<hbm>>) target(%arg8 : memref<1x128xi32, #tpu.memory_space<vmem>>) target_semaphore(%arg22 : memref<!tpu.dma_semaphore, #tpu.memory_space<semaphore_mem>>)
            %dma_start3A_242 = arith.constant 0 : i32
            %dma_start3A_243 = tpu.memref_slice %arg4[%add3A_237, %dma_start3A_242] : memref<2500x128xi32, #tpu.memory_space<hbm>> -> memref<1x128xi32, #tpu.memory_space<hbm>>
            %dma_start3A_244 = arith.constant 0 : i32
            %dma_start3A_245 = tpu.memref_slice %arg4[%add3A_237, %dma_start3A_244] : memref<2500x128xi32, #tpu.memory_space<hbm>> -> memref<1x128xi32, #tpu.memory_space<hbm>>
            tpu.enqueue_dma source(%dma_start3A_245 : memref<1x128xi32, #tpu.memory_space<hbm>>) target(%arg11 : memref<1x128xi32, #tpu.memory_space<vmem>>) target_semaphore(%arg23 : memref<!tpu.dma_semaphore, #tpu.memory_space<semaphore_mem>>)
            %mul3A_246 = arith.constant 128 : i32
            %mul3A_247 = arith.muli %add3A_237, %mul3A_246 : i32
            %dma_start3A_248 = arith.constant 0 : i32
            %dma_start3A_249 = tpu.memref_slice %arg2[%mul3A_247, %dma_start3A_248] : memref<320000x128xf32, #tpu.memory_space<hbm>> -> memref<128x128xf32, #tpu.memory_space<hbm>>
            %dma_start3A_250 = arith.constant 0 : i32
            %dma_start3A_251 = tpu.memref_slice %arg2[%mul3A_247, %dma_start3A_250] : memref<320000x128xf32, #tpu.memory_space<hbm>> -> memref<128x128xf32, #tpu.memory_space<hbm>>
            tpu.enqueue_dma source(%dma_start3A_251 : memref<128x128xf32, #tpu.memory_space<hbm>>) target(%arg14 : memref<128x128xf32, #tpu.memory_space<vmem>>) target_semaphore(%arg24 : memref<!tpu.dma_semaphore, #tpu.memory_space<semaphore_mem>>)
          } else {
          }
        } else {
        }
      } else {
      }
    }
    %scan3A_98 = arith.constant 27 : i32
    %lt3A = arith.constant 4 : i32
    %lt3A_99 = arith.cmpi slt, %add3A, %lt3A : i32
    %convert_element_type3A_100 = arith.extui %lt3A_99 : i1 to i32
    %cond3A_101 = arith.constant 0 : i32
    %cond3A_102 = arith.cmpi ne, %convert_element_type3A_100, %cond3A_101 : i32
    scf.if %cond3A_102 {
      %dma_wait3A_153 = arith.constant 0 : i32
      %dma_wait3A_154 = arith.constant 0 : i32
      %dma_wait3A_155 = tpu.memref_slice %arg10[%dma_wait3A_153, %dma_wait3A_154] : memref<1x128xi32, #tpu.memory_space<vmem>> -> memref<1x128xi32, #tpu.memory_space<vmem>>
      %dma_wait3A_156 = tpu.memref_squeeze %dma_wait3A_155 : memref<1x128xi32, #tpu.memory_space<vmem>> -> memref<128xi32, #tpu.memory_space<vmem>>
      %dma_wait3A_157 = arith.constant 0 : i32
      %dma_wait3A_158 = arith.constant 0 : i32
      %dma_wait3A_159 = tpu.memref_slice %arg16[%dma_wait3A_157, %dma_wait3A_158] : memref<10000x128xf32, #tpu.memory_space<vmem_shared>> -> memref<10000x128xf32, #tpu.memory_space<vmem_shared>>
      tpu.wait_indirect_dma semaphore(%arg21 : memref<!tpu.dma_semaphore, #tpu.memory_space<semaphore_mem>>) src(%arg13 : memref<128x128xf32, #tpu.memory_space<vmem>>) dst(%dma_wait3A_159 : memref<10000x128xf32, #tpu.memory_space<vmem_shared>>)
    } else {
    }
    %ge3A = arith.constant 4 : i32
    %ge3A_103 = arith.cmpi sge, %add3A, %ge3A : i32
    %convert_element_type3A_104 = arith.extui %ge3A_103 : i1 to i32
    %cond3A_105 = arith.constant 0 : i32
    %cond3A_106 = arith.cmpi ne, %convert_element_type3A_104, %cond3A_105 : i32
    scf.if %cond3A_106 {
      %dma_wait3A_153 = arith.constant 0 : i32
      %dma_wait3A_154 = arith.constant 0 : i32
      %dma_wait3A_155 = tpu.memref_slice %arg12[%dma_wait3A_153, %dma_wait3A_154] : memref<1x128xi32, #tpu.memory_space<vmem>> -> memref<1x128xi32, #tpu.memory_space<vmem>>
      %dma_wait3A_156 = tpu.memref_squeeze %dma_wait3A_155 : memref<1x128xi32, #tpu.memory_space<vmem>> -> memref<128xi32, #tpu.memory_space<vmem>>
      %dma_wait3A_157 = arith.constant 0 : i32
      %dma_wait3A_158 = arith.constant 0 : i32
      %dma_wait3A_159 = tpu.memref_slice %arg16[%dma_wait3A_157, %dma_wait3A_158] : memref<10000x128xf32, #tpu.memory_space<vmem_shared>> -> memref<10000x128xf32, #tpu.memory_space<vmem_shared>>
      tpu.wait_indirect_dma semaphore(%arg31 : memref<!tpu.dma_semaphore, #tpu.memory_space<semaphore_mem>>) src(%arg15 : memref<128x128xf32, #tpu.memory_space<vmem>>) dst(%dma_wait3A_159 : memref<10000x128xf32, #tpu.memory_space<vmem_shared>>)
    } else {
    }
    %barrier3A_107 = arith.constant 0 : index
    tpu.barrier barrier_id(%barrier3A_107)
    %mul3A_108 = arith.constant 624 : i32
    %mul3A_109 = arith.muli %arg1, %mul3A_108 : i32
    %add3A_110 = arith.constant 0 : i32
    %add3A_111 = arith.addi %mul3A_109, %add3A_110 : i32
    %mul3A_112 = arith.constant 624 : i32
    %mul3A_113 = arith.muli %arg1, %mul3A_112 : i32
    %add3A_114 = arith.constant 0 : i32
    %add3A_115 = arith.addi %mul3A_113, %add3A_114 : i32
    "tpu.region"() ({
      %run_scoped3A = tpu.sem_alloc : memref<!tpu.dma_semaphore, #tpu.memory_space<semaphore_mem>>
      %dma_start3A_153 = arith.constant 0 : i32
      %dma_start3A_154 = tpu.memref_slice %arg6[%arg0, %add3A_115, %dma_start3A_153] : memref<2x10000x128xf32, #tpu.memory_space<hbm>> -> memref<1x128x128xf32, #tpu.memory_space<hbm>>
      %dma_start3A_155 = tpu.memref_squeeze %dma_start3A_154 : memref<1x128x128xf32, #tpu.memory_space<hbm>> -> memref<128x128xf32, #tpu.memory_space<hbm>>
      %dma_start3A_156 = arith.constant 0 : i32
      %dma_start3A_157 = tpu.memref_slice %arg16[%add3A_111, %dma_start3A_156] : memref<10000x128xf32, #tpu.memory_space<vmem_shared>> -> memref<128x128xf32, #tpu.memory_space<vmem_shared>>
      tpu.enqueue_dma source(%dma_start3A_157 : memref<128x128xf32, #tpu.memory_space<vmem_shared>>) target(%dma_start3A_155 : memref<128x128xf32, #tpu.memory_space<hbm>>) target_semaphore(%run_scoped3A : memref<!tpu.dma_semaphore, #tpu.memory_space<semaphore_mem>>)
      %dma_wait3A_158 = arith.constant 0 : i32
      %dma_wait3A_159 = tpu.memref_slice %arg6[%arg0, %add3A_115, %dma_wait3A_158] : memref<2x10000x128xf32, #tpu.memory_space<hbm>> -> memref<1x128x128xf32, #tpu.memory_space<hbm>>
      %dma_wait3A_160 = tpu.memref_squeeze %dma_wait3A_159 : memref<1x128x128xf32, #tpu.memory_space<hbm>> -> memref<128x128xf32, #tpu.memory_space<hbm>>
      %dma_wait3A_161 = arith.constant 0 : i32
      %dma_wait3A_162 = tpu.memref_slice %arg16[%add3A_111, %dma_wait3A_161] : memref<10000x128xf32, #tpu.memory_space<vmem_shared>> -> memref<128x128xf32, #tpu.memory_space<vmem_shared>>
      tpu.wait_dma2 semaphore(%run_scoped3A : memref<!tpu.dma_semaphore, #tpu.memory_space<semaphore_mem>>) src(%dma_wait3A_162 : memref<128x128xf32, #tpu.memory_space<vmem_shared>>) dst(%dma_wait3A_160 : memref<128x128xf32, #tpu.memory_space<hbm>>)
      tpu.yield
    }) : () -> ()
    %mul3A_116 = arith.constant 624 : i32
    %mul3A_117 = arith.muli %arg1, %mul3A_116 : i32
    %add3A_118 = arith.constant 128 : i32
    %add3A_119 = arith.addi %mul3A_117, %add3A_118 : i32
    %mul3A_120 = arith.constant 624 : i32
    %mul3A_121 = arith.muli %arg1, %mul3A_120 : i32
    %add3A_122 = arith.constant 128 : i32
    %add3A_123 = arith.addi %mul3A_121, %add3A_122 : i32
    "tpu.region"() ({
      %run_scoped3A = tpu.sem_alloc : memref<!tpu.dma_semaphore, #tpu.memory_space<semaphore_mem>>
      %dma_start3A_153 = arith.constant 0 : i32
      %dma_start3A_154 = tpu.memref_slice %arg6[%arg0, %add3A_123, %dma_start3A_153] : memref<2x10000x128xf32, #tpu.memory_space<hbm>> -> memref<1x128x128xf32, #tpu.memory_space<hbm>>
      %dma_start3A_155 = tpu.memref_squeeze %dma_start3A_154 : memref<1x128x128xf32, #tpu.memory_space<hbm>> -> memref<128x128xf32, #tpu.memory_space<hbm>>
      %dma_start3A_156 = arith.constant 0 : i32
      %dma_start3A_157 = tpu.memref_slice %arg16[%add3A_119, %dma_start3A_156] : memref<10000x128xf32, #tpu.memory_space<vmem_shared>> -> memref<128x128xf32, #tpu.memory_space<vmem_shared>>
      tpu.enqueue_dma source(%dma_start3A_157 : memref<128x128xf32, #tpu.memory_space<vmem_shared>>) target(%dma_start3A_155 : memref<128x128xf32, #tpu.memory_space<hbm>>) target_semaphore(%run_scoped3A : memref<!tpu.dma_semaphore, #tpu.memory_space<semaphore_mem>>)
      %dma_wait3A_158 = arith.constant 0 : i32
      %dma_wait3A_159 = tpu.memref_slice %arg6[%arg0, %add3A_123, %dma_wait3A_158] : memref<2x10000x128xf32, #tpu.memory_space<hbm>> -> memref<1x128x128xf32, #tpu.memory_space<hbm>>
      %dma_wait3A_160 = tpu.memref_squeeze %dma_wait3A_159 : memref<1x128x128xf32, #tpu.memory_space<hbm>> -> memref<128x128xf32, #tpu.memory_space<hbm>>
      %dma_wait3A_161 = arith.constant 0 : i32
      %dma_wait3A_162 = tpu.memref_slice %arg16[%add3A_119, %dma_wait3A_161] : memref<10000x128xf32, #tpu.memory_space<vmem_shared>> -> memref<128x128xf32, #tpu.memory_space<vmem_shared>>
      tpu.wait_dma2 semaphore(%run_scoped3A : memref<!tpu.dma_semaphore, #tpu.memory_space<semaphore_mem>>) src(%dma_wait3A_162 : memref<128x128xf32, #tpu.memory_space<vmem_shared>>) dst(%dma_wait3A_160 : memref<128x128xf32, #tpu.memory_space<hbm>>)
      tpu.yield
    }) : () -> ()
    %mul3A_124 = arith.constant 624 : i32
    %mul3A_125 = arith.muli %arg1, %mul3A_124 : i32
    %add3A_126 = arith.constant 256 : i32
    %add3A_127 = arith.addi %mul3A_125, %add3A_126 : i32
    %mul3A_128 = arith.constant 624 : i32
    %mul3A_129 = arith.muli %arg1, %mul3A_128 : i32
    %add3A_130 = arith.constant 256 : i32
    %add3A_131 = arith.addi %mul3A_129, %add3A_130 : i32
    "tpu.region"() ({
      %run_scoped3A = tpu.sem_alloc : memref<!tpu.dma_semaphore, #tpu.memory_space<semaphore_mem>>
      %dma_start3A_153 = arith.constant 0 : i32
      %dma_start3A_154 = tpu.memref_slice %arg6[%arg0, %add3A_131, %dma_start3A_153] : memref<2x10000x128xf32, #tpu.memory_space<hbm>> -> memref<1x128x128xf32, #tpu.memory_space<hbm>>
      %dma_start3A_155 = tpu.memref_squeeze %dma_start3A_154 : memref<1x128x128xf32, #tpu.memory_space<hbm>> -> memref<128x128xf32, #tpu.memory_space<hbm>>
      %dma_start3A_156 = arith.constant 0 : i32
      %dma_start3A_157 = tpu.memref_slice %arg16[%add3A_127, %dma_start3A_156] : memref<10000x128xf32, #tpu.memory_space<vmem_shared>> -> memref<128x128xf32, #tpu.memory_space<vmem_shared>>
      tpu.enqueue_dma source(%dma_start3A_157 : memref<128x128xf32, #tpu.memory_space<vmem_shared>>) target(%dma_start3A_155 : memref<128x128xf32, #tpu.memory_space<hbm>>) target_semaphore(%run_scoped3A : memref<!tpu.dma_semaphore, #tpu.memory_space<semaphore_mem>>)
      %dma_wait3A_158 = arith.constant 0 : i32
      %dma_wait3A_159 = tpu.memref_slice %arg6[%arg0, %add3A_131, %dma_wait3A_158] : memref<2x10000x128xf32, #tpu.memory_space<hbm>> -> memref<1x128x128xf32, #tpu.memory_space<hbm>>
      %dma_wait3A_160 = tpu.memref_squeeze %dma_wait3A_159 : memref<1x128x128xf32, #tpu.memory_space<hbm>> -> memref<128x128xf32, #tpu.memory_space<hbm>>
      %dma_wait3A_161 = arith.constant 0 : i32
      %dma_wait3A_162 = tpu.memref_slice %arg16[%add3A_127, %dma_wait3A_161] : memref<10000x128xf32, #tpu.memory_space<vmem_shared>> -> memref<128x128xf32, #tpu.memory_space<vmem_shared>>
      tpu.wait_dma2 semaphore(%run_scoped3A : memref<!tpu.dma_semaphore, #tpu.memory_space<semaphore_mem>>) src(%dma_wait3A_162 : memref<128x128xf32, #tpu.memory_space<vmem_shared>>) dst(%dma_wait3A_160 : memref<128x128xf32, #tpu.memory_space<hbm>>)
      tpu.yield
    }) : () -> ()
    %mul3A_132 = arith.constant 624 : i32
    %mul3A_133 = arith.muli %arg1, %mul3A_132 : i32
    %add3A_134 = arith.constant 384 : i32
    %add3A_135 = arith.addi %mul3A_133, %add3A_134 : i32
    %mul3A_136 = arith.constant 624 : i32
    %mul3A_137 = arith.muli %arg1, %mul3A_136 : i32
    %add3A_138 = arith.constant 384 : i32
    %add3A_139 = arith.addi %mul3A_137, %add3A_138 : i32
    "tpu.region"() ({
      %run_scoped3A = tpu.sem_alloc : memref<!tpu.dma_semaphore, #tpu.memory_space<semaphore_mem>>
      %dma_start3A_153 = arith.constant 0 : i32
      %dma_start3A_154 = tpu.memref_slice %arg6[%arg0, %add3A_139, %dma_start3A_153] : memref<2x10000x128xf32, #tpu.memory_space<hbm>> -> memref<1x128x128xf32, #tpu.memory_space<hbm>>
      %dma_start3A_155 = tpu.memref_squeeze %dma_start3A_154 : memref<1x128x128xf32, #tpu.memory_space<hbm>> -> memref<128x128xf32, #tpu.memory_space<hbm>>
      %dma_start3A_156 = arith.constant 0 : i32
      %dma_start3A_157 = tpu.memref_slice %arg16[%add3A_135, %dma_start3A_156] : memref<10000x128xf32, #tpu.memory_space<vmem_shared>> -> memref<128x128xf32, #tpu.memory_space<vmem_shared>>
      tpu.enqueue_dma source(%dma_start3A_157 : memref<128x128xf32, #tpu.memory_space<vmem_shared>>) target(%dma_start3A_155 : memref<128x128xf32, #tpu.memory_space<hbm>>) target_semaphore(%run_scoped3A : memref<!tpu.dma_semaphore, #tpu.memory_space<semaphore_mem>>)
      %dma_wait3A_158 = arith.constant 0 : i32
      %dma_wait3A_159 = tpu.memref_slice %arg6[%arg0, %add3A_139, %dma_wait3A_158] : memref<2x10000x128xf32, #tpu.memory_space<hbm>> -> memref<1x128x128xf32, #tpu.memory_space<hbm>>
      %dma_wait3A_160 = tpu.memref_squeeze %dma_wait3A_159 : memref<1x128x128xf32, #tpu.memory_space<hbm>> -> memref<128x128xf32, #tpu.memory_space<hbm>>
      %dma_wait3A_161 = arith.constant 0 : i32
      %dma_wait3A_162 = tpu.memref_slice %arg16[%add3A_135, %dma_wait3A_161] : memref<10000x128xf32, #tpu.memory_space<vmem_shared>> -> memref<128x128xf32, #tpu.memory_space<vmem_shared>>
      tpu.wait_dma2 semaphore(%run_scoped3A : memref<!tpu.dma_semaphore, #tpu.memory_space<semaphore_mem>>) src(%dma_wait3A_162 : memref<128x128xf32, #tpu.memory_space<vmem_shared>>) dst(%dma_wait3A_160 : memref<128x128xf32, #tpu.memory_space<hbm>>)
      tpu.yield
    }) : () -> ()
    %mul3A_140 = arith.constant 624 : i32
    %mul3A_141 = arith.muli %arg1, %mul3A_140 : i32
    %add3A_142 = arith.constant 512 : i32
    %add3A_143 = arith.addi %mul3A_141, %add3A_142 : i32
    %mul3A_144 = arith.constant 624 : i32
    %mul3A_145 = arith.muli %arg1, %mul3A_144 : i32
    %add3A_146 = arith.constant 512 : i32
    %add3A_147 = arith.addi %mul3A_145, %add3A_146 : i32
    "tpu.region"() ({
      %run_scoped3A = tpu.sem_alloc : memref<!tpu.dma_semaphore, #tpu.memory_space<semaphore_mem>>
      %dma_start3A_153 = arith.constant 0 : i32
      %dma_start3A_154 = tpu.memref_slice %arg6[%arg0, %add3A_147, %dma_start3A_153] : memref<2x10000x128xf32, #tpu.memory_space<hbm>> -> memref<1x112x128xf32, #tpu.memory_space<hbm>>
      %dma_start3A_155 = tpu.memref_squeeze %dma_start3A_154 : memref<1x112x128xf32, #tpu.memory_space<hbm>> -> memref<112x128xf32, #tpu.memory_space<hbm>>
      %dma_start3A_156 = arith.constant 0 : i32
      %dma_start3A_157 = tpu.memref_slice %arg16[%add3A_143, %dma_start3A_156] : memref<10000x128xf32, #tpu.memory_space<vmem_shared>> -> memref<112x128xf32, #tpu.memory_space<vmem_shared>>
      tpu.enqueue_dma source(%dma_start3A_157 : memref<112x128xf32, #tpu.memory_space<vmem_shared>>) target(%dma_start3A_155 : memref<112x128xf32, #tpu.memory_space<hbm>>) target_semaphore(%run_scoped3A : memref<!tpu.dma_semaphore, #tpu.memory_space<semaphore_mem>>)
      %dma_wait3A_158 = arith.constant 0 : i32
      %dma_wait3A_159 = tpu.memref_slice %arg6[%arg0, %add3A_147, %dma_wait3A_158] : memref<2x10000x128xf32, #tpu.memory_space<hbm>> -> memref<1x112x128xf32, #tpu.memory_space<hbm>>
      %dma_wait3A_160 = tpu.memref_squeeze %dma_wait3A_159 : memref<1x112x128xf32, #tpu.memory_space<hbm>> -> memref<112x128xf32, #tpu.memory_space<hbm>>
      %dma_wait3A_161 = arith.constant 0 : i32
      %dma_wait3A_162 = tpu.memref_slice %arg16[%add3A_143, %dma_wait3A_161] : memref<10000x128xf32, #tpu.memory_space<vmem_shared>> -> memref<112x128xf32, #tpu.memory_space<vmem_shared>>
      tpu.wait_dma2 semaphore(%run_scoped3A : memref<!tpu.dma_semaphore, #tpu.memory_space<semaphore_mem>>) src(%dma_wait3A_162 : memref<112x128xf32, #tpu.memory_space<vmem_shared>>) dst(%dma_wait3A_160 : memref<112x128xf32, #tpu.memory_space<hbm>>)
      tpu.yield
    }) : () -> ()
    %eq3A_148 = arith.constant 15 : i32
    %eq3A_149 = arith.cmpi eq, %arg1, %eq3A_148 : i32
    %convert_element_type3A_150 = arith.extui %eq3A_149 : i1 to i32
    %cond3A_151 = arith.constant 0 : i32
    %cond3A_152 = arith.cmpi ne, %convert_element_type3A_150, %cond3A_151 : i32
    scf.if %cond3A_152 {
      "tpu.region"() ({
        %run_scoped3A = tpu.sem_alloc : memref<!tpu.dma_semaphore, #tpu.memory_space<semaphore_mem>>
        %dma_start3A_153 = arith.constant 9984 : i32
        %dma_start3A_154 = arith.constant 0 : i32
        %dma_start3A_155 = tpu.memref_slice %arg6[%arg0, %dma_start3A_153, %dma_start3A_154] : memref<2x10000x128xf32, #tpu.memory_space<hbm>> -> memref<1x16x128xf32, #tpu.memory_space<hbm>>
        %dma_start3A_156 = tpu.memref_squeeze %dma_start3A_155 : memref<1x16x128xf32, #tpu.memory_space<hbm>> -> memref<16x128xf32, #tpu.memory_space<hbm>>
        %dma_start3A_157 = arith.constant 9984 : i32
        %dma_start3A_158 = arith.constant 0 : i32
        %dma_start3A_159 = tpu.memref_slice %arg16[%dma_start3A_157, %dma_start3A_158] : memref<10000x128xf32, #tpu.memory_space<vmem_shared>> -> memref<16x128xf32, #tpu.memory_space<vmem_shared>>
        tpu.enqueue_dma source(%dma_start3A_159 : memref<16x128xf32, #tpu.memory_space<vmem_shared>>) target(%dma_start3A_156 : memref<16x128xf32, #tpu.memory_space<hbm>>) target_semaphore(%run_scoped3A : memref<!tpu.dma_semaphore, #tpu.memory_space<semaphore_mem>>)
        %dma_wait3A_160 = arith.constant 9984 : i32
        %dma_wait3A_161 = arith.constant 0 : i32
        %dma_wait3A_162 = tpu.memref_slice %arg6[%arg0, %dma_wait3A_160, %dma_wait3A_161] : memref<2x10000x128xf32, #tpu.memory_space<hbm>> -> memref<1x16x128xf32, #tpu.memory_space<hbm>>
        %dma_wait3A_163 = tpu.memref_squeeze %dma_wait3A_162 : memref<1x16x128xf32, #tpu.memory_space<hbm>> -> memref<16x128xf32, #tpu.memory_space<hbm>>
        %dma_wait3A_164 = arith.constant 9984 : i32
        %dma_wait3A_165 = arith.constant 0 : i32
        %dma_wait3A_166 = tpu.memref_slice %arg16[%dma_wait3A_164, %dma_wait3A_165] : memref<10000x128xf32, #tpu.memory_space<vmem_shared>> -> memref<16x128xf32, #tpu.memory_space<vmem_shared>>
        tpu.wait_dma2 semaphore(%run_scoped3A : memref<!tpu.dma_semaphore, #tpu.memory_space<semaphore_mem>>) src(%dma_wait3A_166 : memref<16x128xf32, #tpu.memory_space<vmem_shared>>) dst(%dma_wait3A_163 : memref<16x128xf32, #tpu.memory_space<hbm>>)
        tpu.yield
      }) : () -> ()
    } else {
    }
    return
  }
}

module attributes {stable_mosaic.version = 14 : i64} {
  func.func @_enc_body(%arg0: i32, %arg1: memref<7x2560xf32, #tpu.memory_space<vmem>>, %arg2: memref<1x7x128xf32, #tpu.memory_space<vmem>>, %arg3: memref<1x1x128xf32, #tpu.memory_space<vmem>>, %arg4: memref<2560x128xf32, #tpu.memory_space<vmem>>) attributes {dimension_semantics = [#tpu.dimension_semantics<arbitrary>], iteration_bounds = array<i64: 125>, scalar_prefetch = 0 : i64, scratch_operands = 0 : i64, tpu.core_type = #tpu.core_type<tc>, window_params = [{transform_indices = @transform_0, window_bounds = array<i64: 7, 2560>}, {pipeline_mode = #tpu.pipeline_mode<synchronous>, transform_indices = @transform_1, window_bounds = array<i64: 1, 7, 128>}, {pipeline_mode = #tpu.pipeline_mode<synchronous>, transform_indices = @transform_2, window_bounds = array<i64: 1, 1, 128>}, {transform_indices = @transform_3, window_bounds = array<i64: 2560, 128>}]} {
    %get3A = arith.constant 0 : index
    %get3A_0 = arith.constant 0 : index
    %get3A_1 = vector.load %arg1[%get3A, %get3A_0] : memref<7x2560xf32, #tpu.memory_space<vmem>>, vector<7x2560xf32>
    %get3A_2 = arith.constant 0 : index
    %get3A_3 = arith.constant 0 : index
    %get3A_4 = arith.constant 0 : index
    %get3A_5 = vector.load %arg2[%get3A_2, %get3A_3, %get3A_4] : memref<1x7x128xf32, #tpu.memory_space<vmem>>, vector<1x7x128xf32>
    %get3A_6 = vector.shape_cast %get3A_5 : vector<1x7x128xf32> to vector<7x128xf32>
    %dot_general3A = arith.constant dense<0.000000e+00> : vector<2560x128xf32>
    %dot_general3A_7 = tpu.matmul %get3A_1, %get3A_6, %dot_general3A {dimension_numbers = #tpu.dot_dimension_numbers<[0], [0], [1], [1], [0, 1, 1, 1], [], []>, transpose_lhs_hint = false} : vector<7x2560xf32>, vector<7x128xf32>, vector<2560x128xf32> -> vector<2560x128xf32>
    %get3A_8 = arith.constant 0 : index
    %get3A_9 = arith.constant 0 : index
    %get3A_10 = arith.constant 0 : index
    %get3A_11 = vector.load %arg3[%get3A_8, %get3A_9, %get3A_10] : memref<1x1x128xf32, #tpu.memory_space<vmem>>, vector<1x1x128xf32>
    %get3A_12 = vector.shape_cast %get3A_11 : vector<1x1x128xf32> to vector<1x128xf32>
    %add3A = vector.broadcast %get3A_12 : vector<1x128xf32> to vector<2560x128xf32>
    %add3A_13 = arith.addf %dot_general3A_7, %add3A : vector<2560x128xf32>
    %swap3A = arith.constant 0 : index
    %swap3A_14 = arith.constant 0 : index
    %swap3A_15 = vector.load %arg4[%swap3A, %swap3A_14] : memref<2560x128xf32, #tpu.memory_space<vmem>>, vector<2560x128xf32>
    tpu.vector_store %arg4[%swap3A, %swap3A_14], %add3A_13 {strides = array<i32>} : memref<2560x128xf32, #tpu.memory_space<vmem>>, vector<2560x128xf32>,
    return
  }
  func.func @transform_0(%arg0: i32) -> (i32, i32) {
    %c0_i32 = arith.constant 0 : i32
    %c0_i32_0 = arith.constant 0 : i32
    return %c0_i32, %arg0 : i32, i32
  }
  func.func @transform_1(%arg0: i32) -> (i32, i32, i32) {
    %c0_i32 = arith.constant 0 : i32
    %c0_i32_0 = arith.constant 0 : i32
    %c0_i32_1 = arith.constant 0 : i32
    %c0_i32_2 = arith.constant 0 : i32
    return %c0_i32, %c0_i32_0, %c0_i32_1 : i32, i32, i32
  }
  func.func @transform_2(%arg0: i32) -> (i32, i32, i32) {
    %c0_i32 = arith.constant 0 : i32
    %c0_i32_0 = arith.constant 0 : i32
    %c0_i32_1 = arith.constant 0 : i32
    %c0_i32_2 = arith.constant 0 : i32
    return %c0_i32, %c0_i32_0, %c0_i32_1 : i32, i32, i32
  }
  func.func @transform_3(%arg0: i32) -> (i32, i32) {
    %c0_i32 = arith.constant 0 : i32
    %c0_i32_0 = arith.constant 0 : i32
    return %arg0, %c0_i32 : i32, i32
  }
}

module attributes {stable_mosaic.version = 14 : i64} {
  func.func @_mlp_body(%arg0: i32, %arg1: memref<400x128xf32, #tpu.memory_space<vmem>>, %arg2: memref<2x400x128xf32, #tpu.memory_space<vmem>>, %arg3: memref<1x128xf32, #tpu.memory_space<vmem>>, %arg4: memref<128x256xf32, #tpu.memory_space<vmem>>, %arg5: memref<1x256xf32, #tpu.memory_space<vmem>>, %arg6: memref<256x128xf32, #tpu.memory_space<vmem>>, %arg7: memref<1x128xf32, #tpu.memory_space<vmem>>, %arg8: memref<400x128xf32, #tpu.memory_space<vmem>>) attributes {dimension_semantics = [#tpu.dimension_semantics<arbitrary>], iteration_bounds = array<i64: 25>, scalar_prefetch = 0 : i64, scratch_operands = 0 : i64, tpu.core_type = #tpu.core_type<tc>, window_params = [{transform_indices = @transform_0, window_bounds = array<i64: 400, 128>}, {transform_indices = @transform_1, window_bounds = array<i64: 2, 400, 128>}, {pipeline_mode = #tpu.pipeline_mode<synchronous>, transform_indices = @transform_2, window_bounds = array<i64: 1, 128>}, {pipeline_mode = #tpu.pipeline_mode<synchronous>, transform_indices = @transform_3, window_bounds = array<i64: 128, 256>}, {pipeline_mode = #tpu.pipeline_mode<synchronous>, transform_indices = @transform_4, window_bounds = array<i64: 1, 256>}, {pipeline_mode = #tpu.pipeline_mode<synchronous>, transform_indices = @transform_5, window_bounds = array<i64: 256, 128>}, {pipeline_mode = #tpu.pipeline_mode<synchronous>, transform_indices = @transform_6, window_bounds = array<i64: 1, 128>}, {transform_indices = @transform_7, window_bounds = array<i64: 400, 128>}]} {
    %get3A = arith.constant 0 : index
    %get3A_0 = arith.constant 0 : index
    %get3A_1 = vector.load %arg3[%get3A, %get3A_0] : memref<1x128xf32, #tpu.memory_space<vmem>>, vector<1x128xf32>
    %get3A_2 = arith.constant 0 : index
    %get3A_3 = arith.constant 0 : index
    %get3A_4 = vector.load %arg1[%get3A_2, %get3A_3] : memref<400x128xf32, #tpu.memory_space<vmem>>, vector<400x128xf32>
    %mul3A = vector.broadcast %get3A_1 : vector<1x128xf32> to vector<400x128xf32>
    %mul3A_5 = arith.mulf %mul3A, %get3A_4 : vector<400x128xf32>
    %get3A_6 = arith.constant 0 : index
    %get3A_7 = arith.constant 0 : index
    %get3A_8 = arith.constant 0 : index
    %get3A_9 = vector.load %arg2[%get3A_6, %get3A_7, %get3A_8] : memref<2x400x128xf32, #tpu.memory_space<vmem>>, vector<1x400x128xf32>
    %get3A_10 = vector.shape_cast %get3A_9 : vector<1x400x128xf32> to vector<400x128xf32>
    %add3A = arith.addf %mul3A_5, %get3A_10 : vector<400x128xf32>
    %get3A_11 = arith.constant 1 : index
    %get3A_12 = arith.constant 0 : index
    %get3A_13 = arith.constant 0 : index
    %get3A_14 = vector.load %arg2[%get3A_11, %get3A_12, %get3A_13] : memref<2x400x128xf32, #tpu.memory_space<vmem>>, vector<1x400x128xf32>
    %get3A_15 = vector.shape_cast %get3A_14 : vector<1x400x128xf32> to vector<400x128xf32>
    %add3A_16 = arith.addf %add3A, %get3A_15 : vector<400x128xf32>
    %get3A_17 = arith.constant 0 : index
    %get3A_18 = arith.constant 0 : index
    %get3A_19 = vector.load %arg4[%get3A_17, %get3A_18] : memref<128x256xf32, #tpu.memory_space<vmem>>, vector<128x256xf32>
    %dot_general3A = arith.constant dense<0.000000e+00> : vector<400x256xf32>
    %dot_general3A_20 = tpu.matmul %add3A_16, %get3A_19, %dot_general3A {dimension_numbers = #tpu.dot_dimension_numbers<[1], [0], [0], [1], [0, 0, 1, 1], [], []>, transpose_lhs_hint = false} : vector<400x128xf32>, vector<128x256xf32>, vector<400x256xf32> -> vector<400x256xf32>
    %get3A_21 = arith.constant 0 : index
    %get3A_22 = arith.constant 0 : index
    %get3A_23 = vector.load %arg5[%get3A_21, %get3A_22] : memref<1x256xf32, #tpu.memory_space<vmem>>, vector<1x256xf32>
    %add3A_24 = vector.broadcast %get3A_23 : vector<1x256xf32> to vector<400x256xf32>
    %add3A_25 = arith.addf %dot_general3A_20, %add3A_24 : vector<400x256xf32>
    %max3A = arith.constant 0.000000e+00 : f32
    %max3A_26 = vector.broadcast %max3A : f32 to vector<400x256xf32>
    %max3A_27 = arith.maximumf %add3A_25, %max3A_26 : vector<400x256xf32>
    %get3A_28 = arith.constant 0 : index
    %get3A_29 = arith.constant 0 : index
    %get3A_30 = vector.load %arg6[%get3A_28, %get3A_29] : memref<256x128xf32, #tpu.memory_space<vmem>>, vector<256x128xf32>
    %dot_general3A_31 = arith.constant dense<0.000000e+00> : vector<400x128xf32>
    %dot_general3A_32 = tpu.matmul %max3A_27, %get3A_30, %dot_general3A_31 {dimension_numbers = #tpu.dot_dimension_numbers<[1], [0], [0], [1], [0, 0, 1, 1], [], []>, transpose_lhs_hint = false} : vector<400x256xf32>, vector<256x128xf32>, vector<400x128xf32> -> vector<400x128xf32>
    %get3A_33 = arith.constant 0 : index
    %get3A_34 = arith.constant 0 : index
    %get3A_35 = vector.load %arg7[%get3A_33, %get3A_34] : memref<1x128xf32, #tpu.memory_space<vmem>>, vector<1x128xf32>
    %add3A_36 = vector.broadcast %get3A_35 : vector<1x128xf32> to vector<400x128xf32>
    %add3A_37 = arith.addf %dot_general3A_32, %add3A_36 : vector<400x128xf32>
    %max3A_38 = arith.constant 0.000000e+00 : f32
    %max3A_39 = vector.broadcast %max3A_38 : f32 to vector<400x128xf32>
    %max3A_40 = arith.maximumf %add3A_37, %max3A_39 : vector<400x128xf32>
    %swap3A = arith.constant 0 : index
    %swap3A_41 = arith.constant 0 : index
    %swap3A_42 = vector.load %arg8[%swap3A, %swap3A_41] : memref<400x128xf32, #tpu.memory_space<vmem>>, vector<400x128xf32>
    tpu.vector_store %arg8[%swap3A, %swap3A_41], %max3A_40 {strides = array<i32>} : memref<400x128xf32, #tpu.memory_space<vmem>>, vector<400x128xf32>,
    return
  }
  func.func @transform_0(%arg0: i32) -> (i32, i32) {
    %c0_i32 = arith.constant 0 : i32
    %c0_i32_0 = arith.constant 0 : i32
    return %arg0, %c0_i32 : i32, i32
  }
  func.func @transform_1(%arg0: i32) -> (i32, i32, i32) {
    %c0_i32 = arith.constant 0 : i32
    %c0_i32_0 = arith.constant 0 : i32
    %c0_i32_1 = arith.constant 0 : i32
    return %c0_i32, %arg0, %c0_i32_0 : i32, i32, i32
  }
  func.func @transform_2(%arg0: i32) -> (i32, i32) {
    %c0_i32 = arith.constant 0 : i32
    %c0_i32_0 = arith.constant 0 : i32
    %c0_i32_1 = arith.constant 0 : i32
    return %c0_i32, %c0_i32_0 : i32, i32
  }
  func.func @transform_3(%arg0: i32) -> (i32, i32) {
    %c0_i32 = arith.constant 0 : i32
    %c0_i32_0 = arith.constant 0 : i32
    %c0_i32_1 = arith.constant 0 : i32
    return %c0_i32, %c0_i32_0 : i32, i32
  }
  func.func @transform_4(%arg0: i32) -> (i32, i32) {
    %c0_i32 = arith.constant 0 : i32
    %c0_i32_0 = arith.constant 0 : i32
    %c0_i32_1 = arith.constant 0 : i32
    return %c0_i32, %c0_i32_0 : i32, i32
  }
  func.func @transform_5(%arg0: i32) -> (i32, i32) {
    %c0_i32 = arith.constant 0 : i32
    %c0_i32_0 = arith.constant 0 : i32
    %c0_i32_1 = arith.constant 0 : i32
    return %c0_i32, %c0_i32_0 : i32, i32
  }
  func.func @transform_6(%arg0: i32) -> (i32, i32) {
    %c0_i32 = arith.constant 0 : i32
    %c0_i32_0 = arith.constant 0 : i32
    %c0_i32_1 = arith.constant 0 : i32
    return %c0_i32, %c0_i32_0 : i32, i32
  }
  func.func @transform_7(%arg0: i32) -> (i32, i32) {
    %c0_i32 = arith.constant 0 : i32
    %c0_i32_0 = arith.constant 0 : i32
    return %arg0, %c0_i32 : i32, i32
  }
}

module attributes {stable_mosaic.version = 14 : i64} {
  func.func @_mlp_body(%arg0: i32, %arg1: memref<400x128xf32, #tpu.memory_space<vmem>>, %arg2: memref<2x400x128xf32, #tpu.memory_space<vmem>>, %arg3: memref<1x128xf32, #tpu.memory_space<vmem>>, %arg4: memref<128x256xf32, #tpu.memory_space<vmem>>, %arg5: memref<1x256xf32, #tpu.memory_space<vmem>>, %arg6: memref<256x128xf32, #tpu.memory_space<vmem>>, %arg7: memref<1x128xf32, #tpu.memory_space<vmem>>, %arg8: memref<400x128xf32, #tpu.memory_space<vmem>>) attributes {dimension_semantics = [#tpu.dimension_semantics<arbitrary>], iteration_bounds = array<i64: 25>, scalar_prefetch = 0 : i64, scratch_operands = 0 : i64, tpu.core_type = #tpu.core_type<tc>, window_params = [{transform_indices = @transform_0, window_bounds = array<i64: 400, 128>}, {transform_indices = @transform_1, window_bounds = array<i64: 2, 400, 128>}, {pipeline_mode = #tpu.pipeline_mode<synchronous>, transform_indices = @transform_2, window_bounds = array<i64: 1, 128>}, {pipeline_mode = #tpu.pipeline_mode<synchronous>, transform_indices = @transform_3, window_bounds = array<i64: 128, 256>}, {pipeline_mode = #tpu.pipeline_mode<synchronous>, transform_indices = @transform_4, window_bounds = array<i64: 1, 256>}, {pipeline_mode = #tpu.pipeline_mode<synchronous>, transform_indices = @transform_5, window_bounds = array<i64: 256, 128>}, {pipeline_mode = #tpu.pipeline_mode<synchronous>, transform_indices = @transform_6, window_bounds = array<i64: 1, 128>}, {transform_indices = @transform_7, window_bounds = array<i64: 400, 128>}]} {
    %get3A = arith.constant 0 : index
    %get3A_0 = arith.constant 0 : index
    %get3A_1 = vector.load %arg3[%get3A, %get3A_0] : memref<1x128xf32, #tpu.memory_space<vmem>>, vector<1x128xf32>
    %get3A_2 = arith.constant 0 : index
    %get3A_3 = arith.constant 0 : index
    %get3A_4 = vector.load %arg1[%get3A_2, %get3A_3] : memref<400x128xf32, #tpu.memory_space<vmem>>, vector<400x128xf32>
    %mul3A = vector.broadcast %get3A_1 : vector<1x128xf32> to vector<400x128xf32>
    %mul3A_5 = arith.mulf %mul3A, %get3A_4 : vector<400x128xf32>
    %get3A_6 = arith.constant 0 : index
    %get3A_7 = arith.constant 0 : index
    %get3A_8 = arith.constant 0 : index
    %get3A_9 = vector.load %arg2[%get3A_6, %get3A_7, %get3A_8] : memref<2x400x128xf32, #tpu.memory_space<vmem>>, vector<1x400x128xf32>
    %get3A_10 = vector.shape_cast %get3A_9 : vector<1x400x128xf32> to vector<400x128xf32>
    %add3A = arith.addf %mul3A_5, %get3A_10 : vector<400x128xf32>
    %get3A_11 = arith.constant 1 : index
    %get3A_12 = arith.constant 0 : index
    %get3A_13 = arith.constant 0 : index
    %get3A_14 = vector.load %arg2[%get3A_11, %get3A_12, %get3A_13] : memref<2x400x128xf32, #tpu.memory_space<vmem>>, vector<1x400x128xf32>
    %get3A_15 = vector.shape_cast %get3A_14 : vector<1x400x128xf32> to vector<400x128xf32>
    %add3A_16 = arith.addf %add3A, %get3A_15 : vector<400x128xf32>
    %get3A_17 = arith.constant 0 : index
    %get3A_18 = arith.constant 0 : index
    %get3A_19 = vector.load %arg4[%get3A_17, %get3A_18] : memref<128x256xf32, #tpu.memory_space<vmem>>, vector<128x256xf32>
    %dot_general3A = arith.constant dense<0.000000e+00> : vector<400x256xf32>
    %dot_general3A_20 = tpu.matmul %add3A_16, %get3A_19, %dot_general3A {dimension_numbers = #tpu.dot_dimension_numbers<[1], [0], [0], [1], [0, 0, 1, 1], [], []>, transpose_lhs_hint = false} : vector<400x128xf32>, vector<128x256xf32>, vector<400x256xf32> -> vector<400x256xf32>
    %get3A_21 = arith.constant 0 : index
    %get3A_22 = arith.constant 0 : index
    %get3A_23 = vector.load %arg5[%get3A_21, %get3A_22] : memref<1x256xf32, #tpu.memory_space<vmem>>, vector<1x256xf32>
    %add3A_24 = vector.broadcast %get3A_23 : vector<1x256xf32> to vector<400x256xf32>
    %add3A_25 = arith.addf %dot_general3A_20, %add3A_24 : vector<400x256xf32>
    %max3A = arith.constant 0.000000e+00 : f32
    %max3A_26 = vector.broadcast %max3A : f32 to vector<400x256xf32>
    %max3A_27 = arith.maximumf %add3A_25, %max3A_26 : vector<400x256xf32>
    %get3A_28 = arith.constant 0 : index
    %get3A_29 = arith.constant 0 : index
    %get3A_30 = vector.load %arg6[%get3A_28, %get3A_29] : memref<256x128xf32, #tpu.memory_space<vmem>>, vector<256x128xf32>
    %dot_general3A_31 = arith.constant dense<0.000000e+00> : vector<400x128xf32>
    %dot_general3A_32 = tpu.matmul %max3A_27, %get3A_30, %dot_general3A_31 {dimension_numbers = #tpu.dot_dimension_numbers<[1], [0], [0], [1], [0, 0, 1, 1], [], []>, transpose_lhs_hint = false} : vector<400x256xf32>, vector<256x128xf32>, vector<400x128xf32> -> vector<400x128xf32>
    %get3A_33 = arith.constant 0 : index
    %get3A_34 = arith.constant 0 : index
    %get3A_35 = vector.load %arg7[%get3A_33, %get3A_34] : memref<1x128xf32, #tpu.memory_space<vmem>>, vector<1x128xf32>
    %add3A_36 = vector.broadcast %get3A_35 : vector<1x128xf32> to vector<400x128xf32>
    %add3A_37 = arith.addf %dot_general3A_32, %add3A_36 : vector<400x128xf32>
    %swap3A = arith.constant 0 : index
    %swap3A_38 = arith.constant 0 : index
    %swap3A_39 = vector.load %arg8[%swap3A, %swap3A_38] : memref<400x128xf32, #tpu.memory_space<vmem>>, vector<400x128xf32>
    tpu.vector_store %arg8[%swap3A, %swap3A_38], %add3A_37 {strides = array<i32>} : memref<400x128xf32, #tpu.memory_space<vmem>>, vector<400x128xf32>,
    return
  }
  func.func @transform_0(%arg0: i32) -> (i32, i32) {
    %c0_i32 = arith.constant 0 : i32
    %c0_i32_0 = arith.constant 0 : i32
    return %arg0, %c0_i32 : i32, i32
  }
  func.func @transform_1(%arg0: i32) -> (i32, i32, i32) {
    %c0_i32 = arith.constant 0 : i32
    %c0_i32_0 = arith.constant 0 : i32
    %c0_i32_1 = arith.constant 0 : i32
    return %c0_i32, %arg0, %c0_i32_0 : i32, i32, i32
  }
  func.func @transform_2(%arg0: i32) -> (i32, i32) {
    %c0_i32 = arith.constant 0 : i32
    %c0_i32_0 = arith.constant 0 : i32
    %c0_i32_1 = arith.constant 0 : i32
    return %c0_i32, %c0_i32_0 : i32, i32
  }
  func.func @transform_3(%arg0: i32) -> (i32, i32) {
    %c0_i32 = arith.constant 0 : i32
    %c0_i32_0 = arith.constant 0 : i32
    %c0_i32_1 = arith.constant 0 : i32
    return %c0_i32, %c0_i32_0 : i32, i32
  }
  func.func @transform_4(%arg0: i32) -> (i32, i32) {
    %c0_i32 = arith.constant 0 : i32
    %c0_i32_0 = arith.constant 0 : i32
    %c0_i32_1 = arith.constant 0 : i32
    return %c0_i32, %c0_i32_0 : i32, i32
  }
  func.func @transform_5(%arg0: i32) -> (i32, i32) {
    %c0_i32 = arith.constant 0 : i32
    %c0_i32_0 = arith.constant 0 : i32
    %c0_i32_1 = arith.constant 0 : i32
    return %c0_i32, %c0_i32_0 : i32, i32
  }
  func.func @transform_6(%arg0: i32) -> (i32, i32) {
    %c0_i32 = arith.constant 0 : i32
    %c0_i32_0 = arith.constant 0 : i32
    %c0_i32_1 = arith.constant 0 : i32
    return %c0_i32, %c0_i32_0 : i32, i32
  }
  func.func @transform_7(%arg0: i32) -> (i32, i32) {
    %c0_i32 = arith.constant 0 : i32
    %c0_i32_0 = arith.constant 0 : i32
    return %arg0, %c0_i32 : i32, i32
  }
}

</mosaic_0001>

<sc_bundles>
// kernel: kernel.11.cloned.1.call-start
scs
__scs_entry_jumppad:
0x0: {  	(pc) =	sbr.rel $0x88, $3  }
0x1: {  	(tag) =	ssettag $0x0;
	lr =	simm.s32 $0x1  }
0x2: {  	[smem:$0x3F8F] =	sst lr;
	_ =	strace $0xD0000000  }
0x3: {  	_ = 	snop  }
0x4: {  	_ = 	snop  }
0x5: {  	_ = 	snop  }
0x6: {  	_ = 	snop  }
0x7: {  	_ = 	snop  }
__scs_overlays_trampoline_lowered:
0x8: {  	[smem:$0x3F9E] =	sst s0  }
0x9: {  	[smem:$0x3F9F] =	sst s1  }
0xa: {  	[smem:$0x3FA0] =	sst s2  }
0xb: {  	[smem:$0x3FA1] =	sst s3  }
0xc: {  	[smem:$0x3FA2] =	sst s4  }
0xd: {  	[smem:$0x3FA3] =	sst s5  }
0xe: {  	[smem:$0x3FA4] =	sst s6  }
0xf: {  	[smem:$0x3FA5] =	sst s7  }
0x10: {  	[smem:$0x3FA6] =	sst s8  }
0x11: {  	[smem:$0x3FA7] =	sst s9;
	s0 =	simm.s32 @!p0 $0x0  }
0x12: {  	s1 =	sld [smem:$0x3F8D];
	s0 =	simm.s32 @p0 $0x1  }
0x13: {  	[smem:$0x3FA8] =	sst s0;
	s0 =	simm.s32 @!p1 $0x0  }
0x14: {  	s2 =	sld [smem:$0x3F8C];
	s0 =	simm.s32 @p1 $0x1  }
0x15: {  	[smem:$0x3FA9] =	sst s0;
	s0 =	simm.s32 @!p2 $0x0  }
0x16: {  	s3 =	sld [smem:$0x3FDB];
	s0 =	simm.s32 @p2 $0x1  }
0x17: {  	s4 =	simm.s32 $0x1BF5;
	[smem:$0x3FAB] =	sst s0  }
0x18: {  	s0 =	sld [smem:$0x3F8E];
	_ =	swait.ge [sflag:s4], $0x0  }
0x19: {  	s7 =	sld [smem:$0x3F8F]  }
0x1a: {  	s8 =	sadd.s32 $0xFFFFE003, lr  }
0x1b: {  	s9 =	sadd.s32 $0xFFFFFEF7, lr;
	s5 =	simm.s32 $0xFFFFFFFF;
	p2 =	slt.u32 s8, $0xFFFFF086  }
0x1c: {  	p1 =	slt.u32 s9, $0xF7A;
	s5 =	simm.s32 @!p2 $0x0  }
0x1d: {  	s5 =	simm.s32 @p1 $0x1;
	p0 =	seq.s32 s7, s2  }
0x1e: {  	s7 =	smul.u32 @!p0 $0xF7A, s2;
	p2 =	seq.s32 @!p0 s5, $0x0  }
0x1f: {  	s9 =	smul.u32 $0xF7A, s1;
	s8 =	simm.s32 @!p0 $0x1BF5;
	p2 =	por !p2, p0  }
0x20: {  	[sflag:s8] =	ssyncset.s32 @!p0 $0xFFFFF086;
	s6 =	sadd.s32 @!p0 s3, s7;
	s7 =	simm.s32 @!p0 $0x108  }
0x21: {  	s3 =	sadd.s32 s3, s9;
	s6 =	sadd.s32 @!p0 $0x88, s6;
	s7 =	simm.s32 @p2 $0x1082  }
0x22: {  	[simem:s7], [sflag:s8] =	dma.local @!p0 [hbm:s6], $0xF7A  }
0x23: {  	s9 =	sor.u32 $0xD0000000, s2;
	s6 =	simm.s32 $0x108;
	_ =	swait.ge @!p0 [sflag:s8], $0x0  }
0x24: {  	s3 =	sadd.s32 $0x88, s3;
	s6 =	simm.s32 @!p1 $0x1082;
	[sflag:s4] =	ssyncset.s32 $0xFFFFF086  }
0x25: {  	[simem:s6], [sflag:s4] =	dma.local [hbm:s3], $0xF7A  }
0x26: {  	[smem:$0x3F8F] =	sst s1;
	(tag) =	ssettag s2;
	_ =	strace s9  }
0x27: {  	s1 =	sld [smem:$0x3F9F]  }
0x28: {  	s2 =	sld [smem:$0x3FA0]  }
0x29: {  	s4 =	sld [smem:$0x3FA2]  }
0x2a: {  	p0 =	seq.s32 s5, $0x0;
	s5 =	sld [smem:$0x3FA3]  }
0x2b: {  	s6 =	sld [smem:$0x3FA4]  }
0x2c: {  	s7 =	sld [smem:$0x3FA5]  }
0x2d: {  	s3 =	simm.s32 $0x108;
	s8 =	sld [smem:$0x3FA6]  }
0x2e: {  	s3 =	simm.s32 @!p0 $0x1082;
	s9 =	sld [smem:$0x3FA7]  }
0x2f: {  	lr =	sadd.s32 s0, s3;
	s0 =	sld [smem:$0x3F9E]  }
0x30: {  	s3 =	sld [smem:$0x3FA1]  }
0x31: {  	[smem:$0x3FAA] =	sst s10  }
0x32: {  	s10 =	sld [smem:$0x3FA8];
	_ =	sdelay $0x3  }
0x33: {  	p0 =	seq.s32 s10, $0x1;
	s10 =	sld [smem:$0x3FAA];
	_ =	sdelay $0x3  }
0x34: {  	[smem:$0x3FAA] =	sst s10  }
0x35: {  	s10 =	sld [smem:$0x3FA9];
	_ =	sdelay $0x3  }
0x36: {  	p1 =	seq.s32 s10, $0x1;
	s10 =	sld [smem:$0x3FAA];
	_ =	sdelay $0x3  }
0x37: {  	[smem:$0x3FAA] =	sst s10  }
0x38: {  	s10 =	sld [smem:$0x3FAB]  }
0x39: {  	_ = 	snop;
	(pc) =	sbr.ind lr, $3  }
0x3a: {  	_ = 	snop  }
0x3b: {  	_ = 	snop  }
0x3c: {  	p2 =	seq.s32 s10, $0x1;
	s10 =	sld [smem:$0x3FAA]  }
0x3d: {  	_ =	shalt  }
0x3e: {  	_ =	shalt  }
0x3f: {  	_ =	shalt  }
0x40: {  	_ =	shalt  }
0x41: {  	_ =	shalt  }
0x42: {  	_ =	shalt  }
0x43: {  	_ =	shalt  }
0x44: {  	_ =	shalt  }
0x45: {  	_ =	shalt  }
0x46: {  	_ =	shalt  }
0x47: {  	_ =	shalt  }
0x48: {  	_ =	shalt  }
0x49: {  	_ =	shalt  }
0x4a: {  	_ =	shalt  }
0x4b: {  	_ =	shalt  }
0x4c: {  	_ =	shalt  }
0x4d: {  	_ =	shalt  }
0x4e: {  	_ =	shalt  }
0x4f: {  	_ =	shalt  }
0x50: {  	_ =	shalt  }
0x51: {  	_ =	shalt  }
0x52: {  	_ =	shalt  }
0x53: {  	_ =	shalt  }
0x54: {  	_ =	shalt  }
0x55: {  	_ =	shalt  }
0x56: {  	_ =	shalt  }
0x57: {  	_ =	shalt  }
0x58: {  	_ =	shalt  }
0x59: {  	_ =	shalt  }
0x5a: {  	_ =	shalt  }
0x5b: {  	_ =	shalt  }
0x5c: {  	_ =	shalt  }
0x5d: {  	_ =	shalt  }
0x5e: {  	_ =	shalt  }
0x5f: {  	_ =	shalt  }
0x60: {  	_ =	shalt  }
0x61: {  	_ =	shalt  }
0x62: {  	_ =	shalt  }
0x63: {  	_ =	shalt  }
0x64: {  	_ =	shalt  }
0x65: {  	_ =	shalt  }
0x66: {  	_ =	shalt  }
0x67: {  	_ =	shalt  }
0x68: {  	_ =	shalt  }
0x69: {  	_ =	shalt  }
0x6a: {  	_ =	shalt  }
0x6b: {  	_ =	shalt  }
0x6c: {  	_ =	shalt  }
0x6d: {  	_ =	shalt  }
0x6e: {  	_ =	shalt  }
0x6f: {  	_ =	shalt  }
0x70: {  	_ =	shalt  }
0x71: {  	_ =	shalt  }
0x72: {  	_ =	shalt  }
0x73: {  	_ =	shalt  }
0x74: {  	_ =	shalt  }
0x75: {  	_ =	shalt  }
0x76: {  	_ =	shalt  }
0x77: {  	_ =	shalt  }
0x78: {  	_ =	shalt  }
0x79: {  	_ =	shalt  }
0x7a: {  	_ =	shalt  }
0x7b: {  	_ =	shalt  }
0x7c: {  	_ =	shalt  }
0x7d: {  	_ =	shalt  }
0x7e: {  	_ =	shalt  }
0x7f: {  	_ =	shalt  }
0x80: {  	_ =	shalt  }
0x81: {  	_ =	shalt  }
0x82: {  	_ =	shalt  }
0x83: {  	_ =	shalt  }
0x84: {  	_ =	shalt  }
0x85: {  	_ =	shalt  }
0x86: {  	_ =	shalt  }
0x87: {  	_ =	shalt  }
.Lfunc_end0:
.L_simem_size_0:
called_computation_lowered:
.L_overlay_start_0:
0x88: {  	s2 =	sld [smem:$0x3FD9]  }
0x89: {  	s3 =	sld [smem:$0x3FFE];
	_ =	sdelay $0x1  }
0x8a: {  	s1 =	srdreg.scid  }
0x8b: {  	s0 =	sand.u32 $0x1, s1  }
0x8c: {  	s16 =	sshll.u32 s0, $0xA;
	s2 =	sadd.s32 s3, s2  }
0x8d: {  	s2 =	sadd.s32 s2, s16  }
0x8e: {  	[smem:$0x3FB6] =	sst s2  }
0x8f: {  	_ = 	snop  }
0x90: {  	(tm) =	ssettm $0x1  }
0x91: {  	s17 =	sld [smem:$0x3FFB];
	_ =	sdelay $0x3  }
0x92: {  	_ =	strace s17  }
0x93: {  	s2 =	sld [smem:$0x3FFC];
	_ =	sdelay $0x3  }
0x94: {  	_ =	strace s2  }
0x95: {  	s2 =	sld [smem:$0x3FFD];
	_ =	sdelay $0x3  }
0x96: {  	_ =	strace s2  }
0x97: {  	_ =	strace $0x8FFFFFFF  }
0x98: {  	s18 =	sld [smem:$0x3FDB];
	_ =	sdelay $0x1  }
0x99: {  	s19 =	simm.s32 $_scs_section_size  }
0x9a: {  	s4 =	simm.s32 $_size__tile_overlayer_lowered;
	s5 =	simm.s32 $_tile_overlayer_lowered  }
0x9b: {  	s22 =	simm.s32 $0x1BFF;
	s21 =	sshll.u32 s5, $0x1;
	s2 =	sadd.s32 s19, s18  }
0x9c: {  	s6 =	simm.s32 $0x0;
	s20 =	sshll.u32 s4, $0x1;
	s4 =	sadd.s32 s21, s2  }
0x9d: {  	[timem:s6], [sflag:s22] =	dma.local [hbm:s4], s20  }
0x9e: {  	_ =	swait.ge [sflag:s22], s20  }
0x9f: {  	s3 =	ssub.s32 $0x0, s20;
	[sflag:s22] =	ssyncset.done $0x0  }
0xa0: {  	[sflag:s22] =	ssyncadd.s32 s3;
	_ =	sdelay $0x1  }
0xa1: {  	s23 =	simm.s32 $0x1B8B  }
0xa2: {  	_ =	swait.ge [sflag:s23], $0x1  }
0xa3: {  	[sflag:s23] =	ssyncset.done $0x0  }
0xa4: {  	s25 =	simm.s32 $0x1B8E;
	s24 =	sld [smem:$0x3FFE];
	[sflag:s23] =	ssyncadd.s32 $0xFFFFFFFF  }
0xa5: {  	s26 =	simm.s32 $execute0_lowered;
	[smem:$0x3FD2] =	sst s25  }
0xa6: {  	s4 =	sshll.u32 s26, $0x1;
	_ =	strace $0x80000046;
	[dreg:$0x1] =	wrdreg $0xFFFFFFFF  }
0xa7: {  	s28 =	simm.s32 $_size_execute0_lowered;
	s2 =	sadd.s32 s2, s4;
	[dreg:$0x0] =	wrdreg $0x0  }
0xa8: {  	s4 =	sshll.u32 s28, $0x1;
	[dreg:$0x2] =	wrdreg s2  }
0xa9: {  	[dreg:$0x3] =	wrdreg s4  }
0xaa: {  	[dreg:$0x4] =	wrdreg $0xC0  }
0xab: {  	_ =	task [dreg:s6], $0x5FFFF  }
0xac: {  	[dreg:$0x1] =	wrdreg $0xFFFFFFFF  }
0xad: {  	[dreg:$0x0] =	wrdreg $0x60  }
0xae: {  	[dreg:$0x2] =	wrdreg s24  }
0xaf: {  	[dreg:$0x3] =	wrdreg $0xC3000  }
0xb0: {  	[dreg:$0x4] =	wrdreg $0x9  }
0xb1: {  	_ =	task.clear_ibuf [dreg:s6], $0x5FFFF;
	_ =	strace $0x90000046  }
0xb2: {  	s29 =	simm.s32 $0x9;
	_ =	strace $0x80000048  }
0xb3: {  	_ =	swait.ge [sflag:s29], $0x1  }
0xb4: {  	[sflag:s29] =	ssyncadd.s32 $0xFFFFFFFF  }
0xb5: {  	_ =	strace $0x90000048  }
0xb6: {  	_ =	sfence  }
0xb7: {  	s30 =	sld [smem:$0x0];
	_ =	sdelay $0x2  }
0xb8: {  	s31 =	sshll.u32 s1, $0xD;
	s1 =	sshrl.u32 s1, $0x2  }
0xb9: {  	s3 =	sand.u32 $0x4000, s31;
	s1 =	sadd.s32 s1, s30  }
0xba: {  	s0 =	sor.u32 s3, s0;
	s1 =	sshll.u32 s1, $0x11  }
0xbb: {  	s0 =	sor.u32 s1, s0  }
0xbc: {  	s0 =	sadd.s32 $0x8F2B, s0  }
0xbd: {  	[sflag:s0] =	ssyncadd.remote.s32 $0x1  }
0xbe: {  	_ =	sfence.sel $0xFFFF  }
0xbf: {  	[dreg:$0x0] =	wrdreg $0xFFFFFFFF;
	(pc) =	sbr.abs _section_cstart, $3  }
0xc0: {  	[dreg:$0x1] =	wrdreg $0xFFFFFFFF  }
0xc1: {  	_ =	task.clear_ibuf [dreg:s6], $0x2FFFF;
	_ =	strace $0x9FFFFFFF  }
0xc2: {  	(tm) =	ssettm $0x7FFFFFFF  }
0xc3: {  	_ =	shalt  }
tec
execute0_lowered:
.L_overlay_start_1:
0x0: {  	(tag) =	ssettag $0x1  }
0x1: {  	s0 =	rddreg [dreg:$0x0]  }
0x2: {  	s1 =	rddreg [dreg:$0x1]  }
0x3: {  	s3 =	simm.s32 $0x0;
	s2 =	simm.s32 $0x0;
	s22 =	srdreg.scid  }
0x4: {  	s19 =	stileid.u32;
	s28 =	simm.s32 $0x3;
	[dreg:$0x3] =	wrdreg s2  }
0x5: {  	s29 =	simm.s32 $0x5;
	s31 =	simm.s32 $0x6;
	[smem:$0x7FF] =	sst s3  }
0x6: {  	s4 =	sadd.s32 $0x1AA00, s0;
	s5 =	sadd.s32 $0x10C00, s0;
	s2 =	sand.u32 $0x1, s22  }
0x7: {  	s6 =	sadd.s32 $0x6E00, s0;
	s7 =	smul.u32 $0x4E000, s19;
	s0 =	sadd.s32 $0x4FCA00, s0  }
0x8: {  	s9 =	smul.u32 $0x13800, s19;
	s24 =	sshll.u32 s19, $0x1;
	s23 =	ssub.s32 $0x2, s2  }
0x9: {  	p0 =	slt.u32 s19, $0x2;
	_ =	strace $0x80000047;
	s8 =	sshrl.u32 s23, $0x1  }
0xa: {  	s10 =	sshrl.u32 s7, $0x2;
	s7 =	sor.u32 s2, s24;
	s26 =	sadd.s32 $0x4000, s9  }
0xb: {  	s20 =	sadd.s32 $0x8000, s9;
	s11 =	sadd.s32 $0xC000, s9;
	s14 =	sadd.s32 $0x10000, s9  }
0xc: {  	s2 =	smul.u32 $0x138800, s2;
	s3 =	ssub.s32 s23, s8;
	s25 =	sadd.s32 s10, s1  }
0xd: {  	s18 =	sadd.s32 s26, s1;
	s12 =	sadd.s32 s20, s1;
	[dreg:$0x4] =	wrdreg s25  }
0xe: {  	s21 =	sadd.s32 s11, s1;
	s15 =	sshll.u32 s7, $0x7;
	[dreg:$0x5] =	wrdreg s18  }
0xf: {  	s13 =	sor.u32 $0x40, s7;
	s22 =	sadd.s32 s14, s1;
	[dreg:$0x6] =	wrdreg s12  }
0x10: {  	[dreg:$0x7] =	wrdreg s21;
	s12 =	sor.u32 $0x20, s7;
	s15 =	sand.u32 $0x380, s15  }
0x11: {  	s17 =	sshll.u32 s13, $0x7;
	s18 =	sshll.u32 s7, $0xB;
	[dreg:$0x8] =	wrdreg s22  }
0x12: {  	s9 =	sadd.s32 s9, s2;
	s8 =	sadd.s32 s2, s26;
	s24 =	sadd.s32 s2, s20  }
0x13: {  	s26 =	sadd.s32 s2, s11;
	s10 =	sadd.s32 s2, s14;
	s2 =	sshrl.u32 s2, $0x3  }
0x14: {  	s21 =	sshll.u32 s13, $0xB;
	s16 =	sshll.u32 s12, $0x7;
	s17 =	sand.u32 $0x2C00, s17  }
0x15: {  	s23 =	sadd.s32 s4, s18;
	s9 =	sshrl.u32 s9, $0x3;
	s8 =	sshrl.u32 s8, $0x3  }
0x16: {  	s25 =	sshrl.u32 s24, $0x3;
	s11 =	sshrl.u32 s10, $0x3;
	s18 =	sshll.u32 s12, $0xB  }
0x17: {  	s22 =	sadd.s32 s4, s21;
	s10 =	simm.s32 $0xB;
	[dreg:$0x9] =	wrdreg s23  }
0x18: {  	s16 =	sand.u32 $0x1C00, s16;
	s9 =	sadd.s32 s0, s9;
	[dreg:$0x14] =	wrdreg s22  }
0x19: {  	s8 =	sadd.s32 s0, s8;
	s23 =	sshll.u32 s7, $0x4;
	[dreg:$0xa] =	wrdreg s9  }
0x1a: {  	s16 =	sor.u32 s15, s16;
	s15 =	sor.u32 s15, s17;
	[dreg:$0xb] =	wrdreg s8  }
0x1b: {  	s8 =	sadd.s32 s0, s25;
	s9 =	sshrl.u32 s26, $0x3;
	s24 =	sadd.s32 s5, s23  }
0x1c: {  	s25 =	sadd.s32 s6, s23;
	s30 =	sand.u32 $0x70, s23;
	[dreg:$0xc] =	wrdreg s8  }
0x1d: {  	s26 =	smax.u32 s3, $0x1;
	s23 =	simm.s32 $0x280;
	[dreg:$0x15] =	wrdreg s24  }
0x1e: {  	s3 =	simm.s32 $0x7;
	s16 =	sshrl.u32 s16, $0x3;
	[dreg:$0x16] =	wrdreg s25  }
0x1f: {  	s8 =	sadd.s32 s0, s9;
	s17 =	sshrl.u32 s15, $0x3;
	[dreg:$0x19] =	wrdreg s26  }
0x20: {  	s15 =	sadd.s32 $0x138000, s1;
	s24 =	simm.s32 $0x8300;
	s25 =	simm.s32 $0x1  }
0x21: {  	s26 =	simm.s32 $0x2;
	s9 =	simm.s32 $0xA;
	[dreg:$0xd] =	wrdreg s8  }
0x22: {  	s8 =	sadd.s32 s0, s11;
	s0 =	sadd.s32 s0, s2;
	[dreg:$0x1a] =	wrdreg s15  }
0x23: {  	s14 =	sadd.s32 s5, s16;
	s16 =	sadd.s32 s6, s16;
	[dreg:$0xe] =	wrdreg s8  }
0x24: {  	s20 =	sadd.s32 s5, s17;
	s2 =	sadd.s32 s6, s17;
	[dreg:$0xf] =	wrdreg s14  }
0x25: {  	s17 =	simm.s32 $0x300;
	s11 =	simm.s32 $0x8;
	[dreg:$0x10] =	wrdreg s16  }
.Ltmp0:
0x26: {  	s8 =	sadd.s32 s4, s18;
	[dreg:$0x12] =	wrdreg s20;
	(pc) =	sbr.rel .LBB2_1-.Ltmp0, $4  }
0x27: {  	[dreg:$0x13] =	wrdreg s2;
	s0 =	sadd.s32 $0x27000, s0;
	s16 =	simm.s32 $0x4  }
0x28: {  	s18 =	simm.s32 $0xD;
	[dreg:$0x17] =	wrdreg s0;
	s0 =	simm.s32 $0x4  }
0x29: {  	s20 =	simm.s32 $0x80;
	[dreg:$0x11] =	wrdreg s8;
	s0 =	simm.s32 @!p0 $0xC  }
0x2a: {  	v0 =	vimm.f32 $0.0e+00;
	s8 =	simm.s32 $0x9;
	p0 =	sne.s32 s19, $0xF;
	[dreg:$0x18] =	wrdreg s0  }
.LBB2_17:
0x2b: {  	s0 =	rddreg [dreg:$0x18]  }
0x2c: {  	_ =	swait.ge [sflag:s0], $0x4000  }
0x2d: {  	[sflag:s0] =	ssyncset.done $0x0  }
0x2e: {  	[sflag:s0] =	ssyncadd.s32 $0xFFFFC000  }
0x2f: {  	s19 =	stileid.u32;
	[bflag:$0x0] =	sbarrier.arrive $0xFFFF  }
0x30: {  	s0 =	sshll.u32 s19, $0x6;
	s2 =	rddreg [dreg:$0x4]  }
0x31: {  	s0 =	sor.u32 $0x1C0D, s0;
	s14 =	rddreg [dreg:$0xa];
	s2 =	sshrl.u32 s2, $0x3  }
0x32: {  	[hbm:s14], [sflag:s0] =	dma.local [spmem:s2], $0x800  }
0x33: {  	_ =	swait.ge [sflag:s18], $0x800  }
0x34: {  	[sflag:s18] =	ssyncset.done $0x0;
	s21 =	rddreg [dreg:$0x5]  }
0x35: {  	s22 =	rddreg [dreg:$0xb];
	[sflag:s18] =	ssyncadd.s32 $0xFFFFF800;
	s2 =	sshrl.u32 s21, $0x3  }
0x36: {  	[hbm:s22], [sflag:s0] =	dma.local [spmem:s2], $0x800  }
0x37: {  	_ =	swait.ge [sflag:s18], $0x800  }
0x38: {  	[sflag:s18] =	ssyncset.done $0x0;
	s15 =	rddreg [dreg:$0x6]  }
0x39: {  	s19 =	rddreg [dreg:$0xc];
	[sflag:s18] =	ssyncadd.s32 $0xFFFFF800;
	s2 =	sshrl.u32 s15, $0x3  }
0x3a: {  	[hbm:s19], [sflag:s0] =	dma.local [spmem:s2], $0x800  }
0x3b: {  	_ =	swait.ge [sflag:s18], $0x800  }
0x3c: {  	[sflag:s18] =	ssyncset.done $0x0;
	s21 =	rddreg [dreg:$0x7]  }
0x3d: {  	s22 =	rddreg [dreg:$0xd];
	[sflag:s18] =	ssyncadd.s32 $0xFFFFF800;
	s2 =	sshrl.u32 s21, $0x3  }
0x3e: {  	[hbm:s22], [sflag:s0] =	dma.local [spmem:s2], $0x800  }
0x3f: {  	_ =	swait.ge [sflag:s18], $0x800  }
0x40: {  	[sflag:s18] =	ssyncset.done $0x0;
	s15 =	rddreg [dreg:$0x8]  }
0x41: {  	s19 =	rddreg [dreg:$0xe];
	[sflag:s18] =	ssyncadd.s32 $0xFFFFF800;
	s2 =	sshrl.u32 s15, $0x3  }
0x42: {  	[hbm:s19], [sflag:s0] =	dma.local [spmem:s2], $0x700  }
0x43: {  	_ =	swait.ge [sflag:s18], $0x700  }
0x44: {  	[sflag:s18] =	ssyncset.done $0x0;
	s15 =	rddreg [dreg:$0x1a]  }
0x45: {  	s14 =	rddreg [dreg:$0x17];
	[sflag:s18] =	ssyncadd.s32 $0xFFFFF900;
	s2 =	sshrl.u32 @!p0 s15, $0x3  }
0x46: {  	[hbm:s14], [sflag:s0] =	dma.local @!p0 [spmem:s2], $0x100  }
0x47: {  	s0 =	simm.s32 @!p0 $0xD  }
0x48: {  	_ =	swait.ge @!p0 [sflag:s0], $0x100  }
0x49: {  	s21 =	rddreg [dreg:$0x3]  }
0x4a: {  	s22 =	rddreg [dreg:$0x19];
	s2 =	sadd.s32 $0x1, s21  }
0x4b: {  	p1 =	sne.s32 s2, s22  }
.Ltmp1:
0x4c: {  	_ = 	snop;
	(pc) =	sbr.rel @!p1 .LBB2_18-.Ltmp1, $3  }
0x4d: {  	_ =	sdelay $0x1  }
0x4e: {  	[sflag:s0] =	ssyncset.done @!p0 $0x0  }
0x4f: {  	[sflag:s0] =	ssyncadd.s32 @!p0 $0xFFFFFF00;
	[dreg:$0x3] =	wrdreg s2  }
.LBB2_1:
0x50: {  	s0 =	simm.s32 $0x0;
	s2 =	simm.s32 $0x200  }
.LBB2_2:
0x51: {  	p1 =	sne.s32 s2, $0xFE00;
	[tilespmem:s0+$0x370] =	vst v0  }
0x52: {  	[tilespmem:s0+$0x300] =	vst v0  }
0x53: {  	[tilespmem:s0+$0x310] =	vst v0  }
.Ltmp2:
0x54: {  	[tilespmem:s0+$0x320] =	vst v0;
	(pc) =	sbr.rel @p1 .LBB2_2-.Ltmp2, $4  }
0x55: {  	[tilespmem:s0+$0x330] =	vst v0  }
0x56: {  	[tilespmem:s0+$0x340] =	vst v0  }
0x57: {  	[tilespmem:s0+$0x350] =	vst v0  }
0x58: {  	[tilespmem:s0+$0x360] =	vst v0;
	s0 =	sshra.s32 s2, $0x2;
	s2 =	sadd.s32 $0x200, s2  }
0x59: {  	[tilespmem:s0+$0x370] =	vst v0  }
0x5a: {  	[tilespmem:s0+$0x300] =	vst v0  }
0x5b: {  	[tilespmem:s0+$0x310] =	vst v0  }
0x5c: {  	[tilespmem:s0+$0x320] =	vst v0  }
0x5d: {  	[tilespmem:s0+$0x330] =	vst v0  }
0x5e: {  	[tilespmem:s0+$0x340] =	vst v0  }
0x5f: {  	[tilespmem:s0+$0x350] =	vst v0  }
0x60: {  	[tilespmem:s0+$0x360] =	vst v0;
	s19 =	rddreg [dreg:$0x4]  }
0x61: {  	[spmem:s19] =	stream.linear.scatter [tilespmem:s17], [sflag:$0xD], $0x4000, $0x38;
	[tilespmem:$0x1FB80] =	vst v63  }
0x62: {  	_ =	swait.ge [sflag:s18], $0x4000  }
0x63: {  	[sflag:s18] =	ssyncset.done $0x0  }
0x64: {  	s21 =	rddreg [dreg:$0x5];
	[sflag:s18] =	ssyncadd.s32 $0xFFFFC000  }
0x65: {  	[spmem:s21] =	stream.linear.scatter [tilespmem:s17], [sflag:$0xD], $0x4000, $0x38;
	[tilespmem:$0x1FB80] =	vst v63  }
0x66: {  	_ =	swait.ge [sflag:s18], $0x4000  }
0x67: {  	[sflag:s18] =	ssyncset.done $0x0  }
0x68: {  	s22 =	rddreg [dreg:$0x6];
	[sflag:s18] =	ssyncadd.s32 $0xFFFFC000  }
0x69: {  	[spmem:s22] =	stream.linear.scatter [tilespmem:s17], [sflag:$0xD], $0x4000, $0x38;
	[tilespmem:$0x1FB80] =	vst v63  }
0x6a: {  	_ =	swait.ge [sflag:s18], $0x4000  }
0x6b: {  	[sflag:s18] =	ssyncset.done $0x0  }
0x6c: {  	s2 =	rddreg [dreg:$0x7];
	[sflag:s18] =	ssyncadd.s32 $0xFFFFC000  }
0x6d: {  	[spmem:s2] =	stream.linear.scatter [tilespmem:s17], [sflag:$0xD], $0x4000, $0x38;
	[tilespmem:$0x1FB80] =	vst v63  }
0x6e: {  	_ =	swait.ge [sflag:s18], $0x4000  }
0x6f: {  	[sflag:s18] =	ssyncset.done $0x0  }
0x70: {  	s14 =	rddreg [dreg:$0x8];
	[sflag:s18] =	ssyncadd.s32 $0xFFFFC000  }
0x71: {  	[spmem:s14] =	stream.linear.scatter [tilespmem:s17], [sflag:$0xD], $0x3800, $0x38;
	[tilespmem:$0x1FB80] =	vst v63  }
0x72: {  	_ =	swait.ge [sflag:s18], $0x3800  }
0x73: {  	[sflag:s18] =	ssyncset.done $0x0  }
0x74: {  	s0 =	simm.s32 @!p0 $0x300;
	[sflag:s18] =	ssyncadd.s32 $0xFFFFC800  }
0x75: {  	[spmem:s15] =	stream.linear.scatter @!p0 [tilespmem:s0], [sflag:$0xD], $0x800, $0x38;
	[tilespmem:$0x1FB80] =	vst v63  }
0x76: {  	s0 =	simm.s32 @!p0 $0xD  }
0x77: {  	_ =	swait.ge @!p0 [sflag:s0], $0x800  }
0x78: {  	[sflag:s0] =	ssyncset.done @!p0 $0x0  }
0x79: {  	[sflag:s0] =	ssyncadd.s32 @!p0 $0xFFFFF800  }
0x7a: {  	[bflag:$0x0] =	sbarrier.arrive $0xFFFF  }
0x7b: {  	s14 =	simm.s32 $0x0;
	s19 =	rddreg [dreg:$0x15]  }
0x7c: {  	[tilespmem:s14], [sflag:$0x1] =	stream.linear.gather [hbm4b:s19+s14], $0x80, $0x38;
	[tilespmem:$0x1FB80] =	vst v63  }
0x7d: {  	s2 =	simm.s32 $0x180;
	s21 =	rddreg [dreg:$0x16]  }
0x7e: {  	[tilespmem:s2], [sflag:$0x2] =	stream.linear.gather [hbm4b:s21+s14], $0x80, $0x38;
	[tilespmem:$0x1FB80] =	vst v63  }
0x7f: {  	s22 =	rddreg [dreg:$0x9]  }
0x80: {  	[tilespmem:s17], [sflag:$0x3] =	stream.linear.gather [hbm4b:s22+s14], $0x4000, $0x38;
	[tilespmem:$0x1FB80] =	vst v63  }
0x81: {  	s2 =	rddreg [dreg:$0xf]  }
0x82: {  	[tilespmem:s20], [sflag:$0x5] =	stream.linear.gather [hbm4b:s2+s14], $0x80, $0x38;
	[tilespmem:$0x1FB80] =	vst v63  }
0x83: {  	s15 =	rddreg [dreg:$0x10];
	s19 =	simm.s32 $0x200  }
0x84: {  	[tilespmem:s19], [sflag:$0x6] =	stream.linear.gather [hbm4b:s15+s14], $0x80, $0x38;
	[tilespmem:$0x1FB80] =	vst v63  }
0x85: {  	s21 =	rddreg [dreg:$0x11];
	s22 =	simm.s32 $0x4300  }
0x86: {  	[tilespmem:s22], [sflag:$0x7] =	stream.linear.gather [hbm4b:s21+s14], $0x4000, $0x38;
	[tilespmem:$0x1FB80] =	vst v63  }
0x87: {  	s15 =	rddreg [dreg:$0x12];
	s19 =	simm.s32 $0x100  }
0x88: {  	[tilespmem:s19], [sflag:$0x9] =	stream.linear.gather [hbm4b:s15+s14], $0x80, $0x38;
	[tilespmem:$0x1FB80] =	vst v63  }
.Ltmp3:
0x89: {  	_ = 	snop;
	(pc) =	sbr.rel .LBB2_4-.Ltmp3, $4  }
0x8a: {  	s21 =	rddreg [dreg:$0x13]  }
0x8b: {  	[tilespmem:s23], [sflag:$0xA] =	stream.linear.gather [hbm4b:s21+s14], $0x80, $0x38;
	[tilespmem:$0x1FB80] =	vst v63  }
0x8c: {  	s22 =	rddreg [dreg:$0x14]  }
0x8d: {  	[tilespmem:s24], [sflag:$0xB] =	stream.linear.gather [hbm4b:s22+s14], $0x4000, $0x38;
	[tilespmem:$0x1FB80] =	vst v63  }
.LBB2_16:
0x8e: {  	s14 =	sadd.s32 $0x1, s14  }
0x8f: {  	p1 =	sne.s32 s14, $0x1B  }
.Ltmp4:
0x90: {  	_ = 	snop;
	(pc) =	sbr.rel @!p1 .LBB2_17-.Ltmp4, $1  }
0x91: {  	_ =	sdelay $0x3  }
.LBB2_4:
0x92: {  	s15 =	smul.u32 $0x60, s14;
	_ =	sdelay $0x1  }
0x93: {  	s0 =	sor.u32 s7, s15  }
0x94: {  	p1 =	sgt.u32 s0, $0x9C3  }
.Ltmp5:
0x95: {  	_ = 	snop;
	(pc) =	sbr.rel @p1 .LBB2_8-.Ltmp5, $1  }
0x96: {  	_ =	sdelay $0x3  }
0x97: {  	_ =	swait.ge [sflag:s25], $0x80  }
0x98: {  	[sflag:s25] =	ssyncset.done $0x0  }
0x99: {  	[sflag:s25] =	ssyncadd.s32 $0xFFFFFF80  }
0x9a: {  	_ =	swait.ge [sflag:s26], $0x80  }
0x9b: {  	[sflag:s26] =	ssyncset.done $0x0  }
0x9c: {  	[sflag:s26] =	ssyncadd.s32 $0xFFFFFF80  }
0x9d: {  	_ =	swait.ge [sflag:s28], $0x4000  }
0x9e: {  	[sflag:s28] =	ssyncset.done $0x0  }
0x9f: {  	s2 =	simm.s32 $0x0;
	[sflag:s28] =	ssyncadd.s32 $0xFFFFC000  }
0xa0: {  	v3 =	vld [tilespmem:s2+$0x300]  }
0xa1: {  	v5 =	vld [tilespmem:s2+$0x310]  }
0xa2: {  	v4 =	vld [tilespmem:s2+$0x320]  }
0xa3: {  	v2 =	vld [tilespmem:s2+$0x330]  }
0xa4: {  	v1 =	vld [tilespmem:s2+$0x340]  }
0xa5: {  	v6 =	vmax.f32 v3, $0.0e+00;
	v3 =	vld [tilespmem:s2+$0x350]  }
0xa6: {  	s19 =	simm.s32 $0x200;
	[tilespmem:s2+$0x300] =	vst v6;
	v6 =	vmax.f32 v5, $0.0e+00;
	v5 =	vld [tilespmem:s2+$0x360]  }
.LBB2_6:
0xa7: {  	s21 =	sshra.s32 s19, $0x2;
	p1 =	sne.s32 s19, $0xFE00;
	[tilespmem:s2+$0x310] =	vst v6;
	v4 =	vmax.f32 v4, $0.0e+00;
	v6 =	vld [tilespmem:s2+$0x370]  }
0xa8: {  	v7 =	vld [tilespmem:s21+$0x300];
	[tilespmem:s2+$0x320] =	vst v4;
	v2 =	vmax.f32 v2, $0.0e+00  }
0xa9: {  	v8 =	vld [tilespmem:s21+$0x310];
	[tilespmem:s2+$0x330] =	vst v2;
	v1 =	vmax.f32 v1, $0.0e+00  }
.Ltmp6:
0xaa: {  	v4 =	vld [tilespmem:s21+$0x320];
	[tilespmem:s2+$0x340] =	vst v1;
	v1 =	vmax.f32 v3, $0.0e+00;
	(pc) =	sbr.rel @p1 .LBB2_6-.Ltmp6, $4  }
0xab: {  	v2 =	vld [tilespmem:s21+$0x330];
	[tilespmem:s2+$0x350] =	vst v1;
	v3 =	vmax.f32 v5, $0.0e+00  }
0xac: {  	v1 =	vld [tilespmem:s21+$0x340];
	[tilespmem:s2+$0x360] =	vst v3;
	v5 =	vmax.f32 v6, $0.0e+00  }
0xad: {  	v6 =	vmax.f32 v7, $0.0e+00;
	v3 =	vld [tilespmem:s21+$0x350];
	[tilespmem:s2+$0x370] =	vst v5;
	s2 =	smov.u32 s21  }
0xae: {  	s19 =	sadd.s32 $0x200, s19;
	[tilespmem:s2+$0x300] =	vst v6;
	v6 =	vmax.f32 v8, $0.0e+00;
	v5 =	vld [tilespmem:s2+$0x360]  }
0xaf: {  	[tilespmem:s2+$0x310] =	vst v6;
	v4 =	vmax.f32 v4, $0.0e+00;
	v63 =	vld [tilespmem:s2+$0x370]  }
0xb0: {  	[tilespmem:s2+$0x320] =	vst v4;
	v2 =	vmax.f32 v2, $0.0e+00  }
0xb1: {  	[tilespmem:s2+$0x330] =	vst v2;
	v1 =	vmax.f32 v1, $0.0e+00  }
0xb2: {  	p2 =	seq.s32 s14, $0x0;
	[tilespmem:s2+$0x340] =	vst v1;
	v1 =	vmax.f32 v3, $0.0e+00  }
0xb3: {  	p1 =	sgt.u32 @!p2 s0, $0x983;
	[tilespmem:s2+$0x350] =	vst v1;
	v1 =	vmax.f32 v5, $0.0e+00  }
0xb4: {  	p1 =	por p1, p2;
	[tilespmem:s2+$0x360] =	vst v1;
	v1 =	vmax.f32 v63, $0.0e+00  }
0xb5: {  	s22 =	simm.s32 $0x180;
	s0 =	sadd.s32 @!p1 $0x40, s0;
	[tilespmem:s2+$0x370] =	vst v1;
	s2 =	simm.s32 @!p2 $0xC  }
0xb6: {  	[spmem:s1] =	stream.indirect.scatter.add.f32 [tilespmem:s17], [sflag:$0x4], $0x80, s22, s20, $0xb8;
	[tilespmem:$0x1FB80] =	vst v63  }
0xb7: {  	s19 =	sshll.u32 @!p1 s0, $0x4;
	_ =	swait.ge @!p2 [sflag:s2], $0x4000  }
0xb8: {  	s19 =	sand.u32 @!p1 $0x1FF80, s19;
	[sflag:s2] =	ssyncset.done @!p2 $0x0  }
0xb9: {  	[sflag:s2] =	ssyncadd.s32 @!p2 $0xFFFFC000;
	s2 =	sor.u32 @!p1 s30, s19  }
0xba: {  	s21 =	simm.s32 @!p1 $0x0;
	s22 =	simm.s32 @!p1 $0x100;
	s19 =	sadd.s32 @!p1 s5, s2  }
0xbb: {  	[tilespmem:s22], [sflag:$0x9] =	stream.linear.gather @!p1 [hbm4b:s19+s21], $0x80, $0x38;
	[tilespmem:$0x1FB80] =	vst v63  }
0xbc: {  	s0 =	sshll.u32 @!p1 s0, $0xB;
	s2 =	sadd.s32 @!p1 s6, s2;
	s19 =	simm.s32 @!p1 $0x280  }
0xbd: {  	[tilespmem:s19], [sflag:$0xA] =	stream.linear.gather @!p1 [hbm4b:s2+s21], $0x80, $0x38;
	[tilespmem:$0x1FB80] =	vst v63  }
0xbe: {  	s0 =	sadd.s32 @!p1 s4, s0;
	s2 =	simm.s32 @!p1 $0x8300  }
0xbf: {  	[tilespmem:s2], [sflag:$0xB] =	stream.linear.gather @!p1 [hbm4b:s0+s21], $0x4000, $0x38;
	[tilespmem:$0x1FB80] =	vst v63  }
.LBB2_8:
0xc0: {  	s0 =	sadd.s32 s12, s15  }
0xc1: {  	p1 =	sgt.u32 s0, $0x9C3  }
.Ltmp7:
0xc2: {  	_ = 	snop;
	(pc) =	sbr.rel @p1 .LBB2_12-.Ltmp7, $1  }
0xc3: {  	_ =	sdelay $0x3  }
0xc4: {  	_ =	swait.ge [sflag:s29], $0x80  }
0xc5: {  	[sflag:s29] =	ssyncset.done $0x0  }
0xc6: {  	[sflag:s29] =	ssyncadd.s32 $0xFFFFFF80  }
0xc7: {  	_ =	swait.ge [sflag:s31], $0x80  }
0xc8: {  	[sflag:s31] =	ssyncset.done $0x0  }
0xc9: {  	[sflag:s31] =	ssyncadd.s32 $0xFFFFFF80  }
0xca: {  	_ =	swait.ge [sflag:s3], $0x4000  }
0xcb: {  	[sflag:s3] =	ssyncset.done $0x0  }
0xcc: {  	s2 =	simm.s32 $0x0;
	[sflag:s3] =	ssyncadd.s32 $0xFFFFC000  }
0xcd: {  	v3 =	vld [tilespmem:s2+$0x4300]  }
0xce: {  	v5 =	vld [tilespmem:s2+$0x4310]  }
0xcf: {  	v4 =	vld [tilespmem:s2+$0x4320]  }
0xd0: {  	v2 =	vld [tilespmem:s2+$0x4330]  }
0xd1: {  	v1 =	vld [tilespmem:s2+$0x4340]  }
0xd2: {  	v6 =	vmax.f32 v3, $0.0e+00;
	v3 =	vld [tilespmem:s2+$0x4350]  }
0xd3: {  	s19 =	simm.s32 $0x200;
	[tilespmem:s2+$0x4300] =	vst v6;
	v6 =	vmax.f32 v5, $0.0e+00;
	v5 =	vld [tilespmem:s2+$0x4360]  }
.LBB2_10:
0xd4: {  	s21 =	sshra.s32 s19, $0x2;
	p1 =	sne.s32 s19, $0xFE00;
	[tilespmem:s2+$0x4310] =	vst v6;
	v4 =	vmax.f32 v4, $0.0e+00;
	v6 =	vld [tilespmem:s2+$0x4370]  }
0xd5: {  	v7 =	vld [tilespmem:s21+$0x4300];
	[tilespmem:s2+$0x4320] =	vst v4;
	v2 =	vmax.f32 v2, $0.0e+00  }
0xd6: {  	v8 =	vld [tilespmem:s21+$0x4310];
	[tilespmem:s2+$0x4330] =	vst v2;
	v1 =	vmax.f32 v1, $0.0e+00  }
.Ltmp8:
0xd7: {  	v4 =	vld [tilespmem:s21+$0x4320];
	[tilespmem:s2+$0x4340] =	vst v1;
	v1 =	vmax.f32 v3, $0.0e+00;
	(pc) =	sbr.rel @p1 .LBB2_10-.Ltmp8, $4  }
0xd8: {  	v2 =	vld [tilespmem:s21+$0x4330];
	[tilespmem:s2+$0x4350] =	vst v1;
	v3 =	vmax.f32 v5, $0.0e+00  }
0xd9: {  	v1 =	vld [tilespmem:s21+$0x4340];
	[tilespmem:s2+$0x4360] =	vst v3;
	v5 =	vmax.f32 v6, $0.0e+00  }
0xda: {  	v6 =	vmax.f32 v7, $0.0e+00;
	v3 =	vld [tilespmem:s21+$0x4350];
	[tilespmem:s2+$0x4370] =	vst v5;
	s2 =	smov.u32 s21  }
0xdb: {  	s19 =	sadd.s32 $0x200, s19;
	[tilespmem:s2+$0x4300] =	vst v6;
	v6 =	vmax.f32 v8, $0.0e+00;
	v5 =	vld [tilespmem:s2+$0x4360]  }
0xdc: {  	[tilespmem:s2+$0x4310] =	vst v6;
	v4 =	vmax.f32 v4, $0.0e+00;
	v63 =	vld [tilespmem:s2+$0x4370]  }
0xdd: {  	[tilespmem:s2+$0x4320] =	vst v4;
	v2 =	vmax.f32 v2, $0.0e+00  }
0xde: {  	[tilespmem:s2+$0x4330] =	vst v2;
	v1 =	vmax.f32 v1, $0.0e+00  }
0xdf: {  	[tilespmem:s2+$0x4340] =	vst v1;
	v1 =	vmax.f32 v3, $0.0e+00  }
0xe0: {  	p1 =	sgt.u32 s0, $0x983;
	[tilespmem:s2+$0x4350] =	vst v1;
	v1 =	vmax.f32 v5, $0.0e+00  }
0xe1: {  	s0 =	sadd.s32 @!p1 $0x40, s0;
	[tilespmem:s2+$0x4360] =	vst v1;
	v1 =	vmax.f32 v63, $0.0e+00  }
0xe2: {  	s22 =	simm.s32 $0x200;
	s19 =	simm.s32 $0x4300;
	[tilespmem:s2+$0x4370] =	vst v1;
	s2 =	sshll.u32 @!p1 s0, $0x4  }
0xe3: {  	[spmem:s1] =	stream.indirect.scatter.add.f32 [tilespmem:s19], [sflag:$0x8], $0x80, s22, s20, $0xb8;
	[tilespmem:$0x1FB80] =	vst v63  }
0xe4: {  	s2 =	sand.u32 @!p1 $0x1FF80, s2;
	_ =	swait.ge [sflag:s16], $0x4000  }
0xe5: {  	s2 =	sor.u32 @!p1 s30, s2;
	[sflag:s16] =	ssyncset.done $0x0  }
0xe6: {  	s21 =	simm.s32 @!p1 $0x0;
	s19 =	sadd.s32 @!p1 s5, s2;
	[sflag:s16] =	ssyncadd.s32 $0xFFFFC000  }
0xe7: {  	[tilespmem:s21], [sflag:$0x1] =	stream.linear.gather @!p1 [hbm4b:s19+s21], $0x80, $0x38;
	[tilespmem:$0x1FB80] =	vst v63  }
0xe8: {  	s0 =	sshll.u32 @!p1 s0, $0xB;
	s2 =	sadd.s32 @!p1 s6, s2;
	s19 =	simm.s32 @!p1 $0x180  }
0xe9: {  	[tilespmem:s19], [sflag:$0x2] =	stream.linear.gather @!p1 [hbm4b:s2+s21], $0x80, $0x38;
	[tilespmem:$0x1FB80] =	vst v63  }
0xea: {  	s0 =	sadd.s32 @!p1 s4, s0;
	s2 =	simm.s32 @!p1 $0x300  }
0xeb: {  	[tilespmem:s2], [sflag:$0x3] =	stream.linear.gather @!p1 [hbm4b:s0+s21], $0x4000, $0x38;
	[tilespmem:$0x1FB80] =	vst v63  }
.LBB2_12:
0xec: {  	s0 =	sadd.s32 s13, s15  }
0xed: {  	p1 =	sgt.u32 s0, $0x9C3  }
.Ltmp9:
0xee: {  	_ = 	snop;
	(pc) =	sbr.rel @p1 .LBB2_16-.Ltmp9, $1  }
0xef: {  	_ =	sdelay $0x3  }
0xf0: {  	_ =	swait.ge [sflag:s8], $0x80  }
0xf1: {  	[sflag:s8] =	ssyncset.done $0x0  }
0xf2: {  	[sflag:s8] =	ssyncadd.s32 $0xFFFFFF80  }
0xf3: {  	_ =	swait.ge [sflag:s9], $0x80  }
0xf4: {  	[sflag:s9] =	ssyncset.done $0x0  }
0xf5: {  	[sflag:s9] =	ssyncadd.s32 $0xFFFFFF80  }
0xf6: {  	_ =	swait.ge [sflag:s10], $0x4000  }
0xf7: {  	[sflag:s10] =	ssyncset.done $0x0  }
0xf8: {  	s2 =	simm.s32 $0x0;
	[sflag:s10] =	ssyncadd.s32 $0xFFFFC000  }
0xf9: {  	v3 =	vld [tilespmem:s2+$0x8300]  }
0xfa: {  	v5 =	vld [tilespmem:s2+$0x8310]  }
0xfb: {  	v4 =	vld [tilespmem:s2+$0x8320]  }
0xfc: {  	v2 =	vld [tilespmem:s2+$0x8330]  }
0xfd: {  	v1 =	vld [tilespmem:s2+$0x8340]  }
0xfe: {  	v6 =	vmax.f32 v3, $0.0e+00;
	v3 =	vld [tilespmem:s2+$0x8350]  }
0xff: {  	s15 =	simm.s32 $0x200;
	[tilespmem:s2+$0x8300] =	vst v6;
	v6 =	vmax.f32 v5, $0.0e+00;
	v5 =	vld [tilespmem:s2+$0x8360]  }
.LBB2_14:
0x100: {  	s19 =	sshra.s32 s15, $0x2;
	p1 =	sne.s32 s15, $0xFE00;
	[tilespmem:s2+$0x8310] =	vst v6;
	v4 =	vmax.f32 v4, $0.0e+00;
	v6 =	vld [tilespmem:s2+$0x8370]  }
0x101: {  	v7 =	vld [tilespmem:s19+$0x8300];
	[tilespmem:s2+$0x8320] =	vst v4;
	v2 =	vmax.f32 v2, $0.0e+00  }
0x102: {  	v8 =	vld [tilespmem:s19+$0x8310];
	[tilespmem:s2+$0x8330] =	vst v2;
	v1 =	vmax.f32 v1, $0.0e+00  }
.Ltmp10:
0x103: {  	v4 =	vld [tilespmem:s19+$0x8320];
	[tilespmem:s2+$0x8340] =	vst v1;
	v1 =	vmax.f32 v3, $0.0e+00;
	(pc) =	sbr.rel @p1 .LBB2_14-.Ltmp10, $4  }
0x104: {  	v2 =	vld [tilespmem:s19+$0x8330];
	[tilespmem:s2+$0x8350] =	vst v1;
	v3 =	vmax.f32 v5, $0.0e+00  }
0x105: {  	v1 =	vld [tilespmem:s19+$0x8340];
	[tilespmem:s2+$0x8360] =	vst v3;
	v5 =	vmax.f32 v6, $0.0e+00  }
0x106: {  	v6 =	vmax.f32 v7, $0.0e+00;
	v3 =	vld [tilespmem:s19+$0x8350];
	[tilespmem:s2+$0x8370] =	vst v5;
	s2 =	smov.u32 s19  }
0x107: {  	s15 =	sadd.s32 $0x200, s15;
	[tilespmem:s2+$0x8300] =	vst v6;
	v6 =	vmax.f32 v8, $0.0e+00;
	v5 =	vld [tilespmem:s2+$0x8360]  }
0x108: {  	[tilespmem:s2+$0x8310] =	vst v6;
	v4 =	vmax.f32 v4, $0.0e+00;
	v63 =	vld [tilespmem:s2+$0x8370]  }
0x109: {  	[tilespmem:s2+$0x8320] =	vst v4;
	v2 =	vmax.f32 v2, $0.0e+00  }
0x10a: {  	[tilespmem:s2+$0x8330] =	vst v2;
	v1 =	vmax.f32 v1, $0.0e+00  }
0x10b: {  	[tilespmem:s2+$0x8340] =	vst v1;
	v1 =	vmax.f32 v3, $0.0e+00  }
0x10c: {  	p1 =	sgt.u32 s0, $0x983;
	[tilespmem:s2+$0x8350] =	vst v1;
	v1 =	vmax.f32 v5, $0.0e+00  }
0x10d: {  	s0 =	sadd.s32 @!p1 $0x40, s0;
	[tilespmem:s2+$0x8360] =	vst v1;
	v1 =	vmax.f32 v63, $0.0e+00  }
0x10e: {  	[tilespmem:s2+$0x8370] =	vst v1;
	s2 =	sshll.u32 @!p1 s0, $0x4  }
0x10f: {  	[spmem:s1] =	stream.indirect.scatter.add.f32 [tilespmem:s24], [sflag:$0xC], $0x80, s23, s20, $0xb8;
	[tilespmem:$0x1FB80] =	vst v63  }
0x110: {  	s2 =	sand.u32 @!p1 $0x1FF80, s2;
	_ =	swait.ge [sflag:s11], $0x4000  }
0x111: {  	s19 =	simm.s32 @!p1 $0x0;
	s2 =	sor.u32 @!p1 s30, s2;
	[sflag:s11] =	ssyncset.done $0x0  }
0x112: {  	s21 =	simm.s32 @!p1 $0x80;
	s15 =	sadd.s32 @!p1 s5, s2;
	[sflag:s11] =	ssyncadd.s32 $0xFFFFC000  }
0x113: {  	[tilespmem:s21], [sflag:$0x5] =	stream.linear.gather @!p1 [hbm4b:s15+s19], $0x80, $0x38;
	[tilespmem:$0x1FB80] =	vst v63  }
.Ltmp11:
0x114: {  	_ = 	snop;
	(pc) =	sbr.rel .LBB2_16-.Ltmp11, $4  }
0x115: {  	s0 =	sshll.u32 @!p1 s0, $0xB;
	s2 =	sadd.s32 @!p1 s6, s2;
	s15 =	simm.s32 @!p1 $0x200  }
0x116: {  	[tilespmem:s15], [sflag:$0x6] =	stream.linear.gather @!p1 [hbm4b:s2+s19], $0x80, $0x38;
	[tilespmem:$0x1FB80] =	vst v63  }
0x117: {  	s0 =	sadd.s32 @!p1 s4, s0;
	s2 =	simm.s32 @!p1 $0x4300  }
0x118: {  	[tilespmem:s2], [sflag:$0x7] =	stream.linear.gather @!p1 [hbm4b:s0+s19], $0x4000, $0x38;
	[tilespmem:$0x1FB80] =	vst v63  }
.LBB2_18:
0x119: {  	_ =	sfence.sel $0x180000  }
0x11a: {  	[bflag:$0x0] =	sbarrier.arrive $0xFFFF  }
0x11b: {  	_ =	strace $0x90000047  }
0x11c: {  	s0 =	stileid.u32;
	[bflag:$0x2] =	sbarrier.arrive $0xFFFF  }
0x11d: {  	p0 =	sne.s32 s0, $0x0;
	s0 =	rddreg [dreg:$0x2]  }
0x11e: {  	s0 =	sadd.s32 @!p0 $0x100000, s0  }
0x11f: {  	[sflag:s0] =	ssyncadd.tile.s32 @!p0 $0x1;
	_ =	shalt  }
.Lfunc_end2:
_tile_overlayer_lowered:
.L_overlay_start_2:
0x120: {  	(tag) =	ssettag $0x2  }
0x121: {  	s0 =	rddreg [dreg:$0x0];
	s2 =	stileid.u32  }
0x122: {  	s1 =	rddreg [dreg:$0x1];
	p0 =	sne.s32 s2, $0x0  }
0x123: {  	s3 =	rddreg [dreg:$0x2];
	[bflag:$0x3] =	sbarrier.arrive $0xFFFF;
	s2 =	simm.s32 @!p0 $0x1C0D  }
0x124: {  	[timem:s3], [sflag:s2] =	dma.local @!p0 [hbm:s0], s1  }
0x125: {  	s0 =	simm.s32 @!p0 $0xD  }
0x126: {  	_ =	swait.ge @!p0 [sflag:s0], s1  }
0x127: {  	s1 =	ssub.s32 @!p0 $0x0, s1;
	[sflag:s0] =	ssyncset.done @!p0 $0x0  }
0x128: {  	[sflag:s0] =	ssyncadd.s32 @!p0 s1  }
0x129: {  	[bflag:$0x3] =	sbarrier.arrive $0xFFFF  }
0x12a: {  	_ =	shalt  }

// kernel: kernel.14.cloned.1.call-start
scs
__scs_entry_jumppad:
0x0: {  	(pc) =	sbr.rel $0x88, $3  }
0x1: {  	(tag) =	ssettag $0x0;
	lr =	simm.s32 $0x1  }
0x2: {  	[smem:$0x3F8F] =	sst lr;
	_ =	strace $0xD0000000  }
0x3: {  	_ = 	snop  }
0x4: {  	_ = 	snop  }
0x5: {  	_ = 	snop  }
0x6: {  	_ = 	snop  }
0x7: {  	_ = 	snop  }
__scs_overlays_trampoline_lowered:
0x8: {  	[smem:$0x3F9E] =	sst s0  }
0x9: {  	[smem:$0x3F9F] =	sst s1  }
0xa: {  	[smem:$0x3FA0] =	sst s2  }
0xb: {  	[smem:$0x3FA1] =	sst s3  }
0xc: {  	[smem:$0x3FA2] =	sst s4  }
0xd: {  	[smem:$0x3FA3] =	sst s5  }
0xe: {  	[smem:$0x3FA4] =	sst s6  }
0xf: {  	[smem:$0x3FA5] =	sst s7  }
0x10: {  	[smem:$0x3FA6] =	sst s8  }
0x11: {  	[smem:$0x3FA7] =	sst s9;
	s0 =	simm.s32 @!p0 $0x0  }
0x12: {  	s1 =	sld [smem:$0x3F8D];
	s0 =	simm.s32 @p0 $0x1  }
0x13: {  	[smem:$0x3FA8] =	sst s0;
	s0 =	simm.s32 @!p1 $0x0  }
0x14: {  	s2 =	sld [smem:$0x3F8C];
	s0 =	simm.s32 @p1 $0x1  }
0x15: {  	[smem:$0x3FA9] =	sst s0;
	s0 =	simm.s32 @!p2 $0x0  }
0x16: {  	s3 =	sld [smem:$0x3FDB];
	s0 =	simm.s32 @p2 $0x1  }
0x17: {  	s4 =	simm.s32 $0x1BF5;
	[smem:$0x3FAB] =	sst s0  }
0x18: {  	s0 =	sld [smem:$0x3F8E];
	_ =	swait.ge [sflag:s4], $0x0  }
0x19: {  	s7 =	sld [smem:$0x3F8F]  }
0x1a: {  	s8 =	sadd.s32 $0xFFFFE003, lr  }
0x1b: {  	s9 =	sadd.s32 $0xFFFFFEF7, lr;
	s5 =	simm.s32 $0xFFFFFFFF;
	p2 =	slt.u32 s8, $0xFFFFF086  }
0x1c: {  	p1 =	slt.u32 s9, $0xF7A;
	s5 =	simm.s32 @!p2 $0x0  }
0x1d: {  	s5 =	simm.s32 @p1 $0x1;
	p0 =	seq.s32 s7, s2  }
0x1e: {  	s7 =	smul.u32 @!p0 $0xF7A, s2;
	p2 =	seq.s32 @!p0 s5, $0x0  }
0x1f: {  	s9 =	smul.u32 $0xF7A, s1;
	s8 =	simm.s32 @!p0 $0x1BF5;
	p2 =	por !p2, p0  }
0x20: {  	[sflag:s8] =	ssyncset.s32 @!p0 $0xFFFFF086;
	s6 =	sadd.s32 @!p0 s3, s7;
	s7 =	simm.s32 @!p0 $0x108  }
0x21: {  	s3 =	sadd.s32 s3, s9;
	s6 =	sadd.s32 @!p0 $0x88, s6;
	s7 =	simm.s32 @p2 $0x1082  }
0x22: {  	[simem:s7], [sflag:s8] =	dma.local @!p0 [hbm:s6], $0xF7A  }
0x23: {  	s9 =	sor.u32 $0xD0000000, s2;
	s6 =	simm.s32 $0x108;
	_ =	swait.ge @!p0 [sflag:s8], $0x0  }
0x24: {  	s3 =	sadd.s32 $0x88, s3;
	s6 =	simm.s32 @!p1 $0x1082;
	[sflag:s4] =	ssyncset.s32 $0xFFFFF086  }
0x25: {  	[simem:s6], [sflag:s4] =	dma.local [hbm:s3], $0xF7A  }
0x26: {  	[smem:$0x3F8F] =	sst s1;
	(tag) =	ssettag s2;
	_ =	strace s9  }
0x27: {  	s1 =	sld [smem:$0x3F9F]  }
0x28: {  	s2 =	sld [smem:$0x3FA0]  }
0x29: {  	s4 =	sld [smem:$0x3FA2]  }
0x2a: {  	p0 =	seq.s32 s5, $0x0;
	s5 =	sld [smem:$0x3FA3]  }
0x2b: {  	s6 =	sld [smem:$0x3FA4]  }
0x2c: {  	s7 =	sld [smem:$0x3FA5]  }
0x2d: {  	s3 =	simm.s32 $0x108;
	s8 =	sld [smem:$0x3FA6]  }
0x2e: {  	s3 =	simm.s32 @!p0 $0x1082;
	s9 =	sld [smem:$0x3FA7]  }
0x2f: {  	lr =	sadd.s32 s0, s3;
	s0 =	sld [smem:$0x3F9E]  }
0x30: {  	s3 =	sld [smem:$0x3FA1]  }
0x31: {  	[smem:$0x3FAA] =	sst s10  }
0x32: {  	s10 =	sld [smem:$0x3FA8];
	_ =	sdelay $0x3  }
0x33: {  	p0 =	seq.s32 s10, $0x1;
	s10 =	sld [smem:$0x3FAA];
	_ =	sdelay $0x3  }
0x34: {  	[smem:$0x3FAA] =	sst s10  }
0x35: {  	s10 =	sld [smem:$0x3FA9];
	_ =	sdelay $0x3  }
0x36: {  	p1 =	seq.s32 s10, $0x1;
	s10 =	sld [smem:$0x3FAA];
	_ =	sdelay $0x3  }
0x37: {  	[smem:$0x3FAA] =	sst s10  }
0x38: {  	s10 =	sld [smem:$0x3FAB]  }
0x39: {  	_ = 	snop;
	(pc) =	sbr.ind lr, $3  }
0x3a: {  	_ = 	snop  }
0x3b: {  	_ = 	snop  }
0x3c: {  	p2 =	seq.s32 s10, $0x1;
	s10 =	sld [smem:$0x3FAA]  }
0x3d: {  	_ =	shalt  }
0x3e: {  	_ =	shalt  }
0x3f: {  	_ =	shalt  }
0x40: {  	_ =	shalt  }
0x41: {  	_ =	shalt  }
0x42: {  	_ =	shalt  }
0x43: {  	_ =	shalt  }
0x44: {  	_ =	shalt  }
0x45: {  	_ =	shalt  }
0x46: {  	_ =	shalt  }
0x47: {  	_ =	shalt  }
0x48: {  	_ =	shalt  }
0x49: {  	_ =	shalt  }
0x4a: {  	_ =	shalt  }
0x4b: {  	_ =	shalt  }
0x4c: {  	_ =	shalt  }
0x4d: {  	_ =	shalt  }
0x4e: {  	_ =	shalt  }
0x4f: {  	_ =	shalt  }
0x50: {  	_ =	shalt  }
0x51: {  	_ =	shalt  }
0x52: {  	_ =	shalt  }
0x53: {  	_ =	shalt  }
0x54: {  	_ =	shalt  }
0x55: {  	_ =	shalt  }
0x56: {  	_ =	shalt  }
0x57: {  	_ =	shalt  }
0x58: {  	_ =	shalt  }
0x59: {  	_ =	shalt  }
0x5a: {  	_ =	shalt  }
0x5b: {  	_ =	shalt  }
0x5c: {  	_ =	shalt  }
0x5d: {  	_ =	shalt  }
0x5e: {  	_ =	shalt  }
0x5f: {  	_ =	shalt  }
0x60: {  	_ =	shalt  }
0x61: {  	_ =	shalt  }
0x62: {  	_ =	shalt  }
0x63: {  	_ =	shalt  }
0x64: {  	_ =	shalt  }
0x65: {  	_ =	shalt  }
0x66: {  	_ =	shalt  }
0x67: {  	_ =	shalt  }
0x68: {  	_ =	shalt  }
0x69: {  	_ =	shalt  }
0x6a: {  	_ =	shalt  }
0x6b: {  	_ =	shalt  }
0x6c: {  	_ =	shalt  }
0x6d: {  	_ =	shalt  }
0x6e: {  	_ =	shalt  }
0x6f: {  	_ =	shalt  }
0x70: {  	_ =	shalt  }
0x71: {  	_ =	shalt  }
0x72: {  	_ =	shalt  }
0x73: {  	_ =	shalt  }
0x74: {  	_ =	shalt  }
0x75: {  	_ =	shalt  }
0x76: {  	_ =	shalt  }
0x77: {  	_ =	shalt  }
0x78: {  	_ =	shalt  }
0x79: {  	_ =	shalt  }
0x7a: {  	_ =	shalt  }
0x7b: {  	_ =	shalt  }
0x7c: {  	_ =	shalt  }
0x7d: {  	_ =	shalt  }
0x7e: {  	_ =	shalt  }
0x7f: {  	_ =	shalt  }
0x80: {  	_ =	shalt  }
0x81: {  	_ =	shalt  }
0x82: {  	_ =	shalt  }
0x83: {  	_ =	shalt  }
0x84: {  	_ =	shalt  }
0x85: {  	_ =	shalt  }
0x86: {  	_ =	shalt  }
0x87: {  	_ =	shalt  }
.Lfunc_end0:
.L_simem_size_0:
called_computation.1_lowered:
.L_overlay_start_0:
0x88: {  	s2 =	sld [smem:$0x3FD9]  }
0x89: {  	s3 =	sld [smem:$0x3FFE];
	_ =	sdelay $0x1  }
0x8a: {  	s1 =	srdreg.scid  }
0x8b: {  	s0 =	sand.u32 $0x1, s1  }
0x8c: {  	s17 =	sshll.u32 s0, $0xA;
	s2 =	sadd.s32 s3, s2  }
0x8d: {  	s2 =	sadd.s32 s2, s17  }
0x8e: {  	[smem:$0x3FB6] =	sst s2  }
0x8f: {  	_ = 	snop  }
0x90: {  	s2 =	sld [smem:$0x3FD0];
	(tm) =	ssettm $0x1  }
0x91: {  	s18 =	sld [smem:$0x3FFB];
	_ =	sdelay $0x3  }
0x92: {  	_ =	strace s18  }
0x93: {  	s3 =	sld [smem:$0x3FFC];
	_ =	sdelay $0x3  }
0x94: {  	_ =	strace s3  }
0x95: {  	s3 =	sld [smem:$0x3FFD];
	_ =	sdelay $0x3  }
0x96: {  	_ =	strace s3  }
0x97: {  	_ =	strace $0x8FFFFFFF  }
0x98: {  	s19 =	sld [smem:$0x3FDB];
	_ =	sdelay $0x1  }
0x99: {  	s4 =	simm.s32 $_scs_section_size  }
0x9a: {  	s5 =	simm.s32 $_size__tile_overlayer_lowered;
	s6 =	simm.s32 $_tile_overlayer_lowered  }
0x9b: {  	s22 =	simm.s32 $0x1BFF;
	s21 =	sshll.u32 s6, $0x1;
	s3 =	sadd.s32 s4, s19  }
0x9c: {  	s7 =	simm.s32 $0x0;
	s20 =	sshll.u32 s5, $0x1;
	s5 =	sadd.s32 s21, s3  }
0x9d: {  	[timem:s7], [sflag:s22] =	dma.local [hbm:s5], s20  }
0x9e: {  	_ =	swait.ge [sflag:s22], s20  }
0x9f: {  	s4 =	ssub.s32 $0x0, s20;
	[sflag:s22] =	ssyncset.done $0x0  }
0xa0: {  	[sflag:s22] =	ssyncadd.s32 s4;
	_ =	sdelay $0x1  }
0xa1: {  	s23 =	simm.s32 $0x1B8B  }
0xa2: {  	_ =	swait.ge [sflag:s23], $0x1  }
0xa3: {  	[sflag:s23] =	ssyncset.done $0x0  }
0xa4: {  	s25 =	simm.s32 $0x1B8E;
	s24 =	sld [smem:$0x3FFE];
	[sflag:s23] =	ssyncadd.s32 $0xFFFFFFFF  }
0xa5: {  	s26 =	simm.s32 $execute0_lowered;
	[smem:$0x3FD2] =	sst s25  }
0xa6: {  	s5 =	sshll.u32 s26, $0x1;
	_ =	strace $0x80000049;
	[dreg:$0x1] =	wrdreg $0xFFFFFFFF  }
0xa7: {  	s28 =	simm.s32 $_size_execute0_lowered;
	s3 =	sadd.s32 s3, s5;
	[dreg:$0x0] =	wrdreg $0x0  }
0xa8: {  	s5 =	sshll.u32 s28, $0x1;
	[dreg:$0x2] =	wrdreg s3  }
0xa9: {  	[dreg:$0x3] =	wrdreg s5  }
0xaa: {  	[dreg:$0x4] =	wrdreg $0xC0  }
0xab: {  	_ =	task [dreg:s7], $0x5FFFF  }
0xac: {  	[dreg:$0x1] =	wrdreg $0xFFFFFFFF  }
0xad: {  	[dreg:$0x0] =	wrdreg $0x60  }
0xae: {  	[dreg:$0x2] =	wrdreg s24  }
0xaf: {  	[dreg:$0x3] =	wrdreg s2  }
0xb0: {  	[dreg:$0x4] =	wrdreg $0xC3000  }
0xb1: {  	[dreg:$0x5] =	wrdreg $0x9  }
0xb2: {  	_ =	task.clear_ibuf [dreg:s7], $0x6FFFF;
	_ =	strace $0x90000049  }
0xb3: {  	s29 =	simm.s32 $0x9;
	_ =	strace $0x8000004B  }
0xb4: {  	_ =	swait.ge [sflag:s29], $0x1  }
0xb5: {  	[sflag:s29] =	ssyncadd.s32 $0xFFFFFFFF  }
0xb6: {  	_ =	strace $0x9000004B  }
0xb7: {  	_ =	sfence  }
0xb8: {  	s30 =	sld [smem:$0x0];
	_ =	sdelay $0x2  }
0xb9: {  	s31 =	sshll.u32 s1, $0xD;
	s1 =	sshrl.u32 s1, $0x2  }
0xba: {  	s3 =	sand.u32 $0x4000, s31;
	s1 =	sadd.s32 s1, s30  }
0xbb: {  	s0 =	sor.u32 s3, s0;
	s1 =	sshll.u32 s1, $0x11  }
0xbc: {  	s0 =	sor.u32 s1, s0  }
0xbd: {  	s0 =	sadd.s32 $0x8F2B, s0  }
0xbe: {  	[sflag:s0] =	ssyncadd.remote.s32 $0x1  }
0xbf: {  	_ =	sfence.sel $0xFFFF  }
0xc0: {  	[dreg:$0x0] =	wrdreg $0xFFFFFFFF;
	(pc) =	sbr.abs _section_cstart, $3  }
0xc1: {  	[dreg:$0x1] =	wrdreg $0xFFFFFFFF  }
0xc2: {  	_ =	task.clear_ibuf [dreg:s7], $0x2FFFF;
	_ =	strace $0x9FFFFFFF  }
0xc3: {  	(tm) =	ssettm $0x7FFFFFFF  }
tec
execute0_lowered:
.L_overlay_start_1:
0x0: {  	(tag) =	ssettag $0x1  }
0x1: {  	s0 =	rddreg [dreg:$0x0]  }
0x2: {  	s1 =	rddreg [dreg:$0x1]  }
0x3: {  	s2 =	rddreg [dreg:$0x2]  }
0x4: {  	s3 =	simm.s32 $0x0;
	s4 =	srdreg.scid;
	s20 =	stileid.u32  }
0x5: {  	s28 =	simm.s32 $0xE;
	s29 =	simm.s32 $0xA;
	[smem:$0x7FF] =	sst s3  }
0x6: {  	s5 =	sadd.s32 $0x54B200, s0;
	s6 =	sadd.s32 $0x10C00, s0;
	s4 =	sand.u32 $0x1, s4  }
0x7: {  	s7 =	sadd.s32 $0x6E00, s0;
	s9 =	smul.u32 $0x4E000, s20;
	s11 =	sshll.u32 s20, $0x1  }
0x8: {  	s13 =	smul.u32 $0x13800, s20;
	s0 =	sadd.s32 $0x1AA00, s0;
	s8 =	ssub.s32 $0x2, s4  }
0x9: {  	p0 =	slt.u32 s20, $0x2;
	_ =	strace $0x8000004A;
	s10 =	sshrl.u32 s8, $0x1  }
0xa: {  	s9 =	sshrl.u32 s9, $0x2;
	s22 =	sadd.s32 $0x4000, s13;
	s15 =	sadd.s32 $0x8000, s13  }
0xb: {  	s25 =	sadd.s32 $0xC000, s13;
	s10 =	ssub.s32 s8, s10;
	s23 =	sadd.s32 s22, s2  }
0xc: {  	s8 =	sor.u32 s4, s11;
	s24 =	sadd.s32 s15, s2;
	[dreg:$0x5] =	wrdreg s23  }
0xd: {  	s30 =	sadd.s32 s9, s2;
	s16 =	sadd.s32 s25, s2;
	[dreg:$0x6] =	wrdreg s24  }
0xe: {  	s4 =	smul.u32 $0x138800, s4;
	s14 =	sshll.u32 s8, $0x7;
	[dreg:$0x7] =	wrdreg s16  }
0xf: {  	s12 =	sor.u32 $0x20, s8;
	s24 =	sshll.u32 s8, $0xB;
	[dreg:$0x4] =	wrdreg s30  }
0x10: {  	s26 =	sand.u32 $0x380, s14;
	s18 =	sshll.u32 s12, $0x7;
	s14 =	sor.u32 $0x40, s8  }
0x11: {  	s11 =	sadd.s32 s4, s22;
	s9 =	sadd.s32 s4, s25;
	s17 =	sand.u32 $0x1C00, s18  }
0x12: {  	s18 =	sadd.s32 $0x10000, s13;
	s19 =	sshll.u32 s14, $0x7;
	s13 =	sadd.s32 s13, s4  }
0x13: {  	s11 =	sshrl.u32 s11, $0x3;
	s9 =	sshrl.u32 s9, $0x3;
	s17 =	sor.u32 s26, s17  }
0x14: {  	s19 =	sand.u32 $0x2C00, s19;
	s13 =	sshrl.u32 s13, $0x3;
	s11 =	sadd.s32 s0, s11  }
0x15: {  	s21 =	sadd.s32 s4, s18;
	s9 =	sadd.s32 s0, s9;
	s16 =	sor.u32 s26, s19  }
0x16: {  	s13 =	sadd.s32 s0, s13;
	[dreg:$0x9] =	wrdreg s11;
	s19 =	sadd.s32 s4, s15  }
0x17: {  	s22 =	sshrl.u32 s21, $0x3;
	[dreg:$0xb] =	wrdreg s9;
	s4 =	sshrl.u32 s4, $0x3  }
0x18: {  	s25 =	sshrl.u32 s17, $0x3;
	s26 =	sadd.s32 s18, s2;
	s17 =	sshll.u32 s12, $0xB  }
0x19: {  	[dreg:$0x8] =	wrdreg s13;
	s11 =	sshrl.u32 s19, $0x3;
	s23 =	sadd.s32 s0, s22  }
0x1a: {  	[dreg:$0xd] =	wrdreg s26;
	s13 =	sadd.s32 s6, s25;
	s15 =	sadd.s32 s7, s25  }
0x1b: {  	s16 =	sshrl.u32 s16, $0x3;
	s9 =	sadd.s32 s5, s17;
	[dreg:$0xc] =	wrdreg s23  }
0x1c: {  	s19 =	sshll.u32 s14, $0xB;
	s22 =	sshll.u32 s8, $0x4;
	[dreg:$0xf] =	wrdreg s13  }
0x1d: {  	s25 =	smax.u32 s10, $0x1;
	s26 =	sadd.s32 $0x138000, s2;
	[dreg:$0x10] =	wrdreg s15  }
0x1e: {  	s17 =	simm.s32 $0x5;
	s11 =	sadd.s32 s0, s11;
	[dreg:$0x11] =	wrdreg s9  }
0x1f: {  	s0 =	sadd.s32 s0, s4;
	s4 =	sadd.s32 s5, s24;
	[dreg:$0x18] =	wrdreg s25  }
0x20: {  	s18 =	sadd.s32 s6, s16;
	s21 =	sadd.s32 s5, s19;
	[dreg:$0x19] =	wrdreg s26  }
0x21: {  	s23 =	sadd.s32 s6, s22;
	s24 =	sadd.s32 s7, s22;
	[dreg:$0xa] =	wrdreg s11  }
0x22: {  	s31 =	sand.u32 $0x70, s22;
	s19 =	simm.s32 $0x10;
	[dreg:$0xe] =	wrdreg s4  }
0x23: {  	s22 =	simm.s32 $0x80;
	s25 =	simm.s32 $0x280;
	[dreg:$0x12] =	wrdreg s18  }
0x24: {  	s26 =	simm.s32 $0x8300;
	s15 =	simm.s32 $0x9;
	[dreg:$0x14] =	wrdreg s21  }
.Ltmp0:
0x25: {  	s4 =	sadd.s32 s7, s16;
	[dreg:$0x15] =	wrdreg s23;
	(pc) =	sbr.rel .LBB2_1-.Ltmp0, $4  }
0x26: {  	[dreg:$0x16] =	wrdreg s24;
	s0 =	sadd.s32 $0x27000, s0;
	s18 =	simm.s32 $0x300  }
0x27: {  	s21 =	simm.s32 $0x180;
	s23 =	simm.s32 $0x200;
	[dreg:$0x13] =	wrdreg s4  }
0x28: {  	s24 =	simm.s32 $0x4300;
	[dreg:$0x17] =	wrdreg s0;
	s4 =	simm.s32 $0x5  }
0x29: {  	v0 =	vimm.f32 $0.0e+00;
	s0 =	simm.s32 $0x4;
	s4 =	simm.s32 @!p0 $0xF;
	p0 =	sne.s32 s20, $0xF  }
.LBB2_17:
0x2a: {  	_ =	swait.ge [sflag:s4], $0x4000  }
0x2b: {  	[sflag:s4] =	ssyncset.done $0x0  }
0x2c: {  	[sflag:s4] =	ssyncadd.s32 $0xFFFFC000  }
0x2d: {  	s9 =	stileid.u32;
	[bflag:$0x0] =	sbarrier.arrive $0xFFFF  }
0x2e: {  	s9 =	sshll.u32 s9, $0x6;
	s30 =	rddreg [dreg:$0x4]  }
0x2f: {  	s9 =	sor.u32 $0x1C10, s9;
	s11 =	rddreg [dreg:$0x8];
	s10 =	sshrl.u32 s30, $0x3  }
0x30: {  	[hbm:s11], [sflag:s9] =	dma.local [spmem:s10], $0x800  }
0x31: {  	_ =	swait.ge [sflag:s19], $0x800  }
0x32: {  	[sflag:s19] =	ssyncset.done $0x0;
	s16 =	rddreg [dreg:$0x5]  }
0x33: {  	s20 =	rddreg [dreg:$0x9];
	[sflag:s19] =	ssyncadd.s32 $0xFFFFF800;
	s10 =	sshrl.u32 s16, $0x3  }
0x34: {  	[hbm:s20], [sflag:s9] =	dma.local [spmem:s10], $0x800  }
0x35: {  	_ =	swait.ge [sflag:s19], $0x800  }
0x36: {  	[sflag:s19] =	ssyncset.done $0x0;
	s11 =	rddreg [dreg:$0x6]  }
0x37: {  	s13 =	rddreg [dreg:$0xa];
	[sflag:s19] =	ssyncadd.s32 $0xFFFFF800;
	s10 =	sshrl.u32 s11, $0x3  }
0x38: {  	[hbm:s13], [sflag:s9] =	dma.local [spmem:s10], $0x800  }
0x39: {  	_ =	swait.ge [sflag:s19], $0x800  }
0x3a: {  	[sflag:s19] =	ssyncset.done $0x0;
	s16 =	rddreg [dreg:$0x7]  }
0x3b: {  	s20 =	rddreg [dreg:$0xb];
	[sflag:s19] =	ssyncadd.s32 $0xFFFFF800;
	s10 =	sshrl.u32 s16, $0x3  }
0x3c: {  	[hbm:s20], [sflag:s9] =	dma.local [spmem:s10], $0x800  }
0x3d: {  	_ =	swait.ge [sflag:s19], $0x800  }
0x3e: {  	[sflag:s19] =	ssyncset.done $0x0;
	s13 =	rddreg [dreg:$0xd]  }
0x3f: {  	s16 =	rddreg [dreg:$0xc];
	[sflag:s19] =	ssyncadd.s32 $0xFFFFF800;
	s10 =	sshrl.u32 s13, $0x3  }
0x40: {  	[hbm:s16], [sflag:s9] =	dma.local [spmem:s10], $0x700  }
0x41: {  	_ =	swait.ge [sflag:s19], $0x700  }
0x42: {  	[sflag:s19] =	ssyncset.done $0x0;
	s10 =	rddreg [dreg:$0x19]  }
0x43: {  	s11 =	rddreg [dreg:$0x17];
	[sflag:s19] =	ssyncadd.s32 $0xFFFFF900;
	s10 =	sshrl.u32 @!p0 s10, $0x3  }
0x44: {  	[hbm:s11], [sflag:s9] =	dma.local @!p0 [spmem:s10], $0x100  }
0x45: {  	s9 =	simm.s32 @!p0 $0x10  }
0x46: {  	_ =	swait.ge @!p0 [sflag:s9], $0x100  }
0x47: {  	s3 =	sadd.s32 $0x1, s3;
	s20 =	rddreg [dreg:$0x18]  }
0x48: {  	p1 =	sne.s32 s3, s20  }
.Ltmp1:
0x49: {  	_ = 	snop;
	(pc) =	sbr.rel @!p1 .LBB2_18-.Ltmp1, $3  }
0x4a: {  	_ =	sdelay $0x1  }
0x4b: {  	[sflag:s9] =	ssyncset.done @!p0 $0x0  }
0x4c: {  	[sflag:s9] =	ssyncadd.s32 @!p0 $0xFFFFFF00  }
.LBB2_1:
0x4d: {  	s9 =	simm.s32 $0x0;
	s10 =	simm.s32 $0x200  }
.LBB2_2:
0x4e: {  	p1 =	sne.s32 s10, $0xFE00;
	[tilespmem:s9+$0x370] =	vst v0  }
0x4f: {  	[tilespmem:s9+$0x300] =	vst v0  }
0x50: {  	[tilespmem:s9+$0x310] =	vst v0  }
.Ltmp2:
0x51: {  	[tilespmem:s9+$0x320] =	vst v0;
	(pc) =	sbr.rel @p1 .LBB2_2-.Ltmp2, $4  }
0x52: {  	[tilespmem:s9+$0x330] =	vst v0  }
0x53: {  	[tilespmem:s9+$0x340] =	vst v0  }
0x54: {  	[tilespmem:s9+$0x350] =	vst v0  }
0x55: {  	[tilespmem:s9+$0x360] =	vst v0;
	s9 =	sshra.s32 s10, $0x2;
	s10 =	sadd.s32 $0x200, s10  }
0x56: {  	[tilespmem:s9+$0x370] =	vst v0  }
0x57: {  	[tilespmem:s9+$0x300] =	vst v0  }
0x58: {  	[tilespmem:s9+$0x310] =	vst v0  }
0x59: {  	[tilespmem:s9+$0x320] =	vst v0  }
0x5a: {  	[tilespmem:s9+$0x330] =	vst v0  }
0x5b: {  	[tilespmem:s9+$0x340] =	vst v0  }
0x5c: {  	[tilespmem:s9+$0x350] =	vst v0  }
0x5d: {  	[tilespmem:s9+$0x360] =	vst v0  }
0x5e: {  	[spmem:s30] =	stream.linear.scatter [tilespmem:s18], [sflag:$0x10], $0x4000, $0x38;
	[tilespmem:$0x1FB80] =	vst v63  }
0x5f: {  	_ =	swait.ge [sflag:s19], $0x4000  }
0x60: {  	[sflag:s19] =	ssyncset.done $0x0  }
0x61: {  	s16 =	rddreg [dreg:$0x5];
	[sflag:s19] =	ssyncadd.s32 $0xFFFFC000  }
0x62: {  	[spmem:s16] =	stream.linear.scatter [tilespmem:s18], [sflag:$0x10], $0x4000, $0x38;
	[tilespmem:$0x1FB80] =	vst v63  }
0x63: {  	_ =	swait.ge [sflag:s19], $0x4000  }
0x64: {  	[sflag:s19] =	ssyncset.done $0x0  }
0x65: {  	s20 =	rddreg [dreg:$0x6];
	[sflag:s19] =	ssyncadd.s32 $0xFFFFC000  }
0x66: {  	[spmem:s20] =	stream.linear.scatter [tilespmem:s18], [sflag:$0x10], $0x4000, $0x38;
	[tilespmem:$0x1FB80] =	vst v63  }
0x67: {  	_ =	swait.ge [sflag:s19], $0x4000  }
0x68: {  	[sflag:s19] =	ssyncset.done $0x0  }
0x69: {  	s10 =	rddreg [dreg:$0x7];
	[sflag:s19] =	ssyncadd.s32 $0xFFFFC000  }
0x6a: {  	[spmem:s10] =	stream.linear.scatter [tilespmem:s18], [sflag:$0x10], $0x4000, $0x38;
	[tilespmem:$0x1FB80] =	vst v63  }
0x6b: {  	_ =	swait.ge [sflag:s19], $0x4000  }
0x6c: {  	[sflag:s19] =	ssyncset.done $0x0  }
0x6d: {  	s11 =	rddreg [dreg:$0xd];
	[sflag:s19] =	ssyncadd.s32 $0xFFFFC000  }
0x6e: {  	[spmem:s11] =	stream.linear.scatter [tilespmem:s18], [sflag:$0x10], $0x3800, $0x38;
	[tilespmem:$0x1FB80] =	vst v63  }
0x6f: {  	_ =	swait.ge [sflag:s19], $0x3800  }
0x70: {  	[sflag:s19] =	ssyncset.done $0x0  }
0x71: {  	s9 =	simm.s32 @!p0 $0x300;
	s10 =	rddreg [dreg:$0x19];
	[sflag:s19] =	ssyncadd.s32 $0xFFFFC800  }
0x72: {  	[spmem:s10] =	stream.linear.scatter @!p0 [tilespmem:s9], [sflag:$0x10], $0x800, $0x38;
	[tilespmem:$0x1FB80] =	vst v63  }
0x73: {  	s9 =	simm.s32 @!p0 $0x10  }
0x74: {  	_ =	swait.ge @!p0 [sflag:s9], $0x800  }
0x75: {  	[sflag:s9] =	ssyncset.done @!p0 $0x0  }
0x76: {  	[sflag:s9] =	ssyncadd.s32 @!p0 $0xFFFFF800  }
0x77: {  	[bflag:$0x0] =	sbarrier.arrive $0xFFFF  }
0x78: {  	s30 =	simm.s32 $0x0;
	s13 =	rddreg [dreg:$0x15]  }
0x79: {  	[tilespmem:s30], [sflag:$0x1] =	stream.linear.gather [hbm4b:s13+s30], $0x80, $0x38;
	[tilespmem:$0x1FB80] =	vst v63  }
0x7a: {  	s16 =	rddreg [dreg:$0x16]  }
0x7b: {  	[tilespmem:s21], [sflag:$0x2] =	stream.linear.gather [hbm4b:s16+s30], $0x80, $0x38;
	[tilespmem:$0x1FB80] =	vst v63  }
0x7c: {  	s20 =	rddreg [dreg:$0xe]  }
0x7d: {  	[tilespmem:s18], [sflag:$0x3] =	stream.linear.gather [hbm4b:s20+s30], $0x4000, $0x38;
	[tilespmem:$0x1FB80] =	vst v63  }
0x7e: {  	s10 =	rddreg [dreg:$0xf]  }
0x7f: {  	[tilespmem:s22], [sflag:$0x6] =	stream.linear.gather [hbm4b:s10+s30], $0x80, $0x38;
	[tilespmem:$0x1FB80] =	vst v63  }
0x80: {  	s11 =	rddreg [dreg:$0x10]  }
0x81: {  	[tilespmem:s23], [sflag:$0x7] =	stream.linear.gather [hbm4b:s11+s30], $0x80, $0x38;
	[tilespmem:$0x1FB80] =	vst v63  }
0x82: {  	s13 =	rddreg [dreg:$0x11]  }
0x83: {  	[tilespmem:s24], [sflag:$0x8] =	stream.linear.gather [hbm4b:s13+s30], $0x4000, $0x38;
	[tilespmem:$0x1FB80] =	vst v63  }
0x84: {  	s16 =	rddreg [dreg:$0x12];
	s20 =	simm.s32 $0x100  }
0x85: {  	[tilespmem:s20], [sflag:$0xB] =	stream.linear.gather [hbm4b:s16+s30], $0x80, $0x38;
	[tilespmem:$0x1FB80] =	vst v63  }
0x86: {  	s10 =	rddreg [dreg:$0x13]  }
0x87: {  	[tilespmem:s25], [sflag:$0xC] =	stream.linear.gather [hbm4b:s10+s30], $0x80, $0x38;
	[tilespmem:$0x1FB80] =	vst v63  }
0x88: {  	s11 =	rddreg [dreg:$0x14];
	s13 =	simm.s32 $0x1  }
0x89: {  	[tilespmem:s26], [sflag:$0xD] =	stream.linear.gather [hbm4b:s11+s30], $0x4000, $0x38;
	[tilespmem:$0x1FB80] =	vst v63  }
0x8a: {  	_ =	swait.ge [sflag:s13], $0x80  }
0x8b: {  	[sflag:s13] =	ssyncset.done $0x0  }
0x8c: {  	s16 =	simm.s32 $0x2;
	[sflag:s13] =	ssyncadd.s32 $0xFFFFFF80  }
0x8d: {  	_ =	swait.ge [sflag:s16], $0x80  }
0x8e: {  	[sflag:s16] =	ssyncset.done $0x0  }
.Ltmp3:
0x8f: {  	s20 =	simm.s32 $0x3;
	[sflag:s16] =	ssyncadd.s32 $0xFFFFFF80;
	(pc) =	sbr.rel .LBB2_4-.Ltmp3, $4  }
0x90: {  	_ =	swait.ge [sflag:s20], $0x4000  }
0x91: {  	[sflag:s20] =	ssyncset.done $0x0  }
0x92: {  	[sflag:s20] =	ssyncadd.s32 $0xFFFFC000  }
0x93: {  	[tilespmem:s18], [sflag:$0x4] =	stream.indirect.gather.add.f32 [hbm:s1], $0x80, s30, s22, $0xb8;
	[tilespmem:$0x1FB80] =	vst v63  }
.LBB2_16:
0x94: {  	s30 =	sadd.s32 $0x1, s30  }
0x95: {  	p1 =	sne.s32 s30, $0x1B  }
.Ltmp4:
0x96: {  	_ = 	snop;
	(pc) =	sbr.rel @!p1 .LBB2_17-.Ltmp4, $1  }
0x97: {  	_ =	sdelay $0x3  }
.LBB2_4:
0x98: {  	s9 =	smul.u32 $0x60, s30;
	_ =	sdelay $0x1  }
0x99: {  	s10 =	sor.u32 s8, s9  }
0x9a: {  	p1 =	sgt.u32 s10, $0x9C3  }
.Ltmp5:
0x9b: {  	_ = 	snop;
	(pc) =	sbr.rel @p1 .LBB2_8-.Ltmp5, $1  }
0x9c: {  	_ =	sdelay $0x3  }
0x9d: {  	p1 =	sgt.u32 s10, $0x9A3  }
0x9e: {  	s11 =	simm.s32 @!p1 $0x6  }
0x9f: {  	_ =	swait.ge @!p1 [sflag:s11], $0x80  }
0xa0: {  	[sflag:s11] =	ssyncset.done @!p1 $0x0  }
0xa1: {  	[sflag:s11] =	ssyncadd.s32 @!p1 $0xFFFFFF80;
	s11 =	simm.s32 @!p1 $0x7  }
0xa2: {  	_ =	swait.ge @!p1 [sflag:s11], $0x80  }
0xa3: {  	[sflag:s11] =	ssyncset.done @!p1 $0x0  }
0xa4: {  	[sflag:s11] =	ssyncadd.s32 @!p1 $0xFFFFFF80;
	s11 =	simm.s32 @!p1 $0x8  }
0xa5: {  	_ =	swait.ge @!p1 [sflag:s11], $0x4000  }
0xa6: {  	[sflag:s11] =	ssyncset.done @!p1 $0x0  }
0xa7: {  	s13 =	simm.s32 @!p1 $0x4300;
	[sflag:s11] =	ssyncadd.s32 @!p1 $0xFFFFC000;
	s11 =	simm.s32 @!p1 $0x80  }
0xa8: {  	[tilespmem:s13], [sflag:$0x9] =	stream.indirect.gather.add.f32 @!p1 [hbm:s1], $0x80, s11, s11, $0xb8;
	[tilespmem:$0x1FB80] =	vst v63  }
0xa9: {  	_ =	swait.ge [sflag:s0], $0x4000  }
0xaa: {  	[sflag:s0] =	ssyncset.done $0x0  }
0xab: {  	s11 =	simm.s32 $0x0;
	[sflag:s0] =	ssyncadd.s32 $0xFFFFC000  }
0xac: {  	v3 =	vld [tilespmem:s11+$0x300]  }
0xad: {  	v5 =	vld [tilespmem:s11+$0x310]  }
0xae: {  	v4 =	vld [tilespmem:s11+$0x320]  }
0xaf: {  	v2 =	vld [tilespmem:s11+$0x330]  }
0xb0: {  	v1 =	vld [tilespmem:s11+$0x340]  }
0xb1: {  	v6 =	vmax.f32 v3, $0.0e+00;
	v3 =	vld [tilespmem:s11+$0x350]  }
0xb2: {  	s13 =	simm.s32 $0x200;
	[tilespmem:s11+$0x300] =	vst v6;
	v6 =	vmax.f32 v5, $0.0e+00;
	v5 =	vld [tilespmem:s11+$0x360]  }
.LBB2_6:
0xb3: {  	s20 =	sshra.s32 s13, $0x2;
	p1 =	sne.s32 s13, $0xFE00;
	[tilespmem:s11+$0x310] =	vst v6;
	v4 =	vmax.f32 v4, $0.0e+00;
	v6 =	vld [tilespmem:s11+$0x370]  }
0xb4: {  	v7 =	vld [tilespmem:s20+$0x300];
	[tilespmem:s11+$0x320] =	vst v4;
	v2 =	vmax.f32 v2, $0.0e+00  }
0xb5: {  	v8 =	vld [tilespmem:s20+$0x310];
	[tilespmem:s11+$0x330] =	vst v2;
	v1 =	vmax.f32 v1, $0.0e+00  }
.Ltmp6:
0xb6: {  	v4 =	vld [tilespmem:s20+$0x320];
	[tilespmem:s11+$0x340] =	vst v1;
	v1 =	vmax.f32 v3, $0.0e+00;
	(pc) =	sbr.rel @p1 .LBB2_6-.Ltmp6, $4  }
0xb7: {  	v2 =	vld [tilespmem:s20+$0x330];
	[tilespmem:s11+$0x350] =	vst v1;
	v3 =	vmax.f32 v5, $0.0e+00  }
0xb8: {  	v1 =	vld [tilespmem:s20+$0x340];
	[tilespmem:s11+$0x360] =	vst v3;
	v5 =	vmax.f32 v6, $0.0e+00  }
0xb9: {  	v6 =	vmax.f32 v7, $0.0e+00;
	v3 =	vld [tilespmem:s20+$0x350];
	[tilespmem:s11+$0x370] =	vst v5;
	s11 =	smov.u32 s20  }
0xba: {  	s13 =	sadd.s32 $0x200, s13;
	[tilespmem:s11+$0x300] =	vst v6;
	v6 =	vmax.f32 v8, $0.0e+00;
	v5 =	vld [tilespmem:s11+$0x360]  }
0xbb: {  	[tilespmem:s11+$0x310] =	vst v6;
	v4 =	vmax.f32 v4, $0.0e+00;
	v63 =	vld [tilespmem:s11+$0x370]  }
0xbc: {  	[tilespmem:s11+$0x320] =	vst v4;
	v2 =	vmax.f32 v2, $0.0e+00  }
0xbd: {  	[tilespmem:s11+$0x330] =	vst v2;
	v1 =	vmax.f32 v1, $0.0e+00  }
0xbe: {  	p2 =	seq.s32 s30, $0x0;
	[tilespmem:s11+$0x340] =	vst v1;
	v1 =	vmax.f32 v3, $0.0e+00  }
0xbf: {  	p1 =	sgt.u32 @!p2 s10, $0x983;
	[tilespmem:s11+$0x350] =	vst v1;
	v1 =	vmax.f32 v5, $0.0e+00  }
0xc0: {  	p1 =	por p1, p2;
	[tilespmem:s11+$0x360] =	vst v1;
	v1 =	vmax.f32 v63, $0.0e+00  }
0xc1: {  	s10 =	sadd.s32 @!p1 $0x40, s10;
	[tilespmem:s11+$0x370] =	vst v1;
	s11 =	simm.s32 @!p2 $0xF  }
0xc2: {  	[spmem:s2] =	stream.indirect.scatter.add.f32 [tilespmem:s18], [sflag:$0x5], $0x80, s21, s22, $0xb8;
	[tilespmem:$0x1FB80] =	vst v63  }
0xc3: {  	s13 =	sshll.u32 @!p1 s10, $0x4;
	_ =	swait.ge @!p2 [sflag:s11], $0x4000  }
0xc4: {  	s13 =	sand.u32 @!p1 $0x1FF80, s13;
	[sflag:s11] =	ssyncset.done @!p2 $0x0  }
0xc5: {  	[sflag:s11] =	ssyncadd.s32 @!p2 $0xFFFFC000;
	s11 =	sor.u32 @!p1 s31, s13  }
0xc6: {  	s20 =	simm.s32 @!p1 $0x0;
	s16 =	simm.s32 @!p1 $0x100;
	s13 =	sadd.s32 @!p1 s6, s11  }
0xc7: {  	[tilespmem:s16], [sflag:$0xB] =	stream.linear.gather @!p1 [hbm4b:s13+s20], $0x80, $0x38;
	[tilespmem:$0x1FB80] =	vst v63  }
0xc8: {  	s10 =	sshll.u32 @!p1 s10, $0xB;
	s11 =	sadd.s32 @!p1 s7, s11;
	s13 =	simm.s32 @!p1 $0x280  }
0xc9: {  	[tilespmem:s13], [sflag:$0xC] =	stream.linear.gather @!p1 [hbm4b:s11+s20], $0x80, $0x38;
	[tilespmem:$0x1FB80] =	vst v63  }
0xca: {  	s10 =	sadd.s32 @!p1 s5, s10;
	s11 =	simm.s32 @!p1 $0x8300  }
0xcb: {  	[tilespmem:s11], [sflag:$0xD] =	stream.linear.gather @!p1 [hbm4b:s10+s20], $0x4000, $0x38;
	[tilespmem:$0x1FB80] =	vst v63  }
.LBB2_8:
0xcc: {  	s10 =	sadd.s32 s12, s9  }
0xcd: {  	p1 =	sgt.u32 s10, $0x9C3  }
.Ltmp7:
0xce: {  	_ = 	snop;
	(pc) =	sbr.rel @p1 .LBB2_12-.Ltmp7, $1  }
0xcf: {  	_ =	sdelay $0x3  }
0xd0: {  	p1 =	sgt.u32 s10, $0x9A3  }
0xd1: {  	s11 =	simm.s32 @!p1 $0xB  }
0xd2: {  	_ =	swait.ge @!p1 [sflag:s11], $0x80  }
0xd3: {  	[sflag:s11] =	ssyncset.done @!p1 $0x0  }
0xd4: {  	[sflag:s11] =	ssyncadd.s32 @!p1 $0xFFFFFF80;
	s11 =	simm.s32 @!p1 $0xC  }
0xd5: {  	_ =	swait.ge @!p1 [sflag:s11], $0x80  }
0xd6: {  	[sflag:s11] =	ssyncset.done @!p1 $0x0  }
0xd7: {  	[sflag:s11] =	ssyncadd.s32 @!p1 $0xFFFFFF80;
	s11 =	simm.s32 @!p1 $0xD  }
0xd8: {  	_ =	swait.ge @!p1 [sflag:s11], $0x4000  }
0xd9: {  	s13 =	simm.s32 @!p1 $0x100;
	[sflag:s11] =	ssyncset.done @!p1 $0x0  }
0xda: {  	s16 =	simm.s32 @!p1 $0x8300;
	[sflag:s11] =	ssyncadd.s32 @!p1 $0xFFFFC000;
	s11 =	simm.s32 @!p1 $0x80  }
0xdb: {  	[tilespmem:s16], [sflag:$0xE] =	stream.indirect.gather.add.f32 @!p1 [hbm:s1], $0x80, s13, s11, $0xb8;
	[tilespmem:$0x1FB80] =	vst v63  }
0xdc: {  	_ =	swait.ge [sflag:s15], $0x4000  }
0xdd: {  	[sflag:s15] =	ssyncset.done $0x0  }
0xde: {  	s11 =	simm.s32 $0x0;
	[sflag:s15] =	ssyncadd.s32 $0xFFFFC000  }
0xdf: {  	v3 =	vld [tilespmem:s11+$0x4300]  }
0xe0: {  	v5 =	vld [tilespmem:s11+$0x4310]  }
0xe1: {  	v4 =	vld [tilespmem:s11+$0x4320]  }
0xe2: {  	v2 =	vld [tilespmem:s11+$0x4330]  }
0xe3: {  	v1 =	vld [tilespmem:s11+$0x4340]  }
0xe4: {  	v6 =	vmax.f32 v3, $0.0e+00;
	v3 =	vld [tilespmem:s11+$0x4350]  }
0xe5: {  	s13 =	simm.s32 $0x200;
	[tilespmem:s11+$0x4300] =	vst v6;
	v6 =	vmax.f32 v5, $0.0e+00;
	v5 =	vld [tilespmem:s11+$0x4360]  }
.LBB2_10:
0xe6: {  	s16 =	sshra.s32 s13, $0x2;
	p1 =	sne.s32 s13, $0xFE00;
	[tilespmem:s11+$0x4310] =	vst v6;
	v4 =	vmax.f32 v4, $0.0e+00;
	v6 =	vld [tilespmem:s11+$0x4370]  }
0xe7: {  	v7 =	vld [tilespmem:s16+$0x4300];
	[tilespmem:s11+$0x4320] =	vst v4;
	v2 =	vmax.f32 v2, $0.0e+00  }
0xe8: {  	v8 =	vld [tilespmem:s16+$0x4310];
	[tilespmem:s11+$0x4330] =	vst v2;
	v1 =	vmax.f32 v1, $0.0e+00  }
.Ltmp8:
0xe9: {  	v4 =	vld [tilespmem:s16+$0x4320];
	[tilespmem:s11+$0x4340] =	vst v1;
	v1 =	vmax.f32 v3, $0.0e+00;
	(pc) =	sbr.rel @p1 .LBB2_10-.Ltmp8, $4  }
0xea: {  	v2 =	vld [tilespmem:s16+$0x4330];
	[tilespmem:s11+$0x4350] =	vst v1;
	v3 =	vmax.f32 v5, $0.0e+00  }
0xeb: {  	v1 =	vld [tilespmem:s16+$0x4340];
	[tilespmem:s11+$0x4360] =	vst v3;
	v5 =	vmax.f32 v6, $0.0e+00  }
0xec: {  	v6 =	vmax.f32 v7, $0.0e+00;
	v3 =	vld [tilespmem:s16+$0x4350];
	[tilespmem:s11+$0x4370] =	vst v5;
	s11 =	smov.u32 s16  }
0xed: {  	s13 =	sadd.s32 $0x200, s13;
	[tilespmem:s11+$0x4300] =	vst v6;
	v6 =	vmax.f32 v8, $0.0e+00;
	v5 =	vld [tilespmem:s11+$0x4360]  }
0xee: {  	[tilespmem:s11+$0x4310] =	vst v6;
	v4 =	vmax.f32 v4, $0.0e+00;
	v63 =	vld [tilespmem:s11+$0x4370]  }
0xef: {  	[tilespmem:s11+$0x4320] =	vst v4;
	v2 =	vmax.f32 v2, $0.0e+00  }
0xf0: {  	[tilespmem:s11+$0x4330] =	vst v2;
	v1 =	vmax.f32 v1, $0.0e+00  }
0xf1: {  	[tilespmem:s11+$0x4340] =	vst v1;
	v1 =	vmax.f32 v3, $0.0e+00  }
0xf2: {  	p1 =	sgt.u32 s10, $0x983;
	[tilespmem:s11+$0x4350] =	vst v1;
	v1 =	vmax.f32 v5, $0.0e+00  }
0xf3: {  	s10 =	sadd.s32 @!p1 $0x40, s10;
	[tilespmem:s11+$0x4360] =	vst v1;
	v1 =	vmax.f32 v63, $0.0e+00  }
0xf4: {  	[tilespmem:s11+$0x4370] =	vst v1;
	s11 =	sshll.u32 @!p1 s10, $0x4  }
0xf5: {  	[spmem:s2] =	stream.indirect.scatter.add.f32 [tilespmem:s24], [sflag:$0xA], $0x80, s23, s22, $0xb8;
	[tilespmem:$0x1FB80] =	vst v63  }
0xf6: {  	s11 =	sand.u32 @!p1 $0x1FF80, s11;
	_ =	swait.ge [sflag:s17], $0x4000  }
0xf7: {  	s11 =	sor.u32 @!p1 s31, s11;
	[sflag:s17] =	ssyncset.done $0x0  }
0xf8: {  	s16 =	simm.s32 @!p1 $0x0;
	s13 =	sadd.s32 @!p1 s6, s11;
	[sflag:s17] =	ssyncadd.s32 $0xFFFFC000  }
0xf9: {  	[tilespmem:s16], [sflag:$0x1] =	stream.linear.gather @!p1 [hbm4b:s13+s16], $0x80, $0x38;
	[tilespmem:$0x1FB80] =	vst v63  }
0xfa: {  	s10 =	sshll.u32 @!p1 s10, $0xB;
	s11 =	sadd.s32 @!p1 s7, s11;
	s13 =	simm.s32 @!p1 $0x180  }
0xfb: {  	[tilespmem:s13], [sflag:$0x2] =	stream.linear.gather @!p1 [hbm4b:s11+s16], $0x80, $0x38;
	[tilespmem:$0x1FB80] =	vst v63  }
0xfc: {  	s10 =	sadd.s32 @!p1 s5, s10;
	s11 =	simm.s32 @!p1 $0x300  }
0xfd: {  	[tilespmem:s11], [sflag:$0x3] =	stream.linear.gather @!p1 [hbm4b:s10+s16], $0x4000, $0x38;
	[tilespmem:$0x1FB80] =	vst v63  }
.LBB2_12:
0xfe: {  	s9 =	sadd.s32 s14, s9  }
0xff: {  	p1 =	sgt.u32 s9, $0x9C3  }
.Ltmp9:
0x100: {  	_ = 	snop;
	(pc) =	sbr.rel @p1 .LBB2_16-.Ltmp9, $1  }
0x101: {  	_ =	sdelay $0x3  }
0x102: {  	p1 =	sgt.u32 s9, $0x9A3  }
0x103: {  	s10 =	simm.s32 @!p1 $0x1  }
0x104: {  	_ =	swait.ge @!p1 [sflag:s10], $0x80  }
0x105: {  	[sflag:s10] =	ssyncset.done @!p1 $0x0  }
0x106: {  	[sflag:s10] =	ssyncadd.s32 @!p1 $0xFFFFFF80;
	s10 =	simm.s32 @!p1 $0x2  }
0x107: {  	_ =	swait.ge @!p1 [sflag:s10], $0x80  }
0x108: {  	[sflag:s10] =	ssyncset.done @!p1 $0x0  }
0x109: {  	[sflag:s10] =	ssyncadd.s32 @!p1 $0xFFFFFF80;
	s10 =	simm.s32 @!p1 $0x3  }
0x10a: {  	_ =	swait.ge @!p1 [sflag:s10], $0x4000  }
0x10b: {  	s11 =	simm.s32 @!p1 $0x0;
	[sflag:s10] =	ssyncset.done @!p1 $0x0  }
0x10c: {  	s13 =	simm.s32 @!p1 $0x300;
	[sflag:s10] =	ssyncadd.s32 @!p1 $0xFFFFC000;
	s10 =	simm.s32 @!p1 $0x80  }
0x10d: {  	[tilespmem:s13], [sflag:$0x4] =	stream.indirect.gather.add.f32 @!p1 [hbm:s1], $0x80, s11, s10, $0xb8;
	[tilespmem:$0x1FB80] =	vst v63  }
0x10e: {  	_ =	swait.ge [sflag:s28], $0x4000  }
0x10f: {  	[sflag:s28] =	ssyncset.done $0x0  }
0x110: {  	s10 =	simm.s32 $0x0;
	[sflag:s28] =	ssyncadd.s32 $0xFFFFC000  }
0x111: {  	v3 =	vld [tilespmem:s10+$0x8300]  }
0x112: {  	v5 =	vld [tilespmem:s10+$0x8310]  }
0x113: {  	v4 =	vld [tilespmem:s10+$0x8320]  }
0x114: {  	v2 =	vld [tilespmem:s10+$0x8330]  }
0x115: {  	v1 =	vld [tilespmem:s10+$0x8340]  }
0x116: {  	v6 =	vmax.f32 v3, $0.0e+00;
	v3 =	vld [tilespmem:s10+$0x8350]  }
0x117: {  	s11 =	simm.s32 $0x200;
	[tilespmem:s10+$0x8300] =	vst v6;
	v6 =	vmax.f32 v5, $0.0e+00;
	v5 =	vld [tilespmem:s10+$0x8360]  }
.LBB2_14:
0x118: {  	s13 =	sshra.s32 s11, $0x2;
	p1 =	sne.s32 s11, $0xFE00;
	[tilespmem:s10+$0x8310] =	vst v6;
	v4 =	vmax.f32 v4, $0.0e+00;
	v6 =	vld [tilespmem:s10+$0x8370]  }
0x119: {  	v7 =	vld [tilespmem:s13+$0x8300];
	[tilespmem:s10+$0x8320] =	vst v4;
	v2 =	vmax.f32 v2, $0.0e+00  }
0x11a: {  	v8 =	vld [tilespmem:s13+$0x8310];
	[tilespmem:s10+$0x8330] =	vst v2;
	v1 =	vmax.f32 v1, $0.0e+00  }
.Ltmp10:
0x11b: {  	v4 =	vld [tilespmem:s13+$0x8320];
	[tilespmem:s10+$0x8340] =	vst v1;
	v1 =	vmax.f32 v3, $0.0e+00;
	(pc) =	sbr.rel @p1 .LBB2_14-.Ltmp10, $4  }
0x11c: {  	v2 =	vld [tilespmem:s13+$0x8330];
	[tilespmem:s10+$0x8350] =	vst v1;
	v3 =	vmax.f32 v5, $0.0e+00  }
0x11d: {  	v1 =	vld [tilespmem:s13+$0x8340];
	[tilespmem:s10+$0x8360] =	vst v3;
	v5 =	vmax.f32 v6, $0.0e+00  }
0x11e: {  	v6 =	vmax.f32 v7, $0.0e+00;
	v3 =	vld [tilespmem:s13+$0x8350];
	[tilespmem:s10+$0x8370] =	vst v5;
	s10 =	smov.u32 s13  }
0x11f: {  	s11 =	sadd.s32 $0x200, s11;
	[tilespmem:s10+$0x8300] =	vst v6;
	v6 =	vmax.f32 v8, $0.0e+00;
	v5 =	vld [tilespmem:s10+$0x8360]  }
0x120: {  	[tilespmem:s10+$0x8310] =	vst v6;
	v4 =	vmax.f32 v4, $0.0e+00;
	v63 =	vld [tilespmem:s10+$0x8370]  }
0x121: {  	[tilespmem:s10+$0x8320] =	vst v4;
	v2 =	vmax.f32 v2, $0.0e+00  }
0x122: {  	[tilespmem:s10+$0x8330] =	vst v2;
	v1 =	vmax.f32 v1, $0.0e+00  }
0x123: {  	[tilespmem:s10+$0x8340] =	vst v1;
	v1 =	vmax.f32 v3, $0.0e+00  }
0x124: {  	p1 =	sgt.u32 s9, $0x983;
	[tilespmem:s10+$0x8350] =	vst v1;
	v1 =	vmax.f32 v5, $0.0e+00  }
0x125: {  	s9 =	sadd.s32 @!p1 $0x40, s9;
	[tilespmem:s10+$0x8360] =	vst v1;
	v1 =	vmax.f32 v63, $0.0e+00  }
0x126: {  	[tilespmem:s10+$0x8370] =	vst v1;
	s10 =	sshll.u32 @!p1 s9, $0x4  }
0x127: {  	[spmem:s2] =	stream.indirect.scatter.add.f32 [tilespmem:s26], [sflag:$0xF], $0x80, s25, s22, $0xb8;
	[tilespmem:$0x1FB80] =	vst v63  }
0x128: {  	s10 =	sand.u32 @!p1 $0x1FF80, s10;
	_ =	swait.ge [sflag:s29], $0x4000  }
0x129: {  	s13 =	simm.s32 @!p1 $0x0;
	s10 =	sor.u32 @!p1 s31, s10;
	[sflag:s29] =	ssyncset.done $0x0  }
0x12a: {  	s16 =	simm.s32 @!p1 $0x80;
	s11 =	sadd.s32 @!p1 s6, s10;
	[sflag:s29] =	ssyncadd.s32 $0xFFFFC000  }
0x12b: {  	[tilespmem:s16], [sflag:$0x6] =	stream.linear.gather @!p1 [hbm4b:s11+s13], $0x80, $0x38;
	[tilespmem:$0x1FB80] =	vst v63  }
.Ltmp11:
0x12c: {  	_ = 	snop;
	(pc) =	sbr.rel .LBB2_16-.Ltmp11, $4  }
0x12d: {  	s9 =	sshll.u32 @!p1 s9, $0xB;
	s10 =	sadd.s32 @!p1 s7, s10;
	s11 =	simm.s32 @!p1 $0x200  }
0x12e: {  	[tilespmem:s11], [sflag:$0x7] =	stream.linear.gather @!p1 [hbm4b:s10+s13], $0x80, $0x38;
	[tilespmem:$0x1FB80] =	vst v63  }
0x12f: {  	s9 =	sadd.s32 @!p1 s5, s9;
	s10 =	simm.s32 @!p1 $0x4300  }
0x130: {  	[tilespmem:s10], [sflag:$0x8] =	stream.linear.gather @!p1 [hbm4b:s9+s13], $0x4000, $0x38;
	[tilespmem:$0x1FB80] =	vst v63  }
.LBB2_18:
0x131: {  	_ =	sfence.sel $0x180000  }
0x132: {  	[bflag:$0x0] =	sbarrier.arrive $0xFFFF  }
0x133: {  	_ =	strace $0x9000004A  }
0x134: {  	s0 =	stileid.u32;
	[bflag:$0x2] =	sbarrier.arrive $0xFFFF  }
0x135: {  	p0 =	sne.s32 s0, $0x0;
	s0 =	rddreg [dreg:$0x3]  }
0x136: {  	s0 =	sadd.s32 @!p0 $0x100000, s0  }
0x137: {  	[sflag:s0] =	ssyncadd.tile.s32 @!p0 $0x1;
	_ =	shalt  }
.Lfunc_end2:
_tile_overlayer_lowered:
.L_overlay_start_2:
0x138: {  	(tag) =	ssettag $0x2  }
0x139: {  	s0 =	rddreg [dreg:$0x0];
	s2 =	stileid.u32  }
0x13a: {  	s1 =	rddreg [dreg:$0x1];
	p0 =	sne.s32 s2, $0x0  }
0x13b: {  	s3 =	rddreg [dreg:$0x2];
	[bflag:$0x3] =	sbarrier.arrive $0xFFFF;
	s2 =	simm.s32 @!p0 $0x1C10  }
0x13c: {  	[timem:s3], [sflag:s2] =	dma.local @!p0 [hbm:s0], s1  }
0x13d: {  	s0 =	simm.s32 @!p0 $0x10  }
0x13e: {  	_ =	swait.ge @!p0 [sflag:s0], s1  }
0x13f: {  	s1 =	ssub.s32 @!p0 $0x0, s1;
	[sflag:s0] =	ssyncset.done @!p0 $0x0  }
0x140: {  	[sflag:s0] =	ssyncadd.s32 @!p0 s1  }
0x141: {  	[bflag:$0x3] =	sbarrier.arrive $0xFFFF  }
0x142: {  	_ =	shalt  }

// kernel: kernel.17.cloned.1.call-start
scs
__scs_entry_jumppad:
0x0: {  	(pc) =	sbr.rel $0x88, $3  }
0x1: {  	(tag) =	ssettag $0x0;
	lr =	simm.s32 $0x1  }
0x2: {  	[smem:$0x3F8F] =	sst lr;
	_ =	strace $0xD0000000  }
0x3: {  	_ = 	snop  }
0x4: {  	_ = 	snop  }
0x5: {  	_ = 	snop  }
0x6: {  	_ = 	snop  }
0x7: {  	_ = 	snop  }
__scs_overlays_trampoline_lowered:
0x8: {  	[smem:$0x3F9E] =	sst s0  }
0x9: {  	[smem:$0x3F9F] =	sst s1  }
0xa: {  	[smem:$0x3FA0] =	sst s2  }
0xb: {  	[smem:$0x3FA1] =	sst s3  }
0xc: {  	[smem:$0x3FA2] =	sst s4  }
0xd: {  	[smem:$0x3FA3] =	sst s5  }
0xe: {  	[smem:$0x3FA4] =	sst s6  }
0xf: {  	[smem:$0x3FA5] =	sst s7  }
0x10: {  	[smem:$0x3FA6] =	sst s8  }
0x11: {  	[smem:$0x3FA7] =	sst s9;
	s0 =	simm.s32 @!p0 $0x0  }
0x12: {  	s1 =	sld [smem:$0x3F8D];
	s0 =	simm.s32 @p0 $0x1  }
0x13: {  	[smem:$0x3FA8] =	sst s0;
	s0 =	simm.s32 @!p1 $0x0  }
0x14: {  	s2 =	sld [smem:$0x3F8C];
	s0 =	simm.s32 @p1 $0x1  }
0x15: {  	[smem:$0x3FA9] =	sst s0;
	s0 =	simm.s32 @!p2 $0x0  }
0x16: {  	s3 =	sld [smem:$0x3FDB];
	s0 =	simm.s32 @p2 $0x1  }
0x17: {  	s4 =	simm.s32 $0x1BF5;
	[smem:$0x3FAB] =	sst s0  }
0x18: {  	s0 =	sld [smem:$0x3F8E];
	_ =	swait.ge [sflag:s4], $0x0  }
0x19: {  	s7 =	sld [smem:$0x3F8F]  }
0x1a: {  	s8 =	sadd.s32 $0xFFFFE003, lr  }
0x1b: {  	s9 =	sadd.s32 $0xFFFFFEF7, lr;
	s5 =	simm.s32 $0xFFFFFFFF;
	p2 =	slt.u32 s8, $0xFFFFF086  }
0x1c: {  	p1 =	slt.u32 s9, $0xF7A;
	s5 =	simm.s32 @!p2 $0x0  }
0x1d: {  	s5 =	simm.s32 @p1 $0x1;
	p0 =	seq.s32 s7, s2  }
0x1e: {  	s7 =	smul.u32 @!p0 $0xF7A, s2;
	p2 =	seq.s32 @!p0 s5, $0x0  }
0x1f: {  	s9 =	smul.u32 $0xF7A, s1;
	s8 =	simm.s32 @!p0 $0x1BF5;
	p2 =	por !p2, p0  }
0x20: {  	[sflag:s8] =	ssyncset.s32 @!p0 $0xFFFFF086;
	s6 =	sadd.s32 @!p0 s3, s7;
	s7 =	simm.s32 @!p0 $0x108  }
0x21: {  	s3 =	sadd.s32 s3, s9;
	s6 =	sadd.s32 @!p0 $0x88, s6;
	s7 =	simm.s32 @p2 $0x1082  }
0x22: {  	[simem:s7], [sflag:s8] =	dma.local @!p0 [hbm:s6], $0xF7A  }
0x23: {  	s9 =	sor.u32 $0xD0000000, s2;
	s6 =	simm.s32 $0x108;
	_ =	swait.ge @!p0 [sflag:s8], $0x0  }
0x24: {  	s3 =	sadd.s32 $0x88, s3;
	s6 =	simm.s32 @!p1 $0x1082;
	[sflag:s4] =	ssyncset.s32 $0xFFFFF086  }
0x25: {  	[simem:s6], [sflag:s4] =	dma.local [hbm:s3], $0xF7A  }
0x26: {  	[smem:$0x3F8F] =	sst s1;
	(tag) =	ssettag s2;
	_ =	strace s9  }
0x27: {  	s1 =	sld [smem:$0x3F9F]  }
0x28: {  	s2 =	sld [smem:$0x3FA0]  }
0x29: {  	s4 =	sld [smem:$0x3FA2]  }
0x2a: {  	p0 =	seq.s32 s5, $0x0;
	s5 =	sld [smem:$0x3FA3]  }
0x2b: {  	s6 =	sld [smem:$0x3FA4]  }
0x2c: {  	s7 =	sld [smem:$0x3FA5]  }
0x2d: {  	s3 =	simm.s32 $0x108;
	s8 =	sld [smem:$0x3FA6]  }
0x2e: {  	s3 =	simm.s32 @!p0 $0x1082;
	s9 =	sld [smem:$0x3FA7]  }
0x2f: {  	lr =	sadd.s32 s0, s3;
	s0 =	sld [smem:$0x3F9E]  }
0x30: {  	s3 =	sld [smem:$0x3FA1]  }
0x31: {  	[smem:$0x3FAA] =	sst s10  }
0x32: {  	s10 =	sld [smem:$0x3FA8];
	_ =	sdelay $0x3  }
0x33: {  	p0 =	seq.s32 s10, $0x1;
	s10 =	sld [smem:$0x3FAA];
	_ =	sdelay $0x3  }
0x34: {  	[smem:$0x3FAA] =	sst s10  }
0x35: {  	s10 =	sld [smem:$0x3FA9];
	_ =	sdelay $0x3  }
0x36: {  	p1 =	seq.s32 s10, $0x1;
	s10 =	sld [smem:$0x3FAA];
	_ =	sdelay $0x3  }
0x37: {  	[smem:$0x3FAA] =	sst s10  }
0x38: {  	s10 =	sld [smem:$0x3FAB]  }
0x39: {  	_ = 	snop;
	(pc) =	sbr.ind lr, $3  }
0x3a: {  	_ = 	snop  }
0x3b: {  	_ = 	snop  }
0x3c: {  	p2 =	seq.s32 s10, $0x1;
	s10 =	sld [smem:$0x3FAA]  }
0x3d: {  	_ =	shalt  }
0x3e: {  	_ =	shalt  }
0x3f: {  	_ =	shalt  }
0x40: {  	_ =	shalt  }
0x41: {  	_ =	shalt  }
0x42: {  	_ =	shalt  }
0x43: {  	_ =	shalt  }
0x44: {  	_ =	shalt  }
0x45: {  	_ =	shalt  }
0x46: {  	_ =	shalt  }
0x47: {  	_ =	shalt  }
0x48: {  	_ =	shalt  }
0x49: {  	_ =	shalt  }
0x4a: {  	_ =	shalt  }
0x4b: {  	_ =	shalt  }
0x4c: {  	_ =	shalt  }
0x4d: {  	_ =	shalt  }
0x4e: {  	_ =	shalt  }
0x4f: {  	_ =	shalt  }
0x50: {  	_ =	shalt  }
0x51: {  	_ =	shalt  }
0x52: {  	_ =	shalt  }
0x53: {  	_ =	shalt  }
0x54: {  	_ =	shalt  }
0x55: {  	_ =	shalt  }
0x56: {  	_ =	shalt  }
0x57: {  	_ =	shalt  }
0x58: {  	_ =	shalt  }
0x59: {  	_ =	shalt  }
0x5a: {  	_ =	shalt  }
0x5b: {  	_ =	shalt  }
0x5c: {  	_ =	shalt  }
0x5d: {  	_ =	shalt  }
0x5e: {  	_ =	shalt  }
0x5f: {  	_ =	shalt  }
0x60: {  	_ =	shalt  }
0x61: {  	_ =	shalt  }
0x62: {  	_ =	shalt  }
0x63: {  	_ =	shalt  }
0x64: {  	_ =	shalt  }
0x65: {  	_ =	shalt  }
0x66: {  	_ =	shalt  }
0x67: {  	_ =	shalt  }
0x68: {  	_ =	shalt  }
0x69: {  	_ =	shalt  }
0x6a: {  	_ =	shalt  }
0x6b: {  	_ =	shalt  }
0x6c: {  	_ =	shalt  }
0x6d: {  	_ =	shalt  }
0x6e: {  	_ =	shalt  }
0x6f: {  	_ =	shalt  }
0x70: {  	_ =	shalt  }
0x71: {  	_ =	shalt  }
0x72: {  	_ =	shalt  }
0x73: {  	_ =	shalt  }
0x74: {  	_ =	shalt  }
0x75: {  	_ =	shalt  }
0x76: {  	_ =	shalt  }
0x77: {  	_ =	shalt  }
0x78: {  	_ =	shalt  }
0x79: {  	_ =	shalt  }
0x7a: {  	_ =	shalt  }
0x7b: {  	_ =	shalt  }
0x7c: {  	_ =	shalt  }
0x7d: {  	_ =	shalt  }
0x7e: {  	_ =	shalt  }
0x7f: {  	_ =	shalt  }
0x80: {  	_ =	shalt  }
0x81: {  	_ =	shalt  }
0x82: {  	_ =	shalt  }
0x83: {  	_ =	shalt  }
0x84: {  	_ =	shalt  }
0x85: {  	_ =	shalt  }
0x86: {  	_ =	shalt  }
0x87: {  	_ =	shalt  }
.Lfunc_end0:
.L_simem_size_0:
called_computation.2_lowered:
.L_overlay_start_0:
0x88: {  	s2 =	sld [smem:$0x3FD9]  }
0x89: {  	s3 =	sld [smem:$0x3FFE];
	_ =	sdelay $0x1  }
0x8a: {  	s1 =	srdreg.scid  }
0x8b: {  	s0 =	sand.u32 $0x1, s1  }
0x8c: {  	s17 =	sshll.u32 s0, $0xA;
	s2 =	sadd.s32 s3, s2  }
0x8d: {  	s2 =	sadd.s32 s2, s17  }
0x8e: {  	[smem:$0x3FB6] =	sst s2  }
0x8f: {  	_ = 	snop  }
0x90: {  	s2 =	sld [smem:$0x3FD0];
	(tm) =	ssettm $0x1  }
0x91: {  	s18 =	sld [smem:$0x3FFB];
	_ =	sdelay $0x3  }
0x92: {  	_ =	strace s18  }
0x93: {  	s3 =	sld [smem:$0x3FFC];
	_ =	sdelay $0x3  }
0x94: {  	_ =	strace s3  }
0x95: {  	s3 =	sld [smem:$0x3FFD];
	_ =	sdelay $0x3  }
0x96: {  	_ =	strace s3  }
0x97: {  	_ =	strace $0x8FFFFFFF  }
0x98: {  	s19 =	sld [smem:$0x3FDB];
	_ =	sdelay $0x1  }
0x99: {  	s4 =	simm.s32 $_scs_section_size  }
0x9a: {  	s5 =	simm.s32 $_size__tile_overlayer_lowered;
	s6 =	simm.s32 $_tile_overlayer_lowered  }
0x9b: {  	s22 =	simm.s32 $0x1BFF;
	s21 =	sshll.u32 s6, $0x1;
	s3 =	sadd.s32 s4, s19  }
0x9c: {  	s7 =	simm.s32 $0x0;
	s20 =	sshll.u32 s5, $0x1;
	s5 =	sadd.s32 s21, s3  }
0x9d: {  	[timem:s7], [sflag:s22] =	dma.local [hbm:s5], s20  }
0x9e: {  	_ =	swait.ge [sflag:s22], s20  }
0x9f: {  	s4 =	ssub.s32 $0x0, s20;
	[sflag:s22] =	ssyncset.done $0x0  }
0xa0: {  	[sflag:s22] =	ssyncadd.s32 s4;
	_ =	sdelay $0x1  }
0xa1: {  	s23 =	simm.s32 $0x1B8B  }
0xa2: {  	_ =	swait.ge [sflag:s23], $0x1  }
0xa3: {  	[sflag:s23] =	ssyncset.done $0x0  }
0xa4: {  	s25 =	simm.s32 $0x1B8E;
	s24 =	sld [smem:$0x3FFE];
	[sflag:s23] =	ssyncadd.s32 $0xFFFFFFFF  }
0xa5: {  	s26 =	simm.s32 $execute0_lowered;
	[smem:$0x3FD2] =	sst s25  }
0xa6: {  	s5 =	sshll.u32 s26, $0x1;
	_ =	strace $0x8000004C;
	[dreg:$0x1] =	wrdreg $0xFFFFFFFF  }
0xa7: {  	s28 =	simm.s32 $_size_execute0_lowered;
	s3 =	sadd.s32 s3, s5;
	[dreg:$0x0] =	wrdreg $0x0  }
0xa8: {  	s5 =	sshll.u32 s28, $0x1;
	[dreg:$0x2] =	wrdreg s3  }
0xa9: {  	[dreg:$0x3] =	wrdreg s5  }
0xaa: {  	[dreg:$0x4] =	wrdreg $0xC0  }
0xab: {  	_ =	task [dreg:s7], $0x5FFFF  }
0xac: {  	[dreg:$0x1] =	wrdreg $0xFFFFFFFF  }
0xad: {  	[dreg:$0x0] =	wrdreg $0x60  }
0xae: {  	[dreg:$0x2] =	wrdreg s24  }
0xaf: {  	[dreg:$0x3] =	wrdreg s2  }
0xb0: {  	[dreg:$0x4] =	wrdreg $0xC3000  }
0xb1: {  	[dreg:$0x5] =	wrdreg $0x9  }
0xb2: {  	_ =	task.clear_ibuf [dreg:s7], $0x6FFFF;
	_ =	strace $0x9000004C  }
0xb3: {  	s29 =	simm.s32 $0x9;
	_ =	strace $0x8000004E  }
0xb4: {  	_ =	swait.ge [sflag:s29], $0x1  }
0xb5: {  	[sflag:s29] =	ssyncadd.s32 $0xFFFFFFFF  }
0xb6: {  	_ =	strace $0x9000004E  }
0xb7: {  	_ =	sfence  }
0xb8: {  	s30 =	sld [smem:$0x0];
	_ =	sdelay $0x2  }
0xb9: {  	s31 =	sshll.u32 s1, $0xD;
	s1 =	sshrl.u32 s1, $0x2  }
0xba: {  	s3 =	sand.u32 $0x4000, s31;
	s1 =	sadd.s32 s1, s30  }
0xbb: {  	s0 =	sor.u32 s3, s0;
	s1 =	sshll.u32 s1, $0x11  }
0xbc: {  	s0 =	sor.u32 s1, s0  }
0xbd: {  	s0 =	sadd.s32 $0x8F2B, s0  }
0xbe: {  	[sflag:s0] =	ssyncadd.remote.s32 $0x1  }
0xbf: {  	_ =	sfence.sel $0xFFFF  }
0xc0: {  	[dreg:$0x0] =	wrdreg $0xFFFFFFFF;
	(pc) =	sbr.abs _section_cstart, $3  }
0xc1: {  	[dreg:$0x1] =	wrdreg $0xFFFFFFFF  }
0xc2: {  	_ =	task.clear_ibuf [dreg:s7], $0x2FFFF;
	_ =	strace $0x9FFFFFFF  }
0xc3: {  	(tm) =	ssettm $0x7FFFFFFF  }
tec
execute0_lowered:
.L_overlay_start_1:
0x0: {  	(tag) =	ssettag $0x1  }
0x1: {  	s0 =	rddreg [dreg:$0x0]  }
0x2: {  	s1 =	rddreg [dreg:$0x1]  }
0x3: {  	s2 =	rddreg [dreg:$0x2]  }
0x4: {  	s3 =	simm.s32 $0x0;
	s4 =	srdreg.scid;
	s20 =	stileid.u32  }
0x5: {  	s28 =	simm.s32 $0xE;
	s29 =	simm.s32 $0xA;
	[smem:$0x7FF] =	sst s3  }
0x6: {  	s5 =	sadd.s32 $0x68C00, s0;
	s6 =	sadd.s32 $0x10C00, s0;
	s4 =	sand.u32 $0x1, s4  }
0x7: {  	s7 =	sadd.s32 $0x6E00, s0;
	s9 =	smul.u32 $0x4E000, s20;
	s11 =	sshll.u32 s20, $0x1  }
0x8: {  	s13 =	smul.u32 $0x13800, s20;
	s0 =	sadd.s32 $0x1AA00, s0;
	s8 =	ssub.s32 $0x2, s4  }
0x9: {  	p0 =	slt.u32 s20, $0x2;
	_ =	strace $0x8000004D;
	s10 =	sshrl.u32 s8, $0x1  }
0xa: {  	s9 =	sshrl.u32 s9, $0x2;
	s22 =	sadd.s32 $0x4000, s13;
	s15 =	sadd.s32 $0x8000, s13  }
0xb: {  	s25 =	sadd.s32 $0xC000, s13;
	s10 =	ssub.s32 s8, s10;
	s23 =	sadd.s32 s22, s2  }
0xc: {  	s8 =	sor.u32 s4, s11;
	s24 =	sadd.s32 s15, s2;
	[dreg:$0x5] =	wrdreg s23  }
0xd: {  	s30 =	sadd.s32 s9, s2;
	s16 =	sadd.s32 s25, s2;
	[dreg:$0x6] =	wrdreg s24  }
0xe: {  	s4 =	smul.u32 $0x138800, s4;
	s14 =	sshll.u32 s8, $0x7;
	[dreg:$0x7] =	wrdreg s16  }
0xf: {  	s12 =	sor.u32 $0x20, s8;
	s24 =	sshll.u32 s8, $0xB;
	[dreg:$0x4] =	wrdreg s30  }
0x10: {  	s26 =	sand.u32 $0x380, s14;
	s18 =	sshll.u32 s12, $0x7;
	s14 =	sor.u32 $0x40, s8  }
0x11: {  	s11 =	sadd.s32 s4, s22;
	s9 =	sadd.s32 s4, s25;
	s17 =	sand.u32 $0x1C00, s18  }
0x12: {  	s18 =	sadd.s32 $0x10000, s13;
	s19 =	sshll.u32 s14, $0x7;
	s13 =	sadd.s32 s13, s4  }
0x13: {  	s11 =	sshrl.u32 s11, $0x3;
	s9 =	sshrl.u32 s9, $0x3;
	s17 =	sor.u32 s26, s17  }
0x14: {  	s19 =	sand.u32 $0x2C00, s19;
	s13 =	sshrl.u32 s13, $0x3;
	s11 =	sadd.s32 s0, s11  }
0x15: {  	s21 =	sadd.s32 s4, s18;
	s9 =	sadd.s32 s0, s9;
	s16 =	sor.u32 s26, s19  }
0x16: {  	s13 =	sadd.s32 s0, s13;
	[dreg:$0x9] =	wrdreg s11;
	s19 =	sadd.s32 s4, s15  }
0x17: {  	s22 =	sshrl.u32 s21, $0x3;
	[dreg:$0xb] =	wrdreg s9;
	s4 =	sshrl.u32 s4, $0x3  }
0x18: {  	s25 =	sshrl.u32 s17, $0x3;
	s26 =	sadd.s32 s18, s2;
	s17 =	sshll.u32 s12, $0xB  }
0x19: {  	[dreg:$0x8] =	wrdreg s13;
	s11 =	sshrl.u32 s19, $0x3;
	s23 =	sadd.s32 s0, s22  }
0x1a: {  	[dreg:$0xd] =	wrdreg s26;
	s13 =	sadd.s32 s6, s25;
	s15 =	sadd.s32 s7, s25  }
0x1b: {  	s16 =	sshrl.u32 s16, $0x3;
	s9 =	sadd.s32 s5, s17;
	[dreg:$0xc] =	wrdreg s23  }
0x1c: {  	s19 =	sshll.u32 s14, $0xB;
	s22 =	sshll.u32 s8, $0x4;
	[dreg:$0xf] =	wrdreg s13  }
0x1d: {  	s25 =	smax.u32 s10, $0x1;
	s26 =	sadd.s32 $0x138000, s2;
	[dreg:$0x10] =	wrdreg s15  }
0x1e: {  	s17 =	simm.s32 $0x5;
	s11 =	sadd.s32 s0, s11;
	[dreg:$0x11] =	wrdreg s9  }
0x1f: {  	s0 =	sadd.s32 s0, s4;
	s4 =	sadd.s32 s5, s24;
	[dreg:$0x18] =	wrdreg s25  }
0x20: {  	s18 =	sadd.s32 s6, s16;
	s21 =	sadd.s32 s5, s19;
	[dreg:$0x19] =	wrdreg s26  }
0x21: {  	s23 =	sadd.s32 s6, s22;
	s24 =	sadd.s32 s7, s22;
	[dreg:$0xa] =	wrdreg s11  }
0x22: {  	s31 =	sand.u32 $0x70, s22;
	s19 =	simm.s32 $0x10;
	[dreg:$0xe] =	wrdreg s4  }
0x23: {  	s22 =	simm.s32 $0x80;
	s25 =	simm.s32 $0x280;
	[dreg:$0x12] =	wrdreg s18  }
0x24: {  	s26 =	simm.s32 $0x8300;
	s15 =	simm.s32 $0x9;
	[dreg:$0x14] =	wrdreg s21  }
.Ltmp0:
0x25: {  	s4 =	sadd.s32 s7, s16;
	[dreg:$0x15] =	wrdreg s23;
	(pc) =	sbr.rel .LBB2_1-.Ltmp0, $4  }
0x26: {  	[dreg:$0x16] =	wrdreg s24;
	s0 =	sadd.s32 $0x27000, s0;
	s18 =	simm.s32 $0x300  }
0x27: {  	s21 =	simm.s32 $0x180;
	s23 =	simm.s32 $0x200;
	[dreg:$0x13] =	wrdreg s4  }
0x28: {  	s24 =	simm.s32 $0x4300;
	[dreg:$0x17] =	wrdreg s0;
	s4 =	simm.s32 $0x5  }
0x29: {  	v0 =	vimm.f32 $0.0e+00;
	s0 =	simm.s32 $0x4;
	s4 =	simm.s32 @!p0 $0xF;
	p0 =	sne.s32 s20, $0xF  }
.LBB2_17:
0x2a: {  	_ =	swait.ge [sflag:s4], $0x4000  }
0x2b: {  	[sflag:s4] =	ssyncset.done $0x0  }
0x2c: {  	[sflag:s4] =	ssyncadd.s32 $0xFFFFC000  }
0x2d: {  	s9 =	stileid.u32;
	[bflag:$0x0] =	sbarrier.arrive $0xFFFF  }
0x2e: {  	s9 =	sshll.u32 s9, $0x6;
	s30 =	rddreg [dreg:$0x4]  }
0x2f: {  	s9 =	sor.u32 $0x1C10, s9;
	s11 =	rddreg [dreg:$0x8];
	s10 =	sshrl.u32 s30, $0x3  }
0x30: {  	[hbm:s11], [sflag:s9] =	dma.local [spmem:s10], $0x800  }
0x31: {  	_ =	swait.ge [sflag:s19], $0x800  }
0x32: {  	[sflag:s19] =	ssyncset.done $0x0;
	s16 =	rddreg [dreg:$0x5]  }
0x33: {  	s20 =	rddreg [dreg:$0x9];
	[sflag:s19] =	ssyncadd.s32 $0xFFFFF800;
	s10 =	sshrl.u32 s16, $0x3  }
0x34: {  	[hbm:s20], [sflag:s9] =	dma.local [spmem:s10], $0x800  }
0x35: {  	_ =	swait.ge [sflag:s19], $0x800  }
0x36: {  	[sflag:s19] =	ssyncset.done $0x0;
	s11 =	rddreg [dreg:$0x6]  }
0x37: {  	s13 =	rddreg [dreg:$0xa];
	[sflag:s19] =	ssyncadd.s32 $0xFFFFF800;
	s10 =	sshrl.u32 s11, $0x3  }
0x38: {  	[hbm:s13], [sflag:s9] =	dma.local [spmem:s10], $0x800  }
0x39: {  	_ =	swait.ge [sflag:s19], $0x800  }
0x3a: {  	[sflag:s19] =	ssyncset.done $0x0;
	s16 =	rddreg [dreg:$0x7]  }
0x3b: {  	s20 =	rddreg [dreg:$0xb];
	[sflag:s19] =	ssyncadd.s32 $0xFFFFF800;
	s10 =	sshrl.u32 s16, $0x3  }
0x3c: {  	[hbm:s20], [sflag:s9] =	dma.local [spmem:s10], $0x800  }
0x3d: {  	_ =	swait.ge [sflag:s19], $0x800  }
0x3e: {  	[sflag:s19] =	ssyncset.done $0x0;
	s13 =	rddreg [dreg:$0xd]  }
0x3f: {  	s16 =	rddreg [dreg:$0xc];
	[sflag:s19] =	ssyncadd.s32 $0xFFFFF800;
	s10 =	sshrl.u32 s13, $0x3  }
0x40: {  	[hbm:s16], [sflag:s9] =	dma.local [spmem:s10], $0x700  }
0x41: {  	_ =	swait.ge [sflag:s19], $0x700  }
0x42: {  	[sflag:s19] =	ssyncset.done $0x0;
	s10 =	rddreg [dreg:$0x19]  }
0x43: {  	s11 =	rddreg [dreg:$0x17];
	[sflag:s19] =	ssyncadd.s32 $0xFFFFF900;
	s10 =	sshrl.u32 @!p0 s10, $0x3  }
0x44: {  	[hbm:s11], [sflag:s9] =	dma.local @!p0 [spmem:s10], $0x100  }
0x45: {  	s9 =	simm.s32 @!p0 $0x10  }
0x46: {  	_ =	swait.ge @!p0 [sflag:s9], $0x100  }
0x47: {  	s3 =	sadd.s32 $0x1, s3;
	s20 =	rddreg [dreg:$0x18]  }
0x48: {  	p1 =	sne.s32 s3, s20  }
.Ltmp1:
0x49: {  	_ = 	snop;
	(pc) =	sbr.rel @!p1 .LBB2_18-.Ltmp1, $3  }
0x4a: {  	_ =	sdelay $0x1  }
0x4b: {  	[sflag:s9] =	ssyncset.done @!p0 $0x0  }
0x4c: {  	[sflag:s9] =	ssyncadd.s32 @!p0 $0xFFFFFF00  }
.LBB2_1:
0x4d: {  	s9 =	simm.s32 $0x0;
	s10 =	simm.s32 $0x200  }
.LBB2_2:
0x4e: {  	p1 =	sne.s32 s10, $0xFE00;
	[tilespmem:s9+$0x370] =	vst v0  }
0x4f: {  	[tilespmem:s9+$0x300] =	vst v0  }
0x50: {  	[tilespmem:s9+$0x310] =	vst v0  }
.Ltmp2:
0x51: {  	[tilespmem:s9+$0x320] =	vst v0;
	(pc) =	sbr.rel @p1 .LBB2_2-.Ltmp2, $4  }
0x52: {  	[tilespmem:s9+$0x330] =	vst v0  }
0x53: {  	[tilespmem:s9+$0x340] =	vst v0  }
0x54: {  	[tilespmem:s9+$0x350] =	vst v0  }
0x55: {  	[tilespmem:s9+$0x360] =	vst v0;
	s9 =	sshra.s32 s10, $0x2;
	s10 =	sadd.s32 $0x200, s10  }
0x56: {  	[tilespmem:s9+$0x370] =	vst v0  }
0x57: {  	[tilespmem:s9+$0x300] =	vst v0  }
0x58: {  	[tilespmem:s9+$0x310] =	vst v0  }
0x59: {  	[tilespmem:s9+$0x320] =	vst v0  }
0x5a: {  	[tilespmem:s9+$0x330] =	vst v0  }
0x5b: {  	[tilespmem:s9+$0x340] =	vst v0  }
0x5c: {  	[tilespmem:s9+$0x350] =	vst v0  }
0x5d: {  	[tilespmem:s9+$0x360] =	vst v0  }
0x5e: {  	[spmem:s30] =	stream.linear.scatter [tilespmem:s18], [sflag:$0x10], $0x4000, $0x38;
	[tilespmem:$0x1FB80] =	vst v63  }
0x5f: {  	_ =	swait.ge [sflag:s19], $0x4000  }
0x60: {  	[sflag:s19] =	ssyncset.done $0x0  }
0x61: {  	s16 =	rddreg [dreg:$0x5];
	[sflag:s19] =	ssyncadd.s32 $0xFFFFC000  }
0x62: {  	[spmem:s16] =	stream.linear.scatter [tilespmem:s18], [sflag:$0x10], $0x4000, $0x38;
	[tilespmem:$0x1FB80] =	vst v63  }
0x63: {  	_ =	swait.ge [sflag:s19], $0x4000  }
0x64: {  	[sflag:s19] =	ssyncset.done $0x0  }
0x65: {  	s20 =	rddreg [dreg:$0x6];
	[sflag:s19] =	ssyncadd.s32 $0xFFFFC000  }
0x66: {  	[spmem:s20] =	stream.linear.scatter [tilespmem:s18], [sflag:$0x10], $0x4000, $0x38;
	[tilespmem:$0x1FB80] =	vst v63  }
0x67: {  	_ =	swait.ge [sflag:s19], $0x4000  }
0x68: {  	[sflag:s19] =	ssyncset.done $0x0  }
0x69: {  	s10 =	rddreg [dreg:$0x7];
	[sflag:s19] =	ssyncadd.s32 $0xFFFFC000  }
0x6a: {  	[spmem:s10] =	stream.linear.scatter [tilespmem:s18], [sflag:$0x10], $0x4000, $0x38;
	[tilespmem:$0x1FB80] =	vst v63  }
0x6b: {  	_ =	swait.ge [sflag:s19], $0x4000  }
0x6c: {  	[sflag:s19] =	ssyncset.done $0x0  }
0x6d: {  	s11 =	rddreg [dreg:$0xd];
	[sflag:s19] =	ssyncadd.s32 $0xFFFFC000  }
0x6e: {  	[spmem:s11] =	stream.linear.scatter [tilespmem:s18], [sflag:$0x10], $0x3800, $0x38;
	[tilespmem:$0x1FB80] =	vst v63  }
0x6f: {  	_ =	swait.ge [sflag:s19], $0x3800  }
0x70: {  	[sflag:s19] =	ssyncset.done $0x0  }
0x71: {  	s9 =	simm.s32 @!p0 $0x300;
	s10 =	rddreg [dreg:$0x19];
	[sflag:s19] =	ssyncadd.s32 $0xFFFFC800  }
0x72: {  	[spmem:s10] =	stream.linear.scatter @!p0 [tilespmem:s9], [sflag:$0x10], $0x800, $0x38;
	[tilespmem:$0x1FB80] =	vst v63  }
0x73: {  	s9 =	simm.s32 @!p0 $0x10  }
0x74: {  	_ =	swait.ge @!p0 [sflag:s9], $0x800  }
0x75: {  	[sflag:s9] =	ssyncset.done @!p0 $0x0  }
0x76: {  	[sflag:s9] =	ssyncadd.s32 @!p0 $0xFFFFF800  }
0x77: {  	[bflag:$0x0] =	sbarrier.arrive $0xFFFF  }
0x78: {  	s30 =	simm.s32 $0x0;
	s13 =	rddreg [dreg:$0x15]  }
0x79: {  	[tilespmem:s30], [sflag:$0x1] =	stream.linear.gather [hbm4b:s13+s30], $0x80, $0x38;
	[tilespmem:$0x1FB80] =	vst v63  }
0x7a: {  	s16 =	rddreg [dreg:$0x16]  }
0x7b: {  	[tilespmem:s21], [sflag:$0x2] =	stream.linear.gather [hbm4b:s16+s30], $0x80, $0x38;
	[tilespmem:$0x1FB80] =	vst v63  }
0x7c: {  	s20 =	rddreg [dreg:$0xe]  }
0x7d: {  	[tilespmem:s18], [sflag:$0x3] =	stream.linear.gather [hbm4b:s20+s30], $0x4000, $0x38;
	[tilespmem:$0x1FB80] =	vst v63  }
0x7e: {  	s10 =	rddreg [dreg:$0xf]  }
0x7f: {  	[tilespmem:s22], [sflag:$0x6] =	stream.linear.gather [hbm4b:s10+s30], $0x80, $0x38;
	[tilespmem:$0x1FB80] =	vst v63  }
0x80: {  	s11 =	rddreg [dreg:$0x10]  }
0x81: {  	[tilespmem:s23], [sflag:$0x7] =	stream.linear.gather [hbm4b:s11+s30], $0x80, $0x38;
	[tilespmem:$0x1FB80] =	vst v63  }
0x82: {  	s13 =	rddreg [dreg:$0x11]  }
0x83: {  	[tilespmem:s24], [sflag:$0x8] =	stream.linear.gather [hbm4b:s13+s30], $0x4000, $0x38;
	[tilespmem:$0x1FB80] =	vst v63  }
0x84: {  	s16 =	rddreg [dreg:$0x12];
	s20 =	simm.s32 $0x100  }
0x85: {  	[tilespmem:s20], [sflag:$0xB] =	stream.linear.gather [hbm4b:s16+s30], $0x80, $0x38;
	[tilespmem:$0x1FB80] =	vst v63  }
0x86: {  	s10 =	rddreg [dreg:$0x13]  }
0x87: {  	[tilespmem:s25], [sflag:$0xC] =	stream.linear.gather [hbm4b:s10+s30], $0x80, $0x38;
	[tilespmem:$0x1FB80] =	vst v63  }
0x88: {  	s11 =	rddreg [dreg:$0x14];
	s13 =	simm.s32 $0x1  }
0x89: {  	[tilespmem:s26], [sflag:$0xD] =	stream.linear.gather [hbm4b:s11+s30], $0x4000, $0x38;
	[tilespmem:$0x1FB80] =	vst v63  }
0x8a: {  	_ =	swait.ge [sflag:s13], $0x80  }
0x8b: {  	[sflag:s13] =	ssyncset.done $0x0  }
0x8c: {  	s16 =	simm.s32 $0x2;
	[sflag:s13] =	ssyncadd.s32 $0xFFFFFF80  }
0x8d: {  	_ =	swait.ge [sflag:s16], $0x80  }
0x8e: {  	[sflag:s16] =	ssyncset.done $0x0  }
.Ltmp3:
0x8f: {  	s20 =	simm.s32 $0x3;
	[sflag:s16] =	ssyncadd.s32 $0xFFFFFF80;
	(pc) =	sbr.rel .LBB2_4-.Ltmp3, $4  }
0x90: {  	_ =	swait.ge [sflag:s20], $0x4000  }
0x91: {  	[sflag:s20] =	ssyncset.done $0x0  }
0x92: {  	[sflag:s20] =	ssyncadd.s32 $0xFFFFC000  }
0x93: {  	[tilespmem:s18], [sflag:$0x4] =	stream.indirect.gather.add.f32 [hbm:s1], $0x80, s30, s22, $0xb8;
	[tilespmem:$0x1FB80] =	vst v63  }
.LBB2_16:
0x94: {  	s30 =	sadd.s32 $0x1, s30  }
0x95: {  	p1 =	sne.s32 s30, $0x1B  }
.Ltmp4:
0x96: {  	_ = 	snop;
	(pc) =	sbr.rel @!p1 .LBB2_17-.Ltmp4, $1  }
0x97: {  	_ =	sdelay $0x3  }
.LBB2_4:
0x98: {  	s9 =	smul.u32 $0x60, s30;
	_ =	sdelay $0x1  }
0x99: {  	s10 =	sor.u32 s8, s9  }
0x9a: {  	p1 =	sgt.u32 s10, $0x9C3  }
.Ltmp5:
0x9b: {  	_ = 	snop;
	(pc) =	sbr.rel @p1 .LBB2_8-.Ltmp5, $1  }
0x9c: {  	_ =	sdelay $0x3  }
0x9d: {  	p1 =	sgt.u32 s10, $0x9A3  }
0x9e: {  	s11 =	simm.s32 @!p1 $0x6  }
0x9f: {  	_ =	swait.ge @!p1 [sflag:s11], $0x80  }
0xa0: {  	[sflag:s11] =	ssyncset.done @!p1 $0x0  }
0xa1: {  	[sflag:s11] =	ssyncadd.s32 @!p1 $0xFFFFFF80;
	s11 =	simm.s32 @!p1 $0x7  }
0xa2: {  	_ =	swait.ge @!p1 [sflag:s11], $0x80  }
0xa3: {  	[sflag:s11] =	ssyncset.done @!p1 $0x0  }
0xa4: {  	[sflag:s11] =	ssyncadd.s32 @!p1 $0xFFFFFF80;
	s11 =	simm.s32 @!p1 $0x8  }
0xa5: {  	_ =	swait.ge @!p1 [sflag:s11], $0x4000  }
0xa6: {  	[sflag:s11] =	ssyncset.done @!p1 $0x0  }
0xa7: {  	s13 =	simm.s32 @!p1 $0x4300;
	[sflag:s11] =	ssyncadd.s32 @!p1 $0xFFFFC000;
	s11 =	simm.s32 @!p1 $0x80  }
0xa8: {  	[tilespmem:s13], [sflag:$0x9] =	stream.indirect.gather.add.f32 @!p1 [hbm:s1], $0x80, s11, s11, $0xb8;
	[tilespmem:$0x1FB80] =	vst v63  }
0xa9: {  	_ =	swait.ge [sflag:s0], $0x4000  }
0xaa: {  	[sflag:s0] =	ssyncset.done $0x0  }
0xab: {  	s11 =	simm.s32 $0x0;
	[sflag:s0] =	ssyncadd.s32 $0xFFFFC000  }
0xac: {  	v3 =	vld [tilespmem:s11+$0x300]  }
0xad: {  	v5 =	vld [tilespmem:s11+$0x310]  }
0xae: {  	v4 =	vld [tilespmem:s11+$0x320]  }
0xaf: {  	v2 =	vld [tilespmem:s11+$0x330]  }
0xb0: {  	v1 =	vld [tilespmem:s11+$0x340]  }
0xb1: {  	v6 =	vmax.f32 v3, $0.0e+00;
	v3 =	vld [tilespmem:s11+$0x350]  }
0xb2: {  	s13 =	simm.s32 $0x200;
	[tilespmem:s11+$0x300] =	vst v6;
	v6 =	vmax.f32 v5, $0.0e+00;
	v5 =	vld [tilespmem:s11+$0x360]  }
.LBB2_6:
0xb3: {  	s20 =	sshra.s32 s13, $0x2;
	p1 =	sne.s32 s13, $0xFE00;
	[tilespmem:s11+$0x310] =	vst v6;
	v4 =	vmax.f32 v4, $0.0e+00;
	v6 =	vld [tilespmem:s11+$0x370]  }
0xb4: {  	v7 =	vld [tilespmem:s20+$0x300];
	[tilespmem:s11+$0x320] =	vst v4;
	v2 =	vmax.f32 v2, $0.0e+00  }
0xb5: {  	v8 =	vld [tilespmem:s20+$0x310];
	[tilespmem:s11+$0x330] =	vst v2;
	v1 =	vmax.f32 v1, $0.0e+00  }
.Ltmp6:
0xb6: {  	v4 =	vld [tilespmem:s20+$0x320];
	[tilespmem:s11+$0x340] =	vst v1;
	v1 =	vmax.f32 v3, $0.0e+00;
	(pc) =	sbr.rel @p1 .LBB2_6-.Ltmp6, $4  }
0xb7: {  	v2 =	vld [tilespmem:s20+$0x330];
	[tilespmem:s11+$0x350] =	vst v1;
	v3 =	vmax.f32 v5, $0.0e+00  }
0xb8: {  	v1 =	vld [tilespmem:s20+$0x340];
	[tilespmem:s11+$0x360] =	vst v3;
	v5 =	vmax.f32 v6, $0.0e+00  }
0xb9: {  	v6 =	vmax.f32 v7, $0.0e+00;
	v3 =	vld [tilespmem:s20+$0x350];
	[tilespmem:s11+$0x370] =	vst v5;
	s11 =	smov.u32 s20  }
0xba: {  	s13 =	sadd.s32 $0x200, s13;
	[tilespmem:s11+$0x300] =	vst v6;
	v6 =	vmax.f32 v8, $0.0e+00;
	v5 =	vld [tilespmem:s11+$0x360]  }
0xbb: {  	[tilespmem:s11+$0x310] =	vst v6;
	v4 =	vmax.f32 v4, $0.0e+00;
	v63 =	vld [tilespmem:s11+$0x370]  }
0xbc: {  	[tilespmem:s11+$0x320] =	vst v4;
	v2 =	vmax.f32 v2, $0.0e+00  }
0xbd: {  	[tilespmem:s11+$0x330] =	vst v2;
	v1 =	vmax.f32 v1, $0.0e+00  }
0xbe: {  	p2 =	seq.s32 s30, $0x0;
	[tilespmem:s11+$0x340] =	vst v1;
	v1 =	vmax.f32 v3, $0.0e+00  }
0xbf: {  	p1 =	sgt.u32 @!p2 s10, $0x983;
	[tilespmem:s11+$0x350] =	vst v1;
	v1 =	vmax.f32 v5, $0.0e+00  }
0xc0: {  	p1 =	por p1, p2;
	[tilespmem:s11+$0x360] =	vst v1;
	v1 =	vmax.f32 v63, $0.0e+00  }
0xc1: {  	s10 =	sadd.s32 @!p1 $0x40, s10;
	[tilespmem:s11+$0x370] =	vst v1;
	s11 =	simm.s32 @!p2 $0xF  }
0xc2: {  	[spmem:s2] =	stream.indirect.scatter.add.f32 [tilespmem:s18], [sflag:$0x5], $0x80, s21, s22, $0xb8;
	[tilespmem:$0x1FB80] =	vst v63  }
0xc3: {  	s13 =	sshll.u32 @!p1 s10, $0x4;
	_ =	swait.ge @!p2 [sflag:s11], $0x4000  }
0xc4: {  	s13 =	sand.u32 @!p1 $0x1FF80, s13;
	[sflag:s11] =	ssyncset.done @!p2 $0x0  }
0xc5: {  	[sflag:s11] =	ssyncadd.s32 @!p2 $0xFFFFC000;
	s11 =	sor.u32 @!p1 s31, s13  }
0xc6: {  	s20 =	simm.s32 @!p1 $0x0;
	s16 =	simm.s32 @!p1 $0x100;
	s13 =	sadd.s32 @!p1 s6, s11  }
0xc7: {  	[tilespmem:s16], [sflag:$0xB] =	stream.linear.gather @!p1 [hbm4b:s13+s20], $0x80, $0x38;
	[tilespmem:$0x1FB80] =	vst v63  }
0xc8: {  	s10 =	sshll.u32 @!p1 s10, $0xB;
	s11 =	sadd.s32 @!p1 s7, s11;
	s13 =	simm.s32 @!p1 $0x280  }
0xc9: {  	[tilespmem:s13], [sflag:$0xC] =	stream.linear.gather @!p1 [hbm4b:s11+s20], $0x80, $0x38;
	[tilespmem:$0x1FB80] =	vst v63  }
0xca: {  	s10 =	sadd.s32 @!p1 s5, s10;
	s11 =	simm.s32 @!p1 $0x8300  }
0xcb: {  	[tilespmem:s11], [sflag:$0xD] =	stream.linear.gather @!p1 [hbm4b:s10+s20], $0x4000, $0x38;
	[tilespmem:$0x1FB80] =	vst v63  }
.LBB2_8:
0xcc: {  	s10 =	sadd.s32 s12, s9  }
0xcd: {  	p1 =	sgt.u32 s10, $0x9C3  }
.Ltmp7:
0xce: {  	_ = 	snop;
	(pc) =	sbr.rel @p1 .LBB2_12-.Ltmp7, $1  }
0xcf: {  	_ =	sdelay $0x3  }
0xd0: {  	p1 =	sgt.u32 s10, $0x9A3  }
0xd1: {  	s11 =	simm.s32 @!p1 $0xB  }
0xd2: {  	_ =	swait.ge @!p1 [sflag:s11], $0x80  }
0xd3: {  	[sflag:s11] =	ssyncset.done @!p1 $0x0  }
0xd4: {  	[sflag:s11] =	ssyncadd.s32 @!p1 $0xFFFFFF80;
	s11 =	simm.s32 @!p1 $0xC  }
0xd5: {  	_ =	swait.ge @!p1 [sflag:s11], $0x80  }
0xd6: {  	[sflag:s11] =	ssyncset.done @!p1 $0x0  }
0xd7: {  	[sflag:s11] =	ssyncadd.s32 @!p1 $0xFFFFFF80;
	s11 =	simm.s32 @!p1 $0xD  }
0xd8: {  	_ =	swait.ge @!p1 [sflag:s11], $0x4000  }
0xd9: {  	s13 =	simm.s32 @!p1 $0x100;
	[sflag:s11] =	ssyncset.done @!p1 $0x0  }
0xda: {  	s16 =	simm.s32 @!p1 $0x8300;
	[sflag:s11] =	ssyncadd.s32 @!p1 $0xFFFFC000;
	s11 =	simm.s32 @!p1 $0x80  }
0xdb: {  	[tilespmem:s16], [sflag:$0xE] =	stream.indirect.gather.add.f32 @!p1 [hbm:s1], $0x80, s13, s11, $0xb8;
	[tilespmem:$0x1FB80] =	vst v63  }
0xdc: {  	_ =	swait.ge [sflag:s15], $0x4000  }
0xdd: {  	[sflag:s15] =	ssyncset.done $0x0  }
0xde: {  	s11 =	simm.s32 $0x0;
	[sflag:s15] =	ssyncadd.s32 $0xFFFFC000  }
0xdf: {  	v3 =	vld [tilespmem:s11+$0x4300]  }
0xe0: {  	v5 =	vld [tilespmem:s11+$0x4310]  }
0xe1: {  	v4 =	vld [tilespmem:s11+$0x4320]  }
0xe2: {  	v2 =	vld [tilespmem:s11+$0x4330]  }
0xe3: {  	v1 =	vld [tilespmem:s11+$0x4340]  }
0xe4: {  	v6 =	vmax.f32 v3, $0.0e+00;
	v3 =	vld [tilespmem:s11+$0x4350]  }
0xe5: {  	s13 =	simm.s32 $0x200;
	[tilespmem:s11+$0x4300] =	vst v6;
	v6 =	vmax.f32 v5, $0.0e+00;
	v5 =	vld [tilespmem:s11+$0x4360]  }
.LBB2_10:
0xe6: {  	s16 =	sshra.s32 s13, $0x2;
	p1 =	sne.s32 s13, $0xFE00;
	[tilespmem:s11+$0x4310] =	vst v6;
	v4 =	vmax.f32 v4, $0.0e+00;
	v6 =	vld [tilespmem:s11+$0x4370]  }
0xe7: {  	v7 =	vld [tilespmem:s16+$0x4300];
	[tilespmem:s11+$0x4320] =	vst v4;
	v2 =	vmax.f32 v2, $0.0e+00  }
0xe8: {  	v8 =	vld [tilespmem:s16+$0x4310];
	[tilespmem:s11+$0x4330] =	vst v2;
	v1 =	vmax.f32 v1, $0.0e+00  }
.Ltmp8:
0xe9: {  	v4 =	vld [tilespmem:s16+$0x4320];
	[tilespmem:s11+$0x4340] =	vst v1;
	v1 =	vmax.f32 v3, $0.0e+00;
	(pc) =	sbr.rel @p1 .LBB2_10-.Ltmp8, $4  }
0xea: {  	v2 =	vld [tilespmem:s16+$0x4330];
	[tilespmem:s11+$0x4350] =	vst v1;
	v3 =	vmax.f32 v5, $0.0e+00  }
0xeb: {  	v1 =	vld [tilespmem:s16+$0x4340];
	[tilespmem:s11+$0x4360] =	vst v3;
	v5 =	vmax.f32 v6, $0.0e+00  }
0xec: {  	v6 =	vmax.f32 v7, $0.0e+00;
	v3 =	vld [tilespmem:s16+$0x4350];
	[tilespmem:s11+$0x4370] =	vst v5;
	s11 =	smov.u32 s16  }
0xed: {  	s13 =	sadd.s32 $0x200, s13;
	[tilespmem:s11+$0x4300] =	vst v6;
	v6 =	vmax.f32 v8, $0.0e+00;
	v5 =	vld [tilespmem:s11+$0x4360]  }
0xee: {  	[tilespmem:s11+$0x4310] =	vst v6;
	v4 =	vmax.f32 v4, $0.0e+00;
	v63 =	vld [tilespmem:s11+$0x4370]  }
0xef: {  	[tilespmem:s11+$0x4320] =	vst v4;
	v2 =	vmax.f32 v2, $0.0e+00  }
0xf0: {  	[tilespmem:s11+$0x4330] =	vst v2;
	v1 =	vmax.f32 v1, $0.0e+00  }
0xf1: {  	[tilespmem:s11+$0x4340] =	vst v1;
	v1 =	vmax.f32 v3, $0.0e+00  }
0xf2: {  	p1 =	sgt.u32 s10, $0x983;
	[tilespmem:s11+$0x4350] =	vst v1;
	v1 =	vmax.f32 v5, $0.0e+00  }
0xf3: {  	s10 =	sadd.s32 @!p1 $0x40, s10;
	[tilespmem:s11+$0x4360] =	vst v1;
	v1 =	vmax.f32 v63, $0.0e+00  }
0xf4: {  	[tilespmem:s11+$0x4370] =	vst v1;
	s11 =	sshll.u32 @!p1 s10, $0x4  }
0xf5: {  	[spmem:s2] =	stream.indirect.scatter.add.f32 [tilespmem:s24], [sflag:$0xA], $0x80, s23, s22, $0xb8;
	[tilespmem:$0x1FB80] =	vst v63  }
0xf6: {  	s11 =	sand.u32 @!p1 $0x1FF80, s11;
	_ =	swait.ge [sflag:s17], $0x4000  }
0xf7: {  	s11 =	sor.u32 @!p1 s31, s11;
	[sflag:s17] =	ssyncset.done $0x0  }
0xf8: {  	s16 =	simm.s32 @!p1 $0x0;
	s13 =	sadd.s32 @!p1 s6, s11;
	[sflag:s17] =	ssyncadd.s32 $0xFFFFC000  }
0xf9: {  	[tilespmem:s16], [sflag:$0x1] =	stream.linear.gather @!p1 [hbm4b:s13+s16], $0x80, $0x38;
	[tilespmem:$0x1FB80] =	vst v63  }
0xfa: {  	s10 =	sshll.u32 @!p1 s10, $0xB;
	s11 =	sadd.s32 @!p1 s7, s11;
	s13 =	simm.s32 @!p1 $0x180  }
0xfb: {  	[tilespmem:s13], [sflag:$0x2] =	stream.linear.gather @!p1 [hbm4b:s11+s16], $0x80, $0x38;
	[tilespmem:$0x1FB80] =	vst v63  }
0xfc: {  	s10 =	sadd.s32 @!p1 s5, s10;
	s11 =	simm.s32 @!p1 $0x300  }
0xfd: {  	[tilespmem:s11], [sflag:$0x3] =	stream.linear.gather @!p1 [hbm4b:s10+s16], $0x4000, $0x38;
	[tilespmem:$0x1FB80] =	vst v63  }
.LBB2_12:
0xfe: {  	s9 =	sadd.s32 s14, s9  }
0xff: {  	p1 =	sgt.u32 s9, $0x9C3  }
.Ltmp9:
0x100: {  	_ = 	snop;
	(pc) =	sbr.rel @p1 .LBB2_16-.Ltmp9, $1  }
0x101: {  	_ =	sdelay $0x3  }
0x102: {  	p1 =	sgt.u32 s9, $0x9A3  }
0x103: {  	s10 =	simm.s32 @!p1 $0x1  }
0x104: {  	_ =	swait.ge @!p1 [sflag:s10], $0x80  }
0x105: {  	[sflag:s10] =	ssyncset.done @!p1 $0x0  }
0x106: {  	[sflag:s10] =	ssyncadd.s32 @!p1 $0xFFFFFF80;
	s10 =	simm.s32 @!p1 $0x2  }
0x107: {  	_ =	swait.ge @!p1 [sflag:s10], $0x80  }
0x108: {  	[sflag:s10] =	ssyncset.done @!p1 $0x0  }
0x109: {  	[sflag:s10] =	ssyncadd.s32 @!p1 $0xFFFFFF80;
	s10 =	simm.s32 @!p1 $0x3  }
0x10a: {  	_ =	swait.ge @!p1 [sflag:s10], $0x4000  }
0x10b: {  	s11 =	simm.s32 @!p1 $0x0;
	[sflag:s10] =	ssyncset.done @!p1 $0x0  }
0x10c: {  	s13 =	simm.s32 @!p1 $0x300;
	[sflag:s10] =	ssyncadd.s32 @!p1 $0xFFFFC000;
	s10 =	simm.s32 @!p1 $0x80  }
0x10d: {  	[tilespmem:s13], [sflag:$0x4] =	stream.indirect.gather.add.f32 @!p1 [hbm:s1], $0x80, s11, s10, $0xb8;
	[tilespmem:$0x1FB80] =	vst v63  }
0x10e: {  	_ =	swait.ge [sflag:s28], $0x4000  }
0x10f: {  	[sflag:s28] =	ssyncset.done $0x0  }
0x110: {  	s10 =	simm.s32 $0x0;
	[sflag:s28] =	ssyncadd.s32 $0xFFFFC000  }
0x111: {  	v3 =	vld [tilespmem:s10+$0x8300]  }
0x112: {  	v5 =	vld [tilespmem:s10+$0x8310]  }
0x113: {  	v4 =	vld [tilespmem:s10+$0x8320]  }
0x114: {  	v2 =	vld [tilespmem:s10+$0x8330]  }
0x115: {  	v1 =	vld [tilespmem:s10+$0x8340]  }
0x116: {  	v6 =	vmax.f32 v3, $0.0e+00;
	v3 =	vld [tilespmem:s10+$0x8350]  }
0x117: {  	s11 =	simm.s32 $0x200;
	[tilespmem:s10+$0x8300] =	vst v6;
	v6 =	vmax.f32 v5, $0.0e+00;
	v5 =	vld [tilespmem:s10+$0x8360]  }
.LBB2_14:
0x118: {  	s13 =	sshra.s32 s11, $0x2;
	p1 =	sne.s32 s11, $0xFE00;
	[tilespmem:s10+$0x8310] =	vst v6;
	v4 =	vmax.f32 v4, $0.0e+00;
	v6 =	vld [tilespmem:s10+$0x8370]  }
0x119: {  	v7 =	vld [tilespmem:s13+$0x8300];
	[tilespmem:s10+$0x8320] =	vst v4;
	v2 =	vmax.f32 v2, $0.0e+00  }
0x11a: {  	v8 =	vld [tilespmem:s13+$0x8310];
	[tilespmem:s10+$0x8330] =	vst v2;
	v1 =	vmax.f32 v1, $0.0e+00  }
.Ltmp10:
0x11b: {  	v4 =	vld [tilespmem:s13+$0x8320];
	[tilespmem:s10+$0x8340] =	vst v1;
	v1 =	vmax.f32 v3, $0.0e+00;
	(pc) =	sbr.rel @p1 .LBB2_14-.Ltmp10, $4  }
0x11c: {  	v2 =	vld [tilespmem:s13+$0x8330];
	[tilespmem:s10+$0x8350] =	vst v1;
	v3 =	vmax.f32 v5, $0.0e+00  }
0x11d: {  	v1 =	vld [tilespmem:s13+$0x8340];
	[tilespmem:s10+$0x8360] =	vst v3;
	v5 =	vmax.f32 v6, $0.0e+00  }
0x11e: {  	v6 =	vmax.f32 v7, $0.0e+00;
	v3 =	vld [tilespmem:s13+$0x8350];
	[tilespmem:s10+$0x8370] =	vst v5;
	s10 =	smov.u32 s13  }
0x11f: {  	s11 =	sadd.s32 $0x200, s11;
	[tilespmem:s10+$0x8300] =	vst v6;
	v6 =	vmax.f32 v8, $0.0e+00;
	v5 =	vld [tilespmem:s10+$0x8360]  }
0x120: {  	[tilespmem:s10+$0x8310] =	vst v6;
	v4 =	vmax.f32 v4, $0.0e+00;
	v63 =	vld [tilespmem:s10+$0x8370]  }
0x121: {  	[tilespmem:s10+$0x8320] =	vst v4;
	v2 =	vmax.f32 v2, $0.0e+00  }
0x122: {  	[tilespmem:s10+$0x8330] =	vst v2;
	v1 =	vmax.f32 v1, $0.0e+00  }
0x123: {  	[tilespmem:s10+$0x8340] =	vst v1;
	v1 =	vmax.f32 v3, $0.0e+00  }
0x124: {  	p1 =	sgt.u32 s9, $0x983;
	[tilespmem:s10+$0x8350] =	vst v1;
	v1 =	vmax.f32 v5, $0.0e+00  }
0x125: {  	s9 =	sadd.s32 @!p1 $0x40, s9;
	[tilespmem:s10+$0x8360] =	vst v1;
	v1 =	vmax.f32 v63, $0.0e+00  }
0x126: {  	[tilespmem:s10+$0x8370] =	vst v1;
	s10 =	sshll.u32 @!p1 s9, $0x4  }
0x127: {  	[spmem:s2] =	stream.indirect.scatter.add.f32 [tilespmem:s26], [sflag:$0xF], $0x80, s25, s22, $0xb8;
	[tilespmem:$0x1FB80] =	vst v63  }
0x128: {  	s10 =	sand.u32 @!p1 $0x1FF80, s10;
	_ =	swait.ge [sflag:s29], $0x4000  }
0x129: {  	s13 =	simm.s32 @!p1 $0x0;
	s10 =	sor.u32 @!p1 s31, s10;
	[sflag:s29] =	ssyncset.done $0x0  }
0x12a: {  	s16 =	simm.s32 @!p1 $0x80;
	s11 =	sadd.s32 @!p1 s6, s10;
	[sflag:s29] =	ssyncadd.s32 $0xFFFFC000  }
0x12b: {  	[tilespmem:s16], [sflag:$0x6] =	stream.linear.gather @!p1 [hbm4b:s11+s13], $0x80, $0x38;
	[tilespmem:$0x1FB80] =	vst v63  }
.Ltmp11:
0x12c: {  	_ = 	snop;
	(pc) =	sbr.rel .LBB2_16-.Ltmp11, $4  }
0x12d: {  	s9 =	sshll.u32 @!p1 s9, $0xB;
	s10 =	sadd.s32 @!p1 s7, s10;
	s11 =	simm.s32 @!p1 $0x200  }
0x12e: {  	[tilespmem:s11], [sflag:$0x7] =	stream.linear.gather @!p1 [hbm4b:s10+s13], $0x80, $0x38;
	[tilespmem:$0x1FB80] =	vst v63  }
0x12f: {  	s9 =	sadd.s32 @!p1 s5, s9;
	s10 =	simm.s32 @!p1 $0x4300  }
0x130: {  	[tilespmem:s10], [sflag:$0x8] =	stream.linear.gather @!p1 [hbm4b:s9+s13], $0x4000, $0x38;
	[tilespmem:$0x1FB80] =	vst v63  }
.LBB2_18:
0x131: {  	_ =	sfence.sel $0x180000  }
0x132: {  	[bflag:$0x0] =	sbarrier.arrive $0xFFFF  }
0x133: {  	_ =	strace $0x9000004D  }
0x134: {  	s0 =	stileid.u32;
	[bflag:$0x2] =	sbarrier.arrive $0xFFFF  }
0x135: {  	p0 =	sne.s32 s0, $0x0;
	s0 =	rddreg [dreg:$0x3]  }
0x136: {  	s0 =	sadd.s32 @!p0 $0x100000, s0  }
0x137: {  	[sflag:s0] =	ssyncadd.tile.s32 @!p0 $0x1;
	_ =	shalt  }
.Lfunc_end2:
_tile_overlayer_lowered:
.L_overlay_start_2:
0x138: {  	(tag) =	ssettag $0x2  }
0x139: {  	s0 =	rddreg [dreg:$0x0];
	s2 =	stileid.u32  }
0x13a: {  	s1 =	rddreg [dreg:$0x1];
	p0 =	sne.s32 s2, $0x0  }
0x13b: {  	s3 =	rddreg [dreg:$0x2];
	[bflag:$0x3] =	sbarrier.arrive $0xFFFF;
	s2 =	simm.s32 @!p0 $0x1C10  }
0x13c: {  	[timem:s3], [sflag:s2] =	dma.local @!p0 [hbm:s0], s1  }
0x13d: {  	s0 =	simm.s32 @!p0 $0x10  }
0x13e: {  	_ =	swait.ge @!p0 [sflag:s0], s1  }
0x13f: {  	s1 =	ssub.s32 @!p0 $0x0, s1;
	[sflag:s0] =	ssyncset.done @!p0 $0x0  }
0x140: {  	[sflag:s0] =	ssyncadd.s32 @!p0 s1  }
0x141: {  	[bflag:$0x3] =	sbarrier.arrive $0xFFFF  }
0x142: {  	_ =	shalt  }

</sc_bundles>
